<compile_context>
chip_gen: v7x
topology: tpu7x:2x2x1
jax: 0.10.2.dev20260603
libtpu: 0.0.44.dev20260713+nightly
codegen_flags: <defaults>
</compile_context>

<pallas_src>
import functools

import jax
import jax.numpy as jnp
from jax import lax
from jax.experimental import pallas as pl
from jax.experimental.pallas import tpu as pltpu
from jax.experimental.pallas import tpu_sc as plsc

NN = 10000
NP = 10240
EE = 320000
DIN = 128
FW = 16
NCLS = 7

NC = 2
NS = 16
NW = NC * NS
CHUNK = 128
EPW = 10240
NCHUNK = EPW // CHUNK
GRP = 8
NGRP = NCHUNK // GRP
EPAD = NW * EPW
RPW = NP // NS


def _mesh():
    return plsc.VectorSubcoreMesh(
        core_axis_name="c", subcore_axis_name="s", num_cores=NC, num_subcores=NS
    )


def _sc_deg_body(dst_hbm, out_hbm, dst_v, ones_v, stage_v, deg_sp, sem0, sem1):
    cid = lax.axis_index("c")
    sid = lax.axis_index("s")
    wid = cid * NS + sid

    pltpu.sync_copy(dst_hbm.at[wid], dst_v)

    for k in range(GRP * CHUNK // 16):
        ones_v[pl.ds(k * 16, 16)] = jnp.ones((16,), jnp.float32)
    for k in range(RPW // 16):
        stage_v[pl.ds(k * 16, 16)] = jnp.zeros((16,), jnp.float32)

    pltpu.sync_copy(stage_v, deg_sp.at[pl.ds(sid * RPW, RPW)])
    plsc.subcore_barrier()

    def d_issue(g, sem):
        for b in range(GRP):
            pltpu.async_copy(
                ones_v.at[pl.ds(b * CHUNK, CHUNK)],
                deg_sp.at[dst_v.at[g * GRP + b]],
                sem,
                add=True,
            )

    def d_wait(sem):
        pltpu.make_async_copy(ones_v, deg_sp.at[pl.ds(0, GRP * CHUNK)], sem).wait()

    d_issue(0, sem0)
    d_issue(1, sem1)

    def body(i, carry):
        d_wait(sem0)
        d_issue(2 * i, sem0)
        d_wait(sem1)
        d_issue(2 * i + 1, sem1)
        return carry

    lax.fori_loop(1, NGRP // 2, body, 0)
    d_wait(sem0)
    d_wait(sem1)
    plsc.subcore_barrier()

    pltpu.sync_copy(deg_sp.at[pl.ds(sid * RPW, RPW)], stage_v)
    pltpu.sync_copy(stage_v, out_hbm.at[cid, pl.ds(sid * RPW, RPW)])


def _sc_deg(dst3):
    return pl.kernel(
        _sc_deg_body,
        out_type=jax.ShapeDtypeStruct((NC, NP), jnp.float32),
        mesh=_mesh(),
        compiler_params=pltpu.CompilerParams(use_tc_tiling_on_sc=False),
        scratch_types=[
            pltpu.VMEM((NCHUNK, CHUNK), jnp.int32),
            pltpu.VMEM((GRP * CHUNK,), jnp.float32),
            pltpu.VMEM((RPW,), jnp.float32),
            pltpu.VMEM_SHARED((NP,), jnp.float32),
            pltpu.SemaphoreType.DMA,
            pltpu.SemaphoreType.DMA,
        ],
    )(dst3)


def _sc_agg_body(fw, src_hbm, dst_hbm, h_hbm, out_hbm, src_v, dst_v, rows0,
                 rows1, stage_v, acc_sp, gs0, gs1, ss0, ss1):
    cid = lax.axis_index("c")
    sid = lax.axis_index("s")
    wid = cid * NS + sid

    pltpu.sync_copy(src_hbm.at[wid], src_v)
    pltpu.sync_copy(dst_hbm.at[wid], dst_v)

    pltpu.sync_copy(h_hbm.at[pl.ds(NN, 64)], stage_v.at[pl.ds(0, 64)])
    for k in range(RPW // 64):
        pltpu.sync_copy(
            stage_v.at[pl.ds(0, 64)], acc_sp.at[pl.ds(sid * RPW + k * 64, 64)]
        )
    plsc.subcore_barrier()

    def g_issue(g, buf, sem):
        for b in range(GRP):
            pltpu.async_copy(
                h_hbm.at[src_v.at[g * GRP + b]],
                buf.at[pl.ds(b * CHUNK, CHUNK)],
                sem,
            )

    def g_wait(buf, sem):
        pltpu.make_async_copy(h_hbm.at[pl.ds(0, GRP * CHUNK)], buf, sem).wait()

    def s_issue(g, buf, sem):
        for b in range(GRP):
            pltpu.async_copy(
                buf.at[pl.ds(b * CHUNK, CHUNK)],
                acc_sp.at[dst_v.at[g * GRP + b]],
                sem,
                add=True,
            )

    def s_wait(buf, sem):
        pltpu.make_async_copy(buf, acc_sp.at[pl.ds(0, GRP * CHUNK)], sem).wait()

    g_issue(0, rows0, gs0)
    g_issue(1, rows1, gs1)

    def pair(i, carry):
        g0 = 2 * i
        g1 = 2 * i + 1
        g_wait(rows0, gs0)
        s_issue(g0, rows0, ss0)
        g_wait(rows1, gs1)
        s_issue(g1, rows1, ss1)
        s_wait(rows0, ss0)
        g_issue(g0 + 2, rows0, gs0)
        s_wait(rows1, ss1)
        g_issue(g1 + 2, rows1, gs1)
        return carry

    lax.fori_loop(0, NGRP // 2 - 1, pair, 0)
    g_wait(rows0, gs0)
    s_issue(NGRP - 2, rows0, ss0)
    g_wait(rows1, gs1)
    s_issue(NGRP - 1, rows1, ss1)
    s_wait(rows0, ss0)
    s_wait(rows1, ss1)
    plsc.subcore_barrier()

    pltpu.sync_copy(acc_sp.at[pl.ds(sid * RPW, RPW)], stage_v)
    pltpu.sync_copy(stage_v, out_hbm.at[cid, pl.ds(sid * RPW, RPW)])


def _make_sc_agg(fw):
    return pl.kernel(
        functools.partial(_sc_agg_body, fw),
        out_type=jax.ShapeDtypeStruct((NC, NP, fw), jnp.float32),
        mesh=_mesh(),
        compiler_params=pltpu.CompilerParams(use_tc_tiling_on_sc=False),
        scratch_types=[
            pltpu.VMEM((NCHUNK, CHUNK), jnp.int32),
            pltpu.VMEM((NCHUNK, CHUNK), jnp.int32),
            pltpu.VMEM((GRP * CHUNK, fw), jnp.float32),
            pltpu.VMEM((GRP * CHUNK, fw), jnp.float32),
            pltpu.VMEM((RPW, fw), jnp.float32),
            pltpu.VMEM_SHARED((NP, fw), jnp.float32),
            pltpu.SemaphoreType.DMA,
            pltpu.SemaphoreType.DMA,
            pltpu.SemaphoreType.DMA,
            pltpu.SemaphoreType.DMA,
        ],
    )


_AGG16 = _make_sc_agg(16)


NB = NP // 8


def _tc_prep_body(x_ref, w1b_ref, deg_ref, u_ref, h1s_ref, dinv_ref):
    d = deg_ref[0] + deg_ref[1] + 1.0
    b = jnp.dot(d, u_ref[...], preferred_element_type=jnp.float32,
                precision=lax.Precision.HIGHEST)
    dinv = lax.rsqrt(b.reshape(NB, 128))
    dinv_ref[...] = dinv
    h = jnp.dot(x_ref[...], w1b_ref[...], preferred_element_type=jnp.float32)
    h1s_ref[...] = h * dinv


def _tc_prep(xpk, w1b, degd, u):
    return pl.pallas_call(
        _tc_prep_body,
        out_shape=(
            jax.ShapeDtypeStruct((NB, 128), jnp.float32),
            jax.ShapeDtypeStruct((NB, 128), jnp.float32),
        ),
    )(xpk, w1b, degd, u)


def _tc_mid_body(p_ref, h1s_ref, dinv_ref, w2b_ref, b1_ref, h2s_ref):
    dinv = dinv_ref[...]
    agg = p_ref[0] + p_ref[1] + h1s_ref[...]
    h = jnp.maximum(agg * dinv + b1_ref[...], 0.0)
    h2 = jnp.dot(h, w2b_ref[...], preferred_element_type=jnp.float32,
                 precision=lax.Precision.HIGHEST)
    node = 8 * lax.broadcasted_iota(jnp.int32, (NB, 128), 0) + (
        lax.broadcasted_iota(jnp.int32, (NB, 128), 1) // 16
    )
    h2s_ref[...] = jnp.where(node < NN, h2 * dinv, 0.0)


def _tc_mid(p, h1s, dinv, w2b, b1r):
    return pl.pallas_call(
        _tc_mid_body,
        out_shape=jax.ShapeDtypeStruct((NB, 128), jnp.float32),
    )(p, h1s, dinv, w2b, b1r)


def _tc_out_body(q_ref, h2s_ref, dinv_ref, b2_ref, m7_ref, out_ref):
    z = (q_ref[0] + q_ref[1] + h2s_ref[...]) * dinv_ref[...] + b2_ref[...]
    e = jnp.exp(z)
    s = jnp.dot(e, m7_ref[...], preferred_element_type=jnp.float32,
                precision=lax.Precision.HIGHEST)
    out_ref[...] = z - jnp.log(s)


def _tc_out(q, h2s, dinv, b2r, m7):
    return pl.pallas_call(
        _tc_out_body,
        out_shape=jax.ShapeDtypeStruct((NB, 128), jnp.float32),
    )(q, h2s, dinv, b2r, m7)


def kernel(x, edge_index, W1, b1, W2, b2):
    ei = edge_index.astype(jnp.int32)
    pad = NP - NN
    pad_idx = NN + (jnp.arange(EPAD - EE, dtype=jnp.int32) % pad)
    src3 = jnp.concatenate([ei[0], pad_idx]).reshape(NW, NCHUNK, CHUNK)
    dst3 = jnp.concatenate([ei[1], pad_idx]).reshape(NW, NCHUNK, CHUNK)

    xpk = jnp.pad(x, ((0, NP - NN), (0, 0))).reshape(NB, 8 * DIN)
    eye8 = jnp.eye(8, dtype=jnp.float32)
    w1b = jnp.kron(eye8, W1)
    w2p = jnp.pad(W2, ((0, 0), (0, FW - NCLS)))
    w2b = jnp.kron(eye8, w2p)
    b1r = jnp.tile(b1, 8).reshape(1, 128)
    b2r = jnp.tile(jnp.pad(b2, (0, FW - NCLS)), 8).reshape(1, 128)
    cols = jnp.arange(2048, dtype=jnp.int32)
    u = (
        jnp.arange(128, dtype=jnp.int32)[:, None]
        == (8 * (cols // 128) + (cols % 128) // 16)[None, :]
    ).astype(jnp.float32)
    cc = jnp.arange(128, dtype=jnp.int32)
    m7 = (
        ((cc[:, None] // 16) == (cc[None, :] // 16)) & ((cc % 16) < NCLS)[:, None]
    ).astype(jnp.float32)

    deg = _sc_deg(dst3)
    degd = deg.reshape(NC, NP // 128, 128)
    h1s, dinv = _tc_prep(xpk, w1b, degd, u)
    p = _AGG16(src3, dst3, h1s.reshape(NP, FW))
    pp = p.reshape(NC, NB, 128)
    h2s = _tc_mid(pp, h1s, dinv, w2b, b1r)
    q = _AGG16(src3, dst3, h2s.reshape(NP, FW))
    qp = q.reshape(NC, NB, 128)
    outp = _tc_out(qp, h2s, dinv, b2r, m7)
    return outp.reshape(NP, FW)[:NN, :NCLS]

# --- scband reference (transcript-rebuilt; emitter-appended) ---
"""Pipeline reference for scband-net-15908558864825 (READ-ONLY COPY).

The authoritative reference and input builder live on the scoring server;
editing this copy changes nothing except your own understanding.
"""

import jax, jax.numpy as jnp
import numpy as np

N = 10000
E = 320000
D_IN = 128
HID = 16
NCLS = 7


def gcn_layer(x, edge_index, W, b, num_nodes):
    # GCNConv: x' = D^{-1/2} (A + I) D^{-1/2} X W + b
    src = edge_index[0]
    dst = edge_index[1]
    loop = jnp.arange(num_nodes, dtype=edge_index.dtype)
    src = jnp.concatenate([src, loop])
    dst = jnp.concatenate([dst, loop])
    h = x @ W
    deg = jnp.zeros((num_nodes,), dtype=h.dtype).at[dst].add(1.0)
    dinv = jnp.where(deg > 0, deg ** -0.5, 0.0)
    norm = dinv[src] * dinv[dst]
    msg = h[src] * norm[:, None]
    out = jnp.zeros((num_nodes, h.shape[1]), dtype=h.dtype).at[dst].add(msg)
    return out + b


def setup_inputs(seed: int = 0) -> dict:
    key = jax.random.key(seed)
    k1, k2, k3, k4 = jax.random.split(key, 4)
    x = jax.random.normal(k1, (N, D_IN), dtype=jnp.float32)
    edge_index = jax.random.randint(k2, (2, E), 0, N, dtype=jnp.int64) if jax.config.jax_enable_x64 else jax.random.randint(k2, (2, E), 0, N, dtype=jnp.int32)
    W1 = jax.random.normal(k3, (D_IN, HID), dtype=jnp.float32) * 0.05
    b1 = jnp.zeros((HID,), dtype=jnp.float32)
    W2 = jax.random.normal(k4, (HID, NCLS), dtype=jnp.float32) * 0.05
    b2 = jnp.zeros((NCLS,), dtype=jnp.float32)
    return {"x": x, "edge_index": edge_index, "W1": W1, "b1": b1, "W2": W2, "b2": b2}


def reference(x, edge_index, W1, b1, W2, b2):
    h = gcn_layer(x, edge_index, W1, b1, N)
    h = jax.nn.relu(h)
    # dropout is identity in eval mode
    h = gcn_layer(h, edge_index, W2, b2, N)
    return jax.nn.log_softmax(h, axis=1)

if __name__ == "__main__":
    import jax
    _d = setup_inputs()
    print(jax.jit(kernel)(*tuple(_d.values())))

</pallas_src>

<mosaic_0001>
#map = affine_map<(d0, d1) -> (0, 0, 0)>
#map1 = affine_map<(d0, d1) -> (0, 0)>
module attributes {stable_mosaic.version = 14 : i64} {
  func.func @_sc_agg_body(%arg0: i32, %arg1: i32, %arg2: memref<32x80x128xi32, #tpu.memory_space<hbm>>, %arg3: memref<32x80x128xi32, #tpu.memory_space<hbm>>, %arg4: memref<10240x16xf32, #tpu.memory_space<hbm>>, %arg5: memref<2x10240x16xf32, #tpu.memory_space<hbm>>, %arg6: memref<80x128xi32, #tpu.memory_space<vmem>>, %arg7: memref<80x128xi32, #tpu.memory_space<vmem>>, %arg8: memref<1024x16xf32, #tpu.memory_space<vmem>>, %arg9: memref<1024x16xf32, #tpu.memory_space<vmem>>, %arg10: memref<640x16xf32, #tpu.memory_space<vmem>>, %arg11: memref<10240x16xf32, #tpu.memory_space<vmem_shared>>, %arg12: memref<!tpu.dma_semaphore, #tpu.memory_space<semaphore_mem>>, %arg13: memref<!tpu.dma_semaphore, #tpu.memory_space<semaphore_mem>>, %arg14: memref<!tpu.dma_semaphore, #tpu.memory_space<semaphore_mem>>, %arg15: memref<!tpu.dma_semaphore, #tpu.memory_space<semaphore_mem>>) attributes {dimension_semantics = [#tpu.dimension_semantics<core_parallel>, #tpu.dimension_semantics<subcore_parallel>], iteration_bounds = array<i64: 2, 16>, scalar_prefetch = 0 : i64, scratch_operands = 10 : i64, tpu.core_type = #tpu.core_type<sc_vector_subcore>, window_params = [{transform_indices = #map}, {transform_indices = #map}, {transform_indices = #map1}, {transform_indices = #map}]} {
    %mul3A = arith.constant 16 : i32
    %mul3A_0 = arith.muli %arg0, %mul3A : i32
    %add3A = arith.addi %mul3A_0, %arg1 : i32
    "tpu.region"() ({
      %run_scoped3A = tpu.sem_alloc : memref<!tpu.dma_semaphore, #tpu.memory_space<semaphore_mem>>
      %dma_start3A_393 = arith.constant 0 : i32
      %dma_start3A_394 = arith.constant 0 : i32
      %dma_start3A_395 = tpu.memref_slice %arg2[%add3A, %dma_start3A_393, %dma_start3A_394] : memref<32x80x128xi32, #tpu.memory_space<hbm>> -> memref<1x80x128xi32, #tpu.memory_space<hbm>>
      %dma_start3A_396 = tpu.memref_squeeze %dma_start3A_395 : memref<1x80x128xi32, #tpu.memory_space<hbm>> -> memref<80x128xi32, #tpu.memory_space<hbm>>
      %dma_start3A_397 = arith.constant 0 : i32
      %dma_start3A_398 = arith.constant 0 : i32
      %dma_start3A_399 = tpu.memref_slice %arg2[%add3A, %dma_start3A_397, %dma_start3A_398] : memref<32x80x128xi32, #tpu.memory_space<hbm>> -> memref<1x80x128xi32, #tpu.memory_space<hbm>>
      %dma_start3A_400 = tpu.memref_squeeze %dma_start3A_399 : memref<1x80x128xi32, #tpu.memory_space<hbm>> -> memref<80x128xi32, #tpu.memory_space<hbm>>
      tpu.enqueue_dma source(%dma_start3A_400 : memref<80x128xi32, #tpu.memory_space<hbm>>) target(%arg6 : memref<80x128xi32, #tpu.memory_space<vmem>>) target_semaphore(%run_scoped3A : memref<!tpu.dma_semaphore, #tpu.memory_space<semaphore_mem>>)
      %dma_wait3A_401 = arith.constant 0 : i32
      %dma_wait3A_402 = arith.constant 0 : i32
      %dma_wait3A_403 = tpu.memref_slice %arg2[%add3A, %dma_wait3A_401, %dma_wait3A_402] : memref<32x80x128xi32, #tpu.memory_space<hbm>> -> memref<1x80x128xi32, #tpu.memory_space<hbm>>
      %dma_wait3A_404 = tpu.memref_squeeze %dma_wait3A_403 : memref<1x80x128xi32, #tpu.memory_space<hbm>> -> memref<80x128xi32, #tpu.memory_space<hbm>>
      %dma_wait3A_405 = arith.constant 0 : i32
      %dma_wait3A_406 = arith.constant 0 : i32
      %dma_wait3A_407 = tpu.memref_slice %arg2[%add3A, %dma_wait3A_405, %dma_wait3A_406] : memref<32x80x128xi32, #tpu.memory_space<hbm>> -> memref<1x80x128xi32, #tpu.memory_space<hbm>>
      %dma_wait3A_408 = tpu.memref_squeeze %dma_wait3A_407 : memref<1x80x128xi32, #tpu.memory_space<hbm>> -> memref<80x128xi32, #tpu.memory_space<hbm>>
      tpu.wait_dma2 semaphore(%run_scoped3A : memref<!tpu.dma_semaphore, #tpu.memory_space<semaphore_mem>>) src(%dma_wait3A_408 : memref<80x128xi32, #tpu.memory_space<hbm>>) dst(%arg6 : memref<80x128xi32, #tpu.memory_space<vmem>>)
      tpu.yield
    }) : () -> ()
    "tpu.region"() ({
      %run_scoped3A = tpu.sem_alloc : memref<!tpu.dma_semaphore, #tpu.memory_space<semaphore_mem>>
      %dma_start3A_393 = arith.constant 0 : i32
      %dma_start3A_394 = arith.constant 0 : i32
      %dma_start3A_395 = tpu.memref_slice %arg3[%add3A, %dma_start3A_393, %dma_start3A_394] : memref<32x80x128xi32, #tpu.memory_space<hbm>> -> memref<1x80x128xi32, #tpu.memory_space<hbm>>
      %dma_start3A_396 = tpu.memref_squeeze %dma_start3A_395 : memref<1x80x128xi32, #tpu.memory_space<hbm>> -> memref<80x128xi32, #tpu.memory_space<hbm>>
      %dma_start3A_397 = arith.constant 0 : i32
      %dma_start3A_398 = arith.constant 0 : i32
      %dma_start3A_399 = tpu.memref_slice %arg3[%add3A, %dma_start3A_397, %dma_start3A_398] : memref<32x80x128xi32, #tpu.memory_space<hbm>> -> memref<1x80x128xi32, #tpu.memory_space<hbm>>
      %dma_start3A_400 = tpu.memref_squeeze %dma_start3A_399 : memref<1x80x128xi32, #tpu.memory_space<hbm>> -> memref<80x128xi32, #tpu.memory_space<hbm>>
      tpu.enqueue_dma source(%dma_start3A_400 : memref<80x128xi32, #tpu.memory_space<hbm>>) target(%arg7 : memref<80x128xi32, #tpu.memory_space<vmem>>) target_semaphore(%run_scoped3A : memref<!tpu.dma_semaphore, #tpu.memory_space<semaphore_mem>>)
      %dma_wait3A_401 = arith.constant 0 : i32
      %dma_wait3A_402 = arith.constant 0 : i32
      %dma_wait3A_403 = tpu.memref_slice %arg3[%add3A, %dma_wait3A_401, %dma_wait3A_402] : memref<32x80x128xi32, #tpu.memory_space<hbm>> -> memref<1x80x128xi32, #tpu.memory_space<hbm>>
      %dma_wait3A_404 = tpu.memref_squeeze %dma_wait3A_403 : memref<1x80x128xi32, #tpu.memory_space<hbm>> -> memref<80x128xi32, #tpu.memory_space<hbm>>
      %dma_wait3A_405 = arith.constant 0 : i32
      %dma_wait3A_406 = arith.constant 0 : i32
      %dma_wait3A_407 = tpu.memref_slice %arg3[%add3A, %dma_wait3A_405, %dma_wait3A_406] : memref<32x80x128xi32, #tpu.memory_space<hbm>> -> memref<1x80x128xi32, #tpu.memory_space<hbm>>
      %dma_wait3A_408 = tpu.memref_squeeze %dma_wait3A_407 : memref<1x80x128xi32, #tpu.memory_space<hbm>> -> memref<80x128xi32, #tpu.memory_space<hbm>>
      tpu.wait_dma2 semaphore(%run_scoped3A : memref<!tpu.dma_semaphore, #tpu.memory_space<semaphore_mem>>) src(%dma_wait3A_408 : memref<80x128xi32, #tpu.memory_space<hbm>>) dst(%arg7 : memref<80x128xi32, #tpu.memory_space<vmem>>)
      tpu.yield
    }) : () -> ()
    "tpu.region"() ({
      %run_scoped3A = tpu.sem_alloc : memref<!tpu.dma_semaphore, #tpu.memory_space<semaphore_mem>>
      %dma_start3A_393 = arith.constant 0 : i32
      %dma_start3A_394 = arith.constant 0 : i32
      %dma_start3A_395 = tpu.memref_slice %arg10[%dma_start3A_393, %dma_start3A_394] : memref<640x16xf32, #tpu.memory_space<vmem>> -> memref<64x16xf32, #tpu.memory_space<vmem>>
      %dma_start3A_396 = arith.constant 10000 : i32
      %dma_start3A_397 = arith.constant 0 : i32
      %dma_start3A_398 = tpu.memref_slice %arg4[%dma_start3A_396, %dma_start3A_397] : memref<10240x16xf32, #tpu.memory_space<hbm>> -> memref<64x16xf32, #tpu.memory_space<hbm>>
      %dma_start3A_399 = arith.constant 0 : i32
      %dma_start3A_400 = arith.constant 0 : i32
      %dma_start3A_401 = tpu.memref_slice %arg10[%dma_start3A_399, %dma_start3A_400] : memref<640x16xf32, #tpu.memory_space<vmem>> -> memref<64x16xf32, #tpu.memory_space<vmem>>
      %dma_start3A_402 = arith.constant 10000 : i32
      %dma_start3A_403 = arith.constant 0 : i32
      %dma_start3A_404 = tpu.memref_slice %arg4[%dma_start3A_402, %dma_start3A_403] : memref<10240x16xf32, #tpu.memory_space<hbm>> -> memref<64x16xf32, #tpu.memory_space<hbm>>
      tpu.enqueue_dma source(%dma_start3A_404 : memref<64x16xf32, #tpu.memory_space<hbm>>) target(%dma_start3A_401 : memref<64x16xf32, #tpu.memory_space<vmem>>) target_semaphore(%run_scoped3A : memref<!tpu.dma_semaphore, #tpu.memory_space<semaphore_mem>>)
      %dma_wait3A_405 = arith.constant 0 : i32
      %dma_wait3A_406 = arith.constant 0 : i32
      %dma_wait3A_407 = tpu.memref_slice %arg10[%dma_wait3A_405, %dma_wait3A_406] : memref<640x16xf32, #tpu.memory_space<vmem>> -> memref<64x16xf32, #tpu.memory_space<vmem>>
      %dma_wait3A_408 = arith.constant 10000 : i32
      %dma_wait3A_409 = arith.constant 0 : i32
      %dma_wait3A_410 = tpu.memref_slice %arg4[%dma_wait3A_408, %dma_wait3A_409] : memref<10240x16xf32, #tpu.memory_space<hbm>> -> memref<64x16xf32, #tpu.memory_space<hbm>>
      %dma_wait3A_411 = arith.constant 0 : i32
      %dma_wait3A_412 = arith.constant 0 : i32
      %dma_wait3A_413 = tpu.memref_slice %arg10[%dma_wait3A_411, %dma_wait3A_412] : memref<640x16xf32, #tpu.memory_space<vmem>> -> memref<64x16xf32, #tpu.memory_space<vmem>>
      %dma_wait3A_414 = arith.constant 10000 : i32
      %dma_wait3A_415 = arith.constant 0 : i32
      %dma_wait3A_416 = tpu.memref_slice %arg4[%dma_wait3A_414, %dma_wait3A_415] : memref<10240x16xf32, #tpu.memory_space<hbm>> -> memref<64x16xf32, #tpu.memory_space<hbm>>
      tpu.wait_dma2 semaphore(%run_scoped3A : memref<!tpu.dma_semaphore, #tpu.memory_space<semaphore_mem>>) src(%dma_wait3A_416 : memref<64x16xf32, #tpu.memory_space<hbm>>) dst(%dma_wait3A_413 : memref<64x16xf32, #tpu.memory_space<vmem>>)
      tpu.yield
    }) : () -> ()
    %mul3A_1 = arith.constant 640 : i32
    %mul3A_2 = arith.muli %arg1, %mul3A_1 : i32
    %add3A_3 = arith.constant 0 : i32
    %add3A_4 = arith.addi %mul3A_2, %add3A_3 : i32
    "tpu.region"() ({
      %run_scoped3A = tpu.sem_alloc : memref<!tpu.dma_semaphore, #tpu.memory_space<semaphore_mem>>
      %dma_start3A_393 = arith.constant 0 : i32
      %dma_start3A_394 = arith.constant 0 : i32
      %dma_start3A_395 = tpu.memref_slice %arg10[%dma_start3A_393, %dma_start3A_394] : memref<640x16xf32, #tpu.memory_space<vmem>> -> memref<64x16xf32, #tpu.memory_space<vmem>>
      %dma_start3A_396 = arith.constant 0 : i32
      %dma_start3A_397 = tpu.memref_slice %arg11[%add3A_4, %dma_start3A_396] : memref<10240x16xf32, #tpu.memory_space<vmem_shared>> -> memref<64x16xf32, #tpu.memory_space<vmem_shared>>
      %dma_start3A_398 = arith.constant 0 : i32
      %dma_start3A_399 = tpu.memref_slice %arg11[%add3A_4, %dma_start3A_398] : memref<10240x16xf32, #tpu.memory_space<vmem_shared>> -> memref<64x16xf32, #tpu.memory_space<vmem_shared>>
      %dma_start3A_400 = arith.constant 0 : i32
      %dma_start3A_401 = arith.constant 0 : i32
      %dma_start3A_402 = tpu.memref_slice %arg10[%dma_start3A_400, %dma_start3A_401] : memref<640x16xf32, #tpu.memory_space<vmem>> -> memref<64x16xf32, #tpu.memory_space<vmem>>
      tpu.enqueue_dma source(%dma_start3A_402 : memref<64x16xf32, #tpu.memory_space<vmem>>) target(%dma_start3A_399 : memref<64x16xf32, #tpu.memory_space<vmem_shared>>) target_semaphore(%run_scoped3A : memref<!tpu.dma_semaphore, #tpu.memory_space<semaphore_mem>>)
      %dma_wait3A_403 = arith.constant 0 : i32
      %dma_wait3A_404 = arith.constant 0 : i32
      %dma_wait3A_405 = tpu.memref_slice %arg10[%dma_wait3A_403, %dma_wait3A_404] : memref<640x16xf32, #tpu.memory_space<vmem>> -> memref<64x16xf32, #tpu.memory_space<vmem>>
      %dma_wait3A_406 = arith.constant 0 : i32
      %dma_wait3A_407 = tpu.memref_slice %arg11[%add3A_4, %dma_wait3A_406] : memref<10240x16xf32, #tpu.memory_space<vmem_shared>> -> memref<64x16xf32, #tpu.memory_space<vmem_shared>>
      %dma_wait3A_408 = arith.constant 0 : i32
      %dma_wait3A_409 = tpu.memref_slice %arg11[%add3A_4, %dma_wait3A_408] : memref<10240x16xf32, #tpu.memory_space<vmem_shared>> -> memref<64x16xf32, #tpu.memory_space<vmem_shared>>
      %dma_wait3A_410 = arith.constant 0 : i32
      %dma_wait3A_411 = arith.constant 0 : i32
      %dma_wait3A_412 = tpu.memref_slice %arg10[%dma_wait3A_410, %dma_wait3A_411] : memref<640x16xf32, #tpu.memory_space<vmem>> -> memref<64x16xf32, #tpu.memory_space<vmem>>
      tpu.wait_dma2 semaphore(%run_scoped3A : memref<!tpu.dma_semaphore, #tpu.memory_space<semaphore_mem>>) src(%dma_wait3A_412 : memref<64x16xf32, #tpu.memory_space<vmem>>) dst(%dma_wait3A_409 : memref<64x16xf32, #tpu.memory_space<vmem_shared>>)
      tpu.yield
    }) : () -> ()
    %mul3A_5 = arith.constant 640 : i32
    %mul3A_6 = arith.muli %arg1, %mul3A_5 : i32
    %add3A_7 = arith.constant 64 : i32
    %add3A_8 = arith.addi %mul3A_6, %add3A_7 : i32
    "tpu.region"() ({
      %run_scoped3A = tpu.sem_alloc : memref<!tpu.dma_semaphore, #tpu.memory_space<semaphore_mem>>
      %dma_start3A_393 = arith.constant 0 : i32
      %dma_start3A_394 = arith.constant 0 : i32
      %dma_start3A_395 = tpu.memref_slice %arg10[%dma_start3A_393, %dma_start3A_394] : memref<640x16xf32, #tpu.memory_space<vmem>> -> memref<64x16xf32, #tpu.memory_space<vmem>>
      %dma_start3A_396 = arith.constant 0 : i32
      %dma_start3A_397 = tpu.memref_slice %arg11[%add3A_8, %dma_start3A_396] : memref<10240x16xf32, #tpu.memory_space<vmem_shared>> -> memref<64x16xf32, #tpu.memory_space<vmem_shared>>
      %dma_start3A_398 = arith.constant 0 : i32
      %dma_start3A_399 = tpu.memref_slice %arg11[%add3A_8, %dma_start3A_398] : memref<10240x16xf32, #tpu.memory_space<vmem_shared>> -> memref<64x16xf32, #tpu.memory_space<vmem_shared>>
      %dma_start3A_400 = arith.constant 0 : i32
      %dma_start3A_401 = arith.constant 0 : i32
      %dma_start3A_402 = tpu.memref_slice %arg10[%dma_start3A_400, %dma_start3A_401] : memref<640x16xf32, #tpu.memory_space<vmem>> -> memref<64x16xf32, #tpu.memory_space<vmem>>
      tpu.enqueue_dma source(%dma_start3A_402 : memref<64x16xf32, #tpu.memory_space<vmem>>) target(%dma_start3A_399 : memref<64x16xf32, #tpu.memory_space<vmem_shared>>) target_semaphore(%run_scoped3A : memref<!tpu.dma_semaphore, #tpu.memory_space<semaphore_mem>>)
      %dma_wait3A_403 = arith.constant 0 : i32
      %dma_wait3A_404 = arith.constant 0 : i32
      %dma_wait3A_405 = tpu.memref_slice %arg10[%dma_wait3A_403, %dma_wait3A_404] : memref<640x16xf32, #tpu.memory_space<vmem>> -> memref<64x16xf32, #tpu.memory_space<vmem>>
      %dma_wait3A_406 = arith.constant 0 : i32
      %dma_wait3A_407 = tpu.memref_slice %arg11[%add3A_8, %dma_wait3A_406] : memref<10240x16xf32, #tpu.memory_space<vmem_shared>> -> memref<64x16xf32, #tpu.memory_space<vmem_shared>>
      %dma_wait3A_408 = arith.constant 0 : i32
      %dma_wait3A_409 = tpu.memref_slice %arg11[%add3A_8, %dma_wait3A_408] : memref<10240x16xf32, #tpu.memory_space<vmem_shared>> -> memref<64x16xf32, #tpu.memory_space<vmem_shared>>
      %dma_wait3A_410 = arith.constant 0 : i32
      %dma_wait3A_411 = arith.constant 0 : i32
      %dma_wait3A_412 = tpu.memref_slice %arg10[%dma_wait3A_410, %dma_wait3A_411] : memref<640x16xf32, #tpu.memory_space<vmem>> -> memref<64x16xf32, #tpu.memory_space<vmem>>
      tpu.wait_dma2 semaphore(%run_scoped3A : memref<!tpu.dma_semaphore, #tpu.memory_space<semaphore_mem>>) src(%dma_wait3A_412 : memref<64x16xf32, #tpu.memory_space<vmem>>) dst(%dma_wait3A_409 : memref<64x16xf32, #tpu.memory_space<vmem_shared>>)
      tpu.yield
    }) : () -> ()
    %mul3A_9 = arith.constant 640 : i32
    %mul3A_10 = arith.muli %arg1, %mul3A_9 : i32
    %add3A_11 = arith.constant 128 : i32
    %add3A_12 = arith.addi %mul3A_10, %add3A_11 : i32
    "tpu.region"() ({
      %run_scoped3A = tpu.sem_alloc : memref<!tpu.dma_semaphore, #tpu.memory_space<semaphore_mem>>
      %dma_start3A_393 = arith.constant 0 : i32
      %dma_start3A_394 = arith.constant 0 : i32
      %dma_start3A_395 = tpu.memref_slice %arg10[%dma_start3A_393, %dma_start3A_394] : memref<640x16xf32, #tpu.memory_space<vmem>> -> memref<64x16xf32, #tpu.memory_space<vmem>>
      %dma_start3A_396 = arith.constant 0 : i32
      %dma_start3A_397 = tpu.memref_slice %arg11[%add3A_12, %dma_start3A_396] : memref<10240x16xf32, #tpu.memory_space<vmem_shared>> -> memref<64x16xf32, #tpu.memory_space<vmem_shared>>
      %dma_start3A_398 = arith.constant 0 : i32
      %dma_start3A_399 = tpu.memref_slice %arg11[%add3A_12, %dma_start3A_398] : memref<10240x16xf32, #tpu.memory_space<vmem_shared>> -> memref<64x16xf32, #tpu.memory_space<vmem_shared>>
      %dma_start3A_400 = arith.constant 0 : i32
      %dma_start3A_401 = arith.constant 0 : i32
      %dma_start3A_402 = tpu.memref_slice %arg10[%dma_start3A_400, %dma_start3A_401] : memref<640x16xf32, #tpu.memory_space<vmem>> -> memref<64x16xf32, #tpu.memory_space<vmem>>
      tpu.enqueue_dma source(%dma_start3A_402 : memref<64x16xf32, #tpu.memory_space<vmem>>) target(%dma_start3A_399 : memref<64x16xf32, #tpu.memory_space<vmem_shared>>) target_semaphore(%run_scoped3A : memref<!tpu.dma_semaphore, #tpu.memory_space<semaphore_mem>>)
      %dma_wait3A_403 = arith.constant 0 : i32
      %dma_wait3A_404 = arith.constant 0 : i32
      %dma_wait3A_405 = tpu.memref_slice %arg10[%dma_wait3A_403, %dma_wait3A_404] : memref<640x16xf32, #tpu.memory_space<vmem>> -> memref<64x16xf32, #tpu.memory_space<vmem>>
      %dma_wait3A_406 = arith.constant 0 : i32
      %dma_wait3A_407 = tpu.memref_slice %arg11[%add3A_12, %dma_wait3A_406] : memref<10240x16xf32, #tpu.memory_space<vmem_shared>> -> memref<64x16xf32, #tpu.memory_space<vmem_shared>>
      %dma_wait3A_408 = arith.constant 0 : i32
      %dma_wait3A_409 = tpu.memref_slice %arg11[%add3A_12, %dma_wait3A_408] : memref<10240x16xf32, #tpu.memory_space<vmem_shared>> -> memref<64x16xf32, #tpu.memory_space<vmem_shared>>
      %dma_wait3A_410 = arith.constant 0 : i32
      %dma_wait3A_411 = arith.constant 0 : i32
      %dma_wait3A_412 = tpu.memref_slice %arg10[%dma_wait3A_410, %dma_wait3A_411] : memref<640x16xf32, #tpu.memory_space<vmem>> -> memref<64x16xf32, #tpu.memory_space<vmem>>
      tpu.wait_dma2 semaphore(%run_scoped3A : memref<!tpu.dma_semaphore, #tpu.memory_space<semaphore_mem>>) src(%dma_wait3A_412 : memref<64x16xf32, #tpu.memory_space<vmem>>) dst(%dma_wait3A_409 : memref<64x16xf32, #tpu.memory_space<vmem_shared>>)
      tpu.yield
    }) : () -> ()
    %mul3A_13 = arith.constant 640 : i32
    %mul3A_14 = arith.muli %arg1, %mul3A_13 : i32
    %add3A_15 = arith.constant 192 : i32
    %add3A_16 = arith.addi %mul3A_14, %add3A_15 : i32
    "tpu.region"() ({
      %run_scoped3A = tpu.sem_alloc : memref<!tpu.dma_semaphore, #tpu.memory_space<semaphore_mem>>
      %dma_start3A_393 = arith.constant 0 : i32
      %dma_start3A_394 = arith.constant 0 : i32
      %dma_start3A_395 = tpu.memref_slice %arg10[%dma_start3A_393, %dma_start3A_394] : memref<640x16xf32, #tpu.memory_space<vmem>> -> memref<64x16xf32, #tpu.memory_space<vmem>>
      %dma_start3A_396 = arith.constant 0 : i32
      %dma_start3A_397 = tpu.memref_slice %arg11[%add3A_16, %dma_start3A_396] : memref<10240x16xf32, #tpu.memory_space<vmem_shared>> -> memref<64x16xf32, #tpu.memory_space<vmem_shared>>
      %dma_start3A_398 = arith.constant 0 : i32
      %dma_start3A_399 = tpu.memref_slice %arg11[%add3A_16, %dma_start3A_398] : memref<10240x16xf32, #tpu.memory_space<vmem_shared>> -> memref<64x16xf32, #tpu.memory_space<vmem_shared>>
      %dma_start3A_400 = arith.constant 0 : i32
      %dma_start3A_401 = arith.constant 0 : i32
      %dma_start3A_402 = tpu.memref_slice %arg10[%dma_start3A_400, %dma_start3A_401] : memref<640x16xf32, #tpu.memory_space<vmem>> -> memref<64x16xf32, #tpu.memory_space<vmem>>
      tpu.enqueue_dma source(%dma_start3A_402 : memref<64x16xf32, #tpu.memory_space<vmem>>) target(%dma_start3A_399 : memref<64x16xf32, #tpu.memory_space<vmem_shared>>) target_semaphore(%run_scoped3A : memref<!tpu.dma_semaphore, #tpu.memory_space<semaphore_mem>>)
      %dma_wait3A_403 = arith.constant 0 : i32
      %dma_wait3A_404 = arith.constant 0 : i32
      %dma_wait3A_405 = tpu.memref_slice %arg10[%dma_wait3A_403, %dma_wait3A_404] : memref<640x16xf32, #tpu.memory_space<vmem>> -> memref<64x16xf32, #tpu.memory_space<vmem>>
      %dma_wait3A_406 = arith.constant 0 : i32
      %dma_wait3A_407 = tpu.memref_slice %arg11[%add3A_16, %dma_wait3A_406] : memref<10240x16xf32, #tpu.memory_space<vmem_shared>> -> memref<64x16xf32, #tpu.memory_space<vmem_shared>>
      %dma_wait3A_408 = arith.constant 0 : i32
      %dma_wait3A_409 = tpu.memref_slice %arg11[%add3A_16, %dma_wait3A_408] : memref<10240x16xf32, #tpu.memory_space<vmem_shared>> -> memref<64x16xf32, #tpu.memory_space<vmem_shared>>
      %dma_wait3A_410 = arith.constant 0 : i32
      %dma_wait3A_411 = arith.constant 0 : i32
      %dma_wait3A_412 = tpu.memref_slice %arg10[%dma_wait3A_410, %dma_wait3A_411] : memref<640x16xf32, #tpu.memory_space<vmem>> -> memref<64x16xf32, #tpu.memory_space<vmem>>
      tpu.wait_dma2 semaphore(%run_scoped3A : memref<!tpu.dma_semaphore, #tpu.memory_space<semaphore_mem>>) src(%dma_wait3A_412 : memref<64x16xf32, #tpu.memory_space<vmem>>) dst(%dma_wait3A_409 : memref<64x16xf32, #tpu.memory_space<vmem_shared>>)
      tpu.yield
    }) : () -> ()
    %mul3A_17 = arith.constant 640 : i32
    %mul3A_18 = arith.muli %arg1, %mul3A_17 : i32
    %add3A_19 = arith.constant 256 : i32
    %add3A_20 = arith.addi %mul3A_18, %add3A_19 : i32
    "tpu.region"() ({
      %run_scoped3A = tpu.sem_alloc : memref<!tpu.dma_semaphore, #tpu.memory_space<semaphore_mem>>
      %dma_start3A_393 = arith.constant 0 : i32
      %dma_start3A_394 = arith.constant 0 : i32
      %dma_start3A_395 = tpu.memref_slice %arg10[%dma_start3A_393, %dma_start3A_394] : memref<640x16xf32, #tpu.memory_space<vmem>> -> memref<64x16xf32, #tpu.memory_space<vmem>>
      %dma_start3A_396 = arith.constant 0 : i32
      %dma_start3A_397 = tpu.memref_slice %arg11[%add3A_20, %dma_start3A_396] : memref<10240x16xf32, #tpu.memory_space<vmem_shared>> -> memref<64x16xf32, #tpu.memory_space<vmem_shared>>
      %dma_start3A_398 = arith.constant 0 : i32
      %dma_start3A_399 = tpu.memref_slice %arg11[%add3A_20, %dma_start3A_398] : memref<10240x16xf32, #tpu.memory_space<vmem_shared>> -> memref<64x16xf32, #tpu.memory_space<vmem_shared>>
      %dma_start3A_400 = arith.constant 0 : i32
      %dma_start3A_401 = arith.constant 0 : i32
      %dma_start3A_402 = tpu.memref_slice %arg10[%dma_start3A_400, %dma_start3A_401] : memref<640x16xf32, #tpu.memory_space<vmem>> -> memref<64x16xf32, #tpu.memory_space<vmem>>
      tpu.enqueue_dma source(%dma_start3A_402 : memref<64x16xf32, #tpu.memory_space<vmem>>) target(%dma_start3A_399 : memref<64x16xf32, #tpu.memory_space<vmem_shared>>) target_semaphore(%run_scoped3A : memref<!tpu.dma_semaphore, #tpu.memory_space<semaphore_mem>>)
      %dma_wait3A_403 = arith.constant 0 : i32
      %dma_wait3A_404 = arith.constant 0 : i32
      %dma_wait3A_405 = tpu.memref_slice %arg10[%dma_wait3A_403, %dma_wait3A_404] : memref<640x16xf32, #tpu.memory_space<vmem>> -> memref<64x16xf32, #tpu.memory_space<vmem>>
      %dma_wait3A_406 = arith.constant 0 : i32
      %dma_wait3A_407 = tpu.memref_slice %arg11[%add3A_20, %dma_wait3A_406] : memref<10240x16xf32, #tpu.memory_space<vmem_shared>> -> memref<64x16xf32, #tpu.memory_space<vmem_shared>>
      %dma_wait3A_408 = arith.constant 0 : i32
      %dma_wait3A_409 = tpu.memref_slice %arg11[%add3A_20, %dma_wait3A_408] : memref<10240x16xf32, #tpu.memory_space<vmem_shared>> -> memref<64x16xf32, #tpu.memory_space<vmem_shared>>
      %dma_wait3A_410 = arith.constant 0 : i32
      %dma_wait3A_411 = arith.constant 0 : i32
      %dma_wait3A_412 = tpu.memref_slice %arg10[%dma_wait3A_410, %dma_wait3A_411] : memref<640x16xf32, #tpu.memory_space<vmem>> -> memref<64x16xf32, #tpu.memory_space<vmem>>
      tpu.wait_dma2 semaphore(%run_scoped3A : memref<!tpu.dma_semaphore, #tpu.memory_space<semaphore_mem>>) src(%dma_wait3A_412 : memref<64x16xf32, #tpu.memory_space<vmem>>) dst(%dma_wait3A_409 : memref<64x16xf32, #tpu.memory_space<vmem_shared>>)
      tpu.yield
    }) : () -> ()
    %mul3A_21 = arith.constant 640 : i32
    %mul3A_22 = arith.muli %arg1, %mul3A_21 : i32
    %add3A_23 = arith.constant 320 : i32
    %add3A_24 = arith.addi %mul3A_22, %add3A_23 : i32
    "tpu.region"() ({
      %run_scoped3A = tpu.sem_alloc : memref<!tpu.dma_semaphore, #tpu.memory_space<semaphore_mem>>
      %dma_start3A_393 = arith.constant 0 : i32
      %dma_start3A_394 = arith.constant 0 : i32
      %dma_start3A_395 = tpu.memref_slice %arg10[%dma_start3A_393, %dma_start3A_394] : memref<640x16xf32, #tpu.memory_space<vmem>> -> memref<64x16xf32, #tpu.memory_space<vmem>>
      %dma_start3A_396 = arith.constant 0 : i32
      %dma_start3A_397 = tpu.memref_slice %arg11[%add3A_24, %dma_start3A_396] : memref<10240x16xf32, #tpu.memory_space<vmem_shared>> -> memref<64x16xf32, #tpu.memory_space<vmem_shared>>
      %dma_start3A_398 = arith.constant 0 : i32
      %dma_start3A_399 = tpu.memref_slice %arg11[%add3A_24, %dma_start3A_398] : memref<10240x16xf32, #tpu.memory_space<vmem_shared>> -> memref<64x16xf32, #tpu.memory_space<vmem_shared>>
      %dma_start3A_400 = arith.constant 0 : i32
      %dma_start3A_401 = arith.constant 0 : i32
      %dma_start3A_402 = tpu.memref_slice %arg10[%dma_start3A_400, %dma_start3A_401] : memref<640x16xf32, #tpu.memory_space<vmem>> -> memref<64x16xf32, #tpu.memory_space<vmem>>
      tpu.enqueue_dma source(%dma_start3A_402 : memref<64x16xf32, #tpu.memory_space<vmem>>) target(%dma_start3A_399 : memref<64x16xf32, #tpu.memory_space<vmem_shared>>) target_semaphore(%run_scoped3A : memref<!tpu.dma_semaphore, #tpu.memory_space<semaphore_mem>>)
      %dma_wait3A_403 = arith.constant 0 : i32
      %dma_wait3A_404 = arith.constant 0 : i32
      %dma_wait3A_405 = tpu.memref_slice %arg10[%dma_wait3A_403, %dma_wait3A_404] : memref<640x16xf32, #tpu.memory_space<vmem>> -> memref<64x16xf32, #tpu.memory_space<vmem>>
      %dma_wait3A_406 = arith.constant 0 : i32
      %dma_wait3A_407 = tpu.memref_slice %arg11[%add3A_24, %dma_wait3A_406] : memref<10240x16xf32, #tpu.memory_space<vmem_shared>> -> memref<64x16xf32, #tpu.memory_space<vmem_shared>>
      %dma_wait3A_408 = arith.constant 0 : i32
      %dma_wait3A_409 = tpu.memref_slice %arg11[%add3A_24, %dma_wait3A_408] : memref<10240x16xf32, #tpu.memory_space<vmem_shared>> -> memref<64x16xf32, #tpu.memory_space<vmem_shared>>
      %dma_wait3A_410 = arith.constant 0 : i32
      %dma_wait3A_411 = arith.constant 0 : i32
      %dma_wait3A_412 = tpu.memref_slice %arg10[%dma_wait3A_410, %dma_wait3A_411] : memref<640x16xf32, #tpu.memory_space<vmem>> -> memref<64x16xf32, #tpu.memory_space<vmem>>
      tpu.wait_dma2 semaphore(%run_scoped3A : memref<!tpu.dma_semaphore, #tpu.memory_space<semaphore_mem>>) src(%dma_wait3A_412 : memref<64x16xf32, #tpu.memory_space<vmem>>) dst(%dma_wait3A_409 : memref<64x16xf32, #tpu.memory_space<vmem_shared>>)
      tpu.yield
    }) : () -> ()
    %mul3A_25 = arith.constant 640 : i32
    %mul3A_26 = arith.muli %arg1, %mul3A_25 : i32
    %add3A_27 = arith.constant 384 : i32
    %add3A_28 = arith.addi %mul3A_26, %add3A_27 : i32
    "tpu.region"() ({
      %run_scoped3A = tpu.sem_alloc : memref<!tpu.dma_semaphore, #tpu.memory_space<semaphore_mem>>
      %dma_start3A_393 = arith.constant 0 : i32
      %dma_start3A_394 = arith.constant 0 : i32
      %dma_start3A_395 = tpu.memref_slice %arg10[%dma_start3A_393, %dma_start3A_394] : memref<640x16xf32, #tpu.memory_space<vmem>> -> memref<64x16xf32, #tpu.memory_space<vmem>>
      %dma_start3A_396 = arith.constant 0 : i32
      %dma_start3A_397 = tpu.memref_slice %arg11[%add3A_28, %dma_start3A_396] : memref<10240x16xf32, #tpu.memory_space<vmem_shared>> -> memref<64x16xf32, #tpu.memory_space<vmem_shared>>
      %dma_start3A_398 = arith.constant 0 : i32
      %dma_start3A_399 = tpu.memref_slice %arg11[%add3A_28, %dma_start3A_398] : memref<10240x16xf32, #tpu.memory_space<vmem_shared>> -> memref<64x16xf32, #tpu.memory_space<vmem_shared>>
      %dma_start3A_400 = arith.constant 0 : i32
      %dma_start3A_401 = arith.constant 0 : i32
      %dma_start3A_402 = tpu.memref_slice %arg10[%dma_start3A_400, %dma_start3A_401] : memref<640x16xf32, #tpu.memory_space<vmem>> -> memref<64x16xf32, #tpu.memory_space<vmem>>
      tpu.enqueue_dma source(%dma_start3A_402 : memref<64x16xf32, #tpu.memory_space<vmem>>) target(%dma_start3A_399 : memref<64x16xf32, #tpu.memory_space<vmem_shared>>) target_semaphore(%run_scoped3A : memref<!tpu.dma_semaphore, #tpu.memory_space<semaphore_mem>>)
      %dma_wait3A_403 = arith.constant 0 : i32
      %dma_wait3A_404 = arith.constant 0 : i32
      %dma_wait3A_405 = tpu.memref_slice %arg10[%dma_wait3A_403, %dma_wait3A_404] : memref<640x16xf32, #tpu.memory_space<vmem>> -> memref<64x16xf32, #tpu.memory_space<vmem>>
      %dma_wait3A_406 = arith.constant 0 : i32
      %dma_wait3A_407 = tpu.memref_slice %arg11[%add3A_28, %dma_wait3A_406] : memref<10240x16xf32, #tpu.memory_space<vmem_shared>> -> memref<64x16xf32, #tpu.memory_space<vmem_shared>>
      %dma_wait3A_408 = arith.constant 0 : i32
      %dma_wait3A_409 = tpu.memref_slice %arg11[%add3A_28, %dma_wait3A_408] : memref<10240x16xf32, #tpu.memory_space<vmem_shared>> -> memref<64x16xf32, #tpu.memory_space<vmem_shared>>
      %dma_wait3A_410 = arith.constant 0 : i32
      %dma_wait3A_411 = arith.constant 0 : i32
      %dma_wait3A_412 = tpu.memref_slice %arg10[%dma_wait3A_410, %dma_wait3A_411] : memref<640x16xf32, #tpu.memory_space<vmem>> -> memref<64x16xf32, #tpu.memory_space<vmem>>
      tpu.wait_dma2 semaphore(%run_scoped3A : memref<!tpu.dma_semaphore, #tpu.memory_space<semaphore_mem>>) src(%dma_wait3A_412 : memref<64x16xf32, #tpu.memory_space<vmem>>) dst(%dma_wait3A_409 : memref<64x16xf32, #tpu.memory_space<vmem_shared>>)
      tpu.yield
    }) : () -> ()
    %mul3A_29 = arith.constant 640 : i32
    %mul3A_30 = arith.muli %arg1, %mul3A_29 : i32
    %add3A_31 = arith.constant 448 : i32
    %add3A_32 = arith.addi %mul3A_30, %add3A_31 : i32
    "tpu.region"() ({
      %run_scoped3A = tpu.sem_alloc : memref<!tpu.dma_semaphore, #tpu.memory_space<semaphore_mem>>
      %dma_start3A_393 = arith.constant 0 : i32
      %dma_start3A_394 = arith.constant 0 : i32
      %dma_start3A_395 = tpu.memref_slice %arg10[%dma_start3A_393, %dma_start3A_394] : memref<640x16xf32, #tpu.memory_space<vmem>> -> memref<64x16xf32, #tpu.memory_space<vmem>>
      %dma_start3A_396 = arith.constant 0 : i32
      %dma_start3A_397 = tpu.memref_slice %arg11[%add3A_32, %dma_start3A_396] : memref<10240x16xf32, #tpu.memory_space<vmem_shared>> -> memref<64x16xf32, #tpu.memory_space<vmem_shared>>
      %dma_start3A_398 = arith.constant 0 : i32
      %dma_start3A_399 = tpu.memref_slice %arg11[%add3A_32, %dma_start3A_398] : memref<10240x16xf32, #tpu.memory_space<vmem_shared>> -> memref<64x16xf32, #tpu.memory_space<vmem_shared>>
      %dma_start3A_400 = arith.constant 0 : i32
      %dma_start3A_401 = arith.constant 0 : i32
      %dma_start3A_402 = tpu.memref_slice %arg10[%dma_start3A_400, %dma_start3A_401] : memref<640x16xf32, #tpu.memory_space<vmem>> -> memref<64x16xf32, #tpu.memory_space<vmem>>
      tpu.enqueue_dma source(%dma_start3A_402 : memref<64x16xf32, #tpu.memory_space<vmem>>) target(%dma_start3A_399 : memref<64x16xf32, #tpu.memory_space<vmem_shared>>) target_semaphore(%run_scoped3A : memref<!tpu.dma_semaphore, #tpu.memory_space<semaphore_mem>>)
      %dma_wait3A_403 = arith.constant 0 : i32
      %dma_wait3A_404 = arith.constant 0 : i32
      %dma_wait3A_405 = tpu.memref_slice %arg10[%dma_wait3A_403, %dma_wait3A_404] : memref<640x16xf32, #tpu.memory_space<vmem>> -> memref<64x16xf32, #tpu.memory_space<vmem>>
      %dma_wait3A_406 = arith.constant 0 : i32
      %dma_wait3A_407 = tpu.memref_slice %arg11[%add3A_32, %dma_wait3A_406] : memref<10240x16xf32, #tpu.memory_space<vmem_shared>> -> memref<64x16xf32, #tpu.memory_space<vmem_shared>>
      %dma_wait3A_408 = arith.constant 0 : i32
      %dma_wait3A_409 = tpu.memref_slice %arg11[%add3A_32, %dma_wait3A_408] : memref<10240x16xf32, #tpu.memory_space<vmem_shared>> -> memref<64x16xf32, #tpu.memory_space<vmem_shared>>
      %dma_wait3A_410 = arith.constant 0 : i32
      %dma_wait3A_411 = arith.constant 0 : i32
      %dma_wait3A_412 = tpu.memref_slice %arg10[%dma_wait3A_410, %dma_wait3A_411] : memref<640x16xf32, #tpu.memory_space<vmem>> -> memref<64x16xf32, #tpu.memory_space<vmem>>
      tpu.wait_dma2 semaphore(%run_scoped3A : memref<!tpu.dma_semaphore, #tpu.memory_space<semaphore_mem>>) src(%dma_wait3A_412 : memref<64x16xf32, #tpu.memory_space<vmem>>) dst(%dma_wait3A_409 : memref<64x16xf32, #tpu.memory_space<vmem_shared>>)
      tpu.yield
    }) : () -> ()
    %mul3A_33 = arith.constant 640 : i32
    %mul3A_34 = arith.muli %arg1, %mul3A_33 : i32
    %add3A_35 = arith.constant 512 : i32
    %add3A_36 = arith.addi %mul3A_34, %add3A_35 : i32
    "tpu.region"() ({
      %run_scoped3A = tpu.sem_alloc : memref<!tpu.dma_semaphore, #tpu.memory_space<semaphore_mem>>
      %dma_start3A_393 = arith.constant 0 : i32
      %dma_start3A_394 = arith.constant 0 : i32
      %dma_start3A_395 = tpu.memref_slice %arg10[%dma_start3A_393, %dma_start3A_394] : memref<640x16xf32, #tpu.memory_space<vmem>> -> memref<64x16xf32, #tpu.memory_space<vmem>>
      %dma_start3A_396 = arith.constant 0 : i32
      %dma_start3A_397 = tpu.memref_slice %arg11[%add3A_36, %dma_start3A_396] : memref<10240x16xf32, #tpu.memory_space<vmem_shared>> -> memref<64x16xf32, #tpu.memory_space<vmem_shared>>
      %dma_start3A_398 = arith.constant 0 : i32
      %dma_start3A_399 = tpu.memref_slice %arg11[%add3A_36, %dma_start3A_398] : memref<10240x16xf32, #tpu.memory_space<vmem_shared>> -> memref<64x16xf32, #tpu.memory_space<vmem_shared>>
      %dma_start3A_400 = arith.constant 0 : i32
      %dma_start3A_401 = arith.constant 0 : i32
      %dma_start3A_402 = tpu.memref_slice %arg10[%dma_start3A_400, %dma_start3A_401] : memref<640x16xf32, #tpu.memory_space<vmem>> -> memref<64x16xf32, #tpu.memory_space<vmem>>
      tpu.enqueue_dma source(%dma_start3A_402 : memref<64x16xf32, #tpu.memory_space<vmem>>) target(%dma_start3A_399 : memref<64x16xf32, #tpu.memory_space<vmem_shared>>) target_semaphore(%run_scoped3A : memref<!tpu.dma_semaphore, #tpu.memory_space<semaphore_mem>>)
      %dma_wait3A_403 = arith.constant 0 : i32
      %dma_wait3A_404 = arith.constant 0 : i32
      %dma_wait3A_405 = tpu.memref_slice %arg10[%dma_wait3A_403, %dma_wait3A_404] : memref<640x16xf32, #tpu.memory_space<vmem>> -> memref<64x16xf32, #tpu.memory_space<vmem>>
      %dma_wait3A_406 = arith.constant 0 : i32
      %dma_wait3A_407 = tpu.memref_slice %arg11[%add3A_36, %dma_wait3A_406] : memref<10240x16xf32, #tpu.memory_space<vmem_shared>> -> memref<64x16xf32, #tpu.memory_space<vmem_shared>>
      %dma_wait3A_408 = arith.constant 0 : i32
      %dma_wait3A_409 = tpu.memref_slice %arg11[%add3A_36, %dma_wait3A_408] : memref<10240x16xf32, #tpu.memory_space<vmem_shared>> -> memref<64x16xf32, #tpu.memory_space<vmem_shared>>
      %dma_wait3A_410 = arith.constant 0 : i32
      %dma_wait3A_411 = arith.constant 0 : i32
      %dma_wait3A_412 = tpu.memref_slice %arg10[%dma_wait3A_410, %dma_wait3A_411] : memref<640x16xf32, #tpu.memory_space<vmem>> -> memref<64x16xf32, #tpu.memory_space<vmem>>
      tpu.wait_dma2 semaphore(%run_scoped3A : memref<!tpu.dma_semaphore, #tpu.memory_space<semaphore_mem>>) src(%dma_wait3A_412 : memref<64x16xf32, #tpu.memory_space<vmem>>) dst(%dma_wait3A_409 : memref<64x16xf32, #tpu.memory_space<vmem_shared>>)
      tpu.yield
    }) : () -> ()
    %mul3A_37 = arith.constant 640 : i32
    %mul3A_38 = arith.muli %arg1, %mul3A_37 : i32
    %add3A_39 = arith.constant 576 : i32
    %add3A_40 = arith.addi %mul3A_38, %add3A_39 : i32
    "tpu.region"() ({
      %run_scoped3A = tpu.sem_alloc : memref<!tpu.dma_semaphore, #tpu.memory_space<semaphore_mem>>
      %dma_start3A_393 = arith.constant 0 : i32
      %dma_start3A_394 = arith.constant 0 : i32
      %dma_start3A_395 = tpu.memref_slice %arg10[%dma_start3A_393, %dma_start3A_394] : memref<640x16xf32, #tpu.memory_space<vmem>> -> memref<64x16xf32, #tpu.memory_space<vmem>>
      %dma_start3A_396 = arith.constant 0 : i32
      %dma_start3A_397 = tpu.memref_slice %arg11[%add3A_40, %dma_start3A_396] : memref<10240x16xf32, #tpu.memory_space<vmem_shared>> -> memref<64x16xf32, #tpu.memory_space<vmem_shared>>
      %dma_start3A_398 = arith.constant 0 : i32
      %dma_start3A_399 = tpu.memref_slice %arg11[%add3A_40, %dma_start3A_398] : memref<10240x16xf32, #tpu.memory_space<vmem_shared>> -> memref<64x16xf32, #tpu.memory_space<vmem_shared>>
      %dma_start3A_400 = arith.constant 0 : i32
      %dma_start3A_401 = arith.constant 0 : i32
      %dma_start3A_402 = tpu.memref_slice %arg10[%dma_start3A_400, %dma_start3A_401] : memref<640x16xf32, #tpu.memory_space<vmem>> -> memref<64x16xf32, #tpu.memory_space<vmem>>
      tpu.enqueue_dma source(%dma_start3A_402 : memref<64x16xf32, #tpu.memory_space<vmem>>) target(%dma_start3A_399 : memref<64x16xf32, #tpu.memory_space<vmem_shared>>) target_semaphore(%run_scoped3A : memref<!tpu.dma_semaphore, #tpu.memory_space<semaphore_mem>>)
      %dma_wait3A_403 = arith.constant 0 : i32
      %dma_wait3A_404 = arith.constant 0 : i32
      %dma_wait3A_405 = tpu.memref_slice %arg10[%dma_wait3A_403, %dma_wait3A_404] : memref<640x16xf32, #tpu.memory_space<vmem>> -> memref<64x16xf32, #tpu.memory_space<vmem>>
      %dma_wait3A_406 = arith.constant 0 : i32
      %dma_wait3A_407 = tpu.memref_slice %arg11[%add3A_40, %dma_wait3A_406] : memref<10240x16xf32, #tpu.memory_space<vmem_shared>> -> memref<64x16xf32, #tpu.memory_space<vmem_shared>>
      %dma_wait3A_408 = arith.constant 0 : i32
      %dma_wait3A_409 = tpu.memref_slice %arg11[%add3A_40, %dma_wait3A_408] : memref<10240x16xf32, #tpu.memory_space<vmem_shared>> -> memref<64x16xf32, #tpu.memory_space<vmem_shared>>
      %dma_wait3A_410 = arith.constant 0 : i32
      %dma_wait3A_411 = arith.constant 0 : i32
      %dma_wait3A_412 = tpu.memref_slice %arg10[%dma_wait3A_410, %dma_wait3A_411] : memref<640x16xf32, #tpu.memory_space<vmem>> -> memref<64x16xf32, #tpu.memory_space<vmem>>
      tpu.wait_dma2 semaphore(%run_scoped3A : memref<!tpu.dma_semaphore, #tpu.memory_space<semaphore_mem>>) src(%dma_wait3A_412 : memref<64x16xf32, #tpu.memory_space<vmem>>) dst(%dma_wait3A_409 : memref<64x16xf32, #tpu.memory_space<vmem_shared>>)
      tpu.yield
    }) : () -> ()
    %barrier3A = arith.constant 0 : index
    tpu.barrier barrier_id(%barrier3A)
    %dma_start3A = arith.constant 0 : i32
    %dma_start3A_41 = arith.constant 0 : i32
    %dma_start3A_42 = arith.constant 0 : i32
    %dma_start3A_43 = tpu.memref_slice %arg8[%dma_start3A_41, %dma_start3A_42] : memref<1024x16xf32, #tpu.memory_space<vmem>> -> memref<128x16xf32, #tpu.memory_space<vmem>>
    %dma_start3A_44 = arith.constant 0 : i32
    %dma_start3A_45 = tpu.memref_slice %arg6[%dma_start3A, %dma_start3A_44] : memref<80x128xi32, #tpu.memory_space<vmem>> -> memref<1x128xi32, #tpu.memory_space<vmem>>
    %dma_start3A_46 = tpu.memref_squeeze %dma_start3A_45 : memref<1x128xi32, #tpu.memory_space<vmem>> -> memref<128xi32, #tpu.memory_space<vmem>>
    %dma_start3A_47 = arith.constant 0 : i32
    %dma_start3A_48 = arith.constant 0 : i32
    %dma_start3A_49 = tpu.memref_slice %arg4[%dma_start3A_47, %dma_start3A_48] : memref<10240x16xf32, #tpu.memory_space<hbm>> -> memref<10240x16xf32, #tpu.memory_space<hbm>>
    tpu.enqueue_indirect_dma source(%dma_start3A_49 : memref<10240x16xf32, #tpu.memory_space<hbm>>) target(%dma_start3A_43 : memref<128x16xf32, #tpu.memory_space<vmem>>) offsets(%dma_start3A_46 : memref<128xi32, #tpu.memory_space<vmem>>) semaphore(%arg12 : memref<!tpu.dma_semaphore, #tpu.memory_space<semaphore_mem>>)
    %dma_start3A_50 = arith.constant 1 : i32
    %dma_start3A_51 = arith.constant 128 : i32
    %dma_start3A_52 = arith.constant 0 : i32
    %dma_start3A_53 = tpu.memref_slice %arg8[%dma_start3A_51, %dma_start3A_52] : memref<1024x16xf32, #tpu.memory_space<vmem>> -> memref<128x16xf32, #tpu.memory_space<vmem>>
    %dma_start3A_54 = arith.constant 0 : i32
    %dma_start3A_55 = tpu.memref_slice %arg6[%dma_start3A_50, %dma_start3A_54] : memref<80x128xi32, #tpu.memory_space<vmem>> -> memref<1x128xi32, #tpu.memory_space<vmem>>
    %dma_start3A_56 = tpu.memref_squeeze %dma_start3A_55 : memref<1x128xi32, #tpu.memory_space<vmem>> -> memref<128xi32, #tpu.memory_space<vmem>>
    %dma_start3A_57 = arith.constant 0 : i32
    %dma_start3A_58 = arith.constant 0 : i32
    %dma_start3A_59 = tpu.memref_slice %arg4[%dma_start3A_57, %dma_start3A_58] : memref<10240x16xf32, #tpu.memory_space<hbm>> -> memref<10240x16xf32, #tpu.memory_space<hbm>>
    tpu.enqueue_indirect_dma source(%dma_start3A_59 : memref<10240x16xf32, #tpu.memory_space<hbm>>) target(%dma_start3A_53 : memref<128x16xf32, #tpu.memory_space<vmem>>) offsets(%dma_start3A_56 : memref<128xi32, #tpu.memory_space<vmem>>) semaphore(%arg12 : memref<!tpu.dma_semaphore, #tpu.memory_space<semaphore_mem>>)
    %dma_start3A_60 = arith.constant 2 : i32
    %dma_start3A_61 = arith.constant 256 : i32
    %dma_start3A_62 = arith.constant 0 : i32
    %dma_start3A_63 = tpu.memref_slice %arg8[%dma_start3A_61, %dma_start3A_62] : memref<1024x16xf32, #tpu.memory_space<vmem>> -> memref<128x16xf32, #tpu.memory_space<vmem>>
    %dma_start3A_64 = arith.constant 0 : i32
    %dma_start3A_65 = tpu.memref_slice %arg6[%dma_start3A_60, %dma_start3A_64] : memref<80x128xi32, #tpu.memory_space<vmem>> -> memref<1x128xi32, #tpu.memory_space<vmem>>
    %dma_start3A_66 = tpu.memref_squeeze %dma_start3A_65 : memref<1x128xi32, #tpu.memory_space<vmem>> -> memref<128xi32, #tpu.memory_space<vmem>>
    %dma_start3A_67 = arith.constant 0 : i32
    %dma_start3A_68 = arith.constant 0 : i32
    %dma_start3A_69 = tpu.memref_slice %arg4[%dma_start3A_67, %dma_start3A_68] : memref<10240x16xf32, #tpu.memory_space<hbm>> -> memref<10240x16xf32, #tpu.memory_space<hbm>>
    tpu.enqueue_indirect_dma source(%dma_start3A_69 : memref<10240x16xf32, #tpu.memory_space<hbm>>) target(%dma_start3A_63 : memref<128x16xf32, #tpu.memory_space<vmem>>) offsets(%dma_start3A_66 : memref<128xi32, #tpu.memory_space<vmem>>) semaphore(%arg12 : memref<!tpu.dma_semaphore, #tpu.memory_space<semaphore_mem>>)
    %dma_start3A_70 = arith.constant 3 : i32
    %dma_start3A_71 = arith.constant 384 : i32
    %dma_start3A_72 = arith.constant 0 : i32
    %dma_start3A_73 = tpu.memref_slice %arg8[%dma_start3A_71, %dma_start3A_72] : memref<1024x16xf32, #tpu.memory_space<vmem>> -> memref<128x16xf32, #tpu.memory_space<vmem>>
    %dma_start3A_74 = arith.constant 0 : i32
    %dma_start3A_75 = tpu.memref_slice %arg6[%dma_start3A_70, %dma_start3A_74] : memref<80x128xi32, #tpu.memory_space<vmem>> -> memref<1x128xi32, #tpu.memory_space<vmem>>
    %dma_start3A_76 = tpu.memref_squeeze %dma_start3A_75 : memref<1x128xi32, #tpu.memory_space<vmem>> -> memref<128xi32, #tpu.memory_space<vmem>>
    %dma_start3A_77 = arith.constant 0 : i32
    %dma_start3A_78 = arith.constant 0 : i32
    %dma_start3A_79 = tpu.memref_slice %arg4[%dma_start3A_77, %dma_start3A_78] : memref<10240x16xf32, #tpu.memory_space<hbm>> -> memref<10240x16xf32, #tpu.memory_space<hbm>>
    tpu.enqueue_indirect_dma source(%dma_start3A_79 : memref<10240x16xf32, #tpu.memory_space<hbm>>) target(%dma_start3A_73 : memref<128x16xf32, #tpu.memory_space<vmem>>) offsets(%dma_start3A_76 : memref<128xi32, #tpu.memory_space<vmem>>) semaphore(%arg12 : memref<!tpu.dma_semaphore, #tpu.memory_space<semaphore_mem>>)
    %dma_start3A_80 = arith.constant 4 : i32
    %dma_start3A_81 = arith.constant 512 : i32
    %dma_start3A_82 = arith.constant 0 : i32
    %dma_start3A_83 = tpu.memref_slice %arg8[%dma_start3A_81, %dma_start3A_82] : memref<1024x16xf32, #tpu.memory_space<vmem>> -> memref<128x16xf32, #tpu.memory_space<vmem>>
    %dma_start3A_84 = arith.constant 0 : i32
    %dma_start3A_85 = tpu.memref_slice %arg6[%dma_start3A_80, %dma_start3A_84] : memref<80x128xi32, #tpu.memory_space<vmem>> -> memref<1x128xi32, #tpu.memory_space<vmem>>
    %dma_start3A_86 = tpu.memref_squeeze %dma_start3A_85 : memref<1x128xi32, #tpu.memory_space<vmem>> -> memref<128xi32, #tpu.memory_space<vmem>>
    %dma_start3A_87 = arith.constant 0 : i32
    %dma_start3A_88 = arith.constant 0 : i32
    %dma_start3A_89 = tpu.memref_slice %arg4[%dma_start3A_87, %dma_start3A_88] : memref<10240x16xf32, #tpu.memory_space<hbm>> -> memref<10240x16xf32, #tpu.memory_space<hbm>>
    tpu.enqueue_indirect_dma source(%dma_start3A_89 : memref<10240x16xf32, #tpu.memory_space<hbm>>) target(%dma_start3A_83 : memref<128x16xf32, #tpu.memory_space<vmem>>) offsets(%dma_start3A_86 : memref<128xi32, #tpu.memory_space<vmem>>) semaphore(%arg12 : memref<!tpu.dma_semaphore, #tpu.memory_space<semaphore_mem>>)
    %dma_start3A_90 = arith.constant 5 : i32
    %dma_start3A_91 = arith.constant 640 : i32
    %dma_start3A_92 = arith.constant 0 : i32
    %dma_start3A_93 = tpu.memref_slice %arg8[%dma_start3A_91, %dma_start3A_92] : memref<1024x16xf32, #tpu.memory_space<vmem>> -> memref<128x16xf32, #tpu.memory_space<vmem>>
    %dma_start3A_94 = arith.constant 0 : i32
    %dma_start3A_95 = tpu.memref_slice %arg6[%dma_start3A_90, %dma_start3A_94] : memref<80x128xi32, #tpu.memory_space<vmem>> -> memref<1x128xi32, #tpu.memory_space<vmem>>
    %dma_start3A_96 = tpu.memref_squeeze %dma_start3A_95 : memref<1x128xi32, #tpu.memory_space<vmem>> -> memref<128xi32, #tpu.memory_space<vmem>>
    %dma_start3A_97 = arith.constant 0 : i32
    %dma_start3A_98 = arith.constant 0 : i32
    %dma_start3A_99 = tpu.memref_slice %arg4[%dma_start3A_97, %dma_start3A_98] : memref<10240x16xf32, #tpu.memory_space<hbm>> -> memref<10240x16xf32, #tpu.memory_space<hbm>>
    tpu.enqueue_indirect_dma source(%dma_start3A_99 : memref<10240x16xf32, #tpu.memory_space<hbm>>) target(%dma_start3A_93 : memref<128x16xf32, #tpu.memory_space<vmem>>) offsets(%dma_start3A_96 : memref<128xi32, #tpu.memory_space<vmem>>) semaphore(%arg12 : memref<!tpu.dma_semaphore, #tpu.memory_space<semaphore_mem>>)
    %dma_start3A_100 = arith.constant 6 : i32
    %dma_start3A_101 = arith.constant 768 : i32
    %dma_start3A_102 = arith.constant 0 : i32
    %dma_start3A_103 = tpu.memref_slice %arg8[%dma_start3A_101, %dma_start3A_102] : memref<1024x16xf32, #tpu.memory_space<vmem>> -> memref<128x16xf32, #tpu.memory_space<vmem>>
    %dma_start3A_104 = arith.constant 0 : i32
    %dma_start3A_105 = tpu.memref_slice %arg6[%dma_start3A_100, %dma_start3A_104] : memref<80x128xi32, #tpu.memory_space<vmem>> -> memref<1x128xi32, #tpu.memory_space<vmem>>
    %dma_start3A_106 = tpu.memref_squeeze %dma_start3A_105 : memref<1x128xi32, #tpu.memory_space<vmem>> -> memref<128xi32, #tpu.memory_space<vmem>>
    %dma_start3A_107 = arith.constant 0 : i32
    %dma_start3A_108 = arith.constant 0 : i32
    %dma_start3A_109 = tpu.memref_slice %arg4[%dma_start3A_107, %dma_start3A_108] : memref<10240x16xf32, #tpu.memory_space<hbm>> -> memref<10240x16xf32, #tpu.memory_space<hbm>>
    tpu.enqueue_indirect_dma source(%dma_start3A_109 : memref<10240x16xf32, #tpu.memory_space<hbm>>) target(%dma_start3A_103 : memref<128x16xf32, #tpu.memory_space<vmem>>) offsets(%dma_start3A_106 : memref<128xi32, #tpu.memory_space<vmem>>) semaphore(%arg12 : memref<!tpu.dma_semaphore, #tpu.memory_space<semaphore_mem>>)
    %dma_start3A_110 = arith.constant 7 : i32
    %dma_start3A_111 = arith.constant 896 : i32
    %dma_start3A_112 = arith.constant 0 : i32
    %dma_start3A_113 = tpu.memref_slice %arg8[%dma_start3A_111, %dma_start3A_112] : memref<1024x16xf32, #tpu.memory_space<vmem>> -> memref<128x16xf32, #tpu.memory_space<vmem>>
    %dma_start3A_114 = arith.constant 0 : i32
    %dma_start3A_115 = tpu.memref_slice %arg6[%dma_start3A_110, %dma_start3A_114] : memref<80x128xi32, #tpu.memory_space<vmem>> -> memref<1x128xi32, #tpu.memory_space<vmem>>
    %dma_start3A_116 = tpu.memref_squeeze %dma_start3A_115 : memref<1x128xi32, #tpu.memory_space<vmem>> -> memref<128xi32, #tpu.memory_space<vmem>>
    %dma_start3A_117 = arith.constant 0 : i32
    %dma_start3A_118 = arith.constant 0 : i32
    %dma_start3A_119 = tpu.memref_slice %arg4[%dma_start3A_117, %dma_start3A_118] : memref<10240x16xf32, #tpu.memory_space<hbm>> -> memref<10240x16xf32, #tpu.memory_space<hbm>>
    tpu.enqueue_indirect_dma source(%dma_start3A_119 : memref<10240x16xf32, #tpu.memory_space<hbm>>) target(%dma_start3A_113 : memref<128x16xf32, #tpu.memory_space<vmem>>) offsets(%dma_start3A_116 : memref<128xi32, #tpu.memory_space<vmem>>) semaphore(%arg12 : memref<!tpu.dma_semaphore, #tpu.memory_space<semaphore_mem>>)
    %dma_start3A_120 = arith.constant 8 : i32
    %dma_start3A_121 = arith.constant 0 : i32
    %dma_start3A_122 = arith.constant 0 : i32
    %dma_start3A_123 = tpu.memref_slice %arg9[%dma_start3A_121, %dma_start3A_122] : memref<1024x16xf32, #tpu.memory_space<vmem>> -> memref<128x16xf32, #tpu.memory_space<vmem>>
    %dma_start3A_124 = arith.constant 0 : i32
    %dma_start3A_125 = tpu.memref_slice %arg6[%dma_start3A_120, %dma_start3A_124] : memref<80x128xi32, #tpu.memory_space<vmem>> -> memref<1x128xi32, #tpu.memory_space<vmem>>
    %dma_start3A_126 = tpu.memref_squeeze %dma_start3A_125 : memref<1x128xi32, #tpu.memory_space<vmem>> -> memref<128xi32, #tpu.memory_space<vmem>>
    %dma_start3A_127 = arith.constant 0 : i32
    %dma_start3A_128 = arith.constant 0 : i32
    %dma_start3A_129 = tpu.memref_slice %arg4[%dma_start3A_127, %dma_start3A_128] : memref<10240x16xf32, #tpu.memory_space<hbm>> -> memref<10240x16xf32, #tpu.memory_space<hbm>>
    tpu.enqueue_indirect_dma source(%dma_start3A_129 : memref<10240x16xf32, #tpu.memory_space<hbm>>) target(%dma_start3A_123 : memref<128x16xf32, #tpu.memory_space<vmem>>) offsets(%dma_start3A_126 : memref<128xi32, #tpu.memory_space<vmem>>) semaphore(%arg13 : memref<!tpu.dma_semaphore, #tpu.memory_space<semaphore_mem>>)
    %dma_start3A_130 = arith.constant 9 : i32
    %dma_start3A_131 = arith.constant 128 : i32
    %dma_start3A_132 = arith.constant 0 : i32
    %dma_start3A_133 = tpu.memref_slice %arg9[%dma_start3A_131, %dma_start3A_132] : memref<1024x16xf32, #tpu.memory_space<vmem>> -> memref<128x16xf32, #tpu.memory_space<vmem>>
    %dma_start3A_134 = arith.constant 0 : i32
    %dma_start3A_135 = tpu.memref_slice %arg6[%dma_start3A_130, %dma_start3A_134] : memref<80x128xi32, #tpu.memory_space<vmem>> -> memref<1x128xi32, #tpu.memory_space<vmem>>
    %dma_start3A_136 = tpu.memref_squeeze %dma_start3A_135 : memref<1x128xi32, #tpu.memory_space<vmem>> -> memref<128xi32, #tpu.memory_space<vmem>>
    %dma_start3A_137 = arith.constant 0 : i32
    %dma_start3A_138 = arith.constant 0 : i32
    %dma_start3A_139 = tpu.memref_slice %arg4[%dma_start3A_137, %dma_start3A_138] : memref<10240x16xf32, #tpu.memory_space<hbm>> -> memref<10240x16xf32, #tpu.memory_space<hbm>>
    tpu.enqueue_indirect_dma source(%dma_start3A_139 : memref<10240x16xf32, #tpu.memory_space<hbm>>) target(%dma_start3A_133 : memref<128x16xf32, #tpu.memory_space<vmem>>) offsets(%dma_start3A_136 : memref<128xi32, #tpu.memory_space<vmem>>) semaphore(%arg13 : memref<!tpu.dma_semaphore, #tpu.memory_space<semaphore_mem>>)
    %dma_start3A_140 = arith.constant 10 : i32
    %dma_start3A_141 = arith.constant 256 : i32
    %dma_start3A_142 = arith.constant 0 : i32
    %dma_start3A_143 = tpu.memref_slice %arg9[%dma_start3A_141, %dma_start3A_142] : memref<1024x16xf32, #tpu.memory_space<vmem>> -> memref<128x16xf32, #tpu.memory_space<vmem>>
    %dma_start3A_144 = arith.constant 0 : i32
    %dma_start3A_145 = tpu.memref_slice %arg6[%dma_start3A_140, %dma_start3A_144] : memref<80x128xi32, #tpu.memory_space<vmem>> -> memref<1x128xi32, #tpu.memory_space<vmem>>
    %dma_start3A_146 = tpu.memref_squeeze %dma_start3A_145 : memref<1x128xi32, #tpu.memory_space<vmem>> -> memref<128xi32, #tpu.memory_space<vmem>>
    %dma_start3A_147 = arith.constant 0 : i32
    %dma_start3A_148 = arith.constant 0 : i32
    %dma_start3A_149 = tpu.memref_slice %arg4[%dma_start3A_147, %dma_start3A_148] : memref<10240x16xf32, #tpu.memory_space<hbm>> -> memref<10240x16xf32, #tpu.memory_space<hbm>>
    tpu.enqueue_indirect_dma source(%dma_start3A_149 : memref<10240x16xf32, #tpu.memory_space<hbm>>) target(%dma_start3A_143 : memref<128x16xf32, #tpu.memory_space<vmem>>) offsets(%dma_start3A_146 : memref<128xi32, #tpu.memory_space<vmem>>) semaphore(%arg13 : memref<!tpu.dma_semaphore, #tpu.memory_space<semaphore_mem>>)
    %dma_start3A_150 = arith.constant 11 : i32
    %dma_start3A_151 = arith.constant 384 : i32
    %dma_start3A_152 = arith.constant 0 : i32
    %dma_start3A_153 = tpu.memref_slice %arg9[%dma_start3A_151, %dma_start3A_152] : memref<1024x16xf32, #tpu.memory_space<vmem>> -> memref<128x16xf32, #tpu.memory_space<vmem>>
    %dma_start3A_154 = arith.constant 0 : i32
    %dma_start3A_155 = tpu.memref_slice %arg6[%dma_start3A_150, %dma_start3A_154] : memref<80x128xi32, #tpu.memory_space<vmem>> -> memref<1x128xi32, #tpu.memory_space<vmem>>
    %dma_start3A_156 = tpu.memref_squeeze %dma_start3A_155 : memref<1x128xi32, #tpu.memory_space<vmem>> -> memref<128xi32, #tpu.memory_space<vmem>>
    %dma_start3A_157 = arith.constant 0 : i32
    %dma_start3A_158 = arith.constant 0 : i32
    %dma_start3A_159 = tpu.memref_slice %arg4[%dma_start3A_157, %dma_start3A_158] : memref<10240x16xf32, #tpu.memory_space<hbm>> -> memref<10240x16xf32, #tpu.memory_space<hbm>>
    tpu.enqueue_indirect_dma source(%dma_start3A_159 : memref<10240x16xf32, #tpu.memory_space<hbm>>) target(%dma_start3A_153 : memref<128x16xf32, #tpu.memory_space<vmem>>) offsets(%dma_start3A_156 : memref<128xi32, #tpu.memory_space<vmem>>) semaphore(%arg13 : memref<!tpu.dma_semaphore, #tpu.memory_space<semaphore_mem>>)
    %dma_start3A_160 = arith.constant 12 : i32
    %dma_start3A_161 = arith.constant 512 : i32
    %dma_start3A_162 = arith.constant 0 : i32
    %dma_start3A_163 = tpu.memref_slice %arg9[%dma_start3A_161, %dma_start3A_162] : memref<1024x16xf32, #tpu.memory_space<vmem>> -> memref<128x16xf32, #tpu.memory_space<vmem>>
    %dma_start3A_164 = arith.constant 0 : i32
    %dma_start3A_165 = tpu.memref_slice %arg6[%dma_start3A_160, %dma_start3A_164] : memref<80x128xi32, #tpu.memory_space<vmem>> -> memref<1x128xi32, #tpu.memory_space<vmem>>
    %dma_start3A_166 = tpu.memref_squeeze %dma_start3A_165 : memref<1x128xi32, #tpu.memory_space<vmem>> -> memref<128xi32, #tpu.memory_space<vmem>>
    %dma_start3A_167 = arith.constant 0 : i32
    %dma_start3A_168 = arith.constant 0 : i32
    %dma_start3A_169 = tpu.memref_slice %arg4[%dma_start3A_167, %dma_start3A_168] : memref<10240x16xf32, #tpu.memory_space<hbm>> -> memref<10240x16xf32, #tpu.memory_space<hbm>>
    tpu.enqueue_indirect_dma source(%dma_start3A_169 : memref<10240x16xf32, #tpu.memory_space<hbm>>) target(%dma_start3A_163 : memref<128x16xf32, #tpu.memory_space<vmem>>) offsets(%dma_start3A_166 : memref<128xi32, #tpu.memory_space<vmem>>) semaphore(%arg13 : memref<!tpu.dma_semaphore, #tpu.memory_space<semaphore_mem>>)
    %dma_start3A_170 = arith.constant 13 : i32
    %dma_start3A_171 = arith.constant 640 : i32
    %dma_start3A_172 = arith.constant 0 : i32
    %dma_start3A_173 = tpu.memref_slice %arg9[%dma_start3A_171, %dma_start3A_172] : memref<1024x16xf32, #tpu.memory_space<vmem>> -> memref<128x16xf32, #tpu.memory_space<vmem>>
    %dma_start3A_174 = arith.constant 0 : i32
    %dma_start3A_175 = tpu.memref_slice %arg6[%dma_start3A_170, %dma_start3A_174] : memref<80x128xi32, #tpu.memory_space<vmem>> -> memref<1x128xi32, #tpu.memory_space<vmem>>
    %dma_start3A_176 = tpu.memref_squeeze %dma_start3A_175 : memref<1x128xi32, #tpu.memory_space<vmem>> -> memref<128xi32, #tpu.memory_space<vmem>>
    %dma_start3A_177 = arith.constant 0 : i32
    %dma_start3A_178 = arith.constant 0 : i32
    %dma_start3A_179 = tpu.memref_slice %arg4[%dma_start3A_177, %dma_start3A_178] : memref<10240x16xf32, #tpu.memory_space<hbm>> -> memref<10240x16xf32, #tpu.memory_space<hbm>>
    tpu.enqueue_indirect_dma source(%dma_start3A_179 : memref<10240x16xf32, #tpu.memory_space<hbm>>) target(%dma_start3A_173 : memref<128x16xf32, #tpu.memory_space<vmem>>) offsets(%dma_start3A_176 : memref<128xi32, #tpu.memory_space<vmem>>) semaphore(%arg13 : memref<!tpu.dma_semaphore, #tpu.memory_space<semaphore_mem>>)
    %dma_start3A_180 = arith.constant 14 : i32
    %dma_start3A_181 = arith.constant 768 : i32
    %dma_start3A_182 = arith.constant 0 : i32
    %dma_start3A_183 = tpu.memref_slice %arg9[%dma_start3A_181, %dma_start3A_182] : memref<1024x16xf32, #tpu.memory_space<vmem>> -> memref<128x16xf32, #tpu.memory_space<vmem>>
    %dma_start3A_184 = arith.constant 0 : i32
    %dma_start3A_185 = tpu.memref_slice %arg6[%dma_start3A_180, %dma_start3A_184] : memref<80x128xi32, #tpu.memory_space<vmem>> -> memref<1x128xi32, #tpu.memory_space<vmem>>
    %dma_start3A_186 = tpu.memref_squeeze %dma_start3A_185 : memref<1x128xi32, #tpu.memory_space<vmem>> -> memref<128xi32, #tpu.memory_space<vmem>>
    %dma_start3A_187 = arith.constant 0 : i32
    %dma_start3A_188 = arith.constant 0 : i32
    %dma_start3A_189 = tpu.memref_slice %arg4[%dma_start3A_187, %dma_start3A_188] : memref<10240x16xf32, #tpu.memory_space<hbm>> -> memref<10240x16xf32, #tpu.memory_space<hbm>>
    tpu.enqueue_indirect_dma source(%dma_start3A_189 : memref<10240x16xf32, #tpu.memory_space<hbm>>) target(%dma_start3A_183 : memref<128x16xf32, #tpu.memory_space<vmem>>) offsets(%dma_start3A_186 : memref<128xi32, #tpu.memory_space<vmem>>) semaphore(%arg13 : memref<!tpu.dma_semaphore, #tpu.memory_space<semaphore_mem>>)
    %dma_start3A_190 = arith.constant 15 : i32
    %dma_start3A_191 = arith.constant 896 : i32
    %dma_start3A_192 = arith.constant 0 : i32
    %dma_start3A_193 = tpu.memref_slice %arg9[%dma_start3A_191, %dma_start3A_192] : memref<1024x16xf32, #tpu.memory_space<vmem>> -> memref<128x16xf32, #tpu.memory_space<vmem>>
    %dma_start3A_194 = arith.constant 0 : i32
    %dma_start3A_195 = tpu.memref_slice %arg6[%dma_start3A_190, %dma_start3A_194] : memref<80x128xi32, #tpu.memory_space<vmem>> -> memref<1x128xi32, #tpu.memory_space<vmem>>
    %dma_start3A_196 = tpu.memref_squeeze %dma_start3A_195 : memref<1x128xi32, #tpu.memory_space<vmem>> -> memref<128xi32, #tpu.memory_space<vmem>>
    %dma_start3A_197 = arith.constant 0 : i32
    %dma_start3A_198 = arith.constant 0 : i32
    %dma_start3A_199 = tpu.memref_slice %arg4[%dma_start3A_197, %dma_start3A_198] : memref<10240x16xf32, #tpu.memory_space<hbm>> -> memref<10240x16xf32, #tpu.memory_space<hbm>>
    tpu.enqueue_indirect_dma source(%dma_start3A_199 : memref<10240x16xf32, #tpu.memory_space<hbm>>) target(%dma_start3A_193 : memref<128x16xf32, #tpu.memory_space<vmem>>) offsets(%dma_start3A_196 : memref<128xi32, #tpu.memory_space<vmem>>) semaphore(%arg13 : memref<!tpu.dma_semaphore, #tpu.memory_space<semaphore_mem>>)
    %scan3A = arith.constant 0 : i32
    %scan3A_200 = arith.constant 0 : i32
    %scan3A_201 = arith.constant 4 : i32
    %scan3A_202 = arith.addi %scan3A_200, %scan3A_201 : i32
    %scan3A_203 = arith.constant 1 : i32
    scf.for %scan3A_393 = %scan3A_200 to %scan3A_202 step %scan3A_203  : i32 {
      %mul3A_394 = arith.constant 2 : i32
      %mul3A_395 = arith.muli %mul3A_394, %scan3A_393 : i32
      %mul3A_396 = arith.constant 2 : i32
      %mul3A_397 = arith.muli %mul3A_396, %scan3A_393 : i32
      %add3A_398 = arith.constant 1 : i32
      %add3A_399 = arith.addi %mul3A_397, %add3A_398 : i32
      %dma_wait3A_400 = arith.constant 0 : i32
      %dma_wait3A_401 = arith.constant 0 : i32
      %dma_wait3A_402 = tpu.memref_slice %arg4[%dma_wait3A_400, %dma_wait3A_401] : memref<10240x16xf32, #tpu.memory_space<hbm>> -> memref<1024x16xf32, #tpu.memory_space<hbm>>
      %dma_wait3A_403 = arith.constant 0 : i32
      %dma_wait3A_404 = arith.constant 0 : i32
      %dma_wait3A_405 = tpu.memref_slice %arg4[%dma_wait3A_403, %dma_wait3A_404] : memref<10240x16xf32, #tpu.memory_space<hbm>> -> memref<1024x16xf32, #tpu.memory_space<hbm>>
      tpu.wait_dma2 semaphore(%arg12 : memref<!tpu.dma_semaphore, #tpu.memory_space<semaphore_mem>>) src(%dma_wait3A_405 : memref<1024x16xf32, #tpu.memory_space<hbm>>) dst(%arg8 : memref<1024x16xf32, #tpu.memory_space<vmem>>)
      %mul3A_406 = arith.constant 8 : i32
      %mul3A_407 = arith.muli %mul3A_395, %mul3A_406 : i32
      %add3A_408 = arith.constant 0 : i32
      %add3A_409 = arith.addi %mul3A_407, %add3A_408 : i32
      %dma_start3A_410 = arith.constant 0 : i32
      %dma_start3A_411 = arith.constant 0 : i32
      %dma_start3A_412 = tpu.memref_slice %arg8[%dma_start3A_410, %dma_start3A_411] : memref<1024x16xf32, #tpu.memory_space<vmem>> -> memref<128x16xf32, #tpu.memory_space<vmem>>
      %dma_start3A_413 = arith.constant 0 : i32
      %dma_start3A_414 = tpu.memref_slice %arg7[%add3A_409, %dma_start3A_413] : memref<80x128xi32, #tpu.memory_space<vmem>> -> memref<1x128xi32, #tpu.memory_space<vmem>>
      %dma_start3A_415 = tpu.memref_squeeze %dma_start3A_414 : memref<1x128xi32, #tpu.memory_space<vmem>> -> memref<128xi32, #tpu.memory_space<vmem>>
      %dma_start3A_416 = arith.constant 0 : i32
      %dma_start3A_417 = arith.constant 0 : i32
      %dma_start3A_418 = tpu.memref_slice %arg11[%dma_start3A_416, %dma_start3A_417] : memref<10240x16xf32, #tpu.memory_space<vmem_shared>> -> memref<10240x16xf32, #tpu.memory_space<vmem_shared>>
      tpu.enqueue_indirect_dma source(%dma_start3A_412 : memref<128x16xf32, #tpu.memory_space<vmem>>) target(%dma_start3A_418 : memref<10240x16xf32, #tpu.memory_space<vmem_shared>>) offsets(%dma_start3A_415 : memref<128xi32, #tpu.memory_space<vmem>>) semaphore(%arg14 : memref<!tpu.dma_semaphore, #tpu.memory_space<semaphore_mem>>) {add = true}
      %mul3A_419 = arith.constant 8 : i32
      %mul3A_420 = arith.muli %mul3A_395, %mul3A_419 : i32
      %add3A_421 = arith.constant 1 : i32
      %add3A_422 = arith.addi %mul3A_420, %add3A_421 : i32
      %dma_start3A_423 = arith.constant 128 : i32
      %dma_start3A_424 = arith.constant 0 : i32
      %dma_start3A_425 = tpu.memref_slice %arg8[%dma_start3A_423, %dma_start3A_424] : memref<1024x16xf32, #tpu.memory_space<vmem>> -> memref<128x16xf32, #tpu.memory_space<vmem>>
      %dma_start3A_426 = arith.constant 0 : i32
      %dma_start3A_427 = tpu.memref_slice %arg7[%add3A_422, %dma_start3A_426] : memref<80x128xi32, #tpu.memory_space<vmem>> -> memref<1x128xi32, #tpu.memory_space<vmem>>
      %dma_start3A_428 = tpu.memref_squeeze %dma_start3A_427 : memref<1x128xi32, #tpu.memory_space<vmem>> -> memref<128xi32, #tpu.memory_space<vmem>>
      %dma_start3A_429 = arith.constant 0 : i32
      %dma_start3A_430 = arith.constant 0 : i32
      %dma_start3A_431 = tpu.memref_slice %arg11[%dma_start3A_429, %dma_start3A_430] : memref<10240x16xf32, #tpu.memory_space<vmem_shared>> -> memref<10240x16xf32, #tpu.memory_space<vmem_shared>>
      tpu.enqueue_indirect_dma source(%dma_start3A_425 : memref<128x16xf32, #tpu.memory_space<vmem>>) target(%dma_start3A_431 : memref<10240x16xf32, #tpu.memory_space<vmem_shared>>) offsets(%dma_start3A_428 : memref<128xi32, #tpu.memory_space<vmem>>) semaphore(%arg14 : memref<!tpu.dma_semaphore, #tpu.memory_space<semaphore_mem>>) {add = true}
      %mul3A_432 = arith.constant 8 : i32
      %mul3A_433 = arith.muli %mul3A_395, %mul3A_432 : i32
      %add3A_434 = arith.constant 2 : i32
      %add3A_435 = arith.addi %mul3A_433, %add3A_434 : i32
      %dma_start3A_436 = arith.constant 256 : i32
      %dma_start3A_437 = arith.constant 0 : i32
      %dma_start3A_438 = tpu.memref_slice %arg8[%dma_start3A_436, %dma_start3A_437] : memref<1024x16xf32, #tpu.memory_space<vmem>> -> memref<128x16xf32, #tpu.memory_space<vmem>>
      %dma_start3A_439 = arith.constant 0 : i32
      %dma_start3A_440 = tpu.memref_slice %arg7[%add3A_435, %dma_start3A_439] : memref<80x128xi32, #tpu.memory_space<vmem>> -> memref<1x128xi32, #tpu.memory_space<vmem>>
      %dma_start3A_441 = tpu.memref_squeeze %dma_start3A_440 : memref<1x128xi32, #tpu.memory_space<vmem>> -> memref<128xi32, #tpu.memory_space<vmem>>
      %dma_start3A_442 = arith.constant 0 : i32
      %dma_start3A_443 = arith.constant 0 : i32
      %dma_start3A_444 = tpu.memref_slice %arg11[%dma_start3A_442, %dma_start3A_443] : memref<10240x16xf32, #tpu.memory_space<vmem_shared>> -> memref<10240x16xf32, #tpu.memory_space<vmem_shared>>
      tpu.enqueue_indirect_dma source(%dma_start3A_438 : memref<128x16xf32, #tpu.memory_space<vmem>>) target(%dma_start3A_444 : memref<10240x16xf32, #tpu.memory_space<vmem_shared>>) offsets(%dma_start3A_441 : memref<128xi32, #tpu.memory_space<vmem>>) semaphore(%arg14 : memref<!tpu.dma_semaphore, #tpu.memory_space<semaphore_mem>>) {add = true}
      %mul3A_445 = arith.constant 8 : i32
      %mul3A_446 = arith.muli %mul3A_395, %mul3A_445 : i32
      %add3A_447 = arith.constant 3 : i32
      %add3A_448 = arith.addi %mul3A_446, %add3A_447 : i32
      %dma_start3A_449 = arith.constant 384 : i32
      %dma_start3A_450 = arith.constant 0 : i32
      %dma_start3A_451 = tpu.memref_slice %arg8[%dma_start3A_449, %dma_start3A_450] : memref<1024x16xf32, #tpu.memory_space<vmem>> -> memref<128x16xf32, #tpu.memory_space<vmem>>
      %dma_start3A_452 = arith.constant 0 : i32
      %dma_start3A_453 = tpu.memref_slice %arg7[%add3A_448, %dma_start3A_452] : memref<80x128xi32, #tpu.memory_space<vmem>> -> memref<1x128xi32, #tpu.memory_space<vmem>>
      %dma_start3A_454 = tpu.memref_squeeze %dma_start3A_453 : memref<1x128xi32, #tpu.memory_space<vmem>> -> memref<128xi32, #tpu.memory_space<vmem>>
      %dma_start3A_455 = arith.constant 0 : i32
      %dma_start3A_456 = arith.constant 0 : i32
      %dma_start3A_457 = tpu.memref_slice %arg11[%dma_start3A_455, %dma_start3A_456] : memref<10240x16xf32, #tpu.memory_space<vmem_shared>> -> memref<10240x16xf32, #tpu.memory_space<vmem_shared>>
      tpu.enqueue_indirect_dma source(%dma_start3A_451 : memref<128x16xf32, #tpu.memory_space<vmem>>) target(%dma_start3A_457 : memref<10240x16xf32, #tpu.memory_space<vmem_shared>>) offsets(%dma_start3A_454 : memref<128xi32, #tpu.memory_space<vmem>>) semaphore(%arg14 : memref<!tpu.dma_semaphore, #tpu.memory_space<semaphore_mem>>) {add = true}
      %mul3A_458 = arith.constant 8 : i32
      %mul3A_459 = arith.muli %mul3A_395, %mul3A_458 : i32
      %add3A_460 = arith.constant 4 : i32
      %add3A_461 = arith.addi %mul3A_459, %add3A_460 : i32
      %dma_start3A_462 = arith.constant 512 : i32
      %dma_start3A_463 = arith.constant 0 : i32
      %dma_start3A_464 = tpu.memref_slice %arg8[%dma_start3A_462, %dma_start3A_463] : memref<1024x16xf32, #tpu.memory_space<vmem>> -> memref<128x16xf32, #tpu.memory_space<vmem>>
      %dma_start3A_465 = arith.constant 0 : i32
      %dma_start3A_466 = tpu.memref_slice %arg7[%add3A_461, %dma_start3A_465] : memref<80x128xi32, #tpu.memory_space<vmem>> -> memref<1x128xi32, #tpu.memory_space<vmem>>
      %dma_start3A_467 = tpu.memref_squeeze %dma_start3A_466 : memref<1x128xi32, #tpu.memory_space<vmem>> -> memref<128xi32, #tpu.memory_space<vmem>>
      %dma_start3A_468 = arith.constant 0 : i32
      %dma_start3A_469 = arith.constant 0 : i32
      %dma_start3A_470 = tpu.memref_slice %arg11[%dma_start3A_468, %dma_start3A_469] : memref<10240x16xf32, #tpu.memory_space<vmem_shared>> -> memref<10240x16xf32, #tpu.memory_space<vmem_shared>>
      tpu.enqueue_indirect_dma source(%dma_start3A_464 : memref<128x16xf32, #tpu.memory_space<vmem>>) target(%dma_start3A_470 : memref<10240x16xf32, #tpu.memory_space<vmem_shared>>) offsets(%dma_start3A_467 : memref<128xi32, #tpu.memory_space<vmem>>) semaphore(%arg14 : memref<!tpu.dma_semaphore, #tpu.memory_space<semaphore_mem>>) {add = true}
      %mul3A_471 = arith.constant 8 : i32
      %mul3A_472 = arith.muli %mul3A_395, %mul3A_471 : i32
      %add3A_473 = arith.constant 5 : i32
      %add3A_474 = arith.addi %mul3A_472, %add3A_473 : i32
      %dma_start3A_475 = arith.constant 640 : i32
      %dma_start3A_476 = arith.constant 0 : i32
      %dma_start3A_477 = tpu.memref_slice %arg8[%dma_start3A_475, %dma_start3A_476] : memref<1024x16xf32, #tpu.memory_space<vmem>> -> memref<128x16xf32, #tpu.memory_space<vmem>>
      %dma_start3A_478 = arith.constant 0 : i32
      %dma_start3A_479 = tpu.memref_slice %arg7[%add3A_474, %dma_start3A_478] : memref<80x128xi32, #tpu.memory_space<vmem>> -> memref<1x128xi32, #tpu.memory_space<vmem>>
      %dma_start3A_480 = tpu.memref_squeeze %dma_start3A_479 : memref<1x128xi32, #tpu.memory_space<vmem>> -> memref<128xi32, #tpu.memory_space<vmem>>
      %dma_start3A_481 = arith.constant 0 : i32
      %dma_start3A_482 = arith.constant 0 : i32
      %dma_start3A_483 = tpu.memref_slice %arg11[%dma_start3A_481, %dma_start3A_482] : memref<10240x16xf32, #tpu.memory_space<vmem_shared>> -> memref<10240x16xf32, #tpu.memory_space<vmem_shared>>
      tpu.enqueue_indirect_dma source(%dma_start3A_477 : memref<128x16xf32, #tpu.memory_space<vmem>>) target(%dma_start3A_483 : memref<10240x16xf32, #tpu.memory_space<vmem_shared>>) offsets(%dma_start3A_480 : memref<128xi32, #tpu.memory_space<vmem>>) semaphore(%arg14 : memref<!tpu.dma_semaphore, #tpu.memory_space<semaphore_mem>>) {add = true}
      %mul3A_484 = arith.constant 8 : i32
      %mul3A_485 = arith.muli %mul3A_395, %mul3A_484 : i32
      %add3A_486 = arith.constant 6 : i32
      %add3A_487 = arith.addi %mul3A_485, %add3A_486 : i32
      %dma_start3A_488 = arith.constant 768 : i32
      %dma_start3A_489 = arith.constant 0 : i32
      %dma_start3A_490 = tpu.memref_slice %arg8[%dma_start3A_488, %dma_start3A_489] : memref<1024x16xf32, #tpu.memory_space<vmem>> -> memref<128x16xf32, #tpu.memory_space<vmem>>
      %dma_start3A_491 = arith.constant 0 : i32
      %dma_start3A_492 = tpu.memref_slice %arg7[%add3A_487, %dma_start3A_491] : memref<80x128xi32, #tpu.memory_space<vmem>> -> memref<1x128xi32, #tpu.memory_space<vmem>>
      %dma_start3A_493 = tpu.memref_squeeze %dma_start3A_492 : memref<1x128xi32, #tpu.memory_space<vmem>> -> memref<128xi32, #tpu.memory_space<vmem>>
      %dma_start3A_494 = arith.constant 0 : i32
      %dma_start3A_495 = arith.constant 0 : i32
      %dma_start3A_496 = tpu.memref_slice %arg11[%dma_start3A_494, %dma_start3A_495] : memref<10240x16xf32, #tpu.memory_space<vmem_shared>> -> memref<10240x16xf32, #tpu.memory_space<vmem_shared>>
      tpu.enqueue_indirect_dma source(%dma_start3A_490 : memref<128x16xf32, #tpu.memory_space<vmem>>) target(%dma_start3A_496 : memref<10240x16xf32, #tpu.memory_space<vmem_shared>>) offsets(%dma_start3A_493 : memref<128xi32, #tpu.memory_space<vmem>>) semaphore(%arg14 : memref<!tpu.dma_semaphore, #tpu.memory_space<semaphore_mem>>) {add = true}
      %mul3A_497 = arith.constant 8 : i32
      %mul3A_498 = arith.muli %mul3A_395, %mul3A_497 : i32
      %add3A_499 = arith.constant 7 : i32
      %add3A_500 = arith.addi %mul3A_498, %add3A_499 : i32
      %dma_start3A_501 = arith.constant 896 : i32
      %dma_start3A_502 = arith.constant 0 : i32
      %dma_start3A_503 = tpu.memref_slice %arg8[%dma_start3A_501, %dma_start3A_502] : memref<1024x16xf32, #tpu.memory_space<vmem>> -> memref<128x16xf32, #tpu.memory_space<vmem>>
      %dma_start3A_504 = arith.constant 0 : i32
      %dma_start3A_505 = tpu.memref_slice %arg7[%add3A_500, %dma_start3A_504] : memref<80x128xi32, #tpu.memory_space<vmem>> -> memref<1x128xi32, #tpu.memory_space<vmem>>
      %dma_start3A_506 = tpu.memref_squeeze %dma_start3A_505 : memref<1x128xi32, #tpu.memory_space<vmem>> -> memref<128xi32, #tpu.memory_space<vmem>>
      %dma_start3A_507 = arith.constant 0 : i32
      %dma_start3A_508 = arith.constant 0 : i32
      %dma_start3A_509 = tpu.memref_slice %arg11[%dma_start3A_507, %dma_start3A_508] : memref<10240x16xf32, #tpu.memory_space<vmem_shared>> -> memref<10240x16xf32, #tpu.memory_space<vmem_shared>>
      tpu.enqueue_indirect_dma source(%dma_start3A_503 : memref<128x16xf32, #tpu.memory_space<vmem>>) target(%dma_start3A_509 : memref<10240x16xf32, #tpu.memory_space<vmem_shared>>) offsets(%dma_start3A_506 : memref<128xi32, #tpu.memory_space<vmem>>) semaphore(%arg14 : memref<!tpu.dma_semaphore, #tpu.memory_space<semaphore_mem>>) {add = true}
      %dma_wait3A_510 = arith.constant 0 : i32
      %dma_wait3A_511 = arith.constant 0 : i32
      %dma_wait3A_512 = tpu.memref_slice %arg4[%dma_wait3A_510, %dma_wait3A_511] : memref<10240x16xf32, #tpu.memory_space<hbm>> -> memref<1024x16xf32, #tpu.memory_space<hbm>>
      %dma_wait3A_513 = arith.constant 0 : i32
      %dma_wait3A_514 = arith.constant 0 : i32
      %dma_wait3A_515 = tpu.memref_slice %arg4[%dma_wait3A_513, %dma_wait3A_514] : memref<10240x16xf32, #tpu.memory_space<hbm>> -> memref<1024x16xf32, #tpu.memory_space<hbm>>
      tpu.wait_dma2 semaphore(%arg13 : memref<!tpu.dma_semaphore, #tpu.memory_space<semaphore_mem>>) src(%dma_wait3A_515 : memref<1024x16xf32, #tpu.memory_space<hbm>>) dst(%arg9 : memref<1024x16xf32, #tpu.memory_space<vmem>>)
      %mul3A_516 = arith.constant 8 : i32
      %mul3A_517 = arith.muli %add3A_399, %mul3A_516 : i32
      %add3A_518 = arith.constant 0 : i32
      %add3A_519 = arith.addi %mul3A_517, %add3A_518 : i32
      %dma_start3A_520 = arith.constant 0 : i32
      %dma_start3A_521 = arith.constant 0 : i32
      %dma_start3A_522 = tpu.memref_slice %arg9[%dma_start3A_520, %dma_start3A_521] : memref<1024x16xf32, #tpu.memory_space<vmem>> -> memref<128x16xf32, #tpu.memory_space<vmem>>
      %dma_start3A_523 = arith.constant 0 : i32
      %dma_start3A_524 = tpu.memref_slice %arg7[%add3A_519, %dma_start3A_523] : memref<80x128xi32, #tpu.memory_space<vmem>> -> memref<1x128xi32, #tpu.memory_space<vmem>>
      %dma_start3A_525 = tpu.memref_squeeze %dma_start3A_524 : memref<1x128xi32, #tpu.memory_space<vmem>> -> memref<128xi32, #tpu.memory_space<vmem>>
      %dma_start3A_526 = arith.constant 0 : i32
      %dma_start3A_527 = arith.constant 0 : i32
      %dma_start3A_528 = tpu.memref_slice %arg11[%dma_start3A_526, %dma_start3A_527] : memref<10240x16xf32, #tpu.memory_space<vmem_shared>> -> memref<10240x16xf32, #tpu.memory_space<vmem_shared>>
      tpu.enqueue_indirect_dma source(%dma_start3A_522 : memref<128x16xf32, #tpu.memory_space<vmem>>) target(%dma_start3A_528 : memref<10240x16xf32, #tpu.memory_space<vmem_shared>>) offsets(%dma_start3A_525 : memref<128xi32, #tpu.memory_space<vmem>>) semaphore(%arg15 : memref<!tpu.dma_semaphore, #tpu.memory_space<semaphore_mem>>) {add = true}
      %mul3A_529 = arith.constant 8 : i32
      %mul3A_530 = arith.muli %add3A_399, %mul3A_529 : i32
      %add3A_531 = arith.constant 1 : i32
      %add3A_532 = arith.addi %mul3A_530, %add3A_531 : i32
      %dma_start3A_533 = arith.constant 128 : i32
      %dma_start3A_534 = arith.constant 0 : i32
      %dma_start3A_535 = tpu.memref_slice %arg9[%dma_start3A_533, %dma_start3A_534] : memref<1024x16xf32, #tpu.memory_space<vmem>> -> memref<128x16xf32, #tpu.memory_space<vmem>>
      %dma_start3A_536 = arith.constant 0 : i32
      %dma_start3A_537 = tpu.memref_slice %arg7[%add3A_532, %dma_start3A_536] : memref<80x128xi32, #tpu.memory_space<vmem>> -> memref<1x128xi32, #tpu.memory_space<vmem>>
      %dma_start3A_538 = tpu.memref_squeeze %dma_start3A_537 : memref<1x128xi32, #tpu.memory_space<vmem>> -> memref<128xi32, #tpu.memory_space<vmem>>
      %dma_start3A_539 = arith.constant 0 : i32
      %dma_start3A_540 = arith.constant 0 : i32
      %dma_start3A_541 = tpu.memref_slice %arg11[%dma_start3A_539, %dma_start3A_540] : memref<10240x16xf32, #tpu.memory_space<vmem_shared>> -> memref<10240x16xf32, #tpu.memory_space<vmem_shared>>
      tpu.enqueue_indirect_dma source(%dma_start3A_535 : memref<128x16xf32, #tpu.memory_space<vmem>>) target(%dma_start3A_541 : memref<10240x16xf32, #tpu.memory_space<vmem_shared>>) offsets(%dma_start3A_538 : memref<128xi32, #tpu.memory_space<vmem>>) semaphore(%arg15 : memref<!tpu.dma_semaphore, #tpu.memory_space<semaphore_mem>>) {add = true}
      %mul3A_542 = arith.constant 8 : i32
      %mul3A_543 = arith.muli %add3A_399, %mul3A_542 : i32
      %add3A_544 = arith.constant 2 : i32
      %add3A_545 = arith.addi %mul3A_543, %add3A_544 : i32
      %dma_start3A_546 = arith.constant 256 : i32
      %dma_start3A_547 = arith.constant 0 : i32
      %dma_start3A_548 = tpu.memref_slice %arg9[%dma_start3A_546, %dma_start3A_547] : memref<1024x16xf32, #tpu.memory_space<vmem>> -> memref<128x16xf32, #tpu.memory_space<vmem>>
      %dma_start3A_549 = arith.constant 0 : i32
      %dma_start3A_550 = tpu.memref_slice %arg7[%add3A_545, %dma_start3A_549] : memref<80x128xi32, #tpu.memory_space<vmem>> -> memref<1x128xi32, #tpu.memory_space<vmem>>
      %dma_start3A_551 = tpu.memref_squeeze %dma_start3A_550 : memref<1x128xi32, #tpu.memory_space<vmem>> -> memref<128xi32, #tpu.memory_space<vmem>>
      %dma_start3A_552 = arith.constant 0 : i32
      %dma_start3A_553 = arith.constant 0 : i32
      %dma_start3A_554 = tpu.memref_slice %arg11[%dma_start3A_552, %dma_start3A_553] : memref<10240x16xf32, #tpu.memory_space<vmem_shared>> -> memref<10240x16xf32, #tpu.memory_space<vmem_shared>>
      tpu.enqueue_indirect_dma source(%dma_start3A_548 : memref<128x16xf32, #tpu.memory_space<vmem>>) target(%dma_start3A_554 : memref<10240x16xf32, #tpu.memory_space<vmem_shared>>) offsets(%dma_start3A_551 : memref<128xi32, #tpu.memory_space<vmem>>) semaphore(%arg15 : memref<!tpu.dma_semaphore, #tpu.memory_space<semaphore_mem>>) {add = true}
      %mul3A_555 = arith.constant 8 : i32
      %mul3A_556 = arith.muli %add3A_399, %mul3A_555 : i32
      %add3A_557 = arith.constant 3 : i32
      %add3A_558 = arith.addi %mul3A_556, %add3A_557 : i32
      %dma_start3A_559 = arith.constant 384 : i32
      %dma_start3A_560 = arith.constant 0 : i32
      %dma_start3A_561 = tpu.memref_slice %arg9[%dma_start3A_559, %dma_start3A_560] : memref<1024x16xf32, #tpu.memory_space<vmem>> -> memref<128x16xf32, #tpu.memory_space<vmem>>
      %dma_start3A_562 = arith.constant 0 : i32
      %dma_start3A_563 = tpu.memref_slice %arg7[%add3A_558, %dma_start3A_562] : memref<80x128xi32, #tpu.memory_space<vmem>> -> memref<1x128xi32, #tpu.memory_space<vmem>>
      %dma_start3A_564 = tpu.memref_squeeze %dma_start3A_563 : memref<1x128xi32, #tpu.memory_space<vmem>> -> memref<128xi32, #tpu.memory_space<vmem>>
      %dma_start3A_565 = arith.constant 0 : i32
      %dma_start3A_566 = arith.constant 0 : i32
      %dma_start3A_567 = tpu.memref_slice %arg11[%dma_start3A_565, %dma_start3A_566] : memref<10240x16xf32, #tpu.memory_space<vmem_shared>> -> memref<10240x16xf32, #tpu.memory_space<vmem_shared>>
      tpu.enqueue_indirect_dma source(%dma_start3A_561 : memref<128x16xf32, #tpu.memory_space<vmem>>) target(%dma_start3A_567 : memref<10240x16xf32, #tpu.memory_space<vmem_shared>>) offsets(%dma_start3A_564 : memref<128xi32, #tpu.memory_space<vmem>>) semaphore(%arg15 : memref<!tpu.dma_semaphore, #tpu.memory_space<semaphore_mem>>) {add = true}
      %mul3A_568 = arith.constant 8 : i32
      %mul3A_569 = arith.muli %add3A_399, %mul3A_568 : i32
      %add3A_570 = arith.constant 4 : i32
      %add3A_571 = arith.addi %mul3A_569, %add3A_570 : i32
      %dma_start3A_572 = arith.constant 512 : i32
      %dma_start3A_573 = arith.constant 0 : i32
      %dma_start3A_574 = tpu.memref_slice %arg9[%dma_start3A_572, %dma_start3A_573] : memref<1024x16xf32, #tpu.memory_space<vmem>> -> memref<128x16xf32, #tpu.memory_space<vmem>>
      %dma_start3A_575 = arith.constant 0 : i32
      %dma_start3A_576 = tpu.memref_slice %arg7[%add3A_571, %dma_start3A_575] : memref<80x128xi32, #tpu.memory_space<vmem>> -> memref<1x128xi32, #tpu.memory_space<vmem>>
      %dma_start3A_577 = tpu.memref_squeeze %dma_start3A_576 : memref<1x128xi32, #tpu.memory_space<vmem>> -> memref<128xi32, #tpu.memory_space<vmem>>
      %dma_start3A_578 = arith.constant 0 : i32
      %dma_start3A_579 = arith.constant 0 : i32
      %dma_start3A_580 = tpu.memref_slice %arg11[%dma_start3A_578, %dma_start3A_579] : memref<10240x16xf32, #tpu.memory_space<vmem_shared>> -> memref<10240x16xf32, #tpu.memory_space<vmem_shared>>
      tpu.enqueue_indirect_dma source(%dma_start3A_574 : memref<128x16xf32, #tpu.memory_space<vmem>>) target(%dma_start3A_580 : memref<10240x16xf32, #tpu.memory_space<vmem_shared>>) offsets(%dma_start3A_577 : memref<128xi32, #tpu.memory_space<vmem>>) semaphore(%arg15 : memref<!tpu.dma_semaphore, #tpu.memory_space<semaphore_mem>>) {add = true}
      %mul3A_581 = arith.constant 8 : i32
      %mul3A_582 = arith.muli %add3A_399, %mul3A_581 : i32
      %add3A_583 = arith.constant 5 : i32
      %add3A_584 = arith.addi %mul3A_582, %add3A_583 : i32
      %dma_start3A_585 = arith.constant 640 : i32
      %dma_start3A_586 = arith.constant 0 : i32
      %dma_start3A_587 = tpu.memref_slice %arg9[%dma_start3A_585, %dma_start3A_586] : memref<1024x16xf32, #tpu.memory_space<vmem>> -> memref<128x16xf32, #tpu.memory_space<vmem>>
      %dma_start3A_588 = arith.constant 0 : i32
      %dma_start3A_589 = tpu.memref_slice %arg7[%add3A_584, %dma_start3A_588] : memref<80x128xi32, #tpu.memory_space<vmem>> -> memref<1x128xi32, #tpu.memory_space<vmem>>
      %dma_start3A_590 = tpu.memref_squeeze %dma_start3A_589 : memref<1x128xi32, #tpu.memory_space<vmem>> -> memref<128xi32, #tpu.memory_space<vmem>>
      %dma_start3A_591 = arith.constant 0 : i32
      %dma_start3A_592 = arith.constant 0 : i32
      %dma_start3A_593 = tpu.memref_slice %arg11[%dma_start3A_591, %dma_start3A_592] : memref<10240x16xf32, #tpu.memory_space<vmem_shared>> -> memref<10240x16xf32, #tpu.memory_space<vmem_shared>>
      tpu.enqueue_indirect_dma source(%dma_start3A_587 : memref<128x16xf32, #tpu.memory_space<vmem>>) target(%dma_start3A_593 : memref<10240x16xf32, #tpu.memory_space<vmem_shared>>) offsets(%dma_start3A_590 : memref<128xi32, #tpu.memory_space<vmem>>) semaphore(%arg15 : memref<!tpu.dma_semaphore, #tpu.memory_space<semaphore_mem>>) {add = true}
      %mul3A_594 = arith.constant 8 : i32
      %mul3A_595 = arith.muli %add3A_399, %mul3A_594 : i32
      %add3A_596 = arith.constant 6 : i32
      %add3A_597 = arith.addi %mul3A_595, %add3A_596 : i32
      %dma_start3A_598 = arith.constant 768 : i32
      %dma_start3A_599 = arith.constant 0 : i32
      %dma_start3A_600 = tpu.memref_slice %arg9[%dma_start3A_598, %dma_start3A_599] : memref<1024x16xf32, #tpu.memory_space<vmem>> -> memref<128x16xf32, #tpu.memory_space<vmem>>
      %dma_start3A_601 = arith.constant 0 : i32
      %dma_start3A_602 = tpu.memref_slice %arg7[%add3A_597, %dma_start3A_601] : memref<80x128xi32, #tpu.memory_space<vmem>> -> memref<1x128xi32, #tpu.memory_space<vmem>>
      %dma_start3A_603 = tpu.memref_squeeze %dma_start3A_602 : memref<1x128xi32, #tpu.memory_space<vmem>> -> memref<128xi32, #tpu.memory_space<vmem>>
      %dma_start3A_604 = arith.constant 0 : i32
      %dma_start3A_605 = arith.constant 0 : i32
      %dma_start3A_606 = tpu.memref_slice %arg11[%dma_start3A_604, %dma_start3A_605] : memref<10240x16xf32, #tpu.memory_space<vmem_shared>> -> memref<10240x16xf32, #tpu.memory_space<vmem_shared>>
      tpu.enqueue_indirect_dma source(%dma_start3A_600 : memref<128x16xf32, #tpu.memory_space<vmem>>) target(%dma_start3A_606 : memref<10240x16xf32, #tpu.memory_space<vmem_shared>>) offsets(%dma_start3A_603 : memref<128xi32, #tpu.memory_space<vmem>>) semaphore(%arg15 : memref<!tpu.dma_semaphore, #tpu.memory_space<semaphore_mem>>) {add = true}
      %mul3A_607 = arith.constant 8 : i32
      %mul3A_608 = arith.muli %add3A_399, %mul3A_607 : i32
      %add3A_609 = arith.constant 7 : i32
      %add3A_610 = arith.addi %mul3A_608, %add3A_609 : i32
      %dma_start3A_611 = arith.constant 896 : i32
      %dma_start3A_612 = arith.constant 0 : i32
      %dma_start3A_613 = tpu.memref_slice %arg9[%dma_start3A_611, %dma_start3A_612] : memref<1024x16xf32, #tpu.memory_space<vmem>> -> memref<128x16xf32, #tpu.memory_space<vmem>>
      %dma_start3A_614 = arith.constant 0 : i32
      %dma_start3A_615 = tpu.memref_slice %arg7[%add3A_610, %dma_start3A_614] : memref<80x128xi32, #tpu.memory_space<vmem>> -> memref<1x128xi32, #tpu.memory_space<vmem>>
      %dma_start3A_616 = tpu.memref_squeeze %dma_start3A_615 : memref<1x128xi32, #tpu.memory_space<vmem>> -> memref<128xi32, #tpu.memory_space<vmem>>
      %dma_start3A_617 = arith.constant 0 : i32
      %dma_start3A_618 = arith.constant 0 : i32
      %dma_start3A_619 = tpu.memref_slice %arg11[%dma_start3A_617, %dma_start3A_618] : memref<10240x16xf32, #tpu.memory_space<vmem_shared>> -> memref<10240x16xf32, #tpu.memory_space<vmem_shared>>
      tpu.enqueue_indirect_dma source(%dma_start3A_613 : memref<128x16xf32, #tpu.memory_space<vmem>>) target(%dma_start3A_619 : memref<10240x16xf32, #tpu.memory_space<vmem_shared>>) offsets(%dma_start3A_616 : memref<128xi32, #tpu.memory_space<vmem>>) semaphore(%arg15 : memref<!tpu.dma_semaphore, #tpu.memory_space<semaphore_mem>>) {add = true}
      %dma_wait3A_620 = arith.constant 0 : i32
      %dma_wait3A_621 = arith.constant 0 : i32
      %dma_wait3A_622 = tpu.memref_slice %arg11[%dma_wait3A_620, %dma_wait3A_621] : memref<10240x16xf32, #tpu.memory_space<vmem_shared>> -> memref<1024x16xf32, #tpu.memory_space<vmem_shared>>
      %dma_wait3A_623 = arith.constant 0 : i32
      %dma_wait3A_624 = arith.constant 0 : i32
      %dma_wait3A_625 = tpu.memref_slice %arg11[%dma_wait3A_623, %dma_wait3A_624] : memref<10240x16xf32, #tpu.memory_space<vmem_shared>> -> memref<1024x16xf32, #tpu.memory_space<vmem_shared>>
      tpu.wait_dma2 semaphore(%arg14 : memref<!tpu.dma_semaphore, #tpu.memory_space<semaphore_mem>>) src(%arg8 : memref<1024x16xf32, #tpu.memory_space<vmem>>) dst(%dma_wait3A_625 : memref<1024x16xf32, #tpu.memory_space<vmem_shared>>)
      %add3A_626 = arith.constant 2 : i32
      %add3A_627 = arith.addi %mul3A_395, %add3A_626 : i32
      %mul3A_628 = arith.constant 8 : i32
      %mul3A_629 = arith.muli %add3A_627, %mul3A_628 : i32
      %add3A_630 = arith.constant 0 : i32
      %add3A_631 = arith.addi %mul3A_629, %add3A_630 : i32
      %dma_start3A_632 = arith.constant 0 : i32
      %dma_start3A_633 = arith.constant 0 : i32
      %dma_start3A_634 = tpu.memref_slice %arg8[%dma_start3A_632, %dma_start3A_633] : memref<1024x16xf32, #tpu.memory_space<vmem>> -> memref<128x16xf32, #tpu.memory_space<vmem>>
      %dma_start3A_635 = arith.constant 0 : i32
      %dma_start3A_636 = tpu.memref_slice %arg6[%add3A_631, %dma_start3A_635] : memref<80x128xi32, #tpu.memory_space<vmem>> -> memref<1x128xi32, #tpu.memory_space<vmem>>
      %dma_start3A_637 = tpu.memref_squeeze %dma_start3A_636 : memref<1x128xi32, #tpu.memory_space<vmem>> -> memref<128xi32, #tpu.memory_space<vmem>>
      %dma_start3A_638 = arith.constant 0 : i32
      %dma_start3A_639 = arith.constant 0 : i32
      %dma_start3A_640 = tpu.memref_slice %arg4[%dma_start3A_638, %dma_start3A_639] : memref<10240x16xf32, #tpu.memory_space<hbm>> -> memref<10240x16xf32, #tpu.memory_space<hbm>>
      tpu.enqueue_indirect_dma source(%dma_start3A_640 : memref<10240x16xf32, #tpu.memory_space<hbm>>) target(%dma_start3A_634 : memref<128x16xf32, #tpu.memory_space<vmem>>) offsets(%dma_start3A_637 : memref<128xi32, #tpu.memory_space<vmem>>) semaphore(%arg12 : memref<!tpu.dma_semaphore, #tpu.memory_space<semaphore_mem>>)
      %mul3A_641 = arith.constant 8 : i32
      %mul3A_642 = arith.muli %add3A_627, %mul3A_641 : i32
      %add3A_643 = arith.constant 1 : i32
      %add3A_644 = arith.addi %mul3A_642, %add3A_643 : i32
      %dma_start3A_645 = arith.constant 128 : i32
      %dma_start3A_646 = arith.constant 0 : i32
      %dma_start3A_647 = tpu.memref_slice %arg8[%dma_start3A_645, %dma_start3A_646] : memref<1024x16xf32, #tpu.memory_space<vmem>> -> memref<128x16xf32, #tpu.memory_space<vmem>>
      %dma_start3A_648 = arith.constant 0 : i32
      %dma_start3A_649 = tpu.memref_slice %arg6[%add3A_644, %dma_start3A_648] : memref<80x128xi32, #tpu.memory_space<vmem>> -> memref<1x128xi32, #tpu.memory_space<vmem>>
      %dma_start3A_650 = tpu.memref_squeeze %dma_start3A_649 : memref<1x128xi32, #tpu.memory_space<vmem>> -> memref<128xi32, #tpu.memory_space<vmem>>
      %dma_start3A_651 = arith.constant 0 : i32
      %dma_start3A_652 = arith.constant 0 : i32
      %dma_start3A_653 = tpu.memref_slice %arg4[%dma_start3A_651, %dma_start3A_652] : memref<10240x16xf32, #tpu.memory_space<hbm>> -> memref<10240x16xf32, #tpu.memory_space<hbm>>
      tpu.enqueue_indirect_dma source(%dma_start3A_653 : memref<10240x16xf32, #tpu.memory_space<hbm>>) target(%dma_start3A_647 : memref<128x16xf32, #tpu.memory_space<vmem>>) offsets(%dma_start3A_650 : memref<128xi32, #tpu.memory_space<vmem>>) semaphore(%arg12 : memref<!tpu.dma_semaphore, #tpu.memory_space<semaphore_mem>>)
      %mul3A_654 = arith.constant 8 : i32
      %mul3A_655 = arith.muli %add3A_627, %mul3A_654 : i32
      %add3A_656 = arith.constant 2 : i32
      %add3A_657 = arith.addi %mul3A_655, %add3A_656 : i32
      %dma_start3A_658 = arith.constant 256 : i32
      %dma_start3A_659 = arith.constant 0 : i32
      %dma_start3A_660 = tpu.memref_slice %arg8[%dma_start3A_658, %dma_start3A_659] : memref<1024x16xf32, #tpu.memory_space<vmem>> -> memref<128x16xf32, #tpu.memory_space<vmem>>
      %dma_start3A_661 = arith.constant 0 : i32
      %dma_start3A_662 = tpu.memref_slice %arg6[%add3A_657, %dma_start3A_661] : memref<80x128xi32, #tpu.memory_space<vmem>> -> memref<1x128xi32, #tpu.memory_space<vmem>>
      %dma_start3A_663 = tpu.memref_squeeze %dma_start3A_662 : memref<1x128xi32, #tpu.memory_space<vmem>> -> memref<128xi32, #tpu.memory_space<vmem>>
      %dma_start3A_664 = arith.constant 0 : i32
      %dma_start3A_665 = arith.constant 0 : i32
      %dma_start3A_666 = tpu.memref_slice %arg4[%dma_start3A_664, %dma_start3A_665] : memref<10240x16xf32, #tpu.memory_space<hbm>> -> memref<10240x16xf32, #tpu.memory_space<hbm>>
      tpu.enqueue_indirect_dma source(%dma_start3A_666 : memref<10240x16xf32, #tpu.memory_space<hbm>>) target(%dma_start3A_660 : memref<128x16xf32, #tpu.memory_space<vmem>>) offsets(%dma_start3A_663 : memref<128xi32, #tpu.memory_space<vmem>>) semaphore(%arg12 : memref<!tpu.dma_semaphore, #tpu.memory_space<semaphore_mem>>)
      %mul3A_667 = arith.constant 8 : i32
      %mul3A_668 = arith.muli %add3A_627, %mul3A_667 : i32
      %add3A_669 = arith.constant 3 : i32
      %add3A_670 = arith.addi %mul3A_668, %add3A_669 : i32
      %dma_start3A_671 = arith.constant 384 : i32
      %dma_start3A_672 = arith.constant 0 : i32
      %dma_start3A_673 = tpu.memref_slice %arg8[%dma_start3A_671, %dma_start3A_672] : memref<1024x16xf32, #tpu.memory_space<vmem>> -> memref<128x16xf32, #tpu.memory_space<vmem>>
      %dma_start3A_674 = arith.constant 0 : i32
      %dma_start3A_675 = tpu.memref_slice %arg6[%add3A_670, %dma_start3A_674] : memref<80x128xi32, #tpu.memory_space<vmem>> -> memref<1x128xi32, #tpu.memory_space<vmem>>
      %dma_start3A_676 = tpu.memref_squeeze %dma_start3A_675 : memref<1x128xi32, #tpu.memory_space<vmem>> -> memref<128xi32, #tpu.memory_space<vmem>>
      %dma_start3A_677 = arith.constant 0 : i32
      %dma_start3A_678 = arith.constant 0 : i32
      %dma_start3A_679 = tpu.memref_slice %arg4[%dma_start3A_677, %dma_start3A_678] : memref<10240x16xf32, #tpu.memory_space<hbm>> -> memref<10240x16xf32, #tpu.memory_space<hbm>>
      tpu.enqueue_indirect_dma source(%dma_start3A_679 : memref<10240x16xf32, #tpu.memory_space<hbm>>) target(%dma_start3A_673 : memref<128x16xf32, #tpu.memory_space<vmem>>) offsets(%dma_start3A_676 : memref<128xi32, #tpu.memory_space<vmem>>) semaphore(%arg12 : memref<!tpu.dma_semaphore, #tpu.memory_space<semaphore_mem>>)
      %mul3A_680 = arith.constant 8 : i32
      %mul3A_681 = arith.muli %add3A_627, %mul3A_680 : i32
      %add3A_682 = arith.constant 4 : i32
      %add3A_683 = arith.addi %mul3A_681, %add3A_682 : i32
      %dma_start3A_684 = arith.constant 512 : i32
      %dma_start3A_685 = arith.constant 0 : i32
      %dma_start3A_686 = tpu.memref_slice %arg8[%dma_start3A_684, %dma_start3A_685] : memref<1024x16xf32, #tpu.memory_space<vmem>> -> memref<128x16xf32, #tpu.memory_space<vmem>>
      %dma_start3A_687 = arith.constant 0 : i32
      %dma_start3A_688 = tpu.memref_slice %arg6[%add3A_683, %dma_start3A_687] : memref<80x128xi32, #tpu.memory_space<vmem>> -> memref<1x128xi32, #tpu.memory_space<vmem>>
      %dma_start3A_689 = tpu.memref_squeeze %dma_start3A_688 : memref<1x128xi32, #tpu.memory_space<vmem>> -> memref<128xi32, #tpu.memory_space<vmem>>
      %dma_start3A_690 = arith.constant 0 : i32
      %dma_start3A_691 = arith.constant 0 : i32
      %dma_start3A_692 = tpu.memref_slice %arg4[%dma_start3A_690, %dma_start3A_691] : memref<10240x16xf32, #tpu.memory_space<hbm>> -> memref<10240x16xf32, #tpu.memory_space<hbm>>
      tpu.enqueue_indirect_dma source(%dma_start3A_692 : memref<10240x16xf32, #tpu.memory_space<hbm>>) target(%dma_start3A_686 : memref<128x16xf32, #tpu.memory_space<vmem>>) offsets(%dma_start3A_689 : memref<128xi32, #tpu.memory_space<vmem>>) semaphore(%arg12 : memref<!tpu.dma_semaphore, #tpu.memory_space<semaphore_mem>>)
      %mul3A_693 = arith.constant 8 : i32
      %mul3A_694 = arith.muli %add3A_627, %mul3A_693 : i32
      %add3A_695 = arith.constant 5 : i32
      %add3A_696 = arith.addi %mul3A_694, %add3A_695 : i32
      %dma_start3A_697 = arith.constant 640 : i32
      %dma_start3A_698 = arith.constant 0 : i32
      %dma_start3A_699 = tpu.memref_slice %arg8[%dma_start3A_697, %dma_start3A_698] : memref<1024x16xf32, #tpu.memory_space<vmem>> -> memref<128x16xf32, #tpu.memory_space<vmem>>
      %dma_start3A_700 = arith.constant 0 : i32
      %dma_start3A_701 = tpu.memref_slice %arg6[%add3A_696, %dma_start3A_700] : memref<80x128xi32, #tpu.memory_space<vmem>> -> memref<1x128xi32, #tpu.memory_space<vmem>>
      %dma_start3A_702 = tpu.memref_squeeze %dma_start3A_701 : memref<1x128xi32, #tpu.memory_space<vmem>> -> memref<128xi32, #tpu.memory_space<vmem>>
      %dma_start3A_703 = arith.constant 0 : i32
      %dma_start3A_704 = arith.constant 0 : i32
      %dma_start3A_705 = tpu.memref_slice %arg4[%dma_start3A_703, %dma_start3A_704] : memref<10240x16xf32, #tpu.memory_space<hbm>> -> memref<10240x16xf32, #tpu.memory_space<hbm>>
      tpu.enqueue_indirect_dma source(%dma_start3A_705 : memref<10240x16xf32, #tpu.memory_space<hbm>>) target(%dma_start3A_699 : memref<128x16xf32, #tpu.memory_space<vmem>>) offsets(%dma_start3A_702 : memref<128xi32, #tpu.memory_space<vmem>>) semaphore(%arg12 : memref<!tpu.dma_semaphore, #tpu.memory_space<semaphore_mem>>)
      %mul3A_706 = arith.constant 8 : i32
      %mul3A_707 = arith.muli %add3A_627, %mul3A_706 : i32
      %add3A_708 = arith.constant 6 : i32
      %add3A_709 = arith.addi %mul3A_707, %add3A_708 : i32
      %dma_start3A_710 = arith.constant 768 : i32
      %dma_start3A_711 = arith.constant 0 : i32
      %dma_start3A_712 = tpu.memref_slice %arg8[%dma_start3A_710, %dma_start3A_711] : memref<1024x16xf32, #tpu.memory_space<vmem>> -> memref<128x16xf32, #tpu.memory_space<vmem>>
      %dma_start3A_713 = arith.constant 0 : i32
      %dma_start3A_714 = tpu.memref_slice %arg6[%add3A_709, %dma_start3A_713] : memref<80x128xi32, #tpu.memory_space<vmem>> -> memref<1x128xi32, #tpu.memory_space<vmem>>
      %dma_start3A_715 = tpu.memref_squeeze %dma_start3A_714 : memref<1x128xi32, #tpu.memory_space<vmem>> -> memref<128xi32, #tpu.memory_space<vmem>>
      %dma_start3A_716 = arith.constant 0 : i32
      %dma_start3A_717 = arith.constant 0 : i32
      %dma_start3A_718 = tpu.memref_slice %arg4[%dma_start3A_716, %dma_start3A_717] : memref<10240x16xf32, #tpu.memory_space<hbm>> -> memref<10240x16xf32, #tpu.memory_space<hbm>>
      tpu.enqueue_indirect_dma source(%dma_start3A_718 : memref<10240x16xf32, #tpu.memory_space<hbm>>) target(%dma_start3A_712 : memref<128x16xf32, #tpu.memory_space<vmem>>) offsets(%dma_start3A_715 : memref<128xi32, #tpu.memory_space<vmem>>) semaphore(%arg12 : memref<!tpu.dma_semaphore, #tpu.memory_space<semaphore_mem>>)
      %mul3A_719 = arith.constant 8 : i32
      %mul3A_720 = arith.muli %add3A_627, %mul3A_719 : i32
      %add3A_721 = arith.constant 7 : i32
      %add3A_722 = arith.addi %mul3A_720, %add3A_721 : i32
      %dma_start3A_723 = arith.constant 896 : i32
      %dma_start3A_724 = arith.constant 0 : i32
      %dma_start3A_725 = tpu.memref_slice %arg8[%dma_start3A_723, %dma_start3A_724] : memref<1024x16xf32, #tpu.memory_space<vmem>> -> memref<128x16xf32, #tpu.memory_space<vmem>>
      %dma_start3A_726 = arith.constant 0 : i32
      %dma_start3A_727 = tpu.memref_slice %arg6[%add3A_722, %dma_start3A_726] : memref<80x128xi32, #tpu.memory_space<vmem>> -> memref<1x128xi32, #tpu.memory_space<vmem>>
      %dma_start3A_728 = tpu.memref_squeeze %dma_start3A_727 : memref<1x128xi32, #tpu.memory_space<vmem>> -> memref<128xi32, #tpu.memory_space<vmem>>
      %dma_start3A_729 = arith.constant 0 : i32
      %dma_start3A_730 = arith.constant 0 : i32
      %dma_start3A_731 = tpu.memref_slice %arg4[%dma_start3A_729, %dma_start3A_730] : memref<10240x16xf32, #tpu.memory_space<hbm>> -> memref<10240x16xf32, #tpu.memory_space<hbm>>
      tpu.enqueue_indirect_dma source(%dma_start3A_731 : memref<10240x16xf32, #tpu.memory_space<hbm>>) target(%dma_start3A_725 : memref<128x16xf32, #tpu.memory_space<vmem>>) offsets(%dma_start3A_728 : memref<128xi32, #tpu.memory_space<vmem>>) semaphore(%arg12 : memref<!tpu.dma_semaphore, #tpu.memory_space<semaphore_mem>>)
      %dma_wait3A_732 = arith.constant 0 : i32
      %dma_wait3A_733 = arith.constant 0 : i32
      %dma_wait3A_734 = tpu.memref_slice %arg11[%dma_wait3A_732, %dma_wait3A_733] : memref<10240x16xf32, #tpu.memory_space<vmem_shared>> -> memref<1024x16xf32, #tpu.memory_space<vmem_shared>>
      %dma_wait3A_735 = arith.constant 0 : i32
      %dma_wait3A_736 = arith.constant 0 : i32
      %dma_wait3A_737 = tpu.memref_slice %arg11[%dma_wait3A_735, %dma_wait3A_736] : memref<10240x16xf32, #tpu.memory_space<vmem_shared>> -> memref<1024x16xf32, #tpu.memory_space<vmem_shared>>
      tpu.wait_dma2 semaphore(%arg15 : memref<!tpu.dma_semaphore, #tpu.memory_space<semaphore_mem>>) src(%arg9 : memref<1024x16xf32, #tpu.memory_space<vmem>>) dst(%dma_wait3A_737 : memref<1024x16xf32, #tpu.memory_space<vmem_shared>>)
      %add3A_738 = arith.constant 2 : i32
      %add3A_739 = arith.addi %add3A_399, %add3A_738 : i32
      %mul3A_740 = arith.constant 8 : i32
      %mul3A_741 = arith.muli %add3A_739, %mul3A_740 : i32
      %add3A_742 = arith.constant 0 : i32
      %add3A_743 = arith.addi %mul3A_741, %add3A_742 : i32
      %dma_start3A_744 = arith.constant 0 : i32
      %dma_start3A_745 = arith.constant 0 : i32
      %dma_start3A_746 = tpu.memref_slice %arg9[%dma_start3A_744, %dma_start3A_745] : memref<1024x16xf32, #tpu.memory_space<vmem>> -> memref<128x16xf32, #tpu.memory_space<vmem>>
      %dma_start3A_747 = arith.constant 0 : i32
      %dma_start3A_748 = tpu.memref_slice %arg6[%add3A_743, %dma_start3A_747] : memref<80x128xi32, #tpu.memory_space<vmem>> -> memref<1x128xi32, #tpu.memory_space<vmem>>
      %dma_start3A_749 = tpu.memref_squeeze %dma_start3A_748 : memref<1x128xi32, #tpu.memory_space<vmem>> -> memref<128xi32, #tpu.memory_space<vmem>>
      %dma_start3A_750 = arith.constant 0 : i32
      %dma_start3A_751 = arith.constant 0 : i32
      %dma_start3A_752 = tpu.memref_slice %arg4[%dma_start3A_750, %dma_start3A_751] : memref<10240x16xf32, #tpu.memory_space<hbm>> -> memref<10240x16xf32, #tpu.memory_space<hbm>>
      tpu.enqueue_indirect_dma source(%dma_start3A_752 : memref<10240x16xf32, #tpu.memory_space<hbm>>) target(%dma_start3A_746 : memref<128x16xf32, #tpu.memory_space<vmem>>) offsets(%dma_start3A_749 : memref<128xi32, #tpu.memory_space<vmem>>) semaphore(%arg13 : memref<!tpu.dma_semaphore, #tpu.memory_space<semaphore_mem>>)
      %mul3A_753 = arith.constant 8 : i32
      %mul3A_754 = arith.muli %add3A_739, %mul3A_753 : i32
      %add3A_755 = arith.constant 1 : i32
      %add3A_756 = arith.addi %mul3A_754, %add3A_755 : i32
      %dma_start3A_757 = arith.constant 128 : i32
      %dma_start3A_758 = arith.constant 0 : i32
      %dma_start3A_759 = tpu.memref_slice %arg9[%dma_start3A_757, %dma_start3A_758] : memref<1024x16xf32, #tpu.memory_space<vmem>> -> memref<128x16xf32, #tpu.memory_space<vmem>>
      %dma_start3A_760 = arith.constant 0 : i32
      %dma_start3A_761 = tpu.memref_slice %arg6[%add3A_756, %dma_start3A_760] : memref<80x128xi32, #tpu.memory_space<vmem>> -> memref<1x128xi32, #tpu.memory_space<vmem>>
      %dma_start3A_762 = tpu.memref_squeeze %dma_start3A_761 : memref<1x128xi32, #tpu.memory_space<vmem>> -> memref<128xi32, #tpu.memory_space<vmem>>
      %dma_start3A_763 = arith.constant 0 : i32
      %dma_start3A_764 = arith.constant 0 : i32
      %dma_start3A_765 = tpu.memref_slice %arg4[%dma_start3A_763, %dma_start3A_764] : memref<10240x16xf32, #tpu.memory_space<hbm>> -> memref<10240x16xf32, #tpu.memory_space<hbm>>
      tpu.enqueue_indirect_dma source(%dma_start3A_765 : memref<10240x16xf32, #tpu.memory_space<hbm>>) target(%dma_start3A_759 : memref<128x16xf32, #tpu.memory_space<vmem>>) offsets(%dma_start3A_762 : memref<128xi32, #tpu.memory_space<vmem>>) semaphore(%arg13 : memref<!tpu.dma_semaphore, #tpu.memory_space<semaphore_mem>>)
      %mul3A_766 = arith.constant 8 : i32
      %mul3A_767 = arith.muli %add3A_739, %mul3A_766 : i32
      %add3A_768 = arith.constant 2 : i32
      %add3A_769 = arith.addi %mul3A_767, %add3A_768 : i32
      %dma_start3A_770 = arith.constant 256 : i32
      %dma_start3A_771 = arith.constant 0 : i32
      %dma_start3A_772 = tpu.memref_slice %arg9[%dma_start3A_770, %dma_start3A_771] : memref<1024x16xf32, #tpu.memory_space<vmem>> -> memref<128x16xf32, #tpu.memory_space<vmem>>
      %dma_start3A_773 = arith.constant 0 : i32
      %dma_start3A_774 = tpu.memref_slice %arg6[%add3A_769, %dma_start3A_773] : memref<80x128xi32, #tpu.memory_space<vmem>> -> memref<1x128xi32, #tpu.memory_space<vmem>>
      %dma_start3A_775 = tpu.memref_squeeze %dma_start3A_774 : memref<1x128xi32, #tpu.memory_space<vmem>> -> memref<128xi32, #tpu.memory_space<vmem>>
      %dma_start3A_776 = arith.constant 0 : i32
      %dma_start3A_777 = arith.constant 0 : i32
      %dma_start3A_778 = tpu.memref_slice %arg4[%dma_start3A_776, %dma_start3A_777] : memref<10240x16xf32, #tpu.memory_space<hbm>> -> memref<10240x16xf32, #tpu.memory_space<hbm>>
      tpu.enqueue_indirect_dma source(%dma_start3A_778 : memref<10240x16xf32, #tpu.memory_space<hbm>>) target(%dma_start3A_772 : memref<128x16xf32, #tpu.memory_space<vmem>>) offsets(%dma_start3A_775 : memref<128xi32, #tpu.memory_space<vmem>>) semaphore(%arg13 : memref<!tpu.dma_semaphore, #tpu.memory_space<semaphore_mem>>)
      %mul3A_779 = arith.constant 8 : i32
      %mul3A_780 = arith.muli %add3A_739, %mul3A_779 : i32
      %add3A_781 = arith.constant 3 : i32
      %add3A_782 = arith.addi %mul3A_780, %add3A_781 : i32
      %dma_start3A_783 = arith.constant 384 : i32
      %dma_start3A_784 = arith.constant 0 : i32
      %dma_start3A_785 = tpu.memref_slice %arg9[%dma_start3A_783, %dma_start3A_784] : memref<1024x16xf32, #tpu.memory_space<vmem>> -> memref<128x16xf32, #tpu.memory_space<vmem>>
      %dma_start3A_786 = arith.constant 0 : i32
      %dma_start3A_787 = tpu.memref_slice %arg6[%add3A_782, %dma_start3A_786] : memref<80x128xi32, #tpu.memory_space<vmem>> -> memref<1x128xi32, #tpu.memory_space<vmem>>
      %dma_start3A_788 = tpu.memref_squeeze %dma_start3A_787 : memref<1x128xi32, #tpu.memory_space<vmem>> -> memref<128xi32, #tpu.memory_space<vmem>>
      %dma_start3A_789 = arith.constant 0 : i32
      %dma_start3A_790 = arith.constant 0 : i32
      %dma_start3A_791 = tpu.memref_slice %arg4[%dma_start3A_789, %dma_start3A_790] : memref<10240x16xf32, #tpu.memory_space<hbm>> -> memref<10240x16xf32, #tpu.memory_space<hbm>>
      tpu.enqueue_indirect_dma source(%dma_start3A_791 : memref<10240x16xf32, #tpu.memory_space<hbm>>) target(%dma_start3A_785 : memref<128x16xf32, #tpu.memory_space<vmem>>) offsets(%dma_start3A_788 : memref<128xi32, #tpu.memory_space<vmem>>) semaphore(%arg13 : memref<!tpu.dma_semaphore, #tpu.memory_space<semaphore_mem>>)
      %mul3A_792 = arith.constant 8 : i32
      %mul3A_793 = arith.muli %add3A_739, %mul3A_792 : i32
      %add3A_794 = arith.constant 4 : i32
      %add3A_795 = arith.addi %mul3A_793, %add3A_794 : i32
      %dma_start3A_796 = arith.constant 512 : i32
      %dma_start3A_797 = arith.constant 0 : i32
      %dma_start3A_798 = tpu.memref_slice %arg9[%dma_start3A_796, %dma_start3A_797] : memref<1024x16xf32, #tpu.memory_space<vmem>> -> memref<128x16xf32, #tpu.memory_space<vmem>>
      %dma_start3A_799 = arith.constant 0 : i32
      %dma_start3A_800 = tpu.memref_slice %arg6[%add3A_795, %dma_start3A_799] : memref<80x128xi32, #tpu.memory_space<vmem>> -> memref<1x128xi32, #tpu.memory_space<vmem>>
      %dma_start3A_801 = tpu.memref_squeeze %dma_start3A_800 : memref<1x128xi32, #tpu.memory_space<vmem>> -> memref<128xi32, #tpu.memory_space<vmem>>
      %dma_start3A_802 = arith.constant 0 : i32
      %dma_start3A_803 = arith.constant 0 : i32
      %dma_start3A_804 = tpu.memref_slice %arg4[%dma_start3A_802, %dma_start3A_803] : memref<10240x16xf32, #tpu.memory_space<hbm>> -> memref<10240x16xf32, #tpu.memory_space<hbm>>
      tpu.enqueue_indirect_dma source(%dma_start3A_804 : memref<10240x16xf32, #tpu.memory_space<hbm>>) target(%dma_start3A_798 : memref<128x16xf32, #tpu.memory_space<vmem>>) offsets(%dma_start3A_801 : memref<128xi32, #tpu.memory_space<vmem>>) semaphore(%arg13 : memref<!tpu.dma_semaphore, #tpu.memory_space<semaphore_mem>>)
      %mul3A_805 = arith.constant 8 : i32
      %mul3A_806 = arith.muli %add3A_739, %mul3A_805 : i32
      %add3A_807 = arith.constant 5 : i32
      %add3A_808 = arith.addi %mul3A_806, %add3A_807 : i32
      %dma_start3A_809 = arith.constant 640 : i32
      %dma_start3A_810 = arith.constant 0 : i32
      %dma_start3A_811 = tpu.memref_slice %arg9[%dma_start3A_809, %dma_start3A_810] : memref<1024x16xf32, #tpu.memory_space<vmem>> -> memref<128x16xf32, #tpu.memory_space<vmem>>
      %dma_start3A_812 = arith.constant 0 : i32
      %dma_start3A_813 = tpu.memref_slice %arg6[%add3A_808, %dma_start3A_812] : memref<80x128xi32, #tpu.memory_space<vmem>> -> memref<1x128xi32, #tpu.memory_space<vmem>>
      %dma_start3A_814 = tpu.memref_squeeze %dma_start3A_813 : memref<1x128xi32, #tpu.memory_space<vmem>> -> memref<128xi32, #tpu.memory_space<vmem>>
      %dma_start3A_815 = arith.constant 0 : i32
      %dma_start3A_816 = arith.constant 0 : i32
      %dma_start3A_817 = tpu.memref_slice %arg4[%dma_start3A_815, %dma_start3A_816] : memref<10240x16xf32, #tpu.memory_space<hbm>> -> memref<10240x16xf32, #tpu.memory_space<hbm>>
      tpu.enqueue_indirect_dma source(%dma_start3A_817 : memref<10240x16xf32, #tpu.memory_space<hbm>>) target(%dma_start3A_811 : memref<128x16xf32, #tpu.memory_space<vmem>>) offsets(%dma_start3A_814 : memref<128xi32, #tpu.memory_space<vmem>>) semaphore(%arg13 : memref<!tpu.dma_semaphore, #tpu.memory_space<semaphore_mem>>)
      %mul3A_818 = arith.constant 8 : i32
      %mul3A_819 = arith.muli %add3A_739, %mul3A_818 : i32
      %add3A_820 = arith.constant 6 : i32
      %add3A_821 = arith.addi %mul3A_819, %add3A_820 : i32
      %dma_start3A_822 = arith.constant 768 : i32
      %dma_start3A_823 = arith.constant 0 : i32
      %dma_start3A_824 = tpu.memref_slice %arg9[%dma_start3A_822, %dma_start3A_823] : memref<1024x16xf32, #tpu.memory_space<vmem>> -> memref<128x16xf32, #tpu.memory_space<vmem>>
      %dma_start3A_825 = arith.constant 0 : i32
      %dma_start3A_826 = tpu.memref_slice %arg6[%add3A_821, %dma_start3A_825] : memref<80x128xi32, #tpu.memory_space<vmem>> -> memref<1x128xi32, #tpu.memory_space<vmem>>
      %dma_start3A_827 = tpu.memref_squeeze %dma_start3A_826 : memref<1x128xi32, #tpu.memory_space<vmem>> -> memref<128xi32, #tpu.memory_space<vmem>>
      %dma_start3A_828 = arith.constant 0 : i32
      %dma_start3A_829 = arith.constant 0 : i32
      %dma_start3A_830 = tpu.memref_slice %arg4[%dma_start3A_828, %dma_start3A_829] : memref<10240x16xf32, #tpu.memory_space<hbm>> -> memref<10240x16xf32, #tpu.memory_space<hbm>>
      tpu.enqueue_indirect_dma source(%dma_start3A_830 : memref<10240x16xf32, #tpu.memory_space<hbm>>) target(%dma_start3A_824 : memref<128x16xf32, #tpu.memory_space<vmem>>) offsets(%dma_start3A_827 : memref<128xi32, #tpu.memory_space<vmem>>) semaphore(%arg13 : memref<!tpu.dma_semaphore, #tpu.memory_space<semaphore_mem>>)
      %mul3A_831 = arith.constant 8 : i32
      %mul3A_832 = arith.muli %add3A_739, %mul3A_831 : i32
      %add3A_833 = arith.constant 7 : i32
      %add3A_834 = arith.addi %mul3A_832, %add3A_833 : i32
      %dma_start3A_835 = arith.constant 896 : i32
      %dma_start3A_836 = arith.constant 0 : i32
      %dma_start3A_837 = tpu.memref_slice %arg9[%dma_start3A_835, %dma_start3A_836] : memref<1024x16xf32, #tpu.memory_space<vmem>> -> memref<128x16xf32, #tpu.memory_space<vmem>>
      %dma_start3A_838 = arith.constant 0 : i32
      %dma_start3A_839 = tpu.memref_slice %arg6[%add3A_834, %dma_start3A_838] : memref<80x128xi32, #tpu.memory_space<vmem>> -> memref<1x128xi32, #tpu.memory_space<vmem>>
      %dma_start3A_840 = tpu.memref_squeeze %dma_start3A_839 : memref<1x128xi32, #tpu.memory_space<vmem>> -> memref<128xi32, #tpu.memory_space<vmem>>
      %dma_start3A_841 = arith.constant 0 : i32
      %dma_start3A_842 = arith.constant 0 : i32
      %dma_start3A_843 = tpu.memref_slice %arg4[%dma_start3A_841, %dma_start3A_842] : memref<10240x16xf32, #tpu.memory_space<hbm>> -> memref<10240x16xf32, #tpu.memory_space<hbm>>
      tpu.enqueue_indirect_dma source(%dma_start3A_843 : memref<10240x16xf32, #tpu.memory_space<hbm>>) target(%dma_start3A_837 : memref<128x16xf32, #tpu.memory_space<vmem>>) offsets(%dma_start3A_840 : memref<128xi32, #tpu.memory_space<vmem>>) semaphore(%arg13 : memref<!tpu.dma_semaphore, #tpu.memory_space<semaphore_mem>>)
    }
    %scan3A_204 = arith.constant 4 : i32
    %dma_wait3A = arith.constant 0 : i32
    %dma_wait3A_205 = arith.constant 0 : i32
    %dma_wait3A_206 = tpu.memref_slice %arg4[%dma_wait3A, %dma_wait3A_205] : memref<10240x16xf32, #tpu.memory_space<hbm>> -> memref<1024x16xf32, #tpu.memory_space<hbm>>
    %dma_wait3A_207 = arith.constant 0 : i32
    %dma_wait3A_208 = arith.constant 0 : i32
    %dma_wait3A_209 = tpu.memref_slice %arg4[%dma_wait3A_207, %dma_wait3A_208] : memref<10240x16xf32, #tpu.memory_space<hbm>> -> memref<1024x16xf32, #tpu.memory_space<hbm>>
    tpu.wait_dma2 semaphore(%arg12 : memref<!tpu.dma_semaphore, #tpu.memory_space<semaphore_mem>>) src(%dma_wait3A_209 : memref<1024x16xf32, #tpu.memory_space<hbm>>) dst(%arg8 : memref<1024x16xf32, #tpu.memory_space<vmem>>)
    %dma_start3A_210 = arith.constant 64 : i32
    %dma_start3A_211 = arith.constant 0 : i32
    %dma_start3A_212 = arith.constant 0 : i32
    %dma_start3A_213 = tpu.memref_slice %arg8[%dma_start3A_211, %dma_start3A_212] : memref<1024x16xf32, #tpu.memory_space<vmem>> -> memref<128x16xf32, #tpu.memory_space<vmem>>
    %dma_start3A_214 = arith.constant 0 : i32
    %dma_start3A_215 = tpu.memref_slice %arg7[%dma_start3A_210, %dma_start3A_214] : memref<80x128xi32, #tpu.memory_space<vmem>> -> memref<1x128xi32, #tpu.memory_space<vmem>>
    %dma_start3A_216 = tpu.memref_squeeze %dma_start3A_215 : memref<1x128xi32, #tpu.memory_space<vmem>> -> memref<128xi32, #tpu.memory_space<vmem>>
    %dma_start3A_217 = arith.constant 0 : i32
    %dma_start3A_218 = arith.constant 0 : i32
    %dma_start3A_219 = tpu.memref_slice %arg11[%dma_start3A_217, %dma_start3A_218] : memref<10240x16xf32, #tpu.memory_space<vmem_shared>> -> memref<10240x16xf32, #tpu.memory_space<vmem_shared>>
    tpu.enqueue_indirect_dma source(%dma_start3A_213 : memref<128x16xf32, #tpu.memory_space<vmem>>) target(%dma_start3A_219 : memref<10240x16xf32, #tpu.memory_space<vmem_shared>>) offsets(%dma_start3A_216 : memref<128xi32, #tpu.memory_space<vmem>>) semaphore(%arg14 : memref<!tpu.dma_semaphore, #tpu.memory_space<semaphore_mem>>) {add = true}
    %dma_start3A_220 = arith.constant 65 : i32
    %dma_start3A_221 = arith.constant 128 : i32
    %dma_start3A_222 = arith.constant 0 : i32
    %dma_start3A_223 = tpu.memref_slice %arg8[%dma_start3A_221, %dma_start3A_222] : memref<1024x16xf32, #tpu.memory_space<vmem>> -> memref<128x16xf32, #tpu.memory_space<vmem>>
    %dma_start3A_224 = arith.constant 0 : i32
    %dma_start3A_225 = tpu.memref_slice %arg7[%dma_start3A_220, %dma_start3A_224] : memref<80x128xi32, #tpu.memory_space<vmem>> -> memref<1x128xi32, #tpu.memory_space<vmem>>
    %dma_start3A_226 = tpu.memref_squeeze %dma_start3A_225 : memref<1x128xi32, #tpu.memory_space<vmem>> -> memref<128xi32, #tpu.memory_space<vmem>>
    %dma_start3A_227 = arith.constant 0 : i32
    %dma_start3A_228 = arith.constant 0 : i32
    %dma_start3A_229 = tpu.memref_slice %arg11[%dma_start3A_227, %dma_start3A_228] : memref<10240x16xf32, #tpu.memory_space<vmem_shared>> -> memref<10240x16xf32, #tpu.memory_space<vmem_shared>>
    tpu.enqueue_indirect_dma source(%dma_start3A_223 : memref<128x16xf32, #tpu.memory_space<vmem>>) target(%dma_start3A_229 : memref<10240x16xf32, #tpu.memory_space<vmem_shared>>) offsets(%dma_start3A_226 : memref<128xi32, #tpu.memory_space<vmem>>) semaphore(%arg14 : memref<!tpu.dma_semaphore, #tpu.memory_space<semaphore_mem>>) {add = true}
    %dma_start3A_230 = arith.constant 66 : i32
    %dma_start3A_231 = arith.constant 256 : i32
    %dma_start3A_232 = arith.constant 0 : i32
    %dma_start3A_233 = tpu.memref_slice %arg8[%dma_start3A_231, %dma_start3A_232] : memref<1024x16xf32, #tpu.memory_space<vmem>> -> memref<128x16xf32, #tpu.memory_space<vmem>>
    %dma_start3A_234 = arith.constant 0 : i32
    %dma_start3A_235 = tpu.memref_slice %arg7[%dma_start3A_230, %dma_start3A_234] : memref<80x128xi32, #tpu.memory_space<vmem>> -> memref<1x128xi32, #tpu.memory_space<vmem>>
    %dma_start3A_236 = tpu.memref_squeeze %dma_start3A_235 : memref<1x128xi32, #tpu.memory_space<vmem>> -> memref<128xi32, #tpu.memory_space<vmem>>
    %dma_start3A_237 = arith.constant 0 : i32
    %dma_start3A_238 = arith.constant 0 : i32
    %dma_start3A_239 = tpu.memref_slice %arg11[%dma_start3A_237, %dma_start3A_238] : memref<10240x16xf32, #tpu.memory_space<vmem_shared>> -> memref<10240x16xf32, #tpu.memory_space<vmem_shared>>
    tpu.enqueue_indirect_dma source(%dma_start3A_233 : memref<128x16xf32, #tpu.memory_space<vmem>>) target(%dma_start3A_239 : memref<10240x16xf32, #tpu.memory_space<vmem_shared>>) offsets(%dma_start3A_236 : memref<128xi32, #tpu.memory_space<vmem>>) semaphore(%arg14 : memref<!tpu.dma_semaphore, #tpu.memory_space<semaphore_mem>>) {add = true}
    %dma_start3A_240 = arith.constant 67 : i32
    %dma_start3A_241 = arith.constant 384 : i32
    %dma_start3A_242 = arith.constant 0 : i32
    %dma_start3A_243 = tpu.memref_slice %arg8[%dma_start3A_241, %dma_start3A_242] : memref<1024x16xf32, #tpu.memory_space<vmem>> -> memref<128x16xf32, #tpu.memory_space<vmem>>
    %dma_start3A_244 = arith.constant 0 : i32
    %dma_start3A_245 = tpu.memref_slice %arg7[%dma_start3A_240, %dma_start3A_244] : memref<80x128xi32, #tpu.memory_space<vmem>> -> memref<1x128xi32, #tpu.memory_space<vmem>>
    %dma_start3A_246 = tpu.memref_squeeze %dma_start3A_245 : memref<1x128xi32, #tpu.memory_space<vmem>> -> memref<128xi32, #tpu.memory_space<vmem>>
    %dma_start3A_247 = arith.constant 0 : i32
    %dma_start3A_248 = arith.constant 0 : i32
    %dma_start3A_249 = tpu.memref_slice %arg11[%dma_start3A_247, %dma_start3A_248] : memref<10240x16xf32, #tpu.memory_space<vmem_shared>> -> memref<10240x16xf32, #tpu.memory_space<vmem_shared>>
    tpu.enqueue_indirect_dma source(%dma_start3A_243 : memref<128x16xf32, #tpu.memory_space<vmem>>) target(%dma_start3A_249 : memref<10240x16xf32, #tpu.memory_space<vmem_shared>>) offsets(%dma_start3A_246 : memref<128xi32, #tpu.memory_space<vmem>>) semaphore(%arg14 : memref<!tpu.dma_semaphore, #tpu.memory_space<semaphore_mem>>) {add = true}
    %dma_start3A_250 = arith.constant 68 : i32
    %dma_start3A_251 = arith.constant 512 : i32
    %dma_start3A_252 = arith.constant 0 : i32
    %dma_start3A_253 = tpu.memref_slice %arg8[%dma_start3A_251, %dma_start3A_252] : memref<1024x16xf32, #tpu.memory_space<vmem>> -> memref<128x16xf32, #tpu.memory_space<vmem>>
    %dma_start3A_254 = arith.constant 0 : i32
    %dma_start3A_255 = tpu.memref_slice %arg7[%dma_start3A_250, %dma_start3A_254] : memref<80x128xi32, #tpu.memory_space<vmem>> -> memref<1x128xi32, #tpu.memory_space<vmem>>
    %dma_start3A_256 = tpu.memref_squeeze %dma_start3A_255 : memref<1x128xi32, #tpu.memory_space<vmem>> -> memref<128xi32, #tpu.memory_space<vmem>>
    %dma_start3A_257 = arith.constant 0 : i32
    %dma_start3A_258 = arith.constant 0 : i32
    %dma_start3A_259 = tpu.memref_slice %arg11[%dma_start3A_257, %dma_start3A_258] : memref<10240x16xf32, #tpu.memory_space<vmem_shared>> -> memref<10240x16xf32, #tpu.memory_space<vmem_shared>>
    tpu.enqueue_indirect_dma source(%dma_start3A_253 : memref<128x16xf32, #tpu.memory_space<vmem>>) target(%dma_start3A_259 : memref<10240x16xf32, #tpu.memory_space<vmem_shared>>) offsets(%dma_start3A_256 : memref<128xi32, #tpu.memory_space<vmem>>) semaphore(%arg14 : memref<!tpu.dma_semaphore, #tpu.memory_space<semaphore_mem>>) {add = true}
    %dma_start3A_260 = arith.constant 69 : i32
    %dma_start3A_261 = arith.constant 640 : i32
    %dma_start3A_262 = arith.constant 0 : i32
    %dma_start3A_263 = tpu.memref_slice %arg8[%dma_start3A_261, %dma_start3A_262] : memref<1024x16xf32, #tpu.memory_space<vmem>> -> memref<128x16xf32, #tpu.memory_space<vmem>>
    %dma_start3A_264 = arith.constant 0 : i32
    %dma_start3A_265 = tpu.memref_slice %arg7[%dma_start3A_260, %dma_start3A_264] : memref<80x128xi32, #tpu.memory_space<vmem>> -> memref<1x128xi32, #tpu.memory_space<vmem>>
    %dma_start3A_266 = tpu.memref_squeeze %dma_start3A_265 : memref<1x128xi32, #tpu.memory_space<vmem>> -> memref<128xi32, #tpu.memory_space<vmem>>
    %dma_start3A_267 = arith.constant 0 : i32
    %dma_start3A_268 = arith.constant 0 : i32
    %dma_start3A_269 = tpu.memref_slice %arg11[%dma_start3A_267, %dma_start3A_268] : memref<10240x16xf32, #tpu.memory_space<vmem_shared>> -> memref<10240x16xf32, #tpu.memory_space<vmem_shared>>
    tpu.enqueue_indirect_dma source(%dma_start3A_263 : memref<128x16xf32, #tpu.memory_space<vmem>>) target(%dma_start3A_269 : memref<10240x16xf32, #tpu.memory_space<vmem_shared>>) offsets(%dma_start3A_266 : memref<128xi32, #tpu.memory_space<vmem>>) semaphore(%arg14 : memref<!tpu.dma_semaphore, #tpu.memory_space<semaphore_mem>>) {add = true}
    %dma_start3A_270 = arith.constant 70 : i32
    %dma_start3A_271 = arith.constant 768 : i32
    %dma_start3A_272 = arith.constant 0 : i32
    %dma_start3A_273 = tpu.memref_slice %arg8[%dma_start3A_271, %dma_start3A_272] : memref<1024x16xf32, #tpu.memory_space<vmem>> -> memref<128x16xf32, #tpu.memory_space<vmem>>
    %dma_start3A_274 = arith.constant 0 : i32
    %dma_start3A_275 = tpu.memref_slice %arg7[%dma_start3A_270, %dma_start3A_274] : memref<80x128xi32, #tpu.memory_space<vmem>> -> memref<1x128xi32, #tpu.memory_space<vmem>>
    %dma_start3A_276 = tpu.memref_squeeze %dma_start3A_275 : memref<1x128xi32, #tpu.memory_space<vmem>> -> memref<128xi32, #tpu.memory_space<vmem>>
    %dma_start3A_277 = arith.constant 0 : i32
    %dma_start3A_278 = arith.constant 0 : i32
    %dma_start3A_279 = tpu.memref_slice %arg11[%dma_start3A_277, %dma_start3A_278] : memref<10240x16xf32, #tpu.memory_space<vmem_shared>> -> memref<10240x16xf32, #tpu.memory_space<vmem_shared>>
    tpu.enqueue_indirect_dma source(%dma_start3A_273 : memref<128x16xf32, #tpu.memory_space<vmem>>) target(%dma_start3A_279 : memref<10240x16xf32, #tpu.memory_space<vmem_shared>>) offsets(%dma_start3A_276 : memref<128xi32, #tpu.memory_space<vmem>>) semaphore(%arg14 : memref<!tpu.dma_semaphore, #tpu.memory_space<semaphore_mem>>) {add = true}
    %dma_start3A_280 = arith.constant 71 : i32
    %dma_start3A_281 = arith.constant 896 : i32
    %dma_start3A_282 = arith.constant 0 : i32
    %dma_start3A_283 = tpu.memref_slice %arg8[%dma_start3A_281, %dma_start3A_282] : memref<1024x16xf32, #tpu.memory_space<vmem>> -> memref<128x16xf32, #tpu.memory_space<vmem>>
    %dma_start3A_284 = arith.constant 0 : i32
    %dma_start3A_285 = tpu.memref_slice %arg7[%dma_start3A_280, %dma_start3A_284] : memref<80x128xi32, #tpu.memory_space<vmem>> -> memref<1x128xi32, #tpu.memory_space<vmem>>
    %dma_start3A_286 = tpu.memref_squeeze %dma_start3A_285 : memref<1x128xi32, #tpu.memory_space<vmem>> -> memref<128xi32, #tpu.memory_space<vmem>>
    %dma_start3A_287 = arith.constant 0 : i32
    %dma_start3A_288 = arith.constant 0 : i32
    %dma_start3A_289 = tpu.memref_slice %arg11[%dma_start3A_287, %dma_start3A_288] : memref<10240x16xf32, #tpu.memory_space<vmem_shared>> -> memref<10240x16xf32, #tpu.memory_space<vmem_shared>>
    tpu.enqueue_indirect_dma source(%dma_start3A_283 : memref<128x16xf32, #tpu.memory_space<vmem>>) target(%dma_start3A_289 : memref<10240x16xf32, #tpu.memory_space<vmem_shared>>) offsets(%dma_start3A_286 : memref<128xi32, #tpu.memory_space<vmem>>) semaphore(%arg14 : memref<!tpu.dma_semaphore, #tpu.memory_space<semaphore_mem>>) {add = true}
    %dma_wait3A_290 = arith.constant 0 : i32
    %dma_wait3A_291 = arith.constant 0 : i32
    %dma_wait3A_292 = tpu.memref_slice %arg4[%dma_wait3A_290, %dma_wait3A_291] : memref<10240x16xf32, #tpu.memory_space<hbm>> -> memref<1024x16xf32, #tpu.memory_space<hbm>>
    %dma_wait3A_293 = arith.constant 0 : i32
    %dma_wait3A_294 = arith.constant 0 : i32
    %dma_wait3A_295 = tpu.memref_slice %arg4[%dma_wait3A_293, %dma_wait3A_294] : memref<10240x16xf32, #tpu.memory_space<hbm>> -> memref<1024x16xf32, #tpu.memory_space<hbm>>
    tpu.wait_dma2 semaphore(%arg13 : memref<!tpu.dma_semaphore, #tpu.memory_space<semaphore_mem>>) src(%dma_wait3A_295 : memref<1024x16xf32, #tpu.memory_space<hbm>>) dst(%arg9 : memref<1024x16xf32, #tpu.memory_space<vmem>>)
    %dma_start3A_296 = arith.constant 72 : i32
    %dma_start3A_297 = arith.constant 0 : i32
    %dma_start3A_298 = arith.constant 0 : i32
    %dma_start3A_299 = tpu.memref_slice %arg9[%dma_start3A_297, %dma_start3A_298] : memref<1024x16xf32, #tpu.memory_space<vmem>> -> memref<128x16xf32, #tpu.memory_space<vmem>>
    %dma_start3A_300 = arith.constant 0 : i32
    %dma_start3A_301 = tpu.memref_slice %arg7[%dma_start3A_296, %dma_start3A_300] : memref<80x128xi32, #tpu.memory_space<vmem>> -> memref<1x128xi32, #tpu.memory_space<vmem>>
    %dma_start3A_302 = tpu.memref_squeeze %dma_start3A_301 : memref<1x128xi32, #tpu.memory_space<vmem>> -> memref<128xi32, #tpu.memory_space<vmem>>
    %dma_start3A_303 = arith.constant 0 : i32
    %dma_start3A_304 = arith.constant 0 : i32
    %dma_start3A_305 = tpu.memref_slice %arg11[%dma_start3A_303, %dma_start3A_304] : memref<10240x16xf32, #tpu.memory_space<vmem_shared>> -> memref<10240x16xf32, #tpu.memory_space<vmem_shared>>
    tpu.enqueue_indirect_dma source(%dma_start3A_299 : memref<128x16xf32, #tpu.memory_space<vmem>>) target(%dma_start3A_305 : memref<10240x16xf32, #tpu.memory_space<vmem_shared>>) offsets(%dma_start3A_302 : memref<128xi32, #tpu.memory_space<vmem>>) semaphore(%arg15 : memref<!tpu.dma_semaphore, #tpu.memory_space<semaphore_mem>>) {add = true}
    %dma_start3A_306 = arith.constant 73 : i32
    %dma_start3A_307 = arith.constant 128 : i32
    %dma_start3A_308 = arith.constant 0 : i32
    %dma_start3A_309 = tpu.memref_slice %arg9[%dma_start3A_307, %dma_start3A_308] : memref<1024x16xf32, #tpu.memory_space<vmem>> -> memref<128x16xf32, #tpu.memory_space<vmem>>
    %dma_start3A_310 = arith.constant 0 : i32
    %dma_start3A_311 = tpu.memref_slice %arg7[%dma_start3A_306, %dma_start3A_310] : memref<80x128xi32, #tpu.memory_space<vmem>> -> memref<1x128xi32, #tpu.memory_space<vmem>>
    %dma_start3A_312 = tpu.memref_squeeze %dma_start3A_311 : memref<1x128xi32, #tpu.memory_space<vmem>> -> memref<128xi32, #tpu.memory_space<vmem>>
    %dma_start3A_313 = arith.constant 0 : i32
    %dma_start3A_314 = arith.constant 0 : i32
    %dma_start3A_315 = tpu.memref_slice %arg11[%dma_start3A_313, %dma_start3A_314] : memref<10240x16xf32, #tpu.memory_space<vmem_shared>> -> memref<10240x16xf32, #tpu.memory_space<vmem_shared>>
    tpu.enqueue_indirect_dma source(%dma_start3A_309 : memref<128x16xf32, #tpu.memory_space<vmem>>) target(%dma_start3A_315 : memref<10240x16xf32, #tpu.memory_space<vmem_shared>>) offsets(%dma_start3A_312 : memref<128xi32, #tpu.memory_space<vmem>>) semaphore(%arg15 : memref<!tpu.dma_semaphore, #tpu.memory_space<semaphore_mem>>) {add = true}
    %dma_start3A_316 = arith.constant 74 : i32
    %dma_start3A_317 = arith.constant 256 : i32
    %dma_start3A_318 = arith.constant 0 : i32
    %dma_start3A_319 = tpu.memref_slice %arg9[%dma_start3A_317, %dma_start3A_318] : memref<1024x16xf32, #tpu.memory_space<vmem>> -> memref<128x16xf32, #tpu.memory_space<vmem>>
    %dma_start3A_320 = arith.constant 0 : i32
    %dma_start3A_321 = tpu.memref_slice %arg7[%dma_start3A_316, %dma_start3A_320] : memref<80x128xi32, #tpu.memory_space<vmem>> -> memref<1x128xi32, #tpu.memory_space<vmem>>
    %dma_start3A_322 = tpu.memref_squeeze %dma_start3A_321 : memref<1x128xi32, #tpu.memory_space<vmem>> -> memref<128xi32, #tpu.memory_space<vmem>>
    %dma_start3A_323 = arith.constant 0 : i32
    %dma_start3A_324 = arith.constant 0 : i32
    %dma_start3A_325 = tpu.memref_slice %arg11[%dma_start3A_323, %dma_start3A_324] : memref<10240x16xf32, #tpu.memory_space<vmem_shared>> -> memref<10240x16xf32, #tpu.memory_space<vmem_shared>>
    tpu.enqueue_indirect_dma source(%dma_start3A_319 : memref<128x16xf32, #tpu.memory_space<vmem>>) target(%dma_start3A_325 : memref<10240x16xf32, #tpu.memory_space<vmem_shared>>) offsets(%dma_start3A_322 : memref<128xi32, #tpu.memory_space<vmem>>) semaphore(%arg15 : memref<!tpu.dma_semaphore, #tpu.memory_space<semaphore_mem>>) {add = true}
    %dma_start3A_326 = arith.constant 75 : i32
    %dma_start3A_327 = arith.constant 384 : i32
    %dma_start3A_328 = arith.constant 0 : i32
    %dma_start3A_329 = tpu.memref_slice %arg9[%dma_start3A_327, %dma_start3A_328] : memref<1024x16xf32, #tpu.memory_space<vmem>> -> memref<128x16xf32, #tpu.memory_space<vmem>>
    %dma_start3A_330 = arith.constant 0 : i32
    %dma_start3A_331 = tpu.memref_slice %arg7[%dma_start3A_326, %dma_start3A_330] : memref<80x128xi32, #tpu.memory_space<vmem>> -> memref<1x128xi32, #tpu.memory_space<vmem>>
    %dma_start3A_332 = tpu.memref_squeeze %dma_start3A_331 : memref<1x128xi32, #tpu.memory_space<vmem>> -> memref<128xi32, #tpu.memory_space<vmem>>
    %dma_start3A_333 = arith.constant 0 : i32
    %dma_start3A_334 = arith.constant 0 : i32
    %dma_start3A_335 = tpu.memref_slice %arg11[%dma_start3A_333, %dma_start3A_334] : memref<10240x16xf32, #tpu.memory_space<vmem_shared>> -> memref<10240x16xf32, #tpu.memory_space<vmem_shared>>
    tpu.enqueue_indirect_dma source(%dma_start3A_329 : memref<128x16xf32, #tpu.memory_space<vmem>>) target(%dma_start3A_335 : memref<10240x16xf32, #tpu.memory_space<vmem_shared>>) offsets(%dma_start3A_332 : memref<128xi32, #tpu.memory_space<vmem>>) semaphore(%arg15 : memref<!tpu.dma_semaphore, #tpu.memory_space<semaphore_mem>>) {add = true}
    %dma_start3A_336 = arith.constant 76 : i32
    %dma_start3A_337 = arith.constant 512 : i32
    %dma_start3A_338 = arith.constant 0 : i32
    %dma_start3A_339 = tpu.memref_slice %arg9[%dma_start3A_337, %dma_start3A_338] : memref<1024x16xf32, #tpu.memory_space<vmem>> -> memref<128x16xf32, #tpu.memory_space<vmem>>
    %dma_start3A_340 = arith.constant 0 : i32
    %dma_start3A_341 = tpu.memref_slice %arg7[%dma_start3A_336, %dma_start3A_340] : memref<80x128xi32, #tpu.memory_space<vmem>> -> memref<1x128xi32, #tpu.memory_space<vmem>>
    %dma_start3A_342 = tpu.memref_squeeze %dma_start3A_341 : memref<1x128xi32, #tpu.memory_space<vmem>> -> memref<128xi32, #tpu.memory_space<vmem>>
    %dma_start3A_343 = arith.constant 0 : i32
    %dma_start3A_344 = arith.constant 0 : i32
    %dma_start3A_345 = tpu.memref_slice %arg11[%dma_start3A_343, %dma_start3A_344] : memref<10240x16xf32, #tpu.memory_space<vmem_shared>> -> memref<10240x16xf32, #tpu.memory_space<vmem_shared>>
    tpu.enqueue_indirect_dma source(%dma_start3A_339 : memref<128x16xf32, #tpu.memory_space<vmem>>) target(%dma_start3A_345 : memref<10240x16xf32, #tpu.memory_space<vmem_shared>>) offsets(%dma_start3A_342 : memref<128xi32, #tpu.memory_space<vmem>>) semaphore(%arg15 : memref<!tpu.dma_semaphore, #tpu.memory_space<semaphore_mem>>) {add = true}
    %dma_start3A_346 = arith.constant 77 : i32
    %dma_start3A_347 = arith.constant 640 : i32
    %dma_start3A_348 = arith.constant 0 : i32
    %dma_start3A_349 = tpu.memref_slice %arg9[%dma_start3A_347, %dma_start3A_348] : memref<1024x16xf32, #tpu.memory_space<vmem>> -> memref<128x16xf32, #tpu.memory_space<vmem>>
    %dma_start3A_350 = arith.constant 0 : i32
    %dma_start3A_351 = tpu.memref_slice %arg7[%dma_start3A_346, %dma_start3A_350] : memref<80x128xi32, #tpu.memory_space<vmem>> -> memref<1x128xi32, #tpu.memory_space<vmem>>
    %dma_start3A_352 = tpu.memref_squeeze %dma_start3A_351 : memref<1x128xi32, #tpu.memory_space<vmem>> -> memref<128xi32, #tpu.memory_space<vmem>>
    %dma_start3A_353 = arith.constant 0 : i32
    %dma_start3A_354 = arith.constant 0 : i32
    %dma_start3A_355 = tpu.memref_slice %arg11[%dma_start3A_353, %dma_start3A_354] : memref<10240x16xf32, #tpu.memory_space<vmem_shared>> -> memref<10240x16xf32, #tpu.memory_space<vmem_shared>>
    tpu.enqueue_indirect_dma source(%dma_start3A_349 : memref<128x16xf32, #tpu.memory_space<vmem>>) target(%dma_start3A_355 : memref<10240x16xf32, #tpu.memory_space<vmem_shared>>) offsets(%dma_start3A_352 : memref<128xi32, #tpu.memory_space<vmem>>) semaphore(%arg15 : memref<!tpu.dma_semaphore, #tpu.memory_space<semaphore_mem>>) {add = true}
    %dma_start3A_356 = arith.constant 78 : i32
    %dma_start3A_357 = arith.constant 768 : i32
    %dma_start3A_358 = arith.constant 0 : i32
    %dma_start3A_359 = tpu.memref_slice %arg9[%dma_start3A_357, %dma_start3A_358] : memref<1024x16xf32, #tpu.memory_space<vmem>> -> memref<128x16xf32, #tpu.memory_space<vmem>>
    %dma_start3A_360 = arith.constant 0 : i32
    %dma_start3A_361 = tpu.memref_slice %arg7[%dma_start3A_356, %dma_start3A_360] : memref<80x128xi32, #tpu.memory_space<vmem>> -> memref<1x128xi32, #tpu.memory_space<vmem>>
    %dma_start3A_362 = tpu.memref_squeeze %dma_start3A_361 : memref<1x128xi32, #tpu.memory_space<vmem>> -> memref<128xi32, #tpu.memory_space<vmem>>
    %dma_start3A_363 = arith.constant 0 : i32
    %dma_start3A_364 = arith.constant 0 : i32
    %dma_start3A_365 = tpu.memref_slice %arg11[%dma_start3A_363, %dma_start3A_364] : memref<10240x16xf32, #tpu.memory_space<vmem_shared>> -> memref<10240x16xf32, #tpu.memory_space<vmem_shared>>
    tpu.enqueue_indirect_dma source(%dma_start3A_359 : memref<128x16xf32, #tpu.memory_space<vmem>>) target(%dma_start3A_365 : memref<10240x16xf32, #tpu.memory_space<vmem_shared>>) offsets(%dma_start3A_362 : memref<128xi32, #tpu.memory_space<vmem>>) semaphore(%arg15 : memref<!tpu.dma_semaphore, #tpu.memory_space<semaphore_mem>>) {add = true}
    %dma_start3A_366 = arith.constant 79 : i32
    %dma_start3A_367 = arith.constant 896 : i32
    %dma_start3A_368 = arith.constant 0 : i32
    %dma_start3A_369 = tpu.memref_slice %arg9[%dma_start3A_367, %dma_start3A_368] : memref<1024x16xf32, #tpu.memory_space<vmem>> -> memref<128x16xf32, #tpu.memory_space<vmem>>
    %dma_start3A_370 = arith.constant 0 : i32
    %dma_start3A_371 = tpu.memref_slice %arg7[%dma_start3A_366, %dma_start3A_370] : memref<80x128xi32, #tpu.memory_space<vmem>> -> memref<1x128xi32, #tpu.memory_space<vmem>>
    %dma_start3A_372 = tpu.memref_squeeze %dma_start3A_371 : memref<1x128xi32, #tpu.memory_space<vmem>> -> memref<128xi32, #tpu.memory_space<vmem>>
    %dma_start3A_373 = arith.constant 0 : i32
    %dma_start3A_374 = arith.constant 0 : i32
    %dma_start3A_375 = tpu.memref_slice %arg11[%dma_start3A_373, %dma_start3A_374] : memref<10240x16xf32, #tpu.memory_space<vmem_shared>> -> memref<10240x16xf32, #tpu.memory_space<vmem_shared>>
    tpu.enqueue_indirect_dma source(%dma_start3A_369 : memref<128x16xf32, #tpu.memory_space<vmem>>) target(%dma_start3A_375 : memref<10240x16xf32, #tpu.memory_space<vmem_shared>>) offsets(%dma_start3A_372 : memref<128xi32, #tpu.memory_space<vmem>>) semaphore(%arg15 : memref<!tpu.dma_semaphore, #tpu.memory_space<semaphore_mem>>) {add = true}
    %dma_wait3A_376 = arith.constant 0 : i32
    %dma_wait3A_377 = arith.constant 0 : i32
    %dma_wait3A_378 = tpu.memref_slice %arg11[%dma_wait3A_376, %dma_wait3A_377] : memref<10240x16xf32, #tpu.memory_space<vmem_shared>> -> memref<1024x16xf32, #tpu.memory_space<vmem_shared>>
    %dma_wait3A_379 = arith.constant 0 : i32
    %dma_wait3A_380 = arith.constant 0 : i32
    %dma_wait3A_381 = tpu.memref_slice %arg11[%dma_wait3A_379, %dma_wait3A_380] : memref<10240x16xf32, #tpu.memory_space<vmem_shared>> -> memref<1024x16xf32, #tpu.memory_space<vmem_shared>>
    tpu.wait_dma2 semaphore(%arg14 : memref<!tpu.dma_semaphore, #tpu.memory_space<semaphore_mem>>) src(%arg8 : memref<1024x16xf32, #tpu.memory_space<vmem>>) dst(%dma_wait3A_381 : memref<1024x16xf32, #tpu.memory_space<vmem_shared>>)
    %dma_wait3A_382 = arith.constant 0 : i32
    %dma_wait3A_383 = arith.constant 0 : i32
    %dma_wait3A_384 = tpu.memref_slice %arg11[%dma_wait3A_382, %dma_wait3A_383] : memref<10240x16xf32, #tpu.memory_space<vmem_shared>> -> memref<1024x16xf32, #tpu.memory_space<vmem_shared>>
    %dma_wait3A_385 = arith.constant 0 : i32
    %dma_wait3A_386 = arith.constant 0 : i32
    %dma_wait3A_387 = tpu.memref_slice %arg11[%dma_wait3A_385, %dma_wait3A_386] : memref<10240x16xf32, #tpu.memory_space<vmem_shared>> -> memref<1024x16xf32, #tpu.memory_space<vmem_shared>>
    tpu.wait_dma2 semaphore(%arg15 : memref<!tpu.dma_semaphore, #tpu.memory_space<semaphore_mem>>) src(%arg9 : memref<1024x16xf32, #tpu.memory_space<vmem>>) dst(%dma_wait3A_387 : memref<1024x16xf32, #tpu.memory_space<vmem_shared>>)
    %barrier3A_388 = arith.constant 0 : index
    tpu.barrier barrier_id(%barrier3A_388)
    %mul3A_389 = arith.constant 640 : i32
    %mul3A_390 = arith.muli %arg1, %mul3A_389 : i32
    "tpu.region"() ({
      %run_scoped3A = tpu.sem_alloc : memref<!tpu.dma_semaphore, #tpu.memory_space<semaphore_mem>>
      %dma_start3A_393 = arith.constant 0 : i32
      %dma_start3A_394 = tpu.memref_slice %arg11[%mul3A_390, %dma_start3A_393] : memref<10240x16xf32, #tpu.memory_space<vmem_shared>> -> memref<640x16xf32, #tpu.memory_space<vmem_shared>>
      %dma_start3A_395 = arith.constant 0 : i32
      %dma_start3A_396 = tpu.memref_slice %arg11[%mul3A_390, %dma_start3A_395] : memref<10240x16xf32, #tpu.memory_space<vmem_shared>> -> memref<640x16xf32, #tpu.memory_space<vmem_shared>>
      tpu.enqueue_dma source(%dma_start3A_396 : memref<640x16xf32, #tpu.memory_space<vmem_shared>>) target(%arg10 : memref<640x16xf32, #tpu.memory_space<vmem>>) target_semaphore(%run_scoped3A : memref<!tpu.dma_semaphore, #tpu.memory_space<semaphore_mem>>)
      %dma_wait3A_397 = arith.constant 0 : i32
      %dma_wait3A_398 = tpu.memref_slice %arg11[%mul3A_390, %dma_wait3A_397] : memref<10240x16xf32, #tpu.memory_space<vmem_shared>> -> memref<640x16xf32, #tpu.memory_space<vmem_shared>>
      %dma_wait3A_399 = arith.constant 0 : i32
      %dma_wait3A_400 = tpu.memref_slice %arg11[%mul3A_390, %dma_wait3A_399] : memref<10240x16xf32, #tpu.memory_space<vmem_shared>> -> memref<640x16xf32, #tpu.memory_space<vmem_shared>>
      tpu.wait_dma2 semaphore(%run_scoped3A : memref<!tpu.dma_semaphore, #tpu.memory_space<semaphore_mem>>) src(%dma_wait3A_400 : memref<640x16xf32, #tpu.memory_space<vmem_shared>>) dst(%arg10 : memref<640x16xf32, #tpu.memory_space<vmem>>)
      tpu.yield
    }) : () -> ()
    %mul3A_391 = arith.constant 640 : i32
    %mul3A_392 = arith.muli %arg1, %mul3A_391 : i32
    "tpu.region"() ({
      %run_scoped3A = tpu.sem_alloc : memref<!tpu.dma_semaphore, #tpu.memory_space<semaphore_mem>>
      %dma_start3A_393 = arith.constant 0 : i32
      %dma_start3A_394 = tpu.memref_slice %arg5[%arg0, %mul3A_392, %dma_start3A_393] : memref<2x10240x16xf32, #tpu.memory_space<hbm>> -> memref<1x640x16xf32, #tpu.memory_space<hbm>>
      %dma_start3A_395 = tpu.memref_squeeze %dma_start3A_394 : memref<1x640x16xf32, #tpu.memory_space<hbm>> -> memref<640x16xf32, #tpu.memory_space<hbm>>
      %dma_start3A_396 = arith.constant 0 : i32
      %dma_start3A_397 = tpu.memref_slice %arg5[%arg0, %mul3A_392, %dma_start3A_396] : memref<2x10240x16xf32, #tpu.memory_space<hbm>> -> memref<1x640x16xf32, #tpu.memory_space<hbm>>
      %dma_start3A_398 = tpu.memref_squeeze %dma_start3A_397 : memref<1x640x16xf32, #tpu.memory_space<hbm>> -> memref<640x16xf32, #tpu.memory_space<hbm>>
      tpu.enqueue_dma source(%arg10 : memref<640x16xf32, #tpu.memory_space<vmem>>) target(%dma_start3A_398 : memref<640x16xf32, #tpu.memory_space<hbm>>) target_semaphore(%run_scoped3A : memref<!tpu.dma_semaphore, #tpu.memory_space<semaphore_mem>>)
      %dma_wait3A_399 = arith.constant 0 : i32
      %dma_wait3A_400 = tpu.memref_slice %arg5[%arg0, %mul3A_392, %dma_wait3A_399] : memref<2x10240x16xf32, #tpu.memory_space<hbm>> -> memref<1x640x16xf32, #tpu.memory_space<hbm>>
      %dma_wait3A_401 = tpu.memref_squeeze %dma_wait3A_400 : memref<1x640x16xf32, #tpu.memory_space<hbm>> -> memref<640x16xf32, #tpu.memory_space<hbm>>
      %dma_wait3A_402 = arith.constant 0 : i32
      %dma_wait3A_403 = tpu.memref_slice %arg5[%arg0, %mul3A_392, %dma_wait3A_402] : memref<2x10240x16xf32, #tpu.memory_space<hbm>> -> memref<1x640x16xf32, #tpu.memory_space<hbm>>
      %dma_wait3A_404 = tpu.memref_squeeze %dma_wait3A_403 : memref<1x640x16xf32, #tpu.memory_space<hbm>> -> memref<640x16xf32, #tpu.memory_space<hbm>>
      tpu.wait_dma2 semaphore(%run_scoped3A : memref<!tpu.dma_semaphore, #tpu.memory_space<semaphore_mem>>) src(%arg10 : memref<640x16xf32, #tpu.memory_space<vmem>>) dst(%dma_wait3A_404 : memref<640x16xf32, #tpu.memory_space<hbm>>)
      tpu.yield
    }) : () -> ()
    return
  }
}

#map = affine_map<(d0, d1) -> (0, 0, 0)>
#map1 = affine_map<(d0, d1) -> (0, 0)>
module attributes {stable_mosaic.version = 14 : i64} {
  func.func @_sc_agg_body(%arg0: i32, %arg1: i32, %arg2: memref<32x80x128xi32, #tpu.memory_space<hbm>>, %arg3: memref<32x80x128xi32, #tpu.memory_space<hbm>>, %arg4: memref<10240x16xf32, #tpu.memory_space<hbm>>, %arg5: memref<2x10240x16xf32, #tpu.memory_space<hbm>>, %arg6: memref<80x128xi32, #tpu.memory_space<vmem>>, %arg7: memref<80x128xi32, #tpu.memory_space<vmem>>, %arg8: memref<1024x16xf32, #tpu.memory_space<vmem>>, %arg9: memref<1024x16xf32, #tpu.memory_space<vmem>>, %arg10: memref<640x16xf32, #tpu.memory_space<vmem>>, %arg11: memref<10240x16xf32, #tpu.memory_space<vmem_shared>>, %arg12: memref<!tpu.dma_semaphore, #tpu.memory_space<semaphore_mem>>, %arg13: memref<!tpu.dma_semaphore, #tpu.memory_space<semaphore_mem>>, %arg14: memref<!tpu.dma_semaphore, #tpu.memory_space<semaphore_mem>>, %arg15: memref<!tpu.dma_semaphore, #tpu.memory_space<semaphore_mem>>) attributes {dimension_semantics = [#tpu.dimension_semantics<core_parallel>, #tpu.dimension_semantics<subcore_parallel>], iteration_bounds = array<i64: 2, 16>, scalar_prefetch = 0 : i64, scratch_operands = 10 : i64, tpu.core_type = #tpu.core_type<sc_vector_subcore>, window_params = [{transform_indices = #map}, {transform_indices = #map}, {transform_indices = #map1}, {transform_indices = #map}]} {
    %mul3A = arith.constant 16 : i32
    %mul3A_0 = arith.muli %arg0, %mul3A : i32
    %add3A = arith.addi %mul3A_0, %arg1 : i32
    "tpu.region"() ({
      %run_scoped3A = tpu.sem_alloc : memref<!tpu.dma_semaphore, #tpu.memory_space<semaphore_mem>>
      %dma_start3A_393 = arith.constant 0 : i32
      %dma_start3A_394 = arith.constant 0 : i32
      %dma_start3A_395 = tpu.memref_slice %arg2[%add3A, %dma_start3A_393, %dma_start3A_394] : memref<32x80x128xi32, #tpu.memory_space<hbm>> -> memref<1x80x128xi32, #tpu.memory_space<hbm>>
      %dma_start3A_396 = tpu.memref_squeeze %dma_start3A_395 : memref<1x80x128xi32, #tpu.memory_space<hbm>> -> memref<80x128xi32, #tpu.memory_space<hbm>>
      %dma_start3A_397 = arith.constant 0 : i32
      %dma_start3A_398 = arith.constant 0 : i32
      %dma_start3A_399 = tpu.memref_slice %arg2[%add3A, %dma_start3A_397, %dma_start3A_398] : memref<32x80x128xi32, #tpu.memory_space<hbm>> -> memref<1x80x128xi32, #tpu.memory_space<hbm>>
      %dma_start3A_400 = tpu.memref_squeeze %dma_start3A_399 : memref<1x80x128xi32, #tpu.memory_space<hbm>> -> memref<80x128xi32, #tpu.memory_space<hbm>>
      tpu.enqueue_dma source(%dma_start3A_400 : memref<80x128xi32, #tpu.memory_space<hbm>>) target(%arg6 : memref<80x128xi32, #tpu.memory_space<vmem>>) target_semaphore(%run_scoped3A : memref<!tpu.dma_semaphore, #tpu.memory_space<semaphore_mem>>)
      %dma_wait3A_401 = arith.constant 0 : i32
      %dma_wait3A_402 = arith.constant 0 : i32
      %dma_wait3A_403 = tpu.memref_slice %arg2[%add3A, %dma_wait3A_401, %dma_wait3A_402] : memref<32x80x128xi32, #tpu.memory_space<hbm>> -> memref<1x80x128xi32, #tpu.memory_space<hbm>>
      %dma_wait3A_404 = tpu.memref_squeeze %dma_wait3A_403 : memref<1x80x128xi32, #tpu.memory_space<hbm>> -> memref<80x128xi32, #tpu.memory_space<hbm>>
      %dma_wait3A_405 = arith.constant 0 : i32
      %dma_wait3A_406 = arith.constant 0 : i32
      %dma_wait3A_407 = tpu.memref_slice %arg2[%add3A, %dma_wait3A_405, %dma_wait3A_406] : memref<32x80x128xi32, #tpu.memory_space<hbm>> -> memref<1x80x128xi32, #tpu.memory_space<hbm>>
      %dma_wait3A_408 = tpu.memref_squeeze %dma_wait3A_407 : memref<1x80x128xi32, #tpu.memory_space<hbm>> -> memref<80x128xi32, #tpu.memory_space<hbm>>
      tpu.wait_dma2 semaphore(%run_scoped3A : memref<!tpu.dma_semaphore, #tpu.memory_space<semaphore_mem>>) src(%dma_wait3A_408 : memref<80x128xi32, #tpu.memory_space<hbm>>) dst(%arg6 : memref<80x128xi32, #tpu.memory_space<vmem>>)
      tpu.yield
    }) : () -> ()
    "tpu.region"() ({
      %run_scoped3A = tpu.sem_alloc : memref<!tpu.dma_semaphore, #tpu.memory_space<semaphore_mem>>
      %dma_start3A_393 = arith.constant 0 : i32
      %dma_start3A_394 = arith.constant 0 : i32
      %dma_start3A_395 = tpu.memref_slice %arg3[%add3A, %dma_start3A_393, %dma_start3A_394] : memref<32x80x128xi32, #tpu.memory_space<hbm>> -> memref<1x80x128xi32, #tpu.memory_space<hbm>>
      %dma_start3A_396 = tpu.memref_squeeze %dma_start3A_395 : memref<1x80x128xi32, #tpu.memory_space<hbm>> -> memref<80x128xi32, #tpu.memory_space<hbm>>
      %dma_start3A_397 = arith.constant 0 : i32
      %dma_start3A_398 = arith.constant 0 : i32
      %dma_start3A_399 = tpu.memref_slice %arg3[%add3A, %dma_start3A_397, %dma_start3A_398] : memref<32x80x128xi32, #tpu.memory_space<hbm>> -> memref<1x80x128xi32, #tpu.memory_space<hbm>>
      %dma_start3A_400 = tpu.memref_squeeze %dma_start3A_399 : memref<1x80x128xi32, #tpu.memory_space<hbm>> -> memref<80x128xi32, #tpu.memory_space<hbm>>
      tpu.enqueue_dma source(%dma_start3A_400 : memref<80x128xi32, #tpu.memory_space<hbm>>) target(%arg7 : memref<80x128xi32, #tpu.memory_space<vmem>>) target_semaphore(%run_scoped3A : memref<!tpu.dma_semaphore, #tpu.memory_space<semaphore_mem>>)
      %dma_wait3A_401 = arith.constant 0 : i32
      %dma_wait3A_402 = arith.constant 0 : i32
      %dma_wait3A_403 = tpu.memref_slice %arg3[%add3A, %dma_wait3A_401, %dma_wait3A_402] : memref<32x80x128xi32, #tpu.memory_space<hbm>> -> memref<1x80x128xi32, #tpu.memory_space<hbm>>
      %dma_wait3A_404 = tpu.memref_squeeze %dma_wait3A_403 : memref<1x80x128xi32, #tpu.memory_space<hbm>> -> memref<80x128xi32, #tpu.memory_space<hbm>>
      %dma_wait3A_405 = arith.constant 0 : i32
      %dma_wait3A_406 = arith.constant 0 : i32
      %dma_wait3A_407 = tpu.memref_slice %arg3[%add3A, %dma_wait3A_405, %dma_wait3A_406] : memref<32x80x128xi32, #tpu.memory_space<hbm>> -> memref<1x80x128xi32, #tpu.memory_space<hbm>>
      %dma_wait3A_408 = tpu.memref_squeeze %dma_wait3A_407 : memref<1x80x128xi32, #tpu.memory_space<hbm>> -> memref<80x128xi32, #tpu.memory_space<hbm>>
      tpu.wait_dma2 semaphore(%run_scoped3A : memref<!tpu.dma_semaphore, #tpu.memory_space<semaphore_mem>>) src(%dma_wait3A_408 : memref<80x128xi32, #tpu.memory_space<hbm>>) dst(%arg7 : memref<80x128xi32, #tpu.memory_space<vmem>>)
      tpu.yield
    }) : () -> ()
    "tpu.region"() ({
      %run_scoped3A = tpu.sem_alloc : memref<!tpu.dma_semaphore, #tpu.memory_space<semaphore_mem>>
      %dma_start3A_393 = arith.constant 0 : i32
      %dma_start3A_394 = arith.constant 0 : i32
      %dma_start3A_395 = tpu.memref_slice %arg10[%dma_start3A_393, %dma_start3A_394] : memref<640x16xf32, #tpu.memory_space<vmem>> -> memref<64x16xf32, #tpu.memory_space<vmem>>
      %dma_start3A_396 = arith.constant 10000 : i32
      %dma_start3A_397 = arith.constant 0 : i32
      %dma_start3A_398 = tpu.memref_slice %arg4[%dma_start3A_396, %dma_start3A_397] : memref<10240x16xf32, #tpu.memory_space<hbm>> -> memref<64x16xf32, #tpu.memory_space<hbm>>
      %dma_start3A_399 = arith.constant 0 : i32
      %dma_start3A_400 = arith.constant 0 : i32
      %dma_start3A_401 = tpu.memref_slice %arg10[%dma_start3A_399, %dma_start3A_400] : memref<640x16xf32, #tpu.memory_space<vmem>> -> memref<64x16xf32, #tpu.memory_space<vmem>>
      %dma_start3A_402 = arith.constant 10000 : i32
      %dma_start3A_403 = arith.constant 0 : i32
      %dma_start3A_404 = tpu.memref_slice %arg4[%dma_start3A_402, %dma_start3A_403] : memref<10240x16xf32, #tpu.memory_space<hbm>> -> memref<64x16xf32, #tpu.memory_space<hbm>>
      tpu.enqueue_dma source(%dma_start3A_404 : memref<64x16xf32, #tpu.memory_space<hbm>>) target(%dma_start3A_401 : memref<64x16xf32, #tpu.memory_space<vmem>>) target_semaphore(%run_scoped3A : memref<!tpu.dma_semaphore, #tpu.memory_space<semaphore_mem>>)
      %dma_wait3A_405 = arith.constant 0 : i32
      %dma_wait3A_406 = arith.constant 0 : i32
      %dma_wait3A_407 = tpu.memref_slice %arg10[%dma_wait3A_405, %dma_wait3A_406] : memref<640x16xf32, #tpu.memory_space<vmem>> -> memref<64x16xf32, #tpu.memory_space<vmem>>
      %dma_wait3A_408 = arith.constant 10000 : i32
      %dma_wait3A_409 = arith.constant 0 : i32
      %dma_wait3A_410 = tpu.memref_slice %arg4[%dma_wait3A_408, %dma_wait3A_409] : memref<10240x16xf32, #tpu.memory_space<hbm>> -> memref<64x16xf32, #tpu.memory_space<hbm>>
      %dma_wait3A_411 = arith.constant 0 : i32
      %dma_wait3A_412 = arith.constant 0 : i32
      %dma_wait3A_413 = tpu.memref_slice %arg10[%dma_wait3A_411, %dma_wait3A_412] : memref<640x16xf32, #tpu.memory_space<vmem>> -> memref<64x16xf32, #tpu.memory_space<vmem>>
      %dma_wait3A_414 = arith.constant 10000 : i32
      %dma_wait3A_415 = arith.constant 0 : i32
      %dma_wait3A_416 = tpu.memref_slice %arg4[%dma_wait3A_414, %dma_wait3A_415] : memref<10240x16xf32, #tpu.memory_space<hbm>> -> memref<64x16xf32, #tpu.memory_space<hbm>>
      tpu.wait_dma2 semaphore(%run_scoped3A : memref<!tpu.dma_semaphore, #tpu.memory_space<semaphore_mem>>) src(%dma_wait3A_416 : memref<64x16xf32, #tpu.memory_space<hbm>>) dst(%dma_wait3A_413 : memref<64x16xf32, #tpu.memory_space<vmem>>)
      tpu.yield
    }) : () -> ()
    %mul3A_1 = arith.constant 640 : i32
    %mul3A_2 = arith.muli %arg1, %mul3A_1 : i32
    %add3A_3 = arith.constant 0 : i32
    %add3A_4 = arith.addi %mul3A_2, %add3A_3 : i32
    "tpu.region"() ({
      %run_scoped3A = tpu.sem_alloc : memref<!tpu.dma_semaphore, #tpu.memory_space<semaphore_mem>>
      %dma_start3A_393 = arith.constant 0 : i32
      %dma_start3A_394 = arith.constant 0 : i32
      %dma_start3A_395 = tpu.memref_slice %arg10[%dma_start3A_393, %dma_start3A_394] : memref<640x16xf32, #tpu.memory_space<vmem>> -> memref<64x16xf32, #tpu.memory_space<vmem>>
      %dma_start3A_396 = arith.constant 0 : i32
      %dma_start3A_397 = tpu.memref_slice %arg11[%add3A_4, %dma_start3A_396] : memref<10240x16xf32, #tpu.memory_space<vmem_shared>> -> memref<64x16xf32, #tpu.memory_space<vmem_shared>>
      %dma_start3A_398 = arith.constant 0 : i32
      %dma_start3A_399 = tpu.memref_slice %arg11[%add3A_4, %dma_start3A_398] : memref<10240x16xf32, #tpu.memory_space<vmem_shared>> -> memref<64x16xf32, #tpu.memory_space<vmem_shared>>
      %dma_start3A_400 = arith.constant 0 : i32
      %dma_start3A_401 = arith.constant 0 : i32
      %dma_start3A_402 = tpu.memref_slice %arg10[%dma_start3A_400, %dma_start3A_401] : memref<640x16xf32, #tpu.memory_space<vmem>> -> memref<64x16xf32, #tpu.memory_space<vmem>>
      tpu.enqueue_dma source(%dma_start3A_402 : memref<64x16xf32, #tpu.memory_space<vmem>>) target(%dma_start3A_399 : memref<64x16xf32, #tpu.memory_space<vmem_shared>>) target_semaphore(%run_scoped3A : memref<!tpu.dma_semaphore, #tpu.memory_space<semaphore_mem>>)
      %dma_wait3A_403 = arith.constant 0 : i32
      %dma_wait3A_404 = arith.constant 0 : i32
      %dma_wait3A_405 = tpu.memref_slice %arg10[%dma_wait3A_403, %dma_wait3A_404] : memref<640x16xf32, #tpu.memory_space<vmem>> -> memref<64x16xf32, #tpu.memory_space<vmem>>
      %dma_wait3A_406 = arith.constant 0 : i32
      %dma_wait3A_407 = tpu.memref_slice %arg11[%add3A_4, %dma_wait3A_406] : memref<10240x16xf32, #tpu.memory_space<vmem_shared>> -> memref<64x16xf32, #tpu.memory_space<vmem_shared>>
      %dma_wait3A_408 = arith.constant 0 : i32
      %dma_wait3A_409 = tpu.memref_slice %arg11[%add3A_4, %dma_wait3A_408] : memref<10240x16xf32, #tpu.memory_space<vmem_shared>> -> memref<64x16xf32, #tpu.memory_space<vmem_shared>>
      %dma_wait3A_410 = arith.constant 0 : i32
      %dma_wait3A_411 = arith.constant 0 : i32
      %dma_wait3A_412 = tpu.memref_slice %arg10[%dma_wait3A_410, %dma_wait3A_411] : memref<640x16xf32, #tpu.memory_space<vmem>> -> memref<64x16xf32, #tpu.memory_space<vmem>>
      tpu.wait_dma2 semaphore(%run_scoped3A : memref<!tpu.dma_semaphore, #tpu.memory_space<semaphore_mem>>) src(%dma_wait3A_412 : memref<64x16xf32, #tpu.memory_space<vmem>>) dst(%dma_wait3A_409 : memref<64x16xf32, #tpu.memory_space<vmem_shared>>)
      tpu.yield
    }) : () -> ()
    %mul3A_5 = arith.constant 640 : i32
    %mul3A_6 = arith.muli %arg1, %mul3A_5 : i32
    %add3A_7 = arith.constant 64 : i32
    %add3A_8 = arith.addi %mul3A_6, %add3A_7 : i32
    "tpu.region"() ({
      %run_scoped3A = tpu.sem_alloc : memref<!tpu.dma_semaphore, #tpu.memory_space<semaphore_mem>>
      %dma_start3A_393 = arith.constant 0 : i32
      %dma_start3A_394 = arith.constant 0 : i32
      %dma_start3A_395 = tpu.memref_slice %arg10[%dma_start3A_393, %dma_start3A_394] : memref<640x16xf32, #tpu.memory_space<vmem>> -> memref<64x16xf32, #tpu.memory_space<vmem>>
      %dma_start3A_396 = arith.constant 0 : i32
      %dma_start3A_397 = tpu.memref_slice %arg11[%add3A_8, %dma_start3A_396] : memref<10240x16xf32, #tpu.memory_space<vmem_shared>> -> memref<64x16xf32, #tpu.memory_space<vmem_shared>>
      %dma_start3A_398 = arith.constant 0 : i32
      %dma_start3A_399 = tpu.memref_slice %arg11[%add3A_8, %dma_start3A_398] : memref<10240x16xf32, #tpu.memory_space<vmem_shared>> -> memref<64x16xf32, #tpu.memory_space<vmem_shared>>
      %dma_start3A_400 = arith.constant 0 : i32
      %dma_start3A_401 = arith.constant 0 : i32
      %dma_start3A_402 = tpu.memref_slice %arg10[%dma_start3A_400, %dma_start3A_401] : memref<640x16xf32, #tpu.memory_space<vmem>> -> memref<64x16xf32, #tpu.memory_space<vmem>>
      tpu.enqueue_dma source(%dma_start3A_402 : memref<64x16xf32, #tpu.memory_space<vmem>>) target(%dma_start3A_399 : memref<64x16xf32, #tpu.memory_space<vmem_shared>>) target_semaphore(%run_scoped3A : memref<!tpu.dma_semaphore, #tpu.memory_space<semaphore_mem>>)
      %dma_wait3A_403 = arith.constant 0 : i32
      %dma_wait3A_404 = arith.constant 0 : i32
      %dma_wait3A_405 = tpu.memref_slice %arg10[%dma_wait3A_403, %dma_wait3A_404] : memref<640x16xf32, #tpu.memory_space<vmem>> -> memref<64x16xf32, #tpu.memory_space<vmem>>
      %dma_wait3A_406 = arith.constant 0 : i32
      %dma_wait3A_407 = tpu.memref_slice %arg11[%add3A_8, %dma_wait3A_406] : memref<10240x16xf32, #tpu.memory_space<vmem_shared>> -> memref<64x16xf32, #tpu.memory_space<vmem_shared>>
      %dma_wait3A_408 = arith.constant 0 : i32
      %dma_wait3A_409 = tpu.memref_slice %arg11[%add3A_8, %dma_wait3A_408] : memref<10240x16xf32, #tpu.memory_space<vmem_shared>> -> memref<64x16xf32, #tpu.memory_space<vmem_shared>>
      %dma_wait3A_410 = arith.constant 0 : i32
      %dma_wait3A_411 = arith.constant 0 : i32
      %dma_wait3A_412 = tpu.memref_slice %arg10[%dma_wait3A_410, %dma_wait3A_411] : memref<640x16xf32, #tpu.memory_space<vmem>> -> memref<64x16xf32, #tpu.memory_space<vmem>>
      tpu.wait_dma2 semaphore(%run_scoped3A : memref<!tpu.dma_semaphore, #tpu.memory_space<semaphore_mem>>) src(%dma_wait3A_412 : memref<64x16xf32, #tpu.memory_space<vmem>>) dst(%dma_wait3A_409 : memref<64x16xf32, #tpu.memory_space<vmem_shared>>)
      tpu.yield
    }) : () -> ()
    %mul3A_9 = arith.constant 640 : i32
    %mul3A_10 = arith.muli %arg1, %mul3A_9 : i32
    %add3A_11 = arith.constant 128 : i32
    %add3A_12 = arith.addi %mul3A_10, %add3A_11 : i32
    "tpu.region"() ({
      %run_scoped3A = tpu.sem_alloc : memref<!tpu.dma_semaphore, #tpu.memory_space<semaphore_mem>>
      %dma_start3A_393 = arith.constant 0 : i32
      %dma_start3A_394 = arith.constant 0 : i32
      %dma_start3A_395 = tpu.memref_slice %arg10[%dma_start3A_393, %dma_start3A_394] : memref<640x16xf32, #tpu.memory_space<vmem>> -> memref<64x16xf32, #tpu.memory_space<vmem>>
      %dma_start3A_396 = arith.constant 0 : i32
      %dma_start3A_397 = tpu.memref_slice %arg11[%add3A_12, %dma_start3A_396] : memref<10240x16xf32, #tpu.memory_space<vmem_shared>> -> memref<64x16xf32, #tpu.memory_space<vmem_shared>>
      %dma_start3A_398 = arith.constant 0 : i32
      %dma_start3A_399 = tpu.memref_slice %arg11[%add3A_12, %dma_start3A_398] : memref<10240x16xf32, #tpu.memory_space<vmem_shared>> -> memref<64x16xf32, #tpu.memory_space<vmem_shared>>
      %dma_start3A_400 = arith.constant 0 : i32
      %dma_start3A_401 = arith.constant 0 : i32
      %dma_start3A_402 = tpu.memref_slice %arg10[%dma_start3A_400, %dma_start3A_401] : memref<640x16xf32, #tpu.memory_space<vmem>> -> memref<64x16xf32, #tpu.memory_space<vmem>>
      tpu.enqueue_dma source(%dma_start3A_402 : memref<64x16xf32, #tpu.memory_space<vmem>>) target(%dma_start3A_399 : memref<64x16xf32, #tpu.memory_space<vmem_shared>>) target_semaphore(%run_scoped3A : memref<!tpu.dma_semaphore, #tpu.memory_space<semaphore_mem>>)
      %dma_wait3A_403 = arith.constant 0 : i32
      %dma_wait3A_404 = arith.constant 0 : i32
      %dma_wait3A_405 = tpu.memref_slice %arg10[%dma_wait3A_403, %dma_wait3A_404] : memref<640x16xf32, #tpu.memory_space<vmem>> -> memref<64x16xf32, #tpu.memory_space<vmem>>
      %dma_wait3A_406 = arith.constant 0 : i32
      %dma_wait3A_407 = tpu.memref_slice %arg11[%add3A_12, %dma_wait3A_406] : memref<10240x16xf32, #tpu.memory_space<vmem_shared>> -> memref<64x16xf32, #tpu.memory_space<vmem_shared>>
      %dma_wait3A_408 = arith.constant 0 : i32
      %dma_wait3A_409 = tpu.memref_slice %arg11[%add3A_12, %dma_wait3A_408] : memref<10240x16xf32, #tpu.memory_space<vmem_shared>> -> memref<64x16xf32, #tpu.memory_space<vmem_shared>>
      %dma_wait3A_410 = arith.constant 0 : i32
      %dma_wait3A_411 = arith.constant 0 : i32
      %dma_wait3A_412 = tpu.memref_slice %arg10[%dma_wait3A_410, %dma_wait3A_411] : memref<640x16xf32, #tpu.memory_space<vmem>> -> memref<64x16xf32, #tpu.memory_space<vmem>>
      tpu.wait_dma2 semaphore(%run_scoped3A : memref<!tpu.dma_semaphore, #tpu.memory_space<semaphore_mem>>) src(%dma_wait3A_412 : memref<64x16xf32, #tpu.memory_space<vmem>>) dst(%dma_wait3A_409 : memref<64x16xf32, #tpu.memory_space<vmem_shared>>)
      tpu.yield
    }) : () -> ()
    %mul3A_13 = arith.constant 640 : i32
    %mul3A_14 = arith.muli %arg1, %mul3A_13 : i32
    %add3A_15 = arith.constant 192 : i32
    %add3A_16 = arith.addi %mul3A_14, %add3A_15 : i32
    "tpu.region"() ({
      %run_scoped3A = tpu.sem_alloc : memref<!tpu.dma_semaphore, #tpu.memory_space<semaphore_mem>>
      %dma_start3A_393 = arith.constant 0 : i32
      %dma_start3A_394 = arith.constant 0 : i32
      %dma_start3A_395 = tpu.memref_slice %arg10[%dma_start3A_393, %dma_start3A_394] : memref<640x16xf32, #tpu.memory_space<vmem>> -> memref<64x16xf32, #tpu.memory_space<vmem>>
      %dma_start3A_396 = arith.constant 0 : i32
      %dma_start3A_397 = tpu.memref_slice %arg11[%add3A_16, %dma_start3A_396] : memref<10240x16xf32, #tpu.memory_space<vmem_shared>> -> memref<64x16xf32, #tpu.memory_space<vmem_shared>>
      %dma_start3A_398 = arith.constant 0 : i32
      %dma_start3A_399 = tpu.memref_slice %arg11[%add3A_16, %dma_start3A_398] : memref<10240x16xf32, #tpu.memory_space<vmem_shared>> -> memref<64x16xf32, #tpu.memory_space<vmem_shared>>
      %dma_start3A_400 = arith.constant 0 : i32
      %dma_start3A_401 = arith.constant 0 : i32
      %dma_start3A_402 = tpu.memref_slice %arg10[%dma_start3A_400, %dma_start3A_401] : memref<640x16xf32, #tpu.memory_space<vmem>> -> memref<64x16xf32, #tpu.memory_space<vmem>>
      tpu.enqueue_dma source(%dma_start3A_402 : memref<64x16xf32, #tpu.memory_space<vmem>>) target(%dma_start3A_399 : memref<64x16xf32, #tpu.memory_space<vmem_shared>>) target_semaphore(%run_scoped3A : memref<!tpu.dma_semaphore, #tpu.memory_space<semaphore_mem>>)
      %dma_wait3A_403 = arith.constant 0 : i32
      %dma_wait3A_404 = arith.constant 0 : i32
      %dma_wait3A_405 = tpu.memref_slice %arg10[%dma_wait3A_403, %dma_wait3A_404] : memref<640x16xf32, #tpu.memory_space<vmem>> -> memref<64x16xf32, #tpu.memory_space<vmem>>
      %dma_wait3A_406 = arith.constant 0 : i32
      %dma_wait3A_407 = tpu.memref_slice %arg11[%add3A_16, %dma_wait3A_406] : memref<10240x16xf32, #tpu.memory_space<vmem_shared>> -> memref<64x16xf32, #tpu.memory_space<vmem_shared>>
      %dma_wait3A_408 = arith.constant 0 : i32
      %dma_wait3A_409 = tpu.memref_slice %arg11[%add3A_16, %dma_wait3A_408] : memref<10240x16xf32, #tpu.memory_space<vmem_shared>> -> memref<64x16xf32, #tpu.memory_space<vmem_shared>>
      %dma_wait3A_410 = arith.constant 0 : i32
      %dma_wait3A_411 = arith.constant 0 : i32
      %dma_wait3A_412 = tpu.memref_slice %arg10[%dma_wait3A_410, %dma_wait3A_411] : memref<640x16xf32, #tpu.memory_space<vmem>> -> memref<64x16xf32, #tpu.memory_space<vmem>>
      tpu.wait_dma2 semaphore(%run_scoped3A : memref<!tpu.dma_semaphore, #tpu.memory_space<semaphore_mem>>) src(%dma_wait3A_412 : memref<64x16xf32, #tpu.memory_space<vmem>>) dst(%dma_wait3A_409 : memref<64x16xf32, #tpu.memory_space<vmem_shared>>)
      tpu.yield
    }) : () -> ()
    %mul3A_17 = arith.constant 640 : i32
    %mul3A_18 = arith.muli %arg1, %mul3A_17 : i32
    %add3A_19 = arith.constant 256 : i32
    %add3A_20 = arith.addi %mul3A_18, %add3A_19 : i32
    "tpu.region"() ({
      %run_scoped3A = tpu.sem_alloc : memref<!tpu.dma_semaphore, #tpu.memory_space<semaphore_mem>>
      %dma_start3A_393 = arith.constant 0 : i32
      %dma_start3A_394 = arith.constant 0 : i32
      %dma_start3A_395 = tpu.memref_slice %arg10[%dma_start3A_393, %dma_start3A_394] : memref<640x16xf32, #tpu.memory_space<vmem>> -> memref<64x16xf32, #tpu.memory_space<vmem>>
      %dma_start3A_396 = arith.constant 0 : i32
      %dma_start3A_397 = tpu.memref_slice %arg11[%add3A_20, %dma_start3A_396] : memref<10240x16xf32, #tpu.memory_space<vmem_shared>> -> memref<64x16xf32, #tpu.memory_space<vmem_shared>>
      %dma_start3A_398 = arith.constant 0 : i32
      %dma_start3A_399 = tpu.memref_slice %arg11[%add3A_20, %dma_start3A_398] : memref<10240x16xf32, #tpu.memory_space<vmem_shared>> -> memref<64x16xf32, #tpu.memory_space<vmem_shared>>
      %dma_start3A_400 = arith.constant 0 : i32
      %dma_start3A_401 = arith.constant 0 : i32
      %dma_start3A_402 = tpu.memref_slice %arg10[%dma_start3A_400, %dma_start3A_401] : memref<640x16xf32, #tpu.memory_space<vmem>> -> memref<64x16xf32, #tpu.memory_space<vmem>>
      tpu.enqueue_dma source(%dma_start3A_402 : memref<64x16xf32, #tpu.memory_space<vmem>>) target(%dma_start3A_399 : memref<64x16xf32, #tpu.memory_space<vmem_shared>>) target_semaphore(%run_scoped3A : memref<!tpu.dma_semaphore, #tpu.memory_space<semaphore_mem>>)
      %dma_wait3A_403 = arith.constant 0 : i32
      %dma_wait3A_404 = arith.constant 0 : i32
      %dma_wait3A_405 = tpu.memref_slice %arg10[%dma_wait3A_403, %dma_wait3A_404] : memref<640x16xf32, #tpu.memory_space<vmem>> -> memref<64x16xf32, #tpu.memory_space<vmem>>
      %dma_wait3A_406 = arith.constant 0 : i32
      %dma_wait3A_407 = tpu.memref_slice %arg11[%add3A_20, %dma_wait3A_406] : memref<10240x16xf32, #tpu.memory_space<vmem_shared>> -> memref<64x16xf32, #tpu.memory_space<vmem_shared>>
      %dma_wait3A_408 = arith.constant 0 : i32
      %dma_wait3A_409 = tpu.memref_slice %arg11[%add3A_20, %dma_wait3A_408] : memref<10240x16xf32, #tpu.memory_space<vmem_shared>> -> memref<64x16xf32, #tpu.memory_space<vmem_shared>>
      %dma_wait3A_410 = arith.constant 0 : i32
      %dma_wait3A_411 = arith.constant 0 : i32
      %dma_wait3A_412 = tpu.memref_slice %arg10[%dma_wait3A_410, %dma_wait3A_411] : memref<640x16xf32, #tpu.memory_space<vmem>> -> memref<64x16xf32, #tpu.memory_space<vmem>>
      tpu.wait_dma2 semaphore(%run_scoped3A : memref<!tpu.dma_semaphore, #tpu.memory_space<semaphore_mem>>) src(%dma_wait3A_412 : memref<64x16xf32, #tpu.memory_space<vmem>>) dst(%dma_wait3A_409 : memref<64x16xf32, #tpu.memory_space<vmem_shared>>)
      tpu.yield
    }) : () -> ()
    %mul3A_21 = arith.constant 640 : i32
    %mul3A_22 = arith.muli %arg1, %mul3A_21 : i32
    %add3A_23 = arith.constant 320 : i32
    %add3A_24 = arith.addi %mul3A_22, %add3A_23 : i32
    "tpu.region"() ({
      %run_scoped3A = tpu.sem_alloc : memref<!tpu.dma_semaphore, #tpu.memory_space<semaphore_mem>>
      %dma_start3A_393 = arith.constant 0 : i32
      %dma_start3A_394 = arith.constant 0 : i32
      %dma_start3A_395 = tpu.memref_slice %arg10[%dma_start3A_393, %dma_start3A_394] : memref<640x16xf32, #tpu.memory_space<vmem>> -> memref<64x16xf32, #tpu.memory_space<vmem>>
      %dma_start3A_396 = arith.constant 0 : i32
      %dma_start3A_397 = tpu.memref_slice %arg11[%add3A_24, %dma_start3A_396] : memref<10240x16xf32, #tpu.memory_space<vmem_shared>> -> memref<64x16xf32, #tpu.memory_space<vmem_shared>>
      %dma_start3A_398 = arith.constant 0 : i32
      %dma_start3A_399 = tpu.memref_slice %arg11[%add3A_24, %dma_start3A_398] : memref<10240x16xf32, #tpu.memory_space<vmem_shared>> -> memref<64x16xf32, #tpu.memory_space<vmem_shared>>
      %dma_start3A_400 = arith.constant 0 : i32
      %dma_start3A_401 = arith.constant 0 : i32
      %dma_start3A_402 = tpu.memref_slice %arg10[%dma_start3A_400, %dma_start3A_401] : memref<640x16xf32, #tpu.memory_space<vmem>> -> memref<64x16xf32, #tpu.memory_space<vmem>>
      tpu.enqueue_dma source(%dma_start3A_402 : memref<64x16xf32, #tpu.memory_space<vmem>>) target(%dma_start3A_399 : memref<64x16xf32, #tpu.memory_space<vmem_shared>>) target_semaphore(%run_scoped3A : memref<!tpu.dma_semaphore, #tpu.memory_space<semaphore_mem>>)
      %dma_wait3A_403 = arith.constant 0 : i32
      %dma_wait3A_404 = arith.constant 0 : i32
      %dma_wait3A_405 = tpu.memref_slice %arg10[%dma_wait3A_403, %dma_wait3A_404] : memref<640x16xf32, #tpu.memory_space<vmem>> -> memref<64x16xf32, #tpu.memory_space<vmem>>
      %dma_wait3A_406 = arith.constant 0 : i32
      %dma_wait3A_407 = tpu.memref_slice %arg11[%add3A_24, %dma_wait3A_406] : memref<10240x16xf32, #tpu.memory_space<vmem_shared>> -> memref<64x16xf32, #tpu.memory_space<vmem_shared>>
      %dma_wait3A_408 = arith.constant 0 : i32
      %dma_wait3A_409 = tpu.memref_slice %arg11[%add3A_24, %dma_wait3A_408] : memref<10240x16xf32, #tpu.memory_space<vmem_shared>> -> memref<64x16xf32, #tpu.memory_space<vmem_shared>>
      %dma_wait3A_410 = arith.constant 0 : i32
      %dma_wait3A_411 = arith.constant 0 : i32
      %dma_wait3A_412 = tpu.memref_slice %arg10[%dma_wait3A_410, %dma_wait3A_411] : memref<640x16xf32, #tpu.memory_space<vmem>> -> memref<64x16xf32, #tpu.memory_space<vmem>>
      tpu.wait_dma2 semaphore(%run_scoped3A : memref<!tpu.dma_semaphore, #tpu.memory_space<semaphore_mem>>) src(%dma_wait3A_412 : memref<64x16xf32, #tpu.memory_space<vmem>>) dst(%dma_wait3A_409 : memref<64x16xf32, #tpu.memory_space<vmem_shared>>)
      tpu.yield
    }) : () -> ()
    %mul3A_25 = arith.constant 640 : i32
    %mul3A_26 = arith.muli %arg1, %mul3A_25 : i32
    %add3A_27 = arith.constant 384 : i32
    %add3A_28 = arith.addi %mul3A_26, %add3A_27 : i32
    "tpu.region"() ({
      %run_scoped3A = tpu.sem_alloc : memref<!tpu.dma_semaphore, #tpu.memory_space<semaphore_mem>>
      %dma_start3A_393 = arith.constant 0 : i32
      %dma_start3A_394 = arith.constant 0 : i32
      %dma_start3A_395 = tpu.memref_slice %arg10[%dma_start3A_393, %dma_start3A_394] : memref<640x16xf32, #tpu.memory_space<vmem>> -> memref<64x16xf32, #tpu.memory_space<vmem>>
      %dma_start3A_396 = arith.constant 0 : i32
      %dma_start3A_397 = tpu.memref_slice %arg11[%add3A_28, %dma_start3A_396] : memref<10240x16xf32, #tpu.memory_space<vmem_shared>> -> memref<64x16xf32, #tpu.memory_space<vmem_shared>>
      %dma_start3A_398 = arith.constant 0 : i32
      %dma_start3A_399 = tpu.memref_slice %arg11[%add3A_28, %dma_start3A_398] : memref<10240x16xf32, #tpu.memory_space<vmem_shared>> -> memref<64x16xf32, #tpu.memory_space<vmem_shared>>
      %dma_start3A_400 = arith.constant 0 : i32
      %dma_start3A_401 = arith.constant 0 : i32
      %dma_start3A_402 = tpu.memref_slice %arg10[%dma_start3A_400, %dma_start3A_401] : memref<640x16xf32, #tpu.memory_space<vmem>> -> memref<64x16xf32, #tpu.memory_space<vmem>>
      tpu.enqueue_dma source(%dma_start3A_402 : memref<64x16xf32, #tpu.memory_space<vmem>>) target(%dma_start3A_399 : memref<64x16xf32, #tpu.memory_space<vmem_shared>>) target_semaphore(%run_scoped3A : memref<!tpu.dma_semaphore, #tpu.memory_space<semaphore_mem>>)
      %dma_wait3A_403 = arith.constant 0 : i32
      %dma_wait3A_404 = arith.constant 0 : i32
      %dma_wait3A_405 = tpu.memref_slice %arg10[%dma_wait3A_403, %dma_wait3A_404] : memref<640x16xf32, #tpu.memory_space<vmem>> -> memref<64x16xf32, #tpu.memory_space<vmem>>
      %dma_wait3A_406 = arith.constant 0 : i32
      %dma_wait3A_407 = tpu.memref_slice %arg11[%add3A_28, %dma_wait3A_406] : memref<10240x16xf32, #tpu.memory_space<vmem_shared>> -> memref<64x16xf32, #tpu.memory_space<vmem_shared>>
      %dma_wait3A_408 = arith.constant 0 : i32
      %dma_wait3A_409 = tpu.memref_slice %arg11[%add3A_28, %dma_wait3A_408] : memref<10240x16xf32, #tpu.memory_space<vmem_shared>> -> memref<64x16xf32, #tpu.memory_space<vmem_shared>>
      %dma_wait3A_410 = arith.constant 0 : i32
      %dma_wait3A_411 = arith.constant 0 : i32
      %dma_wait3A_412 = tpu.memref_slice %arg10[%dma_wait3A_410, %dma_wait3A_411] : memref<640x16xf32, #tpu.memory_space<vmem>> -> memref<64x16xf32, #tpu.memory_space<vmem>>
      tpu.wait_dma2 semaphore(%run_scoped3A : memref<!tpu.dma_semaphore, #tpu.memory_space<semaphore_mem>>) src(%dma_wait3A_412 : memref<64x16xf32, #tpu.memory_space<vmem>>) dst(%dma_wait3A_409 : memref<64x16xf32, #tpu.memory_space<vmem_shared>>)
      tpu.yield
    }) : () -> ()
    %mul3A_29 = arith.constant 640 : i32
    %mul3A_30 = arith.muli %arg1, %mul3A_29 : i32
    %add3A_31 = arith.constant 448 : i32
    %add3A_32 = arith.addi %mul3A_30, %add3A_31 : i32
    "tpu.region"() ({
      %run_scoped3A = tpu.sem_alloc : memref<!tpu.dma_semaphore, #tpu.memory_space<semaphore_mem>>
      %dma_start3A_393 = arith.constant 0 : i32
      %dma_start3A_394 = arith.constant 0 : i32
      %dma_start3A_395 = tpu.memref_slice %arg10[%dma_start3A_393, %dma_start3A_394] : memref<640x16xf32, #tpu.memory_space<vmem>> -> memref<64x16xf32, #tpu.memory_space<vmem>>
      %dma_start3A_396 = arith.constant 0 : i32
      %dma_start3A_397 = tpu.memref_slice %arg11[%add3A_32, %dma_start3A_396] : memref<10240x16xf32, #tpu.memory_space<vmem_shared>> -> memref<64x16xf32, #tpu.memory_space<vmem_shared>>
      %dma_start3A_398 = arith.constant 0 : i32
      %dma_start3A_399 = tpu.memref_slice %arg11[%add3A_32, %dma_start3A_398] : memref<10240x16xf32, #tpu.memory_space<vmem_shared>> -> memref<64x16xf32, #tpu.memory_space<vmem_shared>>
      %dma_start3A_400 = arith.constant 0 : i32
      %dma_start3A_401 = arith.constant 0 : i32
      %dma_start3A_402 = tpu.memref_slice %arg10[%dma_start3A_400, %dma_start3A_401] : memref<640x16xf32, #tpu.memory_space<vmem>> -> memref<64x16xf32, #tpu.memory_space<vmem>>
      tpu.enqueue_dma source(%dma_start3A_402 : memref<64x16xf32, #tpu.memory_space<vmem>>) target(%dma_start3A_399 : memref<64x16xf32, #tpu.memory_space<vmem_shared>>) target_semaphore(%run_scoped3A : memref<!tpu.dma_semaphore, #tpu.memory_space<semaphore_mem>>)
      %dma_wait3A_403 = arith.constant 0 : i32
      %dma_wait3A_404 = arith.constant 0 : i32
      %dma_wait3A_405 = tpu.memref_slice %arg10[%dma_wait3A_403, %dma_wait3A_404] : memref<640x16xf32, #tpu.memory_space<vmem>> -> memref<64x16xf32, #tpu.memory_space<vmem>>
      %dma_wait3A_406 = arith.constant 0 : i32
      %dma_wait3A_407 = tpu.memref_slice %arg11[%add3A_32, %dma_wait3A_406] : memref<10240x16xf32, #tpu.memory_space<vmem_shared>> -> memref<64x16xf32, #tpu.memory_space<vmem_shared>>
      %dma_wait3A_408 = arith.constant 0 : i32
      %dma_wait3A_409 = tpu.memref_slice %arg11[%add3A_32, %dma_wait3A_408] : memref<10240x16xf32, #tpu.memory_space<vmem_shared>> -> memref<64x16xf32, #tpu.memory_space<vmem_shared>>
      %dma_wait3A_410 = arith.constant 0 : i32
      %dma_wait3A_411 = arith.constant 0 : i32
      %dma_wait3A_412 = tpu.memref_slice %arg10[%dma_wait3A_410, %dma_wait3A_411] : memref<640x16xf32, #tpu.memory_space<vmem>> -> memref<64x16xf32, #tpu.memory_space<vmem>>
      tpu.wait_dma2 semaphore(%run_scoped3A : memref<!tpu.dma_semaphore, #tpu.memory_space<semaphore_mem>>) src(%dma_wait3A_412 : memref<64x16xf32, #tpu.memory_space<vmem>>) dst(%dma_wait3A_409 : memref<64x16xf32, #tpu.memory_space<vmem_shared>>)
      tpu.yield
    }) : () -> ()
    %mul3A_33 = arith.constant 640 : i32
    %mul3A_34 = arith.muli %arg1, %mul3A_33 : i32
    %add3A_35 = arith.constant 512 : i32
    %add3A_36 = arith.addi %mul3A_34, %add3A_35 : i32
    "tpu.region"() ({
      %run_scoped3A = tpu.sem_alloc : memref<!tpu.dma_semaphore, #tpu.memory_space<semaphore_mem>>
      %dma_start3A_393 = arith.constant 0 : i32
      %dma_start3A_394 = arith.constant 0 : i32
      %dma_start3A_395 = tpu.memref_slice %arg10[%dma_start3A_393, %dma_start3A_394] : memref<640x16xf32, #tpu.memory_space<vmem>> -> memref<64x16xf32, #tpu.memory_space<vmem>>
      %dma_start3A_396 = arith.constant 0 : i32
      %dma_start3A_397 = tpu.memref_slice %arg11[%add3A_36, %dma_start3A_396] : memref<10240x16xf32, #tpu.memory_space<vmem_shared>> -> memref<64x16xf32, #tpu.memory_space<vmem_shared>>
      %dma_start3A_398 = arith.constant 0 : i32
      %dma_start3A_399 = tpu.memref_slice %arg11[%add3A_36, %dma_start3A_398] : memref<10240x16xf32, #tpu.memory_space<vmem_shared>> -> memref<64x16xf32, #tpu.memory_space<vmem_shared>>
      %dma_start3A_400 = arith.constant 0 : i32
      %dma_start3A_401 = arith.constant 0 : i32
      %dma_start3A_402 = tpu.memref_slice %arg10[%dma_start3A_400, %dma_start3A_401] : memref<640x16xf32, #tpu.memory_space<vmem>> -> memref<64x16xf32, #tpu.memory_space<vmem>>
      tpu.enqueue_dma source(%dma_start3A_402 : memref<64x16xf32, #tpu.memory_space<vmem>>) target(%dma_start3A_399 : memref<64x16xf32, #tpu.memory_space<vmem_shared>>) target_semaphore(%run_scoped3A : memref<!tpu.dma_semaphore, #tpu.memory_space<semaphore_mem>>)
      %dma_wait3A_403 = arith.constant 0 : i32
      %dma_wait3A_404 = arith.constant 0 : i32
      %dma_wait3A_405 = tpu.memref_slice %arg10[%dma_wait3A_403, %dma_wait3A_404] : memref<640x16xf32, #tpu.memory_space<vmem>> -> memref<64x16xf32, #tpu.memory_space<vmem>>
      %dma_wait3A_406 = arith.constant 0 : i32
      %dma_wait3A_407 = tpu.memref_slice %arg11[%add3A_36, %dma_wait3A_406] : memref<10240x16xf32, #tpu.memory_space<vmem_shared>> -> memref<64x16xf32, #tpu.memory_space<vmem_shared>>
      %dma_wait3A_408 = arith.constant 0 : i32
      %dma_wait3A_409 = tpu.memref_slice %arg11[%add3A_36, %dma_wait3A_408] : memref<10240x16xf32, #tpu.memory_space<vmem_shared>> -> memref<64x16xf32, #tpu.memory_space<vmem_shared>>
      %dma_wait3A_410 = arith.constant 0 : i32
      %dma_wait3A_411 = arith.constant 0 : i32
      %dma_wait3A_412 = tpu.memref_slice %arg10[%dma_wait3A_410, %dma_wait3A_411] : memref<640x16xf32, #tpu.memory_space<vmem>> -> memref<64x16xf32, #tpu.memory_space<vmem>>
      tpu.wait_dma2 semaphore(%run_scoped3A : memref<!tpu.dma_semaphore, #tpu.memory_space<semaphore_mem>>) src(%dma_wait3A_412 : memref<64x16xf32, #tpu.memory_space<vmem>>) dst(%dma_wait3A_409 : memref<64x16xf32, #tpu.memory_space<vmem_shared>>)
      tpu.yield
    }) : () -> ()
    %mul3A_37 = arith.constant 640 : i32
    %mul3A_38 = arith.muli %arg1, %mul3A_37 : i32
    %add3A_39 = arith.constant 576 : i32
    %add3A_40 = arith.addi %mul3A_38, %add3A_39 : i32
    "tpu.region"() ({
      %run_scoped3A = tpu.sem_alloc : memref<!tpu.dma_semaphore, #tpu.memory_space<semaphore_mem>>
      %dma_start3A_393 = arith.constant 0 : i32
      %dma_start3A_394 = arith.constant 0 : i32
      %dma_start3A_395 = tpu.memref_slice %arg10[%dma_start3A_393, %dma_start3A_394] : memref<640x16xf32, #tpu.memory_space<vmem>> -> memref<64x16xf32, #tpu.memory_space<vmem>>
      %dma_start3A_396 = arith.constant 0 : i32
      %dma_start3A_397 = tpu.memref_slice %arg11[%add3A_40, %dma_start3A_396] : memref<10240x16xf32, #tpu.memory_space<vmem_shared>> -> memref<64x16xf32, #tpu.memory_space<vmem_shared>>
      %dma_start3A_398 = arith.constant 0 : i32
      %dma_start3A_399 = tpu.memref_slice %arg11[%add3A_40, %dma_start3A_398] : memref<10240x16xf32, #tpu.memory_space<vmem_shared>> -> memref<64x16xf32, #tpu.memory_space<vmem_shared>>
      %dma_start3A_400 = arith.constant 0 : i32
      %dma_start3A_401 = arith.constant 0 : i32
      %dma_start3A_402 = tpu.memref_slice %arg10[%dma_start3A_400, %dma_start3A_401] : memref<640x16xf32, #tpu.memory_space<vmem>> -> memref<64x16xf32, #tpu.memory_space<vmem>>
      tpu.enqueue_dma source(%dma_start3A_402 : memref<64x16xf32, #tpu.memory_space<vmem>>) target(%dma_start3A_399 : memref<64x16xf32, #tpu.memory_space<vmem_shared>>) target_semaphore(%run_scoped3A : memref<!tpu.dma_semaphore, #tpu.memory_space<semaphore_mem>>)
      %dma_wait3A_403 = arith.constant 0 : i32
      %dma_wait3A_404 = arith.constant 0 : i32
      %dma_wait3A_405 = tpu.memref_slice %arg10[%dma_wait3A_403, %dma_wait3A_404] : memref<640x16xf32, #tpu.memory_space<vmem>> -> memref<64x16xf32, #tpu.memory_space<vmem>>
      %dma_wait3A_406 = arith.constant 0 : i32
      %dma_wait3A_407 = tpu.memref_slice %arg11[%add3A_40, %dma_wait3A_406] : memref<10240x16xf32, #tpu.memory_space<vmem_shared>> -> memref<64x16xf32, #tpu.memory_space<vmem_shared>>
      %dma_wait3A_408 = arith.constant 0 : i32
      %dma_wait3A_409 = tpu.memref_slice %arg11[%add3A_40, %dma_wait3A_408] : memref<10240x16xf32, #tpu.memory_space<vmem_shared>> -> memref<64x16xf32, #tpu.memory_space<vmem_shared>>
      %dma_wait3A_410 = arith.constant 0 : i32
      %dma_wait3A_411 = arith.constant 0 : i32
      %dma_wait3A_412 = tpu.memref_slice %arg10[%dma_wait3A_410, %dma_wait3A_411] : memref<640x16xf32, #tpu.memory_space<vmem>> -> memref<64x16xf32, #tpu.memory_space<vmem>>
      tpu.wait_dma2 semaphore(%run_scoped3A : memref<!tpu.dma_semaphore, #tpu.memory_space<semaphore_mem>>) src(%dma_wait3A_412 : memref<64x16xf32, #tpu.memory_space<vmem>>) dst(%dma_wait3A_409 : memref<64x16xf32, #tpu.memory_space<vmem_shared>>)
      tpu.yield
    }) : () -> ()
    %barrier3A = arith.constant 0 : index
    tpu.barrier barrier_id(%barrier3A)
    %dma_start3A = arith.constant 0 : i32
    %dma_start3A_41 = arith.constant 0 : i32
    %dma_start3A_42 = arith.constant 0 : i32
    %dma_start3A_43 = tpu.memref_slice %arg8[%dma_start3A_41, %dma_start3A_42] : memref<1024x16xf32, #tpu.memory_space<vmem>> -> memref<128x16xf32, #tpu.memory_space<vmem>>
    %dma_start3A_44 = arith.constant 0 : i32
    %dma_start3A_45 = tpu.memref_slice %arg6[%dma_start3A, %dma_start3A_44] : memref<80x128xi32, #tpu.memory_space<vmem>> -> memref<1x128xi32, #tpu.memory_space<vmem>>
    %dma_start3A_46 = tpu.memref_squeeze %dma_start3A_45 : memref<1x128xi32, #tpu.memory_space<vmem>> -> memref<128xi32, #tpu.memory_space<vmem>>
    %dma_start3A_47 = arith.constant 0 : i32
    %dma_start3A_48 = arith.constant 0 : i32
    %dma_start3A_49 = tpu.memref_slice %arg4[%dma_start3A_47, %dma_start3A_48] : memref<10240x16xf32, #tpu.memory_space<hbm>> -> memref<10240x16xf32, #tpu.memory_space<hbm>>
    tpu.enqueue_indirect_dma source(%dma_start3A_49 : memref<10240x16xf32, #tpu.memory_space<hbm>>) target(%dma_start3A_43 : memref<128x16xf32, #tpu.memory_space<vmem>>) offsets(%dma_start3A_46 : memref<128xi32, #tpu.memory_space<vmem>>) semaphore(%arg12 : memref<!tpu.dma_semaphore, #tpu.memory_space<semaphore_mem>>)
    %dma_start3A_50 = arith.constant 1 : i32
    %dma_start3A_51 = arith.constant 128 : i32
    %dma_start3A_52 = arith.constant 0 : i32
    %dma_start3A_53 = tpu.memref_slice %arg8[%dma_start3A_51, %dma_start3A_52] : memref<1024x16xf32, #tpu.memory_space<vmem>> -> memref<128x16xf32, #tpu.memory_space<vmem>>
    %dma_start3A_54 = arith.constant 0 : i32
    %dma_start3A_55 = tpu.memref_slice %arg6[%dma_start3A_50, %dma_start3A_54] : memref<80x128xi32, #tpu.memory_space<vmem>> -> memref<1x128xi32, #tpu.memory_space<vmem>>
    %dma_start3A_56 = tpu.memref_squeeze %dma_start3A_55 : memref<1x128xi32, #tpu.memory_space<vmem>> -> memref<128xi32, #tpu.memory_space<vmem>>
    %dma_start3A_57 = arith.constant 0 : i32
    %dma_start3A_58 = arith.constant 0 : i32
    %dma_start3A_59 = tpu.memref_slice %arg4[%dma_start3A_57, %dma_start3A_58] : memref<10240x16xf32, #tpu.memory_space<hbm>> -> memref<10240x16xf32, #tpu.memory_space<hbm>>
    tpu.enqueue_indirect_dma source(%dma_start3A_59 : memref<10240x16xf32, #tpu.memory_space<hbm>>) target(%dma_start3A_53 : memref<128x16xf32, #tpu.memory_space<vmem>>) offsets(%dma_start3A_56 : memref<128xi32, #tpu.memory_space<vmem>>) semaphore(%arg12 : memref<!tpu.dma_semaphore, #tpu.memory_space<semaphore_mem>>)
    %dma_start3A_60 = arith.constant 2 : i32
    %dma_start3A_61 = arith.constant 256 : i32
    %dma_start3A_62 = arith.constant 0 : i32
    %dma_start3A_63 = tpu.memref_slice %arg8[%dma_start3A_61, %dma_start3A_62] : memref<1024x16xf32, #tpu.memory_space<vmem>> -> memref<128x16xf32, #tpu.memory_space<vmem>>
    %dma_start3A_64 = arith.constant 0 : i32
    %dma_start3A_65 = tpu.memref_slice %arg6[%dma_start3A_60, %dma_start3A_64] : memref<80x128xi32, #tpu.memory_space<vmem>> -> memref<1x128xi32, #tpu.memory_space<vmem>>
    %dma_start3A_66 = tpu.memref_squeeze %dma_start3A_65 : memref<1x128xi32, #tpu.memory_space<vmem>> -> memref<128xi32, #tpu.memory_space<vmem>>
    %dma_start3A_67 = arith.constant 0 : i32
    %dma_start3A_68 = arith.constant 0 : i32
    %dma_start3A_69 = tpu.memref_slice %arg4[%dma_start3A_67, %dma_start3A_68] : memref<10240x16xf32, #tpu.memory_space<hbm>> -> memref<10240x16xf32, #tpu.memory_space<hbm>>
    tpu.enqueue_indirect_dma source(%dma_start3A_69 : memref<10240x16xf32, #tpu.memory_space<hbm>>) target(%dma_start3A_63 : memref<128x16xf32, #tpu.memory_space<vmem>>) offsets(%dma_start3A_66 : memref<128xi32, #tpu.memory_space<vmem>>) semaphore(%arg12 : memref<!tpu.dma_semaphore, #tpu.memory_space<semaphore_mem>>)
    %dma_start3A_70 = arith.constant 3 : i32
    %dma_start3A_71 = arith.constant 384 : i32
    %dma_start3A_72 = arith.constant 0 : i32
    %dma_start3A_73 = tpu.memref_slice %arg8[%dma_start3A_71, %dma_start3A_72] : memref<1024x16xf32, #tpu.memory_space<vmem>> -> memref<128x16xf32, #tpu.memory_space<vmem>>
    %dma_start3A_74 = arith.constant 0 : i32
    %dma_start3A_75 = tpu.memref_slice %arg6[%dma_start3A_70, %dma_start3A_74] : memref<80x128xi32, #tpu.memory_space<vmem>> -> memref<1x128xi32, #tpu.memory_space<vmem>>
    %dma_start3A_76 = tpu.memref_squeeze %dma_start3A_75 : memref<1x128xi32, #tpu.memory_space<vmem>> -> memref<128xi32, #tpu.memory_space<vmem>>
    %dma_start3A_77 = arith.constant 0 : i32
    %dma_start3A_78 = arith.constant 0 : i32
    %dma_start3A_79 = tpu.memref_slice %arg4[%dma_start3A_77, %dma_start3A_78] : memref<10240x16xf32, #tpu.memory_space<hbm>> -> memref<10240x16xf32, #tpu.memory_space<hbm>>
    tpu.enqueue_indirect_dma source(%dma_start3A_79 : memref<10240x16xf32, #tpu.memory_space<hbm>>) target(%dma_start3A_73 : memref<128x16xf32, #tpu.memory_space<vmem>>) offsets(%dma_start3A_76 : memref<128xi32, #tpu.memory_space<vmem>>) semaphore(%arg12 : memref<!tpu.dma_semaphore, #tpu.memory_space<semaphore_mem>>)
    %dma_start3A_80 = arith.constant 4 : i32
    %dma_start3A_81 = arith.constant 512 : i32
    %dma_start3A_82 = arith.constant 0 : i32
    %dma_start3A_83 = tpu.memref_slice %arg8[%dma_start3A_81, %dma_start3A_82] : memref<1024x16xf32, #tpu.memory_space<vmem>> -> memref<128x16xf32, #tpu.memory_space<vmem>>
    %dma_start3A_84 = arith.constant 0 : i32
    %dma_start3A_85 = tpu.memref_slice %arg6[%dma_start3A_80, %dma_start3A_84] : memref<80x128xi32, #tpu.memory_space<vmem>> -> memref<1x128xi32, #tpu.memory_space<vmem>>
    %dma_start3A_86 = tpu.memref_squeeze %dma_start3A_85 : memref<1x128xi32, #tpu.memory_space<vmem>> -> memref<128xi32, #tpu.memory_space<vmem>>
    %dma_start3A_87 = arith.constant 0 : i32
    %dma_start3A_88 = arith.constant 0 : i32
    %dma_start3A_89 = tpu.memref_slice %arg4[%dma_start3A_87, %dma_start3A_88] : memref<10240x16xf32, #tpu.memory_space<hbm>> -> memref<10240x16xf32, #tpu.memory_space<hbm>>
    tpu.enqueue_indirect_dma source(%dma_start3A_89 : memref<10240x16xf32, #tpu.memory_space<hbm>>) target(%dma_start3A_83 : memref<128x16xf32, #tpu.memory_space<vmem>>) offsets(%dma_start3A_86 : memref<128xi32, #tpu.memory_space<vmem>>) semaphore(%arg12 : memref<!tpu.dma_semaphore, #tpu.memory_space<semaphore_mem>>)
    %dma_start3A_90 = arith.constant 5 : i32
    %dma_start3A_91 = arith.constant 640 : i32
    %dma_start3A_92 = arith.constant 0 : i32
    %dma_start3A_93 = tpu.memref_slice %arg8[%dma_start3A_91, %dma_start3A_92] : memref<1024x16xf32, #tpu.memory_space<vmem>> -> memref<128x16xf32, #tpu.memory_space<vmem>>
    %dma_start3A_94 = arith.constant 0 : i32
    %dma_start3A_95 = tpu.memref_slice %arg6[%dma_start3A_90, %dma_start3A_94] : memref<80x128xi32, #tpu.memory_space<vmem>> -> memref<1x128xi32, #tpu.memory_space<vmem>>
    %dma_start3A_96 = tpu.memref_squeeze %dma_start3A_95 : memref<1x128xi32, #tpu.memory_space<vmem>> -> memref<128xi32, #tpu.memory_space<vmem>>
    %dma_start3A_97 = arith.constant 0 : i32
    %dma_start3A_98 = arith.constant 0 : i32
    %dma_start3A_99 = tpu.memref_slice %arg4[%dma_start3A_97, %dma_start3A_98] : memref<10240x16xf32, #tpu.memory_space<hbm>> -> memref<10240x16xf32, #tpu.memory_space<hbm>>
    tpu.enqueue_indirect_dma source(%dma_start3A_99 : memref<10240x16xf32, #tpu.memory_space<hbm>>) target(%dma_start3A_93 : memref<128x16xf32, #tpu.memory_space<vmem>>) offsets(%dma_start3A_96 : memref<128xi32, #tpu.memory_space<vmem>>) semaphore(%arg12 : memref<!tpu.dma_semaphore, #tpu.memory_space<semaphore_mem>>)
    %dma_start3A_100 = arith.constant 6 : i32
    %dma_start3A_101 = arith.constant 768 : i32
    %dma_start3A_102 = arith.constant 0 : i32
    %dma_start3A_103 = tpu.memref_slice %arg8[%dma_start3A_101, %dma_start3A_102] : memref<1024x16xf32, #tpu.memory_space<vmem>> -> memref<128x16xf32, #tpu.memory_space<vmem>>
    %dma_start3A_104 = arith.constant 0 : i32
    %dma_start3A_105 = tpu.memref_slice %arg6[%dma_start3A_100, %dma_start3A_104] : memref<80x128xi32, #tpu.memory_space<vmem>> -> memref<1x128xi32, #tpu.memory_space<vmem>>
    %dma_start3A_106 = tpu.memref_squeeze %dma_start3A_105 : memref<1x128xi32, #tpu.memory_space<vmem>> -> memref<128xi32, #tpu.memory_space<vmem>>
    %dma_start3A_107 = arith.constant 0 : i32
    %dma_start3A_108 = arith.constant 0 : i32
    %dma_start3A_109 = tpu.memref_slice %arg4[%dma_start3A_107, %dma_start3A_108] : memref<10240x16xf32, #tpu.memory_space<hbm>> -> memref<10240x16xf32, #tpu.memory_space<hbm>>
    tpu.enqueue_indirect_dma source(%dma_start3A_109 : memref<10240x16xf32, #tpu.memory_space<hbm>>) target(%dma_start3A_103 : memref<128x16xf32, #tpu.memory_space<vmem>>) offsets(%dma_start3A_106 : memref<128xi32, #tpu.memory_space<vmem>>) semaphore(%arg12 : memref<!tpu.dma_semaphore, #tpu.memory_space<semaphore_mem>>)
    %dma_start3A_110 = arith.constant 7 : i32
    %dma_start3A_111 = arith.constant 896 : i32
    %dma_start3A_112 = arith.constant 0 : i32
    %dma_start3A_113 = tpu.memref_slice %arg8[%dma_start3A_111, %dma_start3A_112] : memref<1024x16xf32, #tpu.memory_space<vmem>> -> memref<128x16xf32, #tpu.memory_space<vmem>>
    %dma_start3A_114 = arith.constant 0 : i32
    %dma_start3A_115 = tpu.memref_slice %arg6[%dma_start3A_110, %dma_start3A_114] : memref<80x128xi32, #tpu.memory_space<vmem>> -> memref<1x128xi32, #tpu.memory_space<vmem>>
    %dma_start3A_116 = tpu.memref_squeeze %dma_start3A_115 : memref<1x128xi32, #tpu.memory_space<vmem>> -> memref<128xi32, #tpu.memory_space<vmem>>
    %dma_start3A_117 = arith.constant 0 : i32
    %dma_start3A_118 = arith.constant 0 : i32
    %dma_start3A_119 = tpu.memref_slice %arg4[%dma_start3A_117, %dma_start3A_118] : memref<10240x16xf32, #tpu.memory_space<hbm>> -> memref<10240x16xf32, #tpu.memory_space<hbm>>
    tpu.enqueue_indirect_dma source(%dma_start3A_119 : memref<10240x16xf32, #tpu.memory_space<hbm>>) target(%dma_start3A_113 : memref<128x16xf32, #tpu.memory_space<vmem>>) offsets(%dma_start3A_116 : memref<128xi32, #tpu.memory_space<vmem>>) semaphore(%arg12 : memref<!tpu.dma_semaphore, #tpu.memory_space<semaphore_mem>>)
    %dma_start3A_120 = arith.constant 8 : i32
    %dma_start3A_121 = arith.constant 0 : i32
    %dma_start3A_122 = arith.constant 0 : i32
    %dma_start3A_123 = tpu.memref_slice %arg9[%dma_start3A_121, %dma_start3A_122] : memref<1024x16xf32, #tpu.memory_space<vmem>> -> memref<128x16xf32, #tpu.memory_space<vmem>>
    %dma_start3A_124 = arith.constant 0 : i32
    %dma_start3A_125 = tpu.memref_slice %arg6[%dma_start3A_120, %dma_start3A_124] : memref<80x128xi32, #tpu.memory_space<vmem>> -> memref<1x128xi32, #tpu.memory_space<vmem>>
    %dma_start3A_126 = tpu.memref_squeeze %dma_start3A_125 : memref<1x128xi32, #tpu.memory_space<vmem>> -> memref<128xi32, #tpu.memory_space<vmem>>
    %dma_start3A_127 = arith.constant 0 : i32
    %dma_start3A_128 = arith.constant 0 : i32
    %dma_start3A_129 = tpu.memref_slice %arg4[%dma_start3A_127, %dma_start3A_128] : memref<10240x16xf32, #tpu.memory_space<hbm>> -> memref<10240x16xf32, #tpu.memory_space<hbm>>
    tpu.enqueue_indirect_dma source(%dma_start3A_129 : memref<10240x16xf32, #tpu.memory_space<hbm>>) target(%dma_start3A_123 : memref<128x16xf32, #tpu.memory_space<vmem>>) offsets(%dma_start3A_126 : memref<128xi32, #tpu.memory_space<vmem>>) semaphore(%arg13 : memref<!tpu.dma_semaphore, #tpu.memory_space<semaphore_mem>>)
    %dma_start3A_130 = arith.constant 9 : i32
    %dma_start3A_131 = arith.constant 128 : i32
    %dma_start3A_132 = arith.constant 0 : i32
    %dma_start3A_133 = tpu.memref_slice %arg9[%dma_start3A_131, %dma_start3A_132] : memref<1024x16xf32, #tpu.memory_space<vmem>> -> memref<128x16xf32, #tpu.memory_space<vmem>>
    %dma_start3A_134 = arith.constant 0 : i32
    %dma_start3A_135 = tpu.memref_slice %arg6[%dma_start3A_130, %dma_start3A_134] : memref<80x128xi32, #tpu.memory_space<vmem>> -> memref<1x128xi32, #tpu.memory_space<vmem>>
    %dma_start3A_136 = tpu.memref_squeeze %dma_start3A_135 : memref<1x128xi32, #tpu.memory_space<vmem>> -> memref<128xi32, #tpu.memory_space<vmem>>
    %dma_start3A_137 = arith.constant 0 : i32
    %dma_start3A_138 = arith.constant 0 : i32
    %dma_start3A_139 = tpu.memref_slice %arg4[%dma_start3A_137, %dma_start3A_138] : memref<10240x16xf32, #tpu.memory_space<hbm>> -> memref<10240x16xf32, #tpu.memory_space<hbm>>
    tpu.enqueue_indirect_dma source(%dma_start3A_139 : memref<10240x16xf32, #tpu.memory_space<hbm>>) target(%dma_start3A_133 : memref<128x16xf32, #tpu.memory_space<vmem>>) offsets(%dma_start3A_136 : memref<128xi32, #tpu.memory_space<vmem>>) semaphore(%arg13 : memref<!tpu.dma_semaphore, #tpu.memory_space<semaphore_mem>>)
    %dma_start3A_140 = arith.constant 10 : i32
    %dma_start3A_141 = arith.constant 256 : i32
    %dma_start3A_142 = arith.constant 0 : i32
    %dma_start3A_143 = tpu.memref_slice %arg9[%dma_start3A_141, %dma_start3A_142] : memref<1024x16xf32, #tpu.memory_space<vmem>> -> memref<128x16xf32, #tpu.memory_space<vmem>>
    %dma_start3A_144 = arith.constant 0 : i32
    %dma_start3A_145 = tpu.memref_slice %arg6[%dma_start3A_140, %dma_start3A_144] : memref<80x128xi32, #tpu.memory_space<vmem>> -> memref<1x128xi32, #tpu.memory_space<vmem>>
    %dma_start3A_146 = tpu.memref_squeeze %dma_start3A_145 : memref<1x128xi32, #tpu.memory_space<vmem>> -> memref<128xi32, #tpu.memory_space<vmem>>
    %dma_start3A_147 = arith.constant 0 : i32
    %dma_start3A_148 = arith.constant 0 : i32
    %dma_start3A_149 = tpu.memref_slice %arg4[%dma_start3A_147, %dma_start3A_148] : memref<10240x16xf32, #tpu.memory_space<hbm>> -> memref<10240x16xf32, #tpu.memory_space<hbm>>
    tpu.enqueue_indirect_dma source(%dma_start3A_149 : memref<10240x16xf32, #tpu.memory_space<hbm>>) target(%dma_start3A_143 : memref<128x16xf32, #tpu.memory_space<vmem>>) offsets(%dma_start3A_146 : memref<128xi32, #tpu.memory_space<vmem>>) semaphore(%arg13 : memref<!tpu.dma_semaphore, #tpu.memory_space<semaphore_mem>>)
    %dma_start3A_150 = arith.constant 11 : i32
    %dma_start3A_151 = arith.constant 384 : i32
    %dma_start3A_152 = arith.constant 0 : i32
    %dma_start3A_153 = tpu.memref_slice %arg9[%dma_start3A_151, %dma_start3A_152] : memref<1024x16xf32, #tpu.memory_space<vmem>> -> memref<128x16xf32, #tpu.memory_space<vmem>>
    %dma_start3A_154 = arith.constant 0 : i32
    %dma_start3A_155 = tpu.memref_slice %arg6[%dma_start3A_150, %dma_start3A_154] : memref<80x128xi32, #tpu.memory_space<vmem>> -> memref<1x128xi32, #tpu.memory_space<vmem>>
    %dma_start3A_156 = tpu.memref_squeeze %dma_start3A_155 : memref<1x128xi32, #tpu.memory_space<vmem>> -> memref<128xi32, #tpu.memory_space<vmem>>
    %dma_start3A_157 = arith.constant 0 : i32
    %dma_start3A_158 = arith.constant 0 : i32
    %dma_start3A_159 = tpu.memref_slice %arg4[%dma_start3A_157, %dma_start3A_158] : memref<10240x16xf32, #tpu.memory_space<hbm>> -> memref<10240x16xf32, #tpu.memory_space<hbm>>
    tpu.enqueue_indirect_dma source(%dma_start3A_159 : memref<10240x16xf32, #tpu.memory_space<hbm>>) target(%dma_start3A_153 : memref<128x16xf32, #tpu.memory_space<vmem>>) offsets(%dma_start3A_156 : memref<128xi32, #tpu.memory_space<vmem>>) semaphore(%arg13 : memref<!tpu.dma_semaphore, #tpu.memory_space<semaphore_mem>>)
    %dma_start3A_160 = arith.constant 12 : i32
    %dma_start3A_161 = arith.constant 512 : i32
    %dma_start3A_162 = arith.constant 0 : i32
    %dma_start3A_163 = tpu.memref_slice %arg9[%dma_start3A_161, %dma_start3A_162] : memref<1024x16xf32, #tpu.memory_space<vmem>> -> memref<128x16xf32, #tpu.memory_space<vmem>>
    %dma_start3A_164 = arith.constant 0 : i32
    %dma_start3A_165 = tpu.memref_slice %arg6[%dma_start3A_160, %dma_start3A_164] : memref<80x128xi32, #tpu.memory_space<vmem>> -> memref<1x128xi32, #tpu.memory_space<vmem>>
    %dma_start3A_166 = tpu.memref_squeeze %dma_start3A_165 : memref<1x128xi32, #tpu.memory_space<vmem>> -> memref<128xi32, #tpu.memory_space<vmem>>
    %dma_start3A_167 = arith.constant 0 : i32
    %dma_start3A_168 = arith.constant 0 : i32
    %dma_start3A_169 = tpu.memref_slice %arg4[%dma_start3A_167, %dma_start3A_168] : memref<10240x16xf32, #tpu.memory_space<hbm>> -> memref<10240x16xf32, #tpu.memory_space<hbm>>
    tpu.enqueue_indirect_dma source(%dma_start3A_169 : memref<10240x16xf32, #tpu.memory_space<hbm>>) target(%dma_start3A_163 : memref<128x16xf32, #tpu.memory_space<vmem>>) offsets(%dma_start3A_166 : memref<128xi32, #tpu.memory_space<vmem>>) semaphore(%arg13 : memref<!tpu.dma_semaphore, #tpu.memory_space<semaphore_mem>>)
    %dma_start3A_170 = arith.constant 13 : i32
    %dma_start3A_171 = arith.constant 640 : i32
    %dma_start3A_172 = arith.constant 0 : i32
    %dma_start3A_173 = tpu.memref_slice %arg9[%dma_start3A_171, %dma_start3A_172] : memref<1024x16xf32, #tpu.memory_space<vmem>> -> memref<128x16xf32, #tpu.memory_space<vmem>>
    %dma_start3A_174 = arith.constant 0 : i32
    %dma_start3A_175 = tpu.memref_slice %arg6[%dma_start3A_170, %dma_start3A_174] : memref<80x128xi32, #tpu.memory_space<vmem>> -> memref<1x128xi32, #tpu.memory_space<vmem>>
    %dma_start3A_176 = tpu.memref_squeeze %dma_start3A_175 : memref<1x128xi32, #tpu.memory_space<vmem>> -> memref<128xi32, #tpu.memory_space<vmem>>
    %dma_start3A_177 = arith.constant 0 : i32
    %dma_start3A_178 = arith.constant 0 : i32
    %dma_start3A_179 = tpu.memref_slice %arg4[%dma_start3A_177, %dma_start3A_178] : memref<10240x16xf32, #tpu.memory_space<hbm>> -> memref<10240x16xf32, #tpu.memory_space<hbm>>
    tpu.enqueue_indirect_dma source(%dma_start3A_179 : memref<10240x16xf32, #tpu.memory_space<hbm>>) target(%dma_start3A_173 : memref<128x16xf32, #tpu.memory_space<vmem>>) offsets(%dma_start3A_176 : memref<128xi32, #tpu.memory_space<vmem>>) semaphore(%arg13 : memref<!tpu.dma_semaphore, #tpu.memory_space<semaphore_mem>>)
    %dma_start3A_180 = arith.constant 14 : i32
    %dma_start3A_181 = arith.constant 768 : i32
    %dma_start3A_182 = arith.constant 0 : i32
    %dma_start3A_183 = tpu.memref_slice %arg9[%dma_start3A_181, %dma_start3A_182] : memref<1024x16xf32, #tpu.memory_space<vmem>> -> memref<128x16xf32, #tpu.memory_space<vmem>>
    %dma_start3A_184 = arith.constant 0 : i32
    %dma_start3A_185 = tpu.memref_slice %arg6[%dma_start3A_180, %dma_start3A_184] : memref<80x128xi32, #tpu.memory_space<vmem>> -> memref<1x128xi32, #tpu.memory_space<vmem>>
    %dma_start3A_186 = tpu.memref_squeeze %dma_start3A_185 : memref<1x128xi32, #tpu.memory_space<vmem>> -> memref<128xi32, #tpu.memory_space<vmem>>
    %dma_start3A_187 = arith.constant 0 : i32
    %dma_start3A_188 = arith.constant 0 : i32
    %dma_start3A_189 = tpu.memref_slice %arg4[%dma_start3A_187, %dma_start3A_188] : memref<10240x16xf32, #tpu.memory_space<hbm>> -> memref<10240x16xf32, #tpu.memory_space<hbm>>
    tpu.enqueue_indirect_dma source(%dma_start3A_189 : memref<10240x16xf32, #tpu.memory_space<hbm>>) target(%dma_start3A_183 : memref<128x16xf32, #tpu.memory_space<vmem>>) offsets(%dma_start3A_186 : memref<128xi32, #tpu.memory_space<vmem>>) semaphore(%arg13 : memref<!tpu.dma_semaphore, #tpu.memory_space<semaphore_mem>>)
    %dma_start3A_190 = arith.constant 15 : i32
    %dma_start3A_191 = arith.constant 896 : i32
    %dma_start3A_192 = arith.constant 0 : i32
    %dma_start3A_193 = tpu.memref_slice %arg9[%dma_start3A_191, %dma_start3A_192] : memref<1024x16xf32, #tpu.memory_space<vmem>> -> memref<128x16xf32, #tpu.memory_space<vmem>>
    %dma_start3A_194 = arith.constant 0 : i32
    %dma_start3A_195 = tpu.memref_slice %arg6[%dma_start3A_190, %dma_start3A_194] : memref<80x128xi32, #tpu.memory_space<vmem>> -> memref<1x128xi32, #tpu.memory_space<vmem>>
    %dma_start3A_196 = tpu.memref_squeeze %dma_start3A_195 : memref<1x128xi32, #tpu.memory_space<vmem>> -> memref<128xi32, #tpu.memory_space<vmem>>
    %dma_start3A_197 = arith.constant 0 : i32
    %dma_start3A_198 = arith.constant 0 : i32
    %dma_start3A_199 = tpu.memref_slice %arg4[%dma_start3A_197, %dma_start3A_198] : memref<10240x16xf32, #tpu.memory_space<hbm>> -> memref<10240x16xf32, #tpu.memory_space<hbm>>
    tpu.enqueue_indirect_dma source(%dma_start3A_199 : memref<10240x16xf32, #tpu.memory_space<hbm>>) target(%dma_start3A_193 : memref<128x16xf32, #tpu.memory_space<vmem>>) offsets(%dma_start3A_196 : memref<128xi32, #tpu.memory_space<vmem>>) semaphore(%arg13 : memref<!tpu.dma_semaphore, #tpu.memory_space<semaphore_mem>>)
    %scan3A = arith.constant 0 : i32
    %scan3A_200 = arith.constant 0 : i32
    %scan3A_201 = arith.constant 4 : i32
    %scan3A_202 = arith.addi %scan3A_200, %scan3A_201 : i32
    %scan3A_203 = arith.constant 1 : i32
    scf.for %scan3A_393 = %scan3A_200 to %scan3A_202 step %scan3A_203  : i32 {
      %mul3A_394 = arith.constant 2 : i32
      %mul3A_395 = arith.muli %mul3A_394, %scan3A_393 : i32
      %mul3A_396 = arith.constant 2 : i32
      %mul3A_397 = arith.muli %mul3A_396, %scan3A_393 : i32
      %add3A_398 = arith.constant 1 : i32
      %add3A_399 = arith.addi %mul3A_397, %add3A_398 : i32
      %dma_wait3A_400 = arith.constant 0 : i32
      %dma_wait3A_401 = arith.constant 0 : i32
      %dma_wait3A_402 = tpu.memref_slice %arg4[%dma_wait3A_400, %dma_wait3A_401] : memref<10240x16xf32, #tpu.memory_space<hbm>> -> memref<1024x16xf32, #tpu.memory_space<hbm>>
      %dma_wait3A_403 = arith.constant 0 : i32
      %dma_wait3A_404 = arith.constant 0 : i32
      %dma_wait3A_405 = tpu.memref_slice %arg4[%dma_wait3A_403, %dma_wait3A_404] : memref<10240x16xf32, #tpu.memory_space<hbm>> -> memref<1024x16xf32, #tpu.memory_space<hbm>>
      tpu.wait_dma2 semaphore(%arg12 : memref<!tpu.dma_semaphore, #tpu.memory_space<semaphore_mem>>) src(%dma_wait3A_405 : memref<1024x16xf32, #tpu.memory_space<hbm>>) dst(%arg8 : memref<1024x16xf32, #tpu.memory_space<vmem>>)
      %mul3A_406 = arith.constant 8 : i32
      %mul3A_407 = arith.muli %mul3A_395, %mul3A_406 : i32
      %add3A_408 = arith.constant 0 : i32
      %add3A_409 = arith.addi %mul3A_407, %add3A_408 : i32
      %dma_start3A_410 = arith.constant 0 : i32
      %dma_start3A_411 = arith.constant 0 : i32
      %dma_start3A_412 = tpu.memref_slice %arg8[%dma_start3A_410, %dma_start3A_411] : memref<1024x16xf32, #tpu.memory_space<vmem>> -> memref<128x16xf32, #tpu.memory_space<vmem>>
      %dma_start3A_413 = arith.constant 0 : i32
      %dma_start3A_414 = tpu.memref_slice %arg7[%add3A_409, %dma_start3A_413] : memref<80x128xi32, #tpu.memory_space<vmem>> -> memref<1x128xi32, #tpu.memory_space<vmem>>
      %dma_start3A_415 = tpu.memref_squeeze %dma_start3A_414 : memref<1x128xi32, #tpu.memory_space<vmem>> -> memref<128xi32, #tpu.memory_space<vmem>>
      %dma_start3A_416 = arith.constant 0 : i32
      %dma_start3A_417 = arith.constant 0 : i32
      %dma_start3A_418 = tpu.memref_slice %arg11[%dma_start3A_416, %dma_start3A_417] : memref<10240x16xf32, #tpu.memory_space<vmem_shared>> -> memref<10240x16xf32, #tpu.memory_space<vmem_shared>>
      tpu.enqueue_indirect_dma source(%dma_start3A_412 : memref<128x16xf32, #tpu.memory_space<vmem>>) target(%dma_start3A_418 : memref<10240x16xf32, #tpu.memory_space<vmem_shared>>) offsets(%dma_start3A_415 : memref<128xi32, #tpu.memory_space<vmem>>) semaphore(%arg14 : memref<!tpu.dma_semaphore, #tpu.memory_space<semaphore_mem>>) {add = true}
      %mul3A_419 = arith.constant 8 : i32
      %mul3A_420 = arith.muli %mul3A_395, %mul3A_419 : i32
      %add3A_421 = arith.constant 1 : i32
      %add3A_422 = arith.addi %mul3A_420, %add3A_421 : i32
      %dma_start3A_423 = arith.constant 128 : i32
      %dma_start3A_424 = arith.constant 0 : i32
      %dma_start3A_425 = tpu.memref_slice %arg8[%dma_start3A_423, %dma_start3A_424] : memref<1024x16xf32, #tpu.memory_space<vmem>> -> memref<128x16xf32, #tpu.memory_space<vmem>>
      %dma_start3A_426 = arith.constant 0 : i32
      %dma_start3A_427 = tpu.memref_slice %arg7[%add3A_422, %dma_start3A_426] : memref<80x128xi32, #tpu.memory_space<vmem>> -> memref<1x128xi32, #tpu.memory_space<vmem>>
      %dma_start3A_428 = tpu.memref_squeeze %dma_start3A_427 : memref<1x128xi32, #tpu.memory_space<vmem>> -> memref<128xi32, #tpu.memory_space<vmem>>
      %dma_start3A_429 = arith.constant 0 : i32
      %dma_start3A_430 = arith.constant 0 : i32
      %dma_start3A_431 = tpu.memref_slice %arg11[%dma_start3A_429, %dma_start3A_430] : memref<10240x16xf32, #tpu.memory_space<vmem_shared>> -> memref<10240x16xf32, #tpu.memory_space<vmem_shared>>
      tpu.enqueue_indirect_dma source(%dma_start3A_425 : memref<128x16xf32, #tpu.memory_space<vmem>>) target(%dma_start3A_431 : memref<10240x16xf32, #tpu.memory_space<vmem_shared>>) offsets(%dma_start3A_428 : memref<128xi32, #tpu.memory_space<vmem>>) semaphore(%arg14 : memref<!tpu.dma_semaphore, #tpu.memory_space<semaphore_mem>>) {add = true}
      %mul3A_432 = arith.constant 8 : i32
      %mul3A_433 = arith.muli %mul3A_395, %mul3A_432 : i32
      %add3A_434 = arith.constant 2 : i32
      %add3A_435 = arith.addi %mul3A_433, %add3A_434 : i32
      %dma_start3A_436 = arith.constant 256 : i32
      %dma_start3A_437 = arith.constant 0 : i32
      %dma_start3A_438 = tpu.memref_slice %arg8[%dma_start3A_436, %dma_start3A_437] : memref<1024x16xf32, #tpu.memory_space<vmem>> -> memref<128x16xf32, #tpu.memory_space<vmem>>
      %dma_start3A_439 = arith.constant 0 : i32
      %dma_start3A_440 = tpu.memref_slice %arg7[%add3A_435, %dma_start3A_439] : memref<80x128xi32, #tpu.memory_space<vmem>> -> memref<1x128xi32, #tpu.memory_space<vmem>>
      %dma_start3A_441 = tpu.memref_squeeze %dma_start3A_440 : memref<1x128xi32, #tpu.memory_space<vmem>> -> memref<128xi32, #tpu.memory_space<vmem>>
      %dma_start3A_442 = arith.constant 0 : i32
      %dma_start3A_443 = arith.constant 0 : i32
      %dma_start3A_444 = tpu.memref_slice %arg11[%dma_start3A_442, %dma_start3A_443] : memref<10240x16xf32, #tpu.memory_space<vmem_shared>> -> memref<10240x16xf32, #tpu.memory_space<vmem_shared>>
      tpu.enqueue_indirect_dma source(%dma_start3A_438 : memref<128x16xf32, #tpu.memory_space<vmem>>) target(%dma_start3A_444 : memref<10240x16xf32, #tpu.memory_space<vmem_shared>>) offsets(%dma_start3A_441 : memref<128xi32, #tpu.memory_space<vmem>>) semaphore(%arg14 : memref<!tpu.dma_semaphore, #tpu.memory_space<semaphore_mem>>) {add = true}
      %mul3A_445 = arith.constant 8 : i32
      %mul3A_446 = arith.muli %mul3A_395, %mul3A_445 : i32
      %add3A_447 = arith.constant 3 : i32
      %add3A_448 = arith.addi %mul3A_446, %add3A_447 : i32
      %dma_start3A_449 = arith.constant 384 : i32
      %dma_start3A_450 = arith.constant 0 : i32
      %dma_start3A_451 = tpu.memref_slice %arg8[%dma_start3A_449, %dma_start3A_450] : memref<1024x16xf32, #tpu.memory_space<vmem>> -> memref<128x16xf32, #tpu.memory_space<vmem>>
      %dma_start3A_452 = arith.constant 0 : i32
      %dma_start3A_453 = tpu.memref_slice %arg7[%add3A_448, %dma_start3A_452] : memref<80x128xi32, #tpu.memory_space<vmem>> -> memref<1x128xi32, #tpu.memory_space<vmem>>
      %dma_start3A_454 = tpu.memref_squeeze %dma_start3A_453 : memref<1x128xi32, #tpu.memory_space<vmem>> -> memref<128xi32, #tpu.memory_space<vmem>>
      %dma_start3A_455 = arith.constant 0 : i32
      %dma_start3A_456 = arith.constant 0 : i32
      %dma_start3A_457 = tpu.memref_slice %arg11[%dma_start3A_455, %dma_start3A_456] : memref<10240x16xf32, #tpu.memory_space<vmem_shared>> -> memref<10240x16xf32, #tpu.memory_space<vmem_shared>>
      tpu.enqueue_indirect_dma source(%dma_start3A_451 : memref<128x16xf32, #tpu.memory_space<vmem>>) target(%dma_start3A_457 : memref<10240x16xf32, #tpu.memory_space<vmem_shared>>) offsets(%dma_start3A_454 : memref<128xi32, #tpu.memory_space<vmem>>) semaphore(%arg14 : memref<!tpu.dma_semaphore, #tpu.memory_space<semaphore_mem>>) {add = true}
      %mul3A_458 = arith.constant 8 : i32
      %mul3A_459 = arith.muli %mul3A_395, %mul3A_458 : i32
      %add3A_460 = arith.constant 4 : i32
      %add3A_461 = arith.addi %mul3A_459, %add3A_460 : i32
      %dma_start3A_462 = arith.constant 512 : i32
      %dma_start3A_463 = arith.constant 0 : i32
      %dma_start3A_464 = tpu.memref_slice %arg8[%dma_start3A_462, %dma_start3A_463] : memref<1024x16xf32, #tpu.memory_space<vmem>> -> memref<128x16xf32, #tpu.memory_space<vmem>>
      %dma_start3A_465 = arith.constant 0 : i32
      %dma_start3A_466 = tpu.memref_slice %arg7[%add3A_461, %dma_start3A_465] : memref<80x128xi32, #tpu.memory_space<vmem>> -> memref<1x128xi32, #tpu.memory_space<vmem>>
      %dma_start3A_467 = tpu.memref_squeeze %dma_start3A_466 : memref<1x128xi32, #tpu.memory_space<vmem>> -> memref<128xi32, #tpu.memory_space<vmem>>
      %dma_start3A_468 = arith.constant 0 : i32
      %dma_start3A_469 = arith.constant 0 : i32
      %dma_start3A_470 = tpu.memref_slice %arg11[%dma_start3A_468, %dma_start3A_469] : memref<10240x16xf32, #tpu.memory_space<vmem_shared>> -> memref<10240x16xf32, #tpu.memory_space<vmem_shared>>
      tpu.enqueue_indirect_dma source(%dma_start3A_464 : memref<128x16xf32, #tpu.memory_space<vmem>>) target(%dma_start3A_470 : memref<10240x16xf32, #tpu.memory_space<vmem_shared>>) offsets(%dma_start3A_467 : memref<128xi32, #tpu.memory_space<vmem>>) semaphore(%arg14 : memref<!tpu.dma_semaphore, #tpu.memory_space<semaphore_mem>>) {add = true}
      %mul3A_471 = arith.constant 8 : i32
      %mul3A_472 = arith.muli %mul3A_395, %mul3A_471 : i32
      %add3A_473 = arith.constant 5 : i32
      %add3A_474 = arith.addi %mul3A_472, %add3A_473 : i32
      %dma_start3A_475 = arith.constant 640 : i32
      %dma_start3A_476 = arith.constant 0 : i32
      %dma_start3A_477 = tpu.memref_slice %arg8[%dma_start3A_475, %dma_start3A_476] : memref<1024x16xf32, #tpu.memory_space<vmem>> -> memref<128x16xf32, #tpu.memory_space<vmem>>
      %dma_start3A_478 = arith.constant 0 : i32
      %dma_start3A_479 = tpu.memref_slice %arg7[%add3A_474, %dma_start3A_478] : memref<80x128xi32, #tpu.memory_space<vmem>> -> memref<1x128xi32, #tpu.memory_space<vmem>>
      %dma_start3A_480 = tpu.memref_squeeze %dma_start3A_479 : memref<1x128xi32, #tpu.memory_space<vmem>> -> memref<128xi32, #tpu.memory_space<vmem>>
      %dma_start3A_481 = arith.constant 0 : i32
      %dma_start3A_482 = arith.constant 0 : i32
      %dma_start3A_483 = tpu.memref_slice %arg11[%dma_start3A_481, %dma_start3A_482] : memref<10240x16xf32, #tpu.memory_space<vmem_shared>> -> memref<10240x16xf32, #tpu.memory_space<vmem_shared>>
      tpu.enqueue_indirect_dma source(%dma_start3A_477 : memref<128x16xf32, #tpu.memory_space<vmem>>) target(%dma_start3A_483 : memref<10240x16xf32, #tpu.memory_space<vmem_shared>>) offsets(%dma_start3A_480 : memref<128xi32, #tpu.memory_space<vmem>>) semaphore(%arg14 : memref<!tpu.dma_semaphore, #tpu.memory_space<semaphore_mem>>) {add = true}
      %mul3A_484 = arith.constant 8 : i32
      %mul3A_485 = arith.muli %mul3A_395, %mul3A_484 : i32
      %add3A_486 = arith.constant 6 : i32
      %add3A_487 = arith.addi %mul3A_485, %add3A_486 : i32
      %dma_start3A_488 = arith.constant 768 : i32
      %dma_start3A_489 = arith.constant 0 : i32
      %dma_start3A_490 = tpu.memref_slice %arg8[%dma_start3A_488, %dma_start3A_489] : memref<1024x16xf32, #tpu.memory_space<vmem>> -> memref<128x16xf32, #tpu.memory_space<vmem>>
      %dma_start3A_491 = arith.constant 0 : i32
      %dma_start3A_492 = tpu.memref_slice %arg7[%add3A_487, %dma_start3A_491] : memref<80x128xi32, #tpu.memory_space<vmem>> -> memref<1x128xi32, #tpu.memory_space<vmem>>
      %dma_start3A_493 = tpu.memref_squeeze %dma_start3A_492 : memref<1x128xi32, #tpu.memory_space<vmem>> -> memref<128xi32, #tpu.memory_space<vmem>>
      %dma_start3A_494 = arith.constant 0 : i32
      %dma_start3A_495 = arith.constant 0 : i32
      %dma_start3A_496 = tpu.memref_slice %arg11[%dma_start3A_494, %dma_start3A_495] : memref<10240x16xf32, #tpu.memory_space<vmem_shared>> -> memref<10240x16xf32, #tpu.memory_space<vmem_shared>>
      tpu.enqueue_indirect_dma source(%dma_start3A_490 : memref<128x16xf32, #tpu.memory_space<vmem>>) target(%dma_start3A_496 : memref<10240x16xf32, #tpu.memory_space<vmem_shared>>) offsets(%dma_start3A_493 : memref<128xi32, #tpu.memory_space<vmem>>) semaphore(%arg14 : memref<!tpu.dma_semaphore, #tpu.memory_space<semaphore_mem>>) {add = true}
      %mul3A_497 = arith.constant 8 : i32
      %mul3A_498 = arith.muli %mul3A_395, %mul3A_497 : i32
      %add3A_499 = arith.constant 7 : i32
      %add3A_500 = arith.addi %mul3A_498, %add3A_499 : i32
      %dma_start3A_501 = arith.constant 896 : i32
      %dma_start3A_502 = arith.constant 0 : i32
      %dma_start3A_503 = tpu.memref_slice %arg8[%dma_start3A_501, %dma_start3A_502] : memref<1024x16xf32, #tpu.memory_space<vmem>> -> memref<128x16xf32, #tpu.memory_space<vmem>>
      %dma_start3A_504 = arith.constant 0 : i32
      %dma_start3A_505 = tpu.memref_slice %arg7[%add3A_500, %dma_start3A_504] : memref<80x128xi32, #tpu.memory_space<vmem>> -> memref<1x128xi32, #tpu.memory_space<vmem>>
      %dma_start3A_506 = tpu.memref_squeeze %dma_start3A_505 : memref<1x128xi32, #tpu.memory_space<vmem>> -> memref<128xi32, #tpu.memory_space<vmem>>
      %dma_start3A_507 = arith.constant 0 : i32
      %dma_start3A_508 = arith.constant 0 : i32
      %dma_start3A_509 = tpu.memref_slice %arg11[%dma_start3A_507, %dma_start3A_508] : memref<10240x16xf32, #tpu.memory_space<vmem_shared>> -> memref<10240x16xf32, #tpu.memory_space<vmem_shared>>
      tpu.enqueue_indirect_dma source(%dma_start3A_503 : memref<128x16xf32, #tpu.memory_space<vmem>>) target(%dma_start3A_509 : memref<10240x16xf32, #tpu.memory_space<vmem_shared>>) offsets(%dma_start3A_506 : memref<128xi32, #tpu.memory_space<vmem>>) semaphore(%arg14 : memref<!tpu.dma_semaphore, #tpu.memory_space<semaphore_mem>>) {add = true}
      %dma_wait3A_510 = arith.constant 0 : i32
      %dma_wait3A_511 = arith.constant 0 : i32
      %dma_wait3A_512 = tpu.memref_slice %arg4[%dma_wait3A_510, %dma_wait3A_511] : memref<10240x16xf32, #tpu.memory_space<hbm>> -> memref<1024x16xf32, #tpu.memory_space<hbm>>
      %dma_wait3A_513 = arith.constant 0 : i32
      %dma_wait3A_514 = arith.constant 0 : i32
      %dma_wait3A_515 = tpu.memref_slice %arg4[%dma_wait3A_513, %dma_wait3A_514] : memref<10240x16xf32, #tpu.memory_space<hbm>> -> memref<1024x16xf32, #tpu.memory_space<hbm>>
      tpu.wait_dma2 semaphore(%arg13 : memref<!tpu.dma_semaphore, #tpu.memory_space<semaphore_mem>>) src(%dma_wait3A_515 : memref<1024x16xf32, #tpu.memory_space<hbm>>) dst(%arg9 : memref<1024x16xf32, #tpu.memory_space<vmem>>)
      %mul3A_516 = arith.constant 8 : i32
      %mul3A_517 = arith.muli %add3A_399, %mul3A_516 : i32
      %add3A_518 = arith.constant 0 : i32
      %add3A_519 = arith.addi %mul3A_517, %add3A_518 : i32
      %dma_start3A_520 = arith.constant 0 : i32
      %dma_start3A_521 = arith.constant 0 : i32
      %dma_start3A_522 = tpu.memref_slice %arg9[%dma_start3A_520, %dma_start3A_521] : memref<1024x16xf32, #tpu.memory_space<vmem>> -> memref<128x16xf32, #tpu.memory_space<vmem>>
      %dma_start3A_523 = arith.constant 0 : i32
      %dma_start3A_524 = tpu.memref_slice %arg7[%add3A_519, %dma_start3A_523] : memref<80x128xi32, #tpu.memory_space<vmem>> -> memref<1x128xi32, #tpu.memory_space<vmem>>
      %dma_start3A_525 = tpu.memref_squeeze %dma_start3A_524 : memref<1x128xi32, #tpu.memory_space<vmem>> -> memref<128xi32, #tpu.memory_space<vmem>>
      %dma_start3A_526 = arith.constant 0 : i32
      %dma_start3A_527 = arith.constant 0 : i32
      %dma_start3A_528 = tpu.memref_slice %arg11[%dma_start3A_526, %dma_start3A_527] : memref<10240x16xf32, #tpu.memory_space<vmem_shared>> -> memref<10240x16xf32, #tpu.memory_space<vmem_shared>>
      tpu.enqueue_indirect_dma source(%dma_start3A_522 : memref<128x16xf32, #tpu.memory_space<vmem>>) target(%dma_start3A_528 : memref<10240x16xf32, #tpu.memory_space<vmem_shared>>) offsets(%dma_start3A_525 : memref<128xi32, #tpu.memory_space<vmem>>) semaphore(%arg15 : memref<!tpu.dma_semaphore, #tpu.memory_space<semaphore_mem>>) {add = true}
      %mul3A_529 = arith.constant 8 : i32
      %mul3A_530 = arith.muli %add3A_399, %mul3A_529 : i32
      %add3A_531 = arith.constant 1 : i32
      %add3A_532 = arith.addi %mul3A_530, %add3A_531 : i32
      %dma_start3A_533 = arith.constant 128 : i32
      %dma_start3A_534 = arith.constant 0 : i32
      %dma_start3A_535 = tpu.memref_slice %arg9[%dma_start3A_533, %dma_start3A_534] : memref<1024x16xf32, #tpu.memory_space<vmem>> -> memref<128x16xf32, #tpu.memory_space<vmem>>
      %dma_start3A_536 = arith.constant 0 : i32
      %dma_start3A_537 = tpu.memref_slice %arg7[%add3A_532, %dma_start3A_536] : memref<80x128xi32, #tpu.memory_space<vmem>> -> memref<1x128xi32, #tpu.memory_space<vmem>>
      %dma_start3A_538 = tpu.memref_squeeze %dma_start3A_537 : memref<1x128xi32, #tpu.memory_space<vmem>> -> memref<128xi32, #tpu.memory_space<vmem>>
      %dma_start3A_539 = arith.constant 0 : i32
      %dma_start3A_540 = arith.constant 0 : i32
      %dma_start3A_541 = tpu.memref_slice %arg11[%dma_start3A_539, %dma_start3A_540] : memref<10240x16xf32, #tpu.memory_space<vmem_shared>> -> memref<10240x16xf32, #tpu.memory_space<vmem_shared>>
      tpu.enqueue_indirect_dma source(%dma_start3A_535 : memref<128x16xf32, #tpu.memory_space<vmem>>) target(%dma_start3A_541 : memref<10240x16xf32, #tpu.memory_space<vmem_shared>>) offsets(%dma_start3A_538 : memref<128xi32, #tpu.memory_space<vmem>>) semaphore(%arg15 : memref<!tpu.dma_semaphore, #tpu.memory_space<semaphore_mem>>) {add = true}
      %mul3A_542 = arith.constant 8 : i32
      %mul3A_543 = arith.muli %add3A_399, %mul3A_542 : i32
      %add3A_544 = arith.constant 2 : i32
      %add3A_545 = arith.addi %mul3A_543, %add3A_544 : i32
      %dma_start3A_546 = arith.constant 256 : i32
      %dma_start3A_547 = arith.constant 0 : i32
      %dma_start3A_548 = tpu.memref_slice %arg9[%dma_start3A_546, %dma_start3A_547] : memref<1024x16xf32, #tpu.memory_space<vmem>> -> memref<128x16xf32, #tpu.memory_space<vmem>>
      %dma_start3A_549 = arith.constant 0 : i32
      %dma_start3A_550 = tpu.memref_slice %arg7[%add3A_545, %dma_start3A_549] : memref<80x128xi32, #tpu.memory_space<vmem>> -> memref<1x128xi32, #tpu.memory_space<vmem>>
      %dma_start3A_551 = tpu.memref_squeeze %dma_start3A_550 : memref<1x128xi32, #tpu.memory_space<vmem>> -> memref<128xi32, #tpu.memory_space<vmem>>
      %dma_start3A_552 = arith.constant 0 : i32
      %dma_start3A_553 = arith.constant 0 : i32
      %dma_start3A_554 = tpu.memref_slice %arg11[%dma_start3A_552, %dma_start3A_553] : memref<10240x16xf32, #tpu.memory_space<vmem_shared>> -> memref<10240x16xf32, #tpu.memory_space<vmem_shared>>
      tpu.enqueue_indirect_dma source(%dma_start3A_548 : memref<128x16xf32, #tpu.memory_space<vmem>>) target(%dma_start3A_554 : memref<10240x16xf32, #tpu.memory_space<vmem_shared>>) offsets(%dma_start3A_551 : memref<128xi32, #tpu.memory_space<vmem>>) semaphore(%arg15 : memref<!tpu.dma_semaphore, #tpu.memory_space<semaphore_mem>>) {add = true}
      %mul3A_555 = arith.constant 8 : i32
      %mul3A_556 = arith.muli %add3A_399, %mul3A_555 : i32
      %add3A_557 = arith.constant 3 : i32
      %add3A_558 = arith.addi %mul3A_556, %add3A_557 : i32
      %dma_start3A_559 = arith.constant 384 : i32
      %dma_start3A_560 = arith.constant 0 : i32
      %dma_start3A_561 = tpu.memref_slice %arg9[%dma_start3A_559, %dma_start3A_560] : memref<1024x16xf32, #tpu.memory_space<vmem>> -> memref<128x16xf32, #tpu.memory_space<vmem>>
      %dma_start3A_562 = arith.constant 0 : i32
      %dma_start3A_563 = tpu.memref_slice %arg7[%add3A_558, %dma_start3A_562] : memref<80x128xi32, #tpu.memory_space<vmem>> -> memref<1x128xi32, #tpu.memory_space<vmem>>
      %dma_start3A_564 = tpu.memref_squeeze %dma_start3A_563 : memref<1x128xi32, #tpu.memory_space<vmem>> -> memref<128xi32, #tpu.memory_space<vmem>>
      %dma_start3A_565 = arith.constant 0 : i32
      %dma_start3A_566 = arith.constant 0 : i32
      %dma_start3A_567 = tpu.memref_slice %arg11[%dma_start3A_565, %dma_start3A_566] : memref<10240x16xf32, #tpu.memory_space<vmem_shared>> -> memref<10240x16xf32, #tpu.memory_space<vmem_shared>>
      tpu.enqueue_indirect_dma source(%dma_start3A_561 : memref<128x16xf32, #tpu.memory_space<vmem>>) target(%dma_start3A_567 : memref<10240x16xf32, #tpu.memory_space<vmem_shared>>) offsets(%dma_start3A_564 : memref<128xi32, #tpu.memory_space<vmem>>) semaphore(%arg15 : memref<!tpu.dma_semaphore, #tpu.memory_space<semaphore_mem>>) {add = true}
      %mul3A_568 = arith.constant 8 : i32
      %mul3A_569 = arith.muli %add3A_399, %mul3A_568 : i32
      %add3A_570 = arith.constant 4 : i32
      %add3A_571 = arith.addi %mul3A_569, %add3A_570 : i32
      %dma_start3A_572 = arith.constant 512 : i32
      %dma_start3A_573 = arith.constant 0 : i32
      %dma_start3A_574 = tpu.memref_slice %arg9[%dma_start3A_572, %dma_start3A_573] : memref<1024x16xf32, #tpu.memory_space<vmem>> -> memref<128x16xf32, #tpu.memory_space<vmem>>
      %dma_start3A_575 = arith.constant 0 : i32
      %dma_start3A_576 = tpu.memref_slice %arg7[%add3A_571, %dma_start3A_575] : memref<80x128xi32, #tpu.memory_space<vmem>> -> memref<1x128xi32, #tpu.memory_space<vmem>>
      %dma_start3A_577 = tpu.memref_squeeze %dma_start3A_576 : memref<1x128xi32, #tpu.memory_space<vmem>> -> memref<128xi32, #tpu.memory_space<vmem>>
      %dma_start3A_578 = arith.constant 0 : i32
      %dma_start3A_579 = arith.constant 0 : i32
      %dma_start3A_580 = tpu.memref_slice %arg11[%dma_start3A_578, %dma_start3A_579] : memref<10240x16xf32, #tpu.memory_space<vmem_shared>> -> memref<10240x16xf32, #tpu.memory_space<vmem_shared>>
      tpu.enqueue_indirect_dma source(%dma_start3A_574 : memref<128x16xf32, #tpu.memory_space<vmem>>) target(%dma_start3A_580 : memref<10240x16xf32, #tpu.memory_space<vmem_shared>>) offsets(%dma_start3A_577 : memref<128xi32, #tpu.memory_space<vmem>>) semaphore(%arg15 : memref<!tpu.dma_semaphore, #tpu.memory_space<semaphore_mem>>) {add = true}
      %mul3A_581 = arith.constant 8 : i32
      %mul3A_582 = arith.muli %add3A_399, %mul3A_581 : i32
      %add3A_583 = arith.constant 5 : i32
      %add3A_584 = arith.addi %mul3A_582, %add3A_583 : i32
      %dma_start3A_585 = arith.constant 640 : i32
      %dma_start3A_586 = arith.constant 0 : i32
      %dma_start3A_587 = tpu.memref_slice %arg9[%dma_start3A_585, %dma_start3A_586] : memref<1024x16xf32, #tpu.memory_space<vmem>> -> memref<128x16xf32, #tpu.memory_space<vmem>>
      %dma_start3A_588 = arith.constant 0 : i32
      %dma_start3A_589 = tpu.memref_slice %arg7[%add3A_584, %dma_start3A_588] : memref<80x128xi32, #tpu.memory_space<vmem>> -> memref<1x128xi32, #tpu.memory_space<vmem>>
      %dma_start3A_590 = tpu.memref_squeeze %dma_start3A_589 : memref<1x128xi32, #tpu.memory_space<vmem>> -> memref<128xi32, #tpu.memory_space<vmem>>
      %dma_start3A_591 = arith.constant 0 : i32
      %dma_start3A_592 = arith.constant 0 : i32
      %dma_start3A_593 = tpu.memref_slice %arg11[%dma_start3A_591, %dma_start3A_592] : memref<10240x16xf32, #tpu.memory_space<vmem_shared>> -> memref<10240x16xf32, #tpu.memory_space<vmem_shared>>
      tpu.enqueue_indirect_dma source(%dma_start3A_587 : memref<128x16xf32, #tpu.memory_space<vmem>>) target(%dma_start3A_593 : memref<10240x16xf32, #tpu.memory_space<vmem_shared>>) offsets(%dma_start3A_590 : memref<128xi32, #tpu.memory_space<vmem>>) semaphore(%arg15 : memref<!tpu.dma_semaphore, #tpu.memory_space<semaphore_mem>>) {add = true}
      %mul3A_594 = arith.constant 8 : i32
      %mul3A_595 = arith.muli %add3A_399, %mul3A_594 : i32
      %add3A_596 = arith.constant 6 : i32
      %add3A_597 = arith.addi %mul3A_595, %add3A_596 : i32
      %dma_start3A_598 = arith.constant 768 : i32
      %dma_start3A_599 = arith.constant 0 : i32
      %dma_start3A_600 = tpu.memref_slice %arg9[%dma_start3A_598, %dma_start3A_599] : memref<1024x16xf32, #tpu.memory_space<vmem>> -> memref<128x16xf32, #tpu.memory_space<vmem>>
      %dma_start3A_601 = arith.constant 0 : i32
      %dma_start3A_602 = tpu.memref_slice %arg7[%add3A_597, %dma_start3A_601] : memref<80x128xi32, #tpu.memory_space<vmem>> -> memref<1x128xi32, #tpu.memory_space<vmem>>
      %dma_start3A_603 = tpu.memref_squeeze %dma_start3A_602 : memref<1x128xi32, #tpu.memory_space<vmem>> -> memref<128xi32, #tpu.memory_space<vmem>>
      %dma_start3A_604 = arith.constant 0 : i32
      %dma_start3A_605 = arith.constant 0 : i32
      %dma_start3A_606 = tpu.memref_slice %arg11[%dma_start3A_604, %dma_start3A_605] : memref<10240x16xf32, #tpu.memory_space<vmem_shared>> -> memref<10240x16xf32, #tpu.memory_space<vmem_shared>>
      tpu.enqueue_indirect_dma source(%dma_start3A_600 : memref<128x16xf32, #tpu.memory_space<vmem>>) target(%dma_start3A_606 : memref<10240x16xf32, #tpu.memory_space<vmem_shared>>) offsets(%dma_start3A_603 : memref<128xi32, #tpu.memory_space<vmem>>) semaphore(%arg15 : memref<!tpu.dma_semaphore, #tpu.memory_space<semaphore_mem>>) {add = true}
      %mul3A_607 = arith.constant 8 : i32
      %mul3A_608 = arith.muli %add3A_399, %mul3A_607 : i32
      %add3A_609 = arith.constant 7 : i32
      %add3A_610 = arith.addi %mul3A_608, %add3A_609 : i32
      %dma_start3A_611 = arith.constant 896 : i32
      %dma_start3A_612 = arith.constant 0 : i32
      %dma_start3A_613 = tpu.memref_slice %arg9[%dma_start3A_611, %dma_start3A_612] : memref<1024x16xf32, #tpu.memory_space<vmem>> -> memref<128x16xf32, #tpu.memory_space<vmem>>
      %dma_start3A_614 = arith.constant 0 : i32
      %dma_start3A_615 = tpu.memref_slice %arg7[%add3A_610, %dma_start3A_614] : memref<80x128xi32, #tpu.memory_space<vmem>> -> memref<1x128xi32, #tpu.memory_space<vmem>>
      %dma_start3A_616 = tpu.memref_squeeze %dma_start3A_615 : memref<1x128xi32, #tpu.memory_space<vmem>> -> memref<128xi32, #tpu.memory_space<vmem>>
      %dma_start3A_617 = arith.constant 0 : i32
      %dma_start3A_618 = arith.constant 0 : i32
      %dma_start3A_619 = tpu.memref_slice %arg11[%dma_start3A_617, %dma_start3A_618] : memref<10240x16xf32, #tpu.memory_space<vmem_shared>> -> memref<10240x16xf32, #tpu.memory_space<vmem_shared>>
      tpu.enqueue_indirect_dma source(%dma_start3A_613 : memref<128x16xf32, #tpu.memory_space<vmem>>) target(%dma_start3A_619 : memref<10240x16xf32, #tpu.memory_space<vmem_shared>>) offsets(%dma_start3A_616 : memref<128xi32, #tpu.memory_space<vmem>>) semaphore(%arg15 : memref<!tpu.dma_semaphore, #tpu.memory_space<semaphore_mem>>) {add = true}
      %dma_wait3A_620 = arith.constant 0 : i32
      %dma_wait3A_621 = arith.constant 0 : i32
      %dma_wait3A_622 = tpu.memref_slice %arg11[%dma_wait3A_620, %dma_wait3A_621] : memref<10240x16xf32, #tpu.memory_space<vmem_shared>> -> memref<1024x16xf32, #tpu.memory_space<vmem_shared>>
      %dma_wait3A_623 = arith.constant 0 : i32
      %dma_wait3A_624 = arith.constant 0 : i32
      %dma_wait3A_625 = tpu.memref_slice %arg11[%dma_wait3A_623, %dma_wait3A_624] : memref<10240x16xf32, #tpu.memory_space<vmem_shared>> -> memref<1024x16xf32, #tpu.memory_space<vmem_shared>>
      tpu.wait_dma2 semaphore(%arg14 : memref<!tpu.dma_semaphore, #tpu.memory_space<semaphore_mem>>) src(%arg8 : memref<1024x16xf32, #tpu.memory_space<vmem>>) dst(%dma_wait3A_625 : memref<1024x16xf32, #tpu.memory_space<vmem_shared>>)
      %add3A_626 = arith.constant 2 : i32
      %add3A_627 = arith.addi %mul3A_395, %add3A_626 : i32
      %mul3A_628 = arith.constant 8 : i32
      %mul3A_629 = arith.muli %add3A_627, %mul3A_628 : i32
      %add3A_630 = arith.constant 0 : i32
      %add3A_631 = arith.addi %mul3A_629, %add3A_630 : i32
      %dma_start3A_632 = arith.constant 0 : i32
      %dma_start3A_633 = arith.constant 0 : i32
      %dma_start3A_634 = tpu.memref_slice %arg8[%dma_start3A_632, %dma_start3A_633] : memref<1024x16xf32, #tpu.memory_space<vmem>> -> memref<128x16xf32, #tpu.memory_space<vmem>>
      %dma_start3A_635 = arith.constant 0 : i32
      %dma_start3A_636 = tpu.memref_slice %arg6[%add3A_631, %dma_start3A_635] : memref<80x128xi32, #tpu.memory_space<vmem>> -> memref<1x128xi32, #tpu.memory_space<vmem>>
      %dma_start3A_637 = tpu.memref_squeeze %dma_start3A_636 : memref<1x128xi32, #tpu.memory_space<vmem>> -> memref<128xi32, #tpu.memory_space<vmem>>
      %dma_start3A_638 = arith.constant 0 : i32
      %dma_start3A_639 = arith.constant 0 : i32
      %dma_start3A_640 = tpu.memref_slice %arg4[%dma_start3A_638, %dma_start3A_639] : memref<10240x16xf32, #tpu.memory_space<hbm>> -> memref<10240x16xf32, #tpu.memory_space<hbm>>
      tpu.enqueue_indirect_dma source(%dma_start3A_640 : memref<10240x16xf32, #tpu.memory_space<hbm>>) target(%dma_start3A_634 : memref<128x16xf32, #tpu.memory_space<vmem>>) offsets(%dma_start3A_637 : memref<128xi32, #tpu.memory_space<vmem>>) semaphore(%arg12 : memref<!tpu.dma_semaphore, #tpu.memory_space<semaphore_mem>>)
      %mul3A_641 = arith.constant 8 : i32
      %mul3A_642 = arith.muli %add3A_627, %mul3A_641 : i32
      %add3A_643 = arith.constant 1 : i32
      %add3A_644 = arith.addi %mul3A_642, %add3A_643 : i32
      %dma_start3A_645 = arith.constant 128 : i32
      %dma_start3A_646 = arith.constant 0 : i32
      %dma_start3A_647 = tpu.memref_slice %arg8[%dma_start3A_645, %dma_start3A_646] : memref<1024x16xf32, #tpu.memory_space<vmem>> -> memref<128x16xf32, #tpu.memory_space<vmem>>
      %dma_start3A_648 = arith.constant 0 : i32
      %dma_start3A_649 = tpu.memref_slice %arg6[%add3A_644, %dma_start3A_648] : memref<80x128xi32, #tpu.memory_space<vmem>> -> memref<1x128xi32, #tpu.memory_space<vmem>>
      %dma_start3A_650 = tpu.memref_squeeze %dma_start3A_649 : memref<1x128xi32, #tpu.memory_space<vmem>> -> memref<128xi32, #tpu.memory_space<vmem>>
      %dma_start3A_651 = arith.constant 0 : i32
      %dma_start3A_652 = arith.constant 0 : i32
      %dma_start3A_653 = tpu.memref_slice %arg4[%dma_start3A_651, %dma_start3A_652] : memref<10240x16xf32, #tpu.memory_space<hbm>> -> memref<10240x16xf32, #tpu.memory_space<hbm>>
      tpu.enqueue_indirect_dma source(%dma_start3A_653 : memref<10240x16xf32, #tpu.memory_space<hbm>>) target(%dma_start3A_647 : memref<128x16xf32, #tpu.memory_space<vmem>>) offsets(%dma_start3A_650 : memref<128xi32, #tpu.memory_space<vmem>>) semaphore(%arg12 : memref<!tpu.dma_semaphore, #tpu.memory_space<semaphore_mem>>)
      %mul3A_654 = arith.constant 8 : i32
      %mul3A_655 = arith.muli %add3A_627, %mul3A_654 : i32
      %add3A_656 = arith.constant 2 : i32
      %add3A_657 = arith.addi %mul3A_655, %add3A_656 : i32
      %dma_start3A_658 = arith.constant 256 : i32
      %dma_start3A_659 = arith.constant 0 : i32
      %dma_start3A_660 = tpu.memref_slice %arg8[%dma_start3A_658, %dma_start3A_659] : memref<1024x16xf32, #tpu.memory_space<vmem>> -> memref<128x16xf32, #tpu.memory_space<vmem>>
      %dma_start3A_661 = arith.constant 0 : i32
      %dma_start3A_662 = tpu.memref_slice %arg6[%add3A_657, %dma_start3A_661] : memref<80x128xi32, #tpu.memory_space<vmem>> -> memref<1x128xi32, #tpu.memory_space<vmem>>
      %dma_start3A_663 = tpu.memref_squeeze %dma_start3A_662 : memref<1x128xi32, #tpu.memory_space<vmem>> -> memref<128xi32, #tpu.memory_space<vmem>>
      %dma_start3A_664 = arith.constant 0 : i32
      %dma_start3A_665 = arith.constant 0 : i32
      %dma_start3A_666 = tpu.memref_slice %arg4[%dma_start3A_664, %dma_start3A_665] : memref<10240x16xf32, #tpu.memory_space<hbm>> -> memref<10240x16xf32, #tpu.memory_space<hbm>>
      tpu.enqueue_indirect_dma source(%dma_start3A_666 : memref<10240x16xf32, #tpu.memory_space<hbm>>) target(%dma_start3A_660 : memref<128x16xf32, #tpu.memory_space<vmem>>) offsets(%dma_start3A_663 : memref<128xi32, #tpu.memory_space<vmem>>) semaphore(%arg12 : memref<!tpu.dma_semaphore, #tpu.memory_space<semaphore_mem>>)
      %mul3A_667 = arith.constant 8 : i32
      %mul3A_668 = arith.muli %add3A_627, %mul3A_667 : i32
      %add3A_669 = arith.constant 3 : i32
      %add3A_670 = arith.addi %mul3A_668, %add3A_669 : i32
      %dma_start3A_671 = arith.constant 384 : i32
      %dma_start3A_672 = arith.constant 0 : i32
      %dma_start3A_673 = tpu.memref_slice %arg8[%dma_start3A_671, %dma_start3A_672] : memref<1024x16xf32, #tpu.memory_space<vmem>> -> memref<128x16xf32, #tpu.memory_space<vmem>>
      %dma_start3A_674 = arith.constant 0 : i32
      %dma_start3A_675 = tpu.memref_slice %arg6[%add3A_670, %dma_start3A_674] : memref<80x128xi32, #tpu.memory_space<vmem>> -> memref<1x128xi32, #tpu.memory_space<vmem>>
      %dma_start3A_676 = tpu.memref_squeeze %dma_start3A_675 : memref<1x128xi32, #tpu.memory_space<vmem>> -> memref<128xi32, #tpu.memory_space<vmem>>
      %dma_start3A_677 = arith.constant 0 : i32
      %dma_start3A_678 = arith.constant 0 : i32
      %dma_start3A_679 = tpu.memref_slice %arg4[%dma_start3A_677, %dma_start3A_678] : memref<10240x16xf32, #tpu.memory_space<hbm>> -> memref<10240x16xf32, #tpu.memory_space<hbm>>
      tpu.enqueue_indirect_dma source(%dma_start3A_679 : memref<10240x16xf32, #tpu.memory_space<hbm>>) target(%dma_start3A_673 : memref<128x16xf32, #tpu.memory_space<vmem>>) offsets(%dma_start3A_676 : memref<128xi32, #tpu.memory_space<vmem>>) semaphore(%arg12 : memref<!tpu.dma_semaphore, #tpu.memory_space<semaphore_mem>>)
      %mul3A_680 = arith.constant 8 : i32
      %mul3A_681 = arith.muli %add3A_627, %mul3A_680 : i32
      %add3A_682 = arith.constant 4 : i32
      %add3A_683 = arith.addi %mul3A_681, %add3A_682 : i32
      %dma_start3A_684 = arith.constant 512 : i32
      %dma_start3A_685 = arith.constant 0 : i32
      %dma_start3A_686 = tpu.memref_slice %arg8[%dma_start3A_684, %dma_start3A_685] : memref<1024x16xf32, #tpu.memory_space<vmem>> -> memref<128x16xf32, #tpu.memory_space<vmem>>
      %dma_start3A_687 = arith.constant 0 : i32
      %dma_start3A_688 = tpu.memref_slice %arg6[%add3A_683, %dma_start3A_687] : memref<80x128xi32, #tpu.memory_space<vmem>> -> memref<1x128xi32, #tpu.memory_space<vmem>>
      %dma_start3A_689 = tpu.memref_squeeze %dma_start3A_688 : memref<1x128xi32, #tpu.memory_space<vmem>> -> memref<128xi32, #tpu.memory_space<vmem>>
      %dma_start3A_690 = arith.constant 0 : i32
      %dma_start3A_691 = arith.constant 0 : i32
      %dma_start3A_692 = tpu.memref_slice %arg4[%dma_start3A_690, %dma_start3A_691] : memref<10240x16xf32, #tpu.memory_space<hbm>> -> memref<10240x16xf32, #tpu.memory_space<hbm>>
      tpu.enqueue_indirect_dma source(%dma_start3A_692 : memref<10240x16xf32, #tpu.memory_space<hbm>>) target(%dma_start3A_686 : memref<128x16xf32, #tpu.memory_space<vmem>>) offsets(%dma_start3A_689 : memref<128xi32, #tpu.memory_space<vmem>>) semaphore(%arg12 : memref<!tpu.dma_semaphore, #tpu.memory_space<semaphore_mem>>)
      %mul3A_693 = arith.constant 8 : i32
      %mul3A_694 = arith.muli %add3A_627, %mul3A_693 : i32
      %add3A_695 = arith.constant 5 : i32
      %add3A_696 = arith.addi %mul3A_694, %add3A_695 : i32
      %dma_start3A_697 = arith.constant 640 : i32
      %dma_start3A_698 = arith.constant 0 : i32
      %dma_start3A_699 = tpu.memref_slice %arg8[%dma_start3A_697, %dma_start3A_698] : memref<1024x16xf32, #tpu.memory_space<vmem>> -> memref<128x16xf32, #tpu.memory_space<vmem>>
      %dma_start3A_700 = arith.constant 0 : i32
      %dma_start3A_701 = tpu.memref_slice %arg6[%add3A_696, %dma_start3A_700] : memref<80x128xi32, #tpu.memory_space<vmem>> -> memref<1x128xi32, #tpu.memory_space<vmem>>
      %dma_start3A_702 = tpu.memref_squeeze %dma_start3A_701 : memref<1x128xi32, #tpu.memory_space<vmem>> -> memref<128xi32, #tpu.memory_space<vmem>>
      %dma_start3A_703 = arith.constant 0 : i32
      %dma_start3A_704 = arith.constant 0 : i32
      %dma_start3A_705 = tpu.memref_slice %arg4[%dma_start3A_703, %dma_start3A_704] : memref<10240x16xf32, #tpu.memory_space<hbm>> -> memref<10240x16xf32, #tpu.memory_space<hbm>>
      tpu.enqueue_indirect_dma source(%dma_start3A_705 : memref<10240x16xf32, #tpu.memory_space<hbm>>) target(%dma_start3A_699 : memref<128x16xf32, #tpu.memory_space<vmem>>) offsets(%dma_start3A_702 : memref<128xi32, #tpu.memory_space<vmem>>) semaphore(%arg12 : memref<!tpu.dma_semaphore, #tpu.memory_space<semaphore_mem>>)
      %mul3A_706 = arith.constant 8 : i32
      %mul3A_707 = arith.muli %add3A_627, %mul3A_706 : i32
      %add3A_708 = arith.constant 6 : i32
      %add3A_709 = arith.addi %mul3A_707, %add3A_708 : i32
      %dma_start3A_710 = arith.constant 768 : i32
      %dma_start3A_711 = arith.constant 0 : i32
      %dma_start3A_712 = tpu.memref_slice %arg8[%dma_start3A_710, %dma_start3A_711] : memref<1024x16xf32, #tpu.memory_space<vmem>> -> memref<128x16xf32, #tpu.memory_space<vmem>>
      %dma_start3A_713 = arith.constant 0 : i32
      %dma_start3A_714 = tpu.memref_slice %arg6[%add3A_709, %dma_start3A_713] : memref<80x128xi32, #tpu.memory_space<vmem>> -> memref<1x128xi32, #tpu.memory_space<vmem>>
      %dma_start3A_715 = tpu.memref_squeeze %dma_start3A_714 : memref<1x128xi32, #tpu.memory_space<vmem>> -> memref<128xi32, #tpu.memory_space<vmem>>
      %dma_start3A_716 = arith.constant 0 : i32
      %dma_start3A_717 = arith.constant 0 : i32
      %dma_start3A_718 = tpu.memref_slice %arg4[%dma_start3A_716, %dma_start3A_717] : memref<10240x16xf32, #tpu.memory_space<hbm>> -> memref<10240x16xf32, #tpu.memory_space<hbm>>
      tpu.enqueue_indirect_dma source(%dma_start3A_718 : memref<10240x16xf32, #tpu.memory_space<hbm>>) target(%dma_start3A_712 : memref<128x16xf32, #tpu.memory_space<vmem>>) offsets(%dma_start3A_715 : memref<128xi32, #tpu.memory_space<vmem>>) semaphore(%arg12 : memref<!tpu.dma_semaphore, #tpu.memory_space<semaphore_mem>>)
      %mul3A_719 = arith.constant 8 : i32
      %mul3A_720 = arith.muli %add3A_627, %mul3A_719 : i32
      %add3A_721 = arith.constant 7 : i32
      %add3A_722 = arith.addi %mul3A_720, %add3A_721 : i32
      %dma_start3A_723 = arith.constant 896 : i32
      %dma_start3A_724 = arith.constant 0 : i32
      %dma_start3A_725 = tpu.memref_slice %arg8[%dma_start3A_723, %dma_start3A_724] : memref<1024x16xf32, #tpu.memory_space<vmem>> -> memref<128x16xf32, #tpu.memory_space<vmem>>
      %dma_start3A_726 = arith.constant 0 : i32
      %dma_start3A_727 = tpu.memref_slice %arg6[%add3A_722, %dma_start3A_726] : memref<80x128xi32, #tpu.memory_space<vmem>> -> memref<1x128xi32, #tpu.memory_space<vmem>>
      %dma_start3A_728 = tpu.memref_squeeze %dma_start3A_727 : memref<1x128xi32, #tpu.memory_space<vmem>> -> memref<128xi32, #tpu.memory_space<vmem>>
      %dma_start3A_729 = arith.constant 0 : i32
      %dma_start3A_730 = arith.constant 0 : i32
      %dma_start3A_731 = tpu.memref_slice %arg4[%dma_start3A_729, %dma_start3A_730] : memref<10240x16xf32, #tpu.memory_space<hbm>> -> memref<10240x16xf32, #tpu.memory_space<hbm>>
      tpu.enqueue_indirect_dma source(%dma_start3A_731 : memref<10240x16xf32, #tpu.memory_space<hbm>>) target(%dma_start3A_725 : memref<128x16xf32, #tpu.memory_space<vmem>>) offsets(%dma_start3A_728 : memref<128xi32, #tpu.memory_space<vmem>>) semaphore(%arg12 : memref<!tpu.dma_semaphore, #tpu.memory_space<semaphore_mem>>)
      %dma_wait3A_732 = arith.constant 0 : i32
      %dma_wait3A_733 = arith.constant 0 : i32
      %dma_wait3A_734 = tpu.memref_slice %arg11[%dma_wait3A_732, %dma_wait3A_733] : memref<10240x16xf32, #tpu.memory_space<vmem_shared>> -> memref<1024x16xf32, #tpu.memory_space<vmem_shared>>
      %dma_wait3A_735 = arith.constant 0 : i32
      %dma_wait3A_736 = arith.constant 0 : i32
      %dma_wait3A_737 = tpu.memref_slice %arg11[%dma_wait3A_735, %dma_wait3A_736] : memref<10240x16xf32, #tpu.memory_space<vmem_shared>> -> memref<1024x16xf32, #tpu.memory_space<vmem_shared>>
      tpu.wait_dma2 semaphore(%arg15 : memref<!tpu.dma_semaphore, #tpu.memory_space<semaphore_mem>>) src(%arg9 : memref<1024x16xf32, #tpu.memory_space<vmem>>) dst(%dma_wait3A_737 : memref<1024x16xf32, #tpu.memory_space<vmem_shared>>)
      %add3A_738 = arith.constant 2 : i32
      %add3A_739 = arith.addi %add3A_399, %add3A_738 : i32
      %mul3A_740 = arith.constant 8 : i32
      %mul3A_741 = arith.muli %add3A_739, %mul3A_740 : i32
      %add3A_742 = arith.constant 0 : i32
      %add3A_743 = arith.addi %mul3A_741, %add3A_742 : i32
      %dma_start3A_744 = arith.constant 0 : i32
      %dma_start3A_745 = arith.constant 0 : i32
      %dma_start3A_746 = tpu.memref_slice %arg9[%dma_start3A_744, %dma_start3A_745] : memref<1024x16xf32, #tpu.memory_space<vmem>> -> memref<128x16xf32, #tpu.memory_space<vmem>>
      %dma_start3A_747 = arith.constant 0 : i32
      %dma_start3A_748 = tpu.memref_slice %arg6[%add3A_743, %dma_start3A_747] : memref<80x128xi32, #tpu.memory_space<vmem>> -> memref<1x128xi32, #tpu.memory_space<vmem>>
      %dma_start3A_749 = tpu.memref_squeeze %dma_start3A_748 : memref<1x128xi32, #tpu.memory_space<vmem>> -> memref<128xi32, #tpu.memory_space<vmem>>
      %dma_start3A_750 = arith.constant 0 : i32
      %dma_start3A_751 = arith.constant 0 : i32
      %dma_start3A_752 = tpu.memref_slice %arg4[%dma_start3A_750, %dma_start3A_751] : memref<10240x16xf32, #tpu.memory_space<hbm>> -> memref<10240x16xf32, #tpu.memory_space<hbm>>
      tpu.enqueue_indirect_dma source(%dma_start3A_752 : memref<10240x16xf32, #tpu.memory_space<hbm>>) target(%dma_start3A_746 : memref<128x16xf32, #tpu.memory_space<vmem>>) offsets(%dma_start3A_749 : memref<128xi32, #tpu.memory_space<vmem>>) semaphore(%arg13 : memref<!tpu.dma_semaphore, #tpu.memory_space<semaphore_mem>>)
      %mul3A_753 = arith.constant 8 : i32
      %mul3A_754 = arith.muli %add3A_739, %mul3A_753 : i32
      %add3A_755 = arith.constant 1 : i32
      %add3A_756 = arith.addi %mul3A_754, %add3A_755 : i32
      %dma_start3A_757 = arith.constant 128 : i32
      %dma_start3A_758 = arith.constant 0 : i32
      %dma_start3A_759 = tpu.memref_slice %arg9[%dma_start3A_757, %dma_start3A_758] : memref<1024x16xf32, #tpu.memory_space<vmem>> -> memref<128x16xf32, #tpu.memory_space<vmem>>
      %dma_start3A_760 = arith.constant 0 : i32
      %dma_start3A_761 = tpu.memref_slice %arg6[%add3A_756, %dma_start3A_760] : memref<80x128xi32, #tpu.memory_space<vmem>> -> memref<1x128xi32, #tpu.memory_space<vmem>>
      %dma_start3A_762 = tpu.memref_squeeze %dma_start3A_761 : memref<1x128xi32, #tpu.memory_space<vmem>> -> memref<128xi32, #tpu.memory_space<vmem>>
      %dma_start3A_763 = arith.constant 0 : i32
      %dma_start3A_764 = arith.constant 0 : i32
      %dma_start3A_765 = tpu.memref_slice %arg4[%dma_start3A_763, %dma_start3A_764] : memref<10240x16xf32, #tpu.memory_space<hbm>> -> memref<10240x16xf32, #tpu.memory_space<hbm>>
      tpu.enqueue_indirect_dma source(%dma_start3A_765 : memref<10240x16xf32, #tpu.memory_space<hbm>>) target(%dma_start3A_759 : memref<128x16xf32, #tpu.memory_space<vmem>>) offsets(%dma_start3A_762 : memref<128xi32, #tpu.memory_space<vmem>>) semaphore(%arg13 : memref<!tpu.dma_semaphore, #tpu.memory_space<semaphore_mem>>)
      %mul3A_766 = arith.constant 8 : i32
      %mul3A_767 = arith.muli %add3A_739, %mul3A_766 : i32
      %add3A_768 = arith.constant 2 : i32
      %add3A_769 = arith.addi %mul3A_767, %add3A_768 : i32
      %dma_start3A_770 = arith.constant 256 : i32
      %dma_start3A_771 = arith.constant 0 : i32
      %dma_start3A_772 = tpu.memref_slice %arg9[%dma_start3A_770, %dma_start3A_771] : memref<1024x16xf32, #tpu.memory_space<vmem>> -> memref<128x16xf32, #tpu.memory_space<vmem>>
      %dma_start3A_773 = arith.constant 0 : i32
      %dma_start3A_774 = tpu.memref_slice %arg6[%add3A_769, %dma_start3A_773] : memref<80x128xi32, #tpu.memory_space<vmem>> -> memref<1x128xi32, #tpu.memory_space<vmem>>
      %dma_start3A_775 = tpu.memref_squeeze %dma_start3A_774 : memref<1x128xi32, #tpu.memory_space<vmem>> -> memref<128xi32, #tpu.memory_space<vmem>>
      %dma_start3A_776 = arith.constant 0 : i32
      %dma_start3A_777 = arith.constant 0 : i32
      %dma_start3A_778 = tpu.memref_slice %arg4[%dma_start3A_776, %dma_start3A_777] : memref<10240x16xf32, #tpu.memory_space<hbm>> -> memref<10240x16xf32, #tpu.memory_space<hbm>>
      tpu.enqueue_indirect_dma source(%dma_start3A_778 : memref<10240x16xf32, #tpu.memory_space<hbm>>) target(%dma_start3A_772 : memref<128x16xf32, #tpu.memory_space<vmem>>) offsets(%dma_start3A_775 : memref<128xi32, #tpu.memory_space<vmem>>) semaphore(%arg13 : memref<!tpu.dma_semaphore, #tpu.memory_space<semaphore_mem>>)
      %mul3A_779 = arith.constant 8 : i32
      %mul3A_780 = arith.muli %add3A_739, %mul3A_779 : i32
      %add3A_781 = arith.constant 3 : i32
      %add3A_782 = arith.addi %mul3A_780, %add3A_781 : i32
      %dma_start3A_783 = arith.constant 384 : i32
      %dma_start3A_784 = arith.constant 0 : i32
      %dma_start3A_785 = tpu.memref_slice %arg9[%dma_start3A_783, %dma_start3A_784] : memref<1024x16xf32, #tpu.memory_space<vmem>> -> memref<128x16xf32, #tpu.memory_space<vmem>>
      %dma_start3A_786 = arith.constant 0 : i32
      %dma_start3A_787 = tpu.memref_slice %arg6[%add3A_782, %dma_start3A_786] : memref<80x128xi32, #tpu.memory_space<vmem>> -> memref<1x128xi32, #tpu.memory_space<vmem>>
      %dma_start3A_788 = tpu.memref_squeeze %dma_start3A_787 : memref<1x128xi32, #tpu.memory_space<vmem>> -> memref<128xi32, #tpu.memory_space<vmem>>
      %dma_start3A_789 = arith.constant 0 : i32
      %dma_start3A_790 = arith.constant 0 : i32
      %dma_start3A_791 = tpu.memref_slice %arg4[%dma_start3A_789, %dma_start3A_790] : memref<10240x16xf32, #tpu.memory_space<hbm>> -> memref<10240x16xf32, #tpu.memory_space<hbm>>
      tpu.enqueue_indirect_dma source(%dma_start3A_791 : memref<10240x16xf32, #tpu.memory_space<hbm>>) target(%dma_start3A_785 : memref<128x16xf32, #tpu.memory_space<vmem>>) offsets(%dma_start3A_788 : memref<128xi32, #tpu.memory_space<vmem>>) semaphore(%arg13 : memref<!tpu.dma_semaphore, #tpu.memory_space<semaphore_mem>>)
      %mul3A_792 = arith.constant 8 : i32
      %mul3A_793 = arith.muli %add3A_739, %mul3A_792 : i32
      %add3A_794 = arith.constant 4 : i32
      %add3A_795 = arith.addi %mul3A_793, %add3A_794 : i32
      %dma_start3A_796 = arith.constant 512 : i32
      %dma_start3A_797 = arith.constant 0 : i32
      %dma_start3A_798 = tpu.memref_slice %arg9[%dma_start3A_796, %dma_start3A_797] : memref<1024x16xf32, #tpu.memory_space<vmem>> -> memref<128x16xf32, #tpu.memory_space<vmem>>
      %dma_start3A_799 = arith.constant 0 : i32
      %dma_start3A_800 = tpu.memref_slice %arg6[%add3A_795, %dma_start3A_799] : memref<80x128xi32, #tpu.memory_space<vmem>> -> memref<1x128xi32, #tpu.memory_space<vmem>>
      %dma_start3A_801 = tpu.memref_squeeze %dma_start3A_800 : memref<1x128xi32, #tpu.memory_space<vmem>> -> memref<128xi32, #tpu.memory_space<vmem>>
      %dma_start3A_802 = arith.constant 0 : i32
      %dma_start3A_803 = arith.constant 0 : i32
      %dma_start3A_804 = tpu.memref_slice %arg4[%dma_start3A_802, %dma_start3A_803] : memref<10240x16xf32, #tpu.memory_space<hbm>> -> memref<10240x16xf32, #tpu.memory_space<hbm>>
      tpu.enqueue_indirect_dma source(%dma_start3A_804 : memref<10240x16xf32, #tpu.memory_space<hbm>>) target(%dma_start3A_798 : memref<128x16xf32, #tpu.memory_space<vmem>>) offsets(%dma_start3A_801 : memref<128xi32, #tpu.memory_space<vmem>>) semaphore(%arg13 : memref<!tpu.dma_semaphore, #tpu.memory_space<semaphore_mem>>)
      %mul3A_805 = arith.constant 8 : i32
      %mul3A_806 = arith.muli %add3A_739, %mul3A_805 : i32
      %add3A_807 = arith.constant 5 : i32
      %add3A_808 = arith.addi %mul3A_806, %add3A_807 : i32
      %dma_start3A_809 = arith.constant 640 : i32
      %dma_start3A_810 = arith.constant 0 : i32
      %dma_start3A_811 = tpu.memref_slice %arg9[%dma_start3A_809, %dma_start3A_810] : memref<1024x16xf32, #tpu.memory_space<vmem>> -> memref<128x16xf32, #tpu.memory_space<vmem>>
      %dma_start3A_812 = arith.constant 0 : i32
      %dma_start3A_813 = tpu.memref_slice %arg6[%add3A_808, %dma_start3A_812] : memref<80x128xi32, #tpu.memory_space<vmem>> -> memref<1x128xi32, #tpu.memory_space<vmem>>
      %dma_start3A_814 = tpu.memref_squeeze %dma_start3A_813 : memref<1x128xi32, #tpu.memory_space<vmem>> -> memref<128xi32, #tpu.memory_space<vmem>>
      %dma_start3A_815 = arith.constant 0 : i32
      %dma_start3A_816 = arith.constant 0 : i32
      %dma_start3A_817 = tpu.memref_slice %arg4[%dma_start3A_815, %dma_start3A_816] : memref<10240x16xf32, #tpu.memory_space<hbm>> -> memref<10240x16xf32, #tpu.memory_space<hbm>>
      tpu.enqueue_indirect_dma source(%dma_start3A_817 : memref<10240x16xf32, #tpu.memory_space<hbm>>) target(%dma_start3A_811 : memref<128x16xf32, #tpu.memory_space<vmem>>) offsets(%dma_start3A_814 : memref<128xi32, #tpu.memory_space<vmem>>) semaphore(%arg13 : memref<!tpu.dma_semaphore, #tpu.memory_space<semaphore_mem>>)
      %mul3A_818 = arith.constant 8 : i32
      %mul3A_819 = arith.muli %add3A_739, %mul3A_818 : i32
      %add3A_820 = arith.constant 6 : i32
      %add3A_821 = arith.addi %mul3A_819, %add3A_820 : i32
      %dma_start3A_822 = arith.constant 768 : i32
      %dma_start3A_823 = arith.constant 0 : i32
      %dma_start3A_824 = tpu.memref_slice %arg9[%dma_start3A_822, %dma_start3A_823] : memref<1024x16xf32, #tpu.memory_space<vmem>> -> memref<128x16xf32, #tpu.memory_space<vmem>>
      %dma_start3A_825 = arith.constant 0 : i32
      %dma_start3A_826 = tpu.memref_slice %arg6[%add3A_821, %dma_start3A_825] : memref<80x128xi32, #tpu.memory_space<vmem>> -> memref<1x128xi32, #tpu.memory_space<vmem>>
      %dma_start3A_827 = tpu.memref_squeeze %dma_start3A_826 : memref<1x128xi32, #tpu.memory_space<vmem>> -> memref<128xi32, #tpu.memory_space<vmem>>
      %dma_start3A_828 = arith.constant 0 : i32
      %dma_start3A_829 = arith.constant 0 : i32
      %dma_start3A_830 = tpu.memref_slice %arg4[%dma_start3A_828, %dma_start3A_829] : memref<10240x16xf32, #tpu.memory_space<hbm>> -> memref<10240x16xf32, #tpu.memory_space<hbm>>
      tpu.enqueue_indirect_dma source(%dma_start3A_830 : memref<10240x16xf32, #tpu.memory_space<hbm>>) target(%dma_start3A_824 : memref<128x16xf32, #tpu.memory_space<vmem>>) offsets(%dma_start3A_827 : memref<128xi32, #tpu.memory_space<vmem>>) semaphore(%arg13 : memref<!tpu.dma_semaphore, #tpu.memory_space<semaphore_mem>>)
      %mul3A_831 = arith.constant 8 : i32
      %mul3A_832 = arith.muli %add3A_739, %mul3A_831 : i32
      %add3A_833 = arith.constant 7 : i32
      %add3A_834 = arith.addi %mul3A_832, %add3A_833 : i32
      %dma_start3A_835 = arith.constant 896 : i32
      %dma_start3A_836 = arith.constant 0 : i32
      %dma_start3A_837 = tpu.memref_slice %arg9[%dma_start3A_835, %dma_start3A_836] : memref<1024x16xf32, #tpu.memory_space<vmem>> -> memref<128x16xf32, #tpu.memory_space<vmem>>
      %dma_start3A_838 = arith.constant 0 : i32
      %dma_start3A_839 = tpu.memref_slice %arg6[%add3A_834, %dma_start3A_838] : memref<80x128xi32, #tpu.memory_space<vmem>> -> memref<1x128xi32, #tpu.memory_space<vmem>>
      %dma_start3A_840 = tpu.memref_squeeze %dma_start3A_839 : memref<1x128xi32, #tpu.memory_space<vmem>> -> memref<128xi32, #tpu.memory_space<vmem>>
      %dma_start3A_841 = arith.constant 0 : i32
      %dma_start3A_842 = arith.constant 0 : i32
      %dma_start3A_843 = tpu.memref_slice %arg4[%dma_start3A_841, %dma_start3A_842] : memref<10240x16xf32, #tpu.memory_space<hbm>> -> memref<10240x16xf32, #tpu.memory_space<hbm>>
      tpu.enqueue_indirect_dma source(%dma_start3A_843 : memref<10240x16xf32, #tpu.memory_space<hbm>>) target(%dma_start3A_837 : memref<128x16xf32, #tpu.memory_space<vmem>>) offsets(%dma_start3A_840 : memref<128xi32, #tpu.memory_space<vmem>>) semaphore(%arg13 : memref<!tpu.dma_semaphore, #tpu.memory_space<semaphore_mem>>)
    }
    %scan3A_204 = arith.constant 4 : i32
    %dma_wait3A = arith.constant 0 : i32
    %dma_wait3A_205 = arith.constant 0 : i32
    %dma_wait3A_206 = tpu.memref_slice %arg4[%dma_wait3A, %dma_wait3A_205] : memref<10240x16xf32, #tpu.memory_space<hbm>> -> memref<1024x16xf32, #tpu.memory_space<hbm>>
    %dma_wait3A_207 = arith.constant 0 : i32
    %dma_wait3A_208 = arith.constant 0 : i32
    %dma_wait3A_209 = tpu.memref_slice %arg4[%dma_wait3A_207, %dma_wait3A_208] : memref<10240x16xf32, #tpu.memory_space<hbm>> -> memref<1024x16xf32, #tpu.memory_space<hbm>>
    tpu.wait_dma2 semaphore(%arg12 : memref<!tpu.dma_semaphore, #tpu.memory_space<semaphore_mem>>) src(%dma_wait3A_209 : memref<1024x16xf32, #tpu.memory_space<hbm>>) dst(%arg8 : memref<1024x16xf32, #tpu.memory_space<vmem>>)
    %dma_start3A_210 = arith.constant 64 : i32
    %dma_start3A_211 = arith.constant 0 : i32
    %dma_start3A_212 = arith.constant 0 : i32
    %dma_start3A_213 = tpu.memref_slice %arg8[%dma_start3A_211, %dma_start3A_212] : memref<1024x16xf32, #tpu.memory_space<vmem>> -> memref<128x16xf32, #tpu.memory_space<vmem>>
    %dma_start3A_214 = arith.constant 0 : i32
    %dma_start3A_215 = tpu.memref_slice %arg7[%dma_start3A_210, %dma_start3A_214] : memref<80x128xi32, #tpu.memory_space<vmem>> -> memref<1x128xi32, #tpu.memory_space<vmem>>
    %dma_start3A_216 = tpu.memref_squeeze %dma_start3A_215 : memref<1x128xi32, #tpu.memory_space<vmem>> -> memref<128xi32, #tpu.memory_space<vmem>>
    %dma_start3A_217 = arith.constant 0 : i32
    %dma_start3A_218 = arith.constant 0 : i32
    %dma_start3A_219 = tpu.memref_slice %arg11[%dma_start3A_217, %dma_start3A_218] : memref<10240x16xf32, #tpu.memory_space<vmem_shared>> -> memref<10240x16xf32, #tpu.memory_space<vmem_shared>>
    tpu.enqueue_indirect_dma source(%dma_start3A_213 : memref<128x16xf32, #tpu.memory_space<vmem>>) target(%dma_start3A_219 : memref<10240x16xf32, #tpu.memory_space<vmem_shared>>) offsets(%dma_start3A_216 : memref<128xi32, #tpu.memory_space<vmem>>) semaphore(%arg14 : memref<!tpu.dma_semaphore, #tpu.memory_space<semaphore_mem>>) {add = true}
    %dma_start3A_220 = arith.constant 65 : i32
    %dma_start3A_221 = arith.constant 128 : i32
    %dma_start3A_222 = arith.constant 0 : i32
    %dma_start3A_223 = tpu.memref_slice %arg8[%dma_start3A_221, %dma_start3A_222] : memref<1024x16xf32, #tpu.memory_space<vmem>> -> memref<128x16xf32, #tpu.memory_space<vmem>>
    %dma_start3A_224 = arith.constant 0 : i32
    %dma_start3A_225 = tpu.memref_slice %arg7[%dma_start3A_220, %dma_start3A_224] : memref<80x128xi32, #tpu.memory_space<vmem>> -> memref<1x128xi32, #tpu.memory_space<vmem>>
    %dma_start3A_226 = tpu.memref_squeeze %dma_start3A_225 : memref<1x128xi32, #tpu.memory_space<vmem>> -> memref<128xi32, #tpu.memory_space<vmem>>
    %dma_start3A_227 = arith.constant 0 : i32
    %dma_start3A_228 = arith.constant 0 : i32
    %dma_start3A_229 = tpu.memref_slice %arg11[%dma_start3A_227, %dma_start3A_228] : memref<10240x16xf32, #tpu.memory_space<vmem_shared>> -> memref<10240x16xf32, #tpu.memory_space<vmem_shared>>
    tpu.enqueue_indirect_dma source(%dma_start3A_223 : memref<128x16xf32, #tpu.memory_space<vmem>>) target(%dma_start3A_229 : memref<10240x16xf32, #tpu.memory_space<vmem_shared>>) offsets(%dma_start3A_226 : memref<128xi32, #tpu.memory_space<vmem>>) semaphore(%arg14 : memref<!tpu.dma_semaphore, #tpu.memory_space<semaphore_mem>>) {add = true}
    %dma_start3A_230 = arith.constant 66 : i32
    %dma_start3A_231 = arith.constant 256 : i32
    %dma_start3A_232 = arith.constant 0 : i32
    %dma_start3A_233 = tpu.memref_slice %arg8[%dma_start3A_231, %dma_start3A_232] : memref<1024x16xf32, #tpu.memory_space<vmem>> -> memref<128x16xf32, #tpu.memory_space<vmem>>
    %dma_start3A_234 = arith.constant 0 : i32
    %dma_start3A_235 = tpu.memref_slice %arg7[%dma_start3A_230, %dma_start3A_234] : memref<80x128xi32, #tpu.memory_space<vmem>> -> memref<1x128xi32, #tpu.memory_space<vmem>>
    %dma_start3A_236 = tpu.memref_squeeze %dma_start3A_235 : memref<1x128xi32, #tpu.memory_space<vmem>> -> memref<128xi32, #tpu.memory_space<vmem>>
    %dma_start3A_237 = arith.constant 0 : i32
    %dma_start3A_238 = arith.constant 0 : i32
    %dma_start3A_239 = tpu.memref_slice %arg11[%dma_start3A_237, %dma_start3A_238] : memref<10240x16xf32, #tpu.memory_space<vmem_shared>> -> memref<10240x16xf32, #tpu.memory_space<vmem_shared>>
    tpu.enqueue_indirect_dma source(%dma_start3A_233 : memref<128x16xf32, #tpu.memory_space<vmem>>) target(%dma_start3A_239 : memref<10240x16xf32, #tpu.memory_space<vmem_shared>>) offsets(%dma_start3A_236 : memref<128xi32, #tpu.memory_space<vmem>>) semaphore(%arg14 : memref<!tpu.dma_semaphore, #tpu.memory_space<semaphore_mem>>) {add = true}
    %dma_start3A_240 = arith.constant 67 : i32
    %dma_start3A_241 = arith.constant 384 : i32
    %dma_start3A_242 = arith.constant 0 : i32
    %dma_start3A_243 = tpu.memref_slice %arg8[%dma_start3A_241, %dma_start3A_242] : memref<1024x16xf32, #tpu.memory_space<vmem>> -> memref<128x16xf32, #tpu.memory_space<vmem>>
    %dma_start3A_244 = arith.constant 0 : i32
    %dma_start3A_245 = tpu.memref_slice %arg7[%dma_start3A_240, %dma_start3A_244] : memref<80x128xi32, #tpu.memory_space<vmem>> -> memref<1x128xi32, #tpu.memory_space<vmem>>
    %dma_start3A_246 = tpu.memref_squeeze %dma_start3A_245 : memref<1x128xi32, #tpu.memory_space<vmem>> -> memref<128xi32, #tpu.memory_space<vmem>>
    %dma_start3A_247 = arith.constant 0 : i32
    %dma_start3A_248 = arith.constant 0 : i32
    %dma_start3A_249 = tpu.memref_slice %arg11[%dma_start3A_247, %dma_start3A_248] : memref<10240x16xf32, #tpu.memory_space<vmem_shared>> -> memref<10240x16xf32, #tpu.memory_space<vmem_shared>>
    tpu.enqueue_indirect_dma source(%dma_start3A_243 : memref<128x16xf32, #tpu.memory_space<vmem>>) target(%dma_start3A_249 : memref<10240x16xf32, #tpu.memory_space<vmem_shared>>) offsets(%dma_start3A_246 : memref<128xi32, #tpu.memory_space<vmem>>) semaphore(%arg14 : memref<!tpu.dma_semaphore, #tpu.memory_space<semaphore_mem>>) {add = true}
    %dma_start3A_250 = arith.constant 68 : i32
    %dma_start3A_251 = arith.constant 512 : i32
    %dma_start3A_252 = arith.constant 0 : i32
    %dma_start3A_253 = tpu.memref_slice %arg8[%dma_start3A_251, %dma_start3A_252] : memref<1024x16xf32, #tpu.memory_space<vmem>> -> memref<128x16xf32, #tpu.memory_space<vmem>>
    %dma_start3A_254 = arith.constant 0 : i32
    %dma_start3A_255 = tpu.memref_slice %arg7[%dma_start3A_250, %dma_start3A_254] : memref<80x128xi32, #tpu.memory_space<vmem>> -> memref<1x128xi32, #tpu.memory_space<vmem>>
    %dma_start3A_256 = tpu.memref_squeeze %dma_start3A_255 : memref<1x128xi32, #tpu.memory_space<vmem>> -> memref<128xi32, #tpu.memory_space<vmem>>
    %dma_start3A_257 = arith.constant 0 : i32
    %dma_start3A_258 = arith.constant 0 : i32
    %dma_start3A_259 = tpu.memref_slice %arg11[%dma_start3A_257, %dma_start3A_258] : memref<10240x16xf32, #tpu.memory_space<vmem_shared>> -> memref<10240x16xf32, #tpu.memory_space<vmem_shared>>
    tpu.enqueue_indirect_dma source(%dma_start3A_253 : memref<128x16xf32, #tpu.memory_space<vmem>>) target(%dma_start3A_259 : memref<10240x16xf32, #tpu.memory_space<vmem_shared>>) offsets(%dma_start3A_256 : memref<128xi32, #tpu.memory_space<vmem>>) semaphore(%arg14 : memref<!tpu.dma_semaphore, #tpu.memory_space<semaphore_mem>>) {add = true}
    %dma_start3A_260 = arith.constant 69 : i32
    %dma_start3A_261 = arith.constant 640 : i32
    %dma_start3A_262 = arith.constant 0 : i32
    %dma_start3A_263 = tpu.memref_slice %arg8[%dma_start3A_261, %dma_start3A_262] : memref<1024x16xf32, #tpu.memory_space<vmem>> -> memref<128x16xf32, #tpu.memory_space<vmem>>
    %dma_start3A_264 = arith.constant 0 : i32
    %dma_start3A_265 = tpu.memref_slice %arg7[%dma_start3A_260, %dma_start3A_264] : memref<80x128xi32, #tpu.memory_space<vmem>> -> memref<1x128xi32, #tpu.memory_space<vmem>>
    %dma_start3A_266 = tpu.memref_squeeze %dma_start3A_265 : memref<1x128xi32, #tpu.memory_space<vmem>> -> memref<128xi32, #tpu.memory_space<vmem>>
    %dma_start3A_267 = arith.constant 0 : i32
    %dma_start3A_268 = arith.constant 0 : i32
    %dma_start3A_269 = tpu.memref_slice %arg11[%dma_start3A_267, %dma_start3A_268] : memref<10240x16xf32, #tpu.memory_space<vmem_shared>> -> memref<10240x16xf32, #tpu.memory_space<vmem_shared>>
    tpu.enqueue_indirect_dma source(%dma_start3A_263 : memref<128x16xf32, #tpu.memory_space<vmem>>) target(%dma_start3A_269 : memref<10240x16xf32, #tpu.memory_space<vmem_shared>>) offsets(%dma_start3A_266 : memref<128xi32, #tpu.memory_space<vmem>>) semaphore(%arg14 : memref<!tpu.dma_semaphore, #tpu.memory_space<semaphore_mem>>) {add = true}
    %dma_start3A_270 = arith.constant 70 : i32
    %dma_start3A_271 = arith.constant 768 : i32
    %dma_start3A_272 = arith.constant 0 : i32
    %dma_start3A_273 = tpu.memref_slice %arg8[%dma_start3A_271, %dma_start3A_272] : memref<1024x16xf32, #tpu.memory_space<vmem>> -> memref<128x16xf32, #tpu.memory_space<vmem>>
    %dma_start3A_274 = arith.constant 0 : i32
    %dma_start3A_275 = tpu.memref_slice %arg7[%dma_start3A_270, %dma_start3A_274] : memref<80x128xi32, #tpu.memory_space<vmem>> -> memref<1x128xi32, #tpu.memory_space<vmem>>
    %dma_start3A_276 = tpu.memref_squeeze %dma_start3A_275 : memref<1x128xi32, #tpu.memory_space<vmem>> -> memref<128xi32, #tpu.memory_space<vmem>>
    %dma_start3A_277 = arith.constant 0 : i32
    %dma_start3A_278 = arith.constant 0 : i32
    %dma_start3A_279 = tpu.memref_slice %arg11[%dma_start3A_277, %dma_start3A_278] : memref<10240x16xf32, #tpu.memory_space<vmem_shared>> -> memref<10240x16xf32, #tpu.memory_space<vmem_shared>>
    tpu.enqueue_indirect_dma source(%dma_start3A_273 : memref<128x16xf32, #tpu.memory_space<vmem>>) target(%dma_start3A_279 : memref<10240x16xf32, #tpu.memory_space<vmem_shared>>) offsets(%dma_start3A_276 : memref<128xi32, #tpu.memory_space<vmem>>) semaphore(%arg14 : memref<!tpu.dma_semaphore, #tpu.memory_space<semaphore_mem>>) {add = true}
    %dma_start3A_280 = arith.constant 71 : i32
    %dma_start3A_281 = arith.constant 896 : i32
    %dma_start3A_282 = arith.constant 0 : i32
    %dma_start3A_283 = tpu.memref_slice %arg8[%dma_start3A_281, %dma_start3A_282] : memref<1024x16xf32, #tpu.memory_space<vmem>> -> memref<128x16xf32, #tpu.memory_space<vmem>>
    %dma_start3A_284 = arith.constant 0 : i32
    %dma_start3A_285 = tpu.memref_slice %arg7[%dma_start3A_280, %dma_start3A_284] : memref<80x128xi32, #tpu.memory_space<vmem>> -> memref<1x128xi32, #tpu.memory_space<vmem>>
    %dma_start3A_286 = tpu.memref_squeeze %dma_start3A_285 : memref<1x128xi32, #tpu.memory_space<vmem>> -> memref<128xi32, #tpu.memory_space<vmem>>
    %dma_start3A_287 = arith.constant 0 : i32
    %dma_start3A_288 = arith.constant 0 : i32
    %dma_start3A_289 = tpu.memref_slice %arg11[%dma_start3A_287, %dma_start3A_288] : memref<10240x16xf32, #tpu.memory_space<vmem_shared>> -> memref<10240x16xf32, #tpu.memory_space<vmem_shared>>
    tpu.enqueue_indirect_dma source(%dma_start3A_283 : memref<128x16xf32, #tpu.memory_space<vmem>>) target(%dma_start3A_289 : memref<10240x16xf32, #tpu.memory_space<vmem_shared>>) offsets(%dma_start3A_286 : memref<128xi32, #tpu.memory_space<vmem>>) semaphore(%arg14 : memref<!tpu.dma_semaphore, #tpu.memory_space<semaphore_mem>>) {add = true}
    %dma_wait3A_290 = arith.constant 0 : i32
    %dma_wait3A_291 = arith.constant 0 : i32
    %dma_wait3A_292 = tpu.memref_slice %arg4[%dma_wait3A_290, %dma_wait3A_291] : memref<10240x16xf32, #tpu.memory_space<hbm>> -> memref<1024x16xf32, #tpu.memory_space<hbm>>
    %dma_wait3A_293 = arith.constant 0 : i32
    %dma_wait3A_294 = arith.constant 0 : i32
    %dma_wait3A_295 = tpu.memref_slice %arg4[%dma_wait3A_293, %dma_wait3A_294] : memref<10240x16xf32, #tpu.memory_space<hbm>> -> memref<1024x16xf32, #tpu.memory_space<hbm>>
    tpu.wait_dma2 semaphore(%arg13 : memref<!tpu.dma_semaphore, #tpu.memory_space<semaphore_mem>>) src(%dma_wait3A_295 : memref<1024x16xf32, #tpu.memory_space<hbm>>) dst(%arg9 : memref<1024x16xf32, #tpu.memory_space<vmem>>)
    %dma_start3A_296 = arith.constant 72 : i32
    %dma_start3A_297 = arith.constant 0 : i32
    %dma_start3A_298 = arith.constant 0 : i32
    %dma_start3A_299 = tpu.memref_slice %arg9[%dma_start3A_297, %dma_start3A_298] : memref<1024x16xf32, #tpu.memory_space<vmem>> -> memref<128x16xf32, #tpu.memory_space<vmem>>
    %dma_start3A_300 = arith.constant 0 : i32
    %dma_start3A_301 = tpu.memref_slice %arg7[%dma_start3A_296, %dma_start3A_300] : memref<80x128xi32, #tpu.memory_space<vmem>> -> memref<1x128xi32, #tpu.memory_space<vmem>>
    %dma_start3A_302 = tpu.memref_squeeze %dma_start3A_301 : memref<1x128xi32, #tpu.memory_space<vmem>> -> memref<128xi32, #tpu.memory_space<vmem>>
    %dma_start3A_303 = arith.constant 0 : i32
    %dma_start3A_304 = arith.constant 0 : i32
    %dma_start3A_305 = tpu.memref_slice %arg11[%dma_start3A_303, %dma_start3A_304] : memref<10240x16xf32, #tpu.memory_space<vmem_shared>> -> memref<10240x16xf32, #tpu.memory_space<vmem_shared>>
    tpu.enqueue_indirect_dma source(%dma_start3A_299 : memref<128x16xf32, #tpu.memory_space<vmem>>) target(%dma_start3A_305 : memref<10240x16xf32, #tpu.memory_space<vmem_shared>>) offsets(%dma_start3A_302 : memref<128xi32, #tpu.memory_space<vmem>>) semaphore(%arg15 : memref<!tpu.dma_semaphore, #tpu.memory_space<semaphore_mem>>) {add = true}
    %dma_start3A_306 = arith.constant 73 : i32
    %dma_start3A_307 = arith.constant 128 : i32
    %dma_start3A_308 = arith.constant 0 : i32
    %dma_start3A_309 = tpu.memref_slice %arg9[%dma_start3A_307, %dma_start3A_308] : memref<1024x16xf32, #tpu.memory_space<vmem>> -> memref<128x16xf32, #tpu.memory_space<vmem>>
    %dma_start3A_310 = arith.constant 0 : i32
    %dma_start3A_311 = tpu.memref_slice %arg7[%dma_start3A_306, %dma_start3A_310] : memref<80x128xi32, #tpu.memory_space<vmem>> -> memref<1x128xi32, #tpu.memory_space<vmem>>
    %dma_start3A_312 = tpu.memref_squeeze %dma_start3A_311 : memref<1x128xi32, #tpu.memory_space<vmem>> -> memref<128xi32, #tpu.memory_space<vmem>>
    %dma_start3A_313 = arith.constant 0 : i32
    %dma_start3A_314 = arith.constant 0 : i32
    %dma_start3A_315 = tpu.memref_slice %arg11[%dma_start3A_313, %dma_start3A_314] : memref<10240x16xf32, #tpu.memory_space<vmem_shared>> -> memref<10240x16xf32, #tpu.memory_space<vmem_shared>>
    tpu.enqueue_indirect_dma source(%dma_start3A_309 : memref<128x16xf32, #tpu.memory_space<vmem>>) target(%dma_start3A_315 : memref<10240x16xf32, #tpu.memory_space<vmem_shared>>) offsets(%dma_start3A_312 : memref<128xi32, #tpu.memory_space<vmem>>) semaphore(%arg15 : memref<!tpu.dma_semaphore, #tpu.memory_space<semaphore_mem>>) {add = true}
    %dma_start3A_316 = arith.constant 74 : i32
    %dma_start3A_317 = arith.constant 256 : i32
    %dma_start3A_318 = arith.constant 0 : i32
    %dma_start3A_319 = tpu.memref_slice %arg9[%dma_start3A_317, %dma_start3A_318] : memref<1024x16xf32, #tpu.memory_space<vmem>> -> memref<128x16xf32, #tpu.memory_space<vmem>>
    %dma_start3A_320 = arith.constant 0 : i32
    %dma_start3A_321 = tpu.memref_slice %arg7[%dma_start3A_316, %dma_start3A_320] : memref<80x128xi32, #tpu.memory_space<vmem>> -> memref<1x128xi32, #tpu.memory_space<vmem>>
    %dma_start3A_322 = tpu.memref_squeeze %dma_start3A_321 : memref<1x128xi32, #tpu.memory_space<vmem>> -> memref<128xi32, #tpu.memory_space<vmem>>
    %dma_start3A_323 = arith.constant 0 : i32
    %dma_start3A_324 = arith.constant 0 : i32
    %dma_start3A_325 = tpu.memref_slice %arg11[%dma_start3A_323, %dma_start3A_324] : memref<10240x16xf32, #tpu.memory_space<vmem_shared>> -> memref<10240x16xf32, #tpu.memory_space<vmem_shared>>
    tpu.enqueue_indirect_dma source(%dma_start3A_319 : memref<128x16xf32, #tpu.memory_space<vmem>>) target(%dma_start3A_325 : memref<10240x16xf32, #tpu.memory_space<vmem_shared>>) offsets(%dma_start3A_322 : memref<128xi32, #tpu.memory_space<vmem>>) semaphore(%arg15 : memref<!tpu.dma_semaphore, #tpu.memory_space<semaphore_mem>>) {add = true}
    %dma_start3A_326 = arith.constant 75 : i32
    %dma_start3A_327 = arith.constant 384 : i32
    %dma_start3A_328 = arith.constant 0 : i32
    %dma_start3A_329 = tpu.memref_slice %arg9[%dma_start3A_327, %dma_start3A_328] : memref<1024x16xf32, #tpu.memory_space<vmem>> -> memref<128x16xf32, #tpu.memory_space<vmem>>
    %dma_start3A_330 = arith.constant 0 : i32
    %dma_start3A_331 = tpu.memref_slice %arg7[%dma_start3A_326, %dma_start3A_330] : memref<80x128xi32, #tpu.memory_space<vmem>> -> memref<1x128xi32, #tpu.memory_space<vmem>>
    %dma_start3A_332 = tpu.memref_squeeze %dma_start3A_331 : memref<1x128xi32, #tpu.memory_space<vmem>> -> memref<128xi32, #tpu.memory_space<vmem>>
    %dma_start3A_333 = arith.constant 0 : i32
    %dma_start3A_334 = arith.constant 0 : i32
    %dma_start3A_335 = tpu.memref_slice %arg11[%dma_start3A_333, %dma_start3A_334] : memref<10240x16xf32, #tpu.memory_space<vmem_shared>> -> memref<10240x16xf32, #tpu.memory_space<vmem_shared>>
    tpu.enqueue_indirect_dma source(%dma_start3A_329 : memref<128x16xf32, #tpu.memory_space<vmem>>) target(%dma_start3A_335 : memref<10240x16xf32, #tpu.memory_space<vmem_shared>>) offsets(%dma_start3A_332 : memref<128xi32, #tpu.memory_space<vmem>>) semaphore(%arg15 : memref<!tpu.dma_semaphore, #tpu.memory_space<semaphore_mem>>) {add = true}
    %dma_start3A_336 = arith.constant 76 : i32
    %dma_start3A_337 = arith.constant 512 : i32
    %dma_start3A_338 = arith.constant 0 : i32
    %dma_start3A_339 = tpu.memref_slice %arg9[%dma_start3A_337, %dma_start3A_338] : memref<1024x16xf32, #tpu.memory_space<vmem>> -> memref<128x16xf32, #tpu.memory_space<vmem>>
    %dma_start3A_340 = arith.constant 0 : i32
    %dma_start3A_341 = tpu.memref_slice %arg7[%dma_start3A_336, %dma_start3A_340] : memref<80x128xi32, #tpu.memory_space<vmem>> -> memref<1x128xi32, #tpu.memory_space<vmem>>
    %dma_start3A_342 = tpu.memref_squeeze %dma_start3A_341 : memref<1x128xi32, #tpu.memory_space<vmem>> -> memref<128xi32, #tpu.memory_space<vmem>>
    %dma_start3A_343 = arith.constant 0 : i32
    %dma_start3A_344 = arith.constant 0 : i32
    %dma_start3A_345 = tpu.memref_slice %arg11[%dma_start3A_343, %dma_start3A_344] : memref<10240x16xf32, #tpu.memory_space<vmem_shared>> -> memref<10240x16xf32, #tpu.memory_space<vmem_shared>>
    tpu.enqueue_indirect_dma source(%dma_start3A_339 : memref<128x16xf32, #tpu.memory_space<vmem>>) target(%dma_start3A_345 : memref<10240x16xf32, #tpu.memory_space<vmem_shared>>) offsets(%dma_start3A_342 : memref<128xi32, #tpu.memory_space<vmem>>) semaphore(%arg15 : memref<!tpu.dma_semaphore, #tpu.memory_space<semaphore_mem>>) {add = true}
    %dma_start3A_346 = arith.constant 77 : i32
    %dma_start3A_347 = arith.constant 640 : i32
    %dma_start3A_348 = arith.constant 0 : i32
    %dma_start3A_349 = tpu.memref_slice %arg9[%dma_start3A_347, %dma_start3A_348] : memref<1024x16xf32, #tpu.memory_space<vmem>> -> memref<128x16xf32, #tpu.memory_space<vmem>>
    %dma_start3A_350 = arith.constant 0 : i32
    %dma_start3A_351 = tpu.memref_slice %arg7[%dma_start3A_346, %dma_start3A_350] : memref<80x128xi32, #tpu.memory_space<vmem>> -> memref<1x128xi32, #tpu.memory_space<vmem>>
    %dma_start3A_352 = tpu.memref_squeeze %dma_start3A_351 : memref<1x128xi32, #tpu.memory_space<vmem>> -> memref<128xi32, #tpu.memory_space<vmem>>
    %dma_start3A_353 = arith.constant 0 : i32
    %dma_start3A_354 = arith.constant 0 : i32
    %dma_start3A_355 = tpu.memref_slice %arg11[%dma_start3A_353, %dma_start3A_354] : memref<10240x16xf32, #tpu.memory_space<vmem_shared>> -> memref<10240x16xf32, #tpu.memory_space<vmem_shared>>
    tpu.enqueue_indirect_dma source(%dma_start3A_349 : memref<128x16xf32, #tpu.memory_space<vmem>>) target(%dma_start3A_355 : memref<10240x16xf32, #tpu.memory_space<vmem_shared>>) offsets(%dma_start3A_352 : memref<128xi32, #tpu.memory_space<vmem>>) semaphore(%arg15 : memref<!tpu.dma_semaphore, #tpu.memory_space<semaphore_mem>>) {add = true}
    %dma_start3A_356 = arith.constant 78 : i32
    %dma_start3A_357 = arith.constant 768 : i32
    %dma_start3A_358 = arith.constant 0 : i32
    %dma_start3A_359 = tpu.memref_slice %arg9[%dma_start3A_357, %dma_start3A_358] : memref<1024x16xf32, #tpu.memory_space<vmem>> -> memref<128x16xf32, #tpu.memory_space<vmem>>
    %dma_start3A_360 = arith.constant 0 : i32
    %dma_start3A_361 = tpu.memref_slice %arg7[%dma_start3A_356, %dma_start3A_360] : memref<80x128xi32, #tpu.memory_space<vmem>> -> memref<1x128xi32, #tpu.memory_space<vmem>>
    %dma_start3A_362 = tpu.memref_squeeze %dma_start3A_361 : memref<1x128xi32, #tpu.memory_space<vmem>> -> memref<128xi32, #tpu.memory_space<vmem>>
    %dma_start3A_363 = arith.constant 0 : i32
    %dma_start3A_364 = arith.constant 0 : i32
    %dma_start3A_365 = tpu.memref_slice %arg11[%dma_start3A_363, %dma_start3A_364] : memref<10240x16xf32, #tpu.memory_space<vmem_shared>> -> memref<10240x16xf32, #tpu.memory_space<vmem_shared>>
    tpu.enqueue_indirect_dma source(%dma_start3A_359 : memref<128x16xf32, #tpu.memory_space<vmem>>) target(%dma_start3A_365 : memref<10240x16xf32, #tpu.memory_space<vmem_shared>>) offsets(%dma_start3A_362 : memref<128xi32, #tpu.memory_space<vmem>>) semaphore(%arg15 : memref<!tpu.dma_semaphore, #tpu.memory_space<semaphore_mem>>) {add = true}
    %dma_start3A_366 = arith.constant 79 : i32
    %dma_start3A_367 = arith.constant 896 : i32
    %dma_start3A_368 = arith.constant 0 : i32
    %dma_start3A_369 = tpu.memref_slice %arg9[%dma_start3A_367, %dma_start3A_368] : memref<1024x16xf32, #tpu.memory_space<vmem>> -> memref<128x16xf32, #tpu.memory_space<vmem>>
    %dma_start3A_370 = arith.constant 0 : i32
    %dma_start3A_371 = tpu.memref_slice %arg7[%dma_start3A_366, %dma_start3A_370] : memref<80x128xi32, #tpu.memory_space<vmem>> -> memref<1x128xi32, #tpu.memory_space<vmem>>
    %dma_start3A_372 = tpu.memref_squeeze %dma_start3A_371 : memref<1x128xi32, #tpu.memory_space<vmem>> -> memref<128xi32, #tpu.memory_space<vmem>>
    %dma_start3A_373 = arith.constant 0 : i32
    %dma_start3A_374 = arith.constant 0 : i32
    %dma_start3A_375 = tpu.memref_slice %arg11[%dma_start3A_373, %dma_start3A_374] : memref<10240x16xf32, #tpu.memory_space<vmem_shared>> -> memref<10240x16xf32, #tpu.memory_space<vmem_shared>>
    tpu.enqueue_indirect_dma source(%dma_start3A_369 : memref<128x16xf32, #tpu.memory_space<vmem>>) target(%dma_start3A_375 : memref<10240x16xf32, #tpu.memory_space<vmem_shared>>) offsets(%dma_start3A_372 : memref<128xi32, #tpu.memory_space<vmem>>) semaphore(%arg15 : memref<!tpu.dma_semaphore, #tpu.memory_space<semaphore_mem>>) {add = true}
    %dma_wait3A_376 = arith.constant 0 : i32
    %dma_wait3A_377 = arith.constant 0 : i32
    %dma_wait3A_378 = tpu.memref_slice %arg11[%dma_wait3A_376, %dma_wait3A_377] : memref<10240x16xf32, #tpu.memory_space<vmem_shared>> -> memref<1024x16xf32, #tpu.memory_space<vmem_shared>>
    %dma_wait3A_379 = arith.constant 0 : i32
    %dma_wait3A_380 = arith.constant 0 : i32
    %dma_wait3A_381 = tpu.memref_slice %arg11[%dma_wait3A_379, %dma_wait3A_380] : memref<10240x16xf32, #tpu.memory_space<vmem_shared>> -> memref<1024x16xf32, #tpu.memory_space<vmem_shared>>
    tpu.wait_dma2 semaphore(%arg14 : memref<!tpu.dma_semaphore, #tpu.memory_space<semaphore_mem>>) src(%arg8 : memref<1024x16xf32, #tpu.memory_space<vmem>>) dst(%dma_wait3A_381 : memref<1024x16xf32, #tpu.memory_space<vmem_shared>>)
    %dma_wait3A_382 = arith.constant 0 : i32
    %dma_wait3A_383 = arith.constant 0 : i32
    %dma_wait3A_384 = tpu.memref_slice %arg11[%dma_wait3A_382, %dma_wait3A_383] : memref<10240x16xf32, #tpu.memory_space<vmem_shared>> -> memref<1024x16xf32, #tpu.memory_space<vmem_shared>>
    %dma_wait3A_385 = arith.constant 0 : i32
    %dma_wait3A_386 = arith.constant 0 : i32
    %dma_wait3A_387 = tpu.memref_slice %arg11[%dma_wait3A_385, %dma_wait3A_386] : memref<10240x16xf32, #tpu.memory_space<vmem_shared>> -> memref<1024x16xf32, #tpu.memory_space<vmem_shared>>
    tpu.wait_dma2 semaphore(%arg15 : memref<!tpu.dma_semaphore, #tpu.memory_space<semaphore_mem>>) src(%arg9 : memref<1024x16xf32, #tpu.memory_space<vmem>>) dst(%dma_wait3A_387 : memref<1024x16xf32, #tpu.memory_space<vmem_shared>>)
    %barrier3A_388 = arith.constant 0 : index
    tpu.barrier barrier_id(%barrier3A_388)
    %mul3A_389 = arith.constant 640 : i32
    %mul3A_390 = arith.muli %arg1, %mul3A_389 : i32
    "tpu.region"() ({
      %run_scoped3A = tpu.sem_alloc : memref<!tpu.dma_semaphore, #tpu.memory_space<semaphore_mem>>
      %dma_start3A_393 = arith.constant 0 : i32
      %dma_start3A_394 = tpu.memref_slice %arg11[%mul3A_390, %dma_start3A_393] : memref<10240x16xf32, #tpu.memory_space<vmem_shared>> -> memref<640x16xf32, #tpu.memory_space<vmem_shared>>
      %dma_start3A_395 = arith.constant 0 : i32
      %dma_start3A_396 = tpu.memref_slice %arg11[%mul3A_390, %dma_start3A_395] : memref<10240x16xf32, #tpu.memory_space<vmem_shared>> -> memref<640x16xf32, #tpu.memory_space<vmem_shared>>
      tpu.enqueue_dma source(%dma_start3A_396 : memref<640x16xf32, #tpu.memory_space<vmem_shared>>) target(%arg10 : memref<640x16xf32, #tpu.memory_space<vmem>>) target_semaphore(%run_scoped3A : memref<!tpu.dma_semaphore, #tpu.memory_space<semaphore_mem>>)
      %dma_wait3A_397 = arith.constant 0 : i32
      %dma_wait3A_398 = tpu.memref_slice %arg11[%mul3A_390, %dma_wait3A_397] : memref<10240x16xf32, #tpu.memory_space<vmem_shared>> -> memref<640x16xf32, #tpu.memory_space<vmem_shared>>
      %dma_wait3A_399 = arith.constant 0 : i32
      %dma_wait3A_400 = tpu.memref_slice %arg11[%mul3A_390, %dma_wait3A_399] : memref<10240x16xf32, #tpu.memory_space<vmem_shared>> -> memref<640x16xf32, #tpu.memory_space<vmem_shared>>
      tpu.wait_dma2 semaphore(%run_scoped3A : memref<!tpu.dma_semaphore, #tpu.memory_space<semaphore_mem>>) src(%dma_wait3A_400 : memref<640x16xf32, #tpu.memory_space<vmem_shared>>) dst(%arg10 : memref<640x16xf32, #tpu.memory_space<vmem>>)
      tpu.yield
    }) : () -> ()
    %mul3A_391 = arith.constant 640 : i32
    %mul3A_392 = arith.muli %arg1, %mul3A_391 : i32
    "tpu.region"() ({
      %run_scoped3A = tpu.sem_alloc : memref<!tpu.dma_semaphore, #tpu.memory_space<semaphore_mem>>
      %dma_start3A_393 = arith.constant 0 : i32
      %dma_start3A_394 = tpu.memref_slice %arg5[%arg0, %mul3A_392, %dma_start3A_393] : memref<2x10240x16xf32, #tpu.memory_space<hbm>> -> memref<1x640x16xf32, #tpu.memory_space<hbm>>
      %dma_start3A_395 = tpu.memref_squeeze %dma_start3A_394 : memref<1x640x16xf32, #tpu.memory_space<hbm>> -> memref<640x16xf32, #tpu.memory_space<hbm>>
      %dma_start3A_396 = arith.constant 0 : i32
      %dma_start3A_397 = tpu.memref_slice %arg5[%arg0, %mul3A_392, %dma_start3A_396] : memref<2x10240x16xf32, #tpu.memory_space<hbm>> -> memref<1x640x16xf32, #tpu.memory_space<hbm>>
      %dma_start3A_398 = tpu.memref_squeeze %dma_start3A_397 : memref<1x640x16xf32, #tpu.memory_space<hbm>> -> memref<640x16xf32, #tpu.memory_space<hbm>>
      tpu.enqueue_dma source(%arg10 : memref<640x16xf32, #tpu.memory_space<vmem>>) target(%dma_start3A_398 : memref<640x16xf32, #tpu.memory_space<hbm>>) target_semaphore(%run_scoped3A : memref<!tpu.dma_semaphore, #tpu.memory_space<semaphore_mem>>)
      %dma_wait3A_399 = arith.constant 0 : i32
      %dma_wait3A_400 = tpu.memref_slice %arg5[%arg0, %mul3A_392, %dma_wait3A_399] : memref<2x10240x16xf32, #tpu.memory_space<hbm>> -> memref<1x640x16xf32, #tpu.memory_space<hbm>>
      %dma_wait3A_401 = tpu.memref_squeeze %dma_wait3A_400 : memref<1x640x16xf32, #tpu.memory_space<hbm>> -> memref<640x16xf32, #tpu.memory_space<hbm>>
      %dma_wait3A_402 = arith.constant 0 : i32
      %dma_wait3A_403 = tpu.memref_slice %arg5[%arg0, %mul3A_392, %dma_wait3A_402] : memref<2x10240x16xf32, #tpu.memory_space<hbm>> -> memref<1x640x16xf32, #tpu.memory_space<hbm>>
      %dma_wait3A_404 = tpu.memref_squeeze %dma_wait3A_403 : memref<1x640x16xf32, #tpu.memory_space<hbm>> -> memref<640x16xf32, #tpu.memory_space<hbm>>
      tpu.wait_dma2 semaphore(%run_scoped3A : memref<!tpu.dma_semaphore, #tpu.memory_space<semaphore_mem>>) src(%arg10 : memref<640x16xf32, #tpu.memory_space<vmem>>) dst(%dma_wait3A_404 : memref<640x16xf32, #tpu.memory_space<hbm>>)
      tpu.yield
    }) : () -> ()
    return
  }
}

#map = affine_map<(d0, d1) -> (0, 0, 0)>
#map1 = affine_map<(d0, d1) -> (0, 0)>
module attributes {stable_mosaic.version = 14 : i64} {
  func.func @_sc_deg_body(%arg0: i32, %arg1: i32, %arg2: memref<32x80x128xi32, #tpu.memory_space<hbm>>, %arg3: memref<2x10240xf32, #tpu.memory_space<hbm>>, %arg4: memref<80x128xi32, #tpu.memory_space<vmem>>, %arg5: memref<1024xf32, #tpu.memory_space<vmem>>, %arg6: memref<640xf32, #tpu.memory_space<vmem>>, %arg7: memref<10240xf32, #tpu.memory_space<vmem_shared>>, %arg8: memref<!tpu.dma_semaphore, #tpu.memory_space<semaphore_mem>>, %arg9: memref<!tpu.dma_semaphore, #tpu.memory_space<semaphore_mem>>) attributes {dimension_semantics = [#tpu.dimension_semantics<core_parallel>, #tpu.dimension_semantics<subcore_parallel>], iteration_bounds = array<i64: 2, 16>, scalar_prefetch = 0 : i64, scratch_operands = 6 : i64, tpu.core_type = #tpu.core_type<sc_vector_subcore>, window_params = [{transform_indices = #map}, {transform_indices = #map1}]} {
    %mul3A = arith.constant 16 : i32
    %mul3A_0 = arith.muli %arg0, %mul3A : i32
    %add3A = arith.addi %mul3A_0, %arg1 : i32
    "tpu.region"() ({
      %run_scoped3A = tpu.sem_alloc : memref<!tpu.dma_semaphore, #tpu.memory_space<semaphore_mem>>
      %dma_start3A_769 = arith.constant 0 : i32
      %dma_start3A_770 = arith.constant 0 : i32
      %dma_start3A_771 = tpu.memref_slice %arg2[%add3A, %dma_start3A_769, %dma_start3A_770] : memref<32x80x128xi32, #tpu.memory_space<hbm>> -> memref<1x80x128xi32, #tpu.memory_space<hbm>>
      %dma_start3A_772 = tpu.memref_squeeze %dma_start3A_771 : memref<1x80x128xi32, #tpu.memory_space<hbm>> -> memref<80x128xi32, #tpu.memory_space<hbm>>
      %dma_start3A_773 = arith.constant 0 : i32
      %dma_start3A_774 = arith.constant 0 : i32
      %dma_start3A_775 = tpu.memref_slice %arg2[%add3A, %dma_start3A_773, %dma_start3A_774] : memref<32x80x128xi32, #tpu.memory_space<hbm>> -> memref<1x80x128xi32, #tpu.memory_space<hbm>>
      %dma_start3A_776 = tpu.memref_squeeze %dma_start3A_775 : memref<1x80x128xi32, #tpu.memory_space<hbm>> -> memref<80x128xi32, #tpu.memory_space<hbm>>
      tpu.enqueue_dma source(%dma_start3A_776 : memref<80x128xi32, #tpu.memory_space<hbm>>) target(%arg4 : memref<80x128xi32, #tpu.memory_space<vmem>>) target_semaphore(%run_scoped3A : memref<!tpu.dma_semaphore, #tpu.memory_space<semaphore_mem>>)
      %dma_wait3A_777 = arith.constant 0 : i32
      %dma_wait3A_778 = arith.constant 0 : i32
      %dma_wait3A_779 = tpu.memref_slice %arg2[%add3A, %dma_wait3A_777, %dma_wait3A_778] : memref<32x80x128xi32, #tpu.memory_space<hbm>> -> memref<1x80x128xi32, #tpu.memory_space<hbm>>
      %dma_wait3A_780 = tpu.memref_squeeze %dma_wait3A_779 : memref<1x80x128xi32, #tpu.memory_space<hbm>> -> memref<80x128xi32, #tpu.memory_space<hbm>>
      %dma_wait3A_781 = arith.constant 0 : i32
      %dma_wait3A_782 = arith.constant 0 : i32
      %dma_wait3A_783 = tpu.memref_slice %arg2[%add3A, %dma_wait3A_781, %dma_wait3A_782] : memref<32x80x128xi32, #tpu.memory_space<hbm>> -> memref<1x80x128xi32, #tpu.memory_space<hbm>>
      %dma_wait3A_784 = tpu.memref_squeeze %dma_wait3A_783 : memref<1x80x128xi32, #tpu.memory_space<hbm>> -> memref<80x128xi32, #tpu.memory_space<hbm>>
      tpu.wait_dma2 semaphore(%run_scoped3A : memref<!tpu.dma_semaphore, #tpu.memory_space<semaphore_mem>>) src(%dma_wait3A_784 : memref<80x128xi32, #tpu.memory_space<hbm>>) dst(%arg4 : memref<80x128xi32, #tpu.memory_space<vmem>>)
      tpu.yield
    }) : () -> ()
    %broadcast_in_dim3A = arith.constant 1.000000e+00 : f32
    %broadcast_in_dim3A_1 = vector.broadcast %broadcast_in_dim3A : f32 to vector<16xf32>
    %swap3A = arith.constant 0 : index
    %swap3A_2 = tpu.vector_load %arg5[%swap3A] {strides = array<i32>} : memref<1024xf32, #tpu.memory_space<vmem>>, vector<16xf32>,
    %swap3A_3 = vector.shape_cast %swap3A_2 : vector<16xf32> to vector<16xf32>
    %swap3A_4 = vector.shape_cast %broadcast_in_dim3A_1 : vector<16xf32> to vector<16xf32>
    tpu.vector_store %arg5[%swap3A], %swap3A_4 {strides = array<i32>} : memref<1024xf32, #tpu.memory_space<vmem>>, vector<16xf32>,
    %broadcast_in_dim3A_5 = arith.constant 1.000000e+00 : f32
    %broadcast_in_dim3A_6 = vector.broadcast %broadcast_in_dim3A_5 : f32 to vector<16xf32>
    %swap3A_7 = arith.constant 16 : index
    %swap3A_8 = tpu.vector_load %arg5[%swap3A_7] {strides = array<i32>} : memref<1024xf32, #tpu.memory_space<vmem>>, vector<16xf32>,
    %swap3A_9 = vector.shape_cast %swap3A_8 : vector<16xf32> to vector<16xf32>
    %swap3A_10 = vector.shape_cast %broadcast_in_dim3A_6 : vector<16xf32> to vector<16xf32>
    tpu.vector_store %arg5[%swap3A_7], %swap3A_10 {strides = array<i32>} : memref<1024xf32, #tpu.memory_space<vmem>>, vector<16xf32>,
    %broadcast_in_dim3A_11 = arith.constant 1.000000e+00 : f32
    %broadcast_in_dim3A_12 = vector.broadcast %broadcast_in_dim3A_11 : f32 to vector<16xf32>
    %swap3A_13 = arith.constant 32 : index
    %swap3A_14 = tpu.vector_load %arg5[%swap3A_13] {strides = array<i32>} : memref<1024xf32, #tpu.memory_space<vmem>>, vector<16xf32>,
    %swap3A_15 = vector.shape_cast %swap3A_14 : vector<16xf32> to vector<16xf32>
    %swap3A_16 = vector.shape_cast %broadcast_in_dim3A_12 : vector<16xf32> to vector<16xf32>
    tpu.vector_store %arg5[%swap3A_13], %swap3A_16 {strides = array<i32>} : memref<1024xf32, #tpu.memory_space<vmem>>, vector<16xf32>,
    %broadcast_in_dim3A_17 = arith.constant 1.000000e+00 : f32
    %broadcast_in_dim3A_18 = vector.broadcast %broadcast_in_dim3A_17 : f32 to vector<16xf32>
    %swap3A_19 = arith.constant 48 : index
    %swap3A_20 = tpu.vector_load %arg5[%swap3A_19] {strides = array<i32>} : memref<1024xf32, #tpu.memory_space<vmem>>, vector<16xf32>,
    %swap3A_21 = vector.shape_cast %swap3A_20 : vector<16xf32> to vector<16xf32>
    %swap3A_22 = vector.shape_cast %broadcast_in_dim3A_18 : vector<16xf32> to vector<16xf32>
    tpu.vector_store %arg5[%swap3A_19], %swap3A_22 {strides = array<i32>} : memref<1024xf32, #tpu.memory_space<vmem>>, vector<16xf32>,
    %broadcast_in_dim3A_23 = arith.constant 1.000000e+00 : f32
    %broadcast_in_dim3A_24 = vector.broadcast %broadcast_in_dim3A_23 : f32 to vector<16xf32>
    %swap3A_25 = arith.constant 64 : index
    %swap3A_26 = tpu.vector_load %arg5[%swap3A_25] {strides = array<i32>} : memref<1024xf32, #tpu.memory_space<vmem>>, vector<16xf32>,
    %swap3A_27 = vector.shape_cast %swap3A_26 : vector<16xf32> to vector<16xf32>
    %swap3A_28 = vector.shape_cast %broadcast_in_dim3A_24 : vector<16xf32> to vector<16xf32>
    tpu.vector_store %arg5[%swap3A_25], %swap3A_28 {strides = array<i32>} : memref<1024xf32, #tpu.memory_space<vmem>>, vector<16xf32>,
    %broadcast_in_dim3A_29 = arith.constant 1.000000e+00 : f32
    %broadcast_in_dim3A_30 = vector.broadcast %broadcast_in_dim3A_29 : f32 to vector<16xf32>
    %swap3A_31 = arith.constant 80 : index
    %swap3A_32 = tpu.vector_load %arg5[%swap3A_31] {strides = array<i32>} : memref<1024xf32, #tpu.memory_space<vmem>>, vector<16xf32>,
    %swap3A_33 = vector.shape_cast %swap3A_32 : vector<16xf32> to vector<16xf32>
    %swap3A_34 = vector.shape_cast %broadcast_in_dim3A_30 : vector<16xf32> to vector<16xf32>
    tpu.vector_store %arg5[%swap3A_31], %swap3A_34 {strides = array<i32>} : memref<1024xf32, #tpu.memory_space<vmem>>, vector<16xf32>,
    %broadcast_in_dim3A_35 = arith.constant 1.000000e+00 : f32
    %broadcast_in_dim3A_36 = vector.broadcast %broadcast_in_dim3A_35 : f32 to vector<16xf32>
    %swap3A_37 = arith.constant 96 : index
    %swap3A_38 = tpu.vector_load %arg5[%swap3A_37] {strides = array<i32>} : memref<1024xf32, #tpu.memory_space<vmem>>, vector<16xf32>,
    %swap3A_39 = vector.shape_cast %swap3A_38 : vector<16xf32> to vector<16xf32>
    %swap3A_40 = vector.shape_cast %broadcast_in_dim3A_36 : vector<16xf32> to vector<16xf32>
    tpu.vector_store %arg5[%swap3A_37], %swap3A_40 {strides = array<i32>} : memref<1024xf32, #tpu.memory_space<vmem>>, vector<16xf32>,
    %broadcast_in_dim3A_41 = arith.constant 1.000000e+00 : f32
    %broadcast_in_dim3A_42 = vector.broadcast %broadcast_in_dim3A_41 : f32 to vector<16xf32>
    %swap3A_43 = arith.constant 112 : index
    %swap3A_44 = tpu.vector_load %arg5[%swap3A_43] {strides = array<i32>} : memref<1024xf32, #tpu.memory_space<vmem>>, vector<16xf32>,
    %swap3A_45 = vector.shape_cast %swap3A_44 : vector<16xf32> to vector<16xf32>
    %swap3A_46 = vector.shape_cast %broadcast_in_dim3A_42 : vector<16xf32> to vector<16xf32>
    tpu.vector_store %arg5[%swap3A_43], %swap3A_46 {strides = array<i32>} : memref<1024xf32, #tpu.memory_space<vmem>>, vector<16xf32>,
    %broadcast_in_dim3A_47 = arith.constant 1.000000e+00 : f32
    %broadcast_in_dim3A_48 = vector.broadcast %broadcast_in_dim3A_47 : f32 to vector<16xf32>
    %swap3A_49 = arith.constant 128 : index
    %swap3A_50 = tpu.vector_load %arg5[%swap3A_49] {strides = array<i32>} : memref<1024xf32, #tpu.memory_space<vmem>>, vector<16xf32>,
    %swap3A_51 = vector.shape_cast %swap3A_50 : vector<16xf32> to vector<16xf32>
    %swap3A_52 = vector.shape_cast %broadcast_in_dim3A_48 : vector<16xf32> to vector<16xf32>
    tpu.vector_store %arg5[%swap3A_49], %swap3A_52 {strides = array<i32>} : memref<1024xf32, #tpu.memory_space<vmem>>, vector<16xf32>,
    %broadcast_in_dim3A_53 = arith.constant 1.000000e+00 : f32
    %broadcast_in_dim3A_54 = vector.broadcast %broadcast_in_dim3A_53 : f32 to vector<16xf32>
    %swap3A_55 = arith.constant 144 : index
    %swap3A_56 = tpu.vector_load %arg5[%swap3A_55] {strides = array<i32>} : memref<1024xf32, #tpu.memory_space<vmem>>, vector<16xf32>,
    %swap3A_57 = vector.shape_cast %swap3A_56 : vector<16xf32> to vector<16xf32>
    %swap3A_58 = vector.shape_cast %broadcast_in_dim3A_54 : vector<16xf32> to vector<16xf32>
    tpu.vector_store %arg5[%swap3A_55], %swap3A_58 {strides = array<i32>} : memref<1024xf32, #tpu.memory_space<vmem>>, vector<16xf32>,
    %broadcast_in_dim3A_59 = arith.constant 1.000000e+00 : f32
    %broadcast_in_dim3A_60 = vector.broadcast %broadcast_in_dim3A_59 : f32 to vector<16xf32>
    %swap3A_61 = arith.constant 160 : index
    %swap3A_62 = tpu.vector_load %arg5[%swap3A_61] {strides = array<i32>} : memref<1024xf32, #tpu.memory_space<vmem>>, vector<16xf32>,
    %swap3A_63 = vector.shape_cast %swap3A_62 : vector<16xf32> to vector<16xf32>
    %swap3A_64 = vector.shape_cast %broadcast_in_dim3A_60 : vector<16xf32> to vector<16xf32>
    tpu.vector_store %arg5[%swap3A_61], %swap3A_64 {strides = array<i32>} : memref<1024xf32, #tpu.memory_space<vmem>>, vector<16xf32>,
    %broadcast_in_dim3A_65 = arith.constant 1.000000e+00 : f32
    %broadcast_in_dim3A_66 = vector.broadcast %broadcast_in_dim3A_65 : f32 to vector<16xf32>
    %swap3A_67 = arith.constant 176 : index
    %swap3A_68 = tpu.vector_load %arg5[%swap3A_67] {strides = array<i32>} : memref<1024xf32, #tpu.memory_space<vmem>>, vector<16xf32>,
    %swap3A_69 = vector.shape_cast %swap3A_68 : vector<16xf32> to vector<16xf32>
    %swap3A_70 = vector.shape_cast %broadcast_in_dim3A_66 : vector<16xf32> to vector<16xf32>
    tpu.vector_store %arg5[%swap3A_67], %swap3A_70 {strides = array<i32>} : memref<1024xf32, #tpu.memory_space<vmem>>, vector<16xf32>,
    %broadcast_in_dim3A_71 = arith.constant 1.000000e+00 : f32
    %broadcast_in_dim3A_72 = vector.broadcast %broadcast_in_dim3A_71 : f32 to vector<16xf32>
    %swap3A_73 = arith.constant 192 : index
    %swap3A_74 = tpu.vector_load %arg5[%swap3A_73] {strides = array<i32>} : memref<1024xf32, #tpu.memory_space<vmem>>, vector<16xf32>,
    %swap3A_75 = vector.shape_cast %swap3A_74 : vector<16xf32> to vector<16xf32>
    %swap3A_76 = vector.shape_cast %broadcast_in_dim3A_72 : vector<16xf32> to vector<16xf32>
    tpu.vector_store %arg5[%swap3A_73], %swap3A_76 {strides = array<i32>} : memref<1024xf32, #tpu.memory_space<vmem>>, vector<16xf32>,
    %broadcast_in_dim3A_77 = arith.constant 1.000000e+00 : f32
    %broadcast_in_dim3A_78 = vector.broadcast %broadcast_in_dim3A_77 : f32 to vector<16xf32>
    %swap3A_79 = arith.constant 208 : index
    %swap3A_80 = tpu.vector_load %arg5[%swap3A_79] {strides = array<i32>} : memref<1024xf32, #tpu.memory_space<vmem>>, vector<16xf32>,
    %swap3A_81 = vector.shape_cast %swap3A_80 : vector<16xf32> to vector<16xf32>
    %swap3A_82 = vector.shape_cast %broadcast_in_dim3A_78 : vector<16xf32> to vector<16xf32>
    tpu.vector_store %arg5[%swap3A_79], %swap3A_82 {strides = array<i32>} : memref<1024xf32, #tpu.memory_space<vmem>>, vector<16xf32>,
    %broadcast_in_dim3A_83 = arith.constant 1.000000e+00 : f32
    %broadcast_in_dim3A_84 = vector.broadcast %broadcast_in_dim3A_83 : f32 to vector<16xf32>
    %swap3A_85 = arith.constant 224 : index
    %swap3A_86 = tpu.vector_load %arg5[%swap3A_85] {strides = array<i32>} : memref<1024xf32, #tpu.memory_space<vmem>>, vector<16xf32>,
    %swap3A_87 = vector.shape_cast %swap3A_86 : vector<16xf32> to vector<16xf32>
    %swap3A_88 = vector.shape_cast %broadcast_in_dim3A_84 : vector<16xf32> to vector<16xf32>
    tpu.vector_store %arg5[%swap3A_85], %swap3A_88 {strides = array<i32>} : memref<1024xf32, #tpu.memory_space<vmem>>, vector<16xf32>,
    %broadcast_in_dim3A_89 = arith.constant 1.000000e+00 : f32
    %broadcast_in_dim3A_90 = vector.broadcast %broadcast_in_dim3A_89 : f32 to vector<16xf32>
    %swap3A_91 = arith.constant 240 : index
    %swap3A_92 = tpu.vector_load %arg5[%swap3A_91] {strides = array<i32>} : memref<1024xf32, #tpu.memory_space<vmem>>, vector<16xf32>,
    %swap3A_93 = vector.shape_cast %swap3A_92 : vector<16xf32> to vector<16xf32>
    %swap3A_94 = vector.shape_cast %broadcast_in_dim3A_90 : vector<16xf32> to vector<16xf32>
    tpu.vector_store %arg5[%swap3A_91], %swap3A_94 {strides = array<i32>} : memref<1024xf32, #tpu.memory_space<vmem>>, vector<16xf32>,
    %broadcast_in_dim3A_95 = arith.constant 1.000000e+00 : f32
    %broadcast_in_dim3A_96 = vector.broadcast %broadcast_in_dim3A_95 : f32 to vector<16xf32>
    %swap3A_97 = arith.constant 256 : index
    %swap3A_98 = tpu.vector_load %arg5[%swap3A_97] {strides = array<i32>} : memref<1024xf32, #tpu.memory_space<vmem>>, vector<16xf32>,
    %swap3A_99 = vector.shape_cast %swap3A_98 : vector<16xf32> to vector<16xf32>
    %swap3A_100 = vector.shape_cast %broadcast_in_dim3A_96 : vector<16xf32> to vector<16xf32>
    tpu.vector_store %arg5[%swap3A_97], %swap3A_100 {strides = array<i32>} : memref<1024xf32, #tpu.memory_space<vmem>>, vector<16xf32>,
    %broadcast_in_dim3A_101 = arith.constant 1.000000e+00 : f32
    %broadcast_in_dim3A_102 = vector.broadcast %broadcast_in_dim3A_101 : f32 to vector<16xf32>
    %swap3A_103 = arith.constant 272 : index
    %swap3A_104 = tpu.vector_load %arg5[%swap3A_103] {strides = array<i32>} : memref<1024xf32, #tpu.memory_space<vmem>>, vector<16xf32>,
    %swap3A_105 = vector.shape_cast %swap3A_104 : vector<16xf32> to vector<16xf32>
    %swap3A_106 = vector.shape_cast %broadcast_in_dim3A_102 : vector<16xf32> to vector<16xf32>
    tpu.vector_store %arg5[%swap3A_103], %swap3A_106 {strides = array<i32>} : memref<1024xf32, #tpu.memory_space<vmem>>, vector<16xf32>,
    %broadcast_in_dim3A_107 = arith.constant 1.000000e+00 : f32
    %broadcast_in_dim3A_108 = vector.broadcast %broadcast_in_dim3A_107 : f32 to vector<16xf32>
    %swap3A_109 = arith.constant 288 : index
    %swap3A_110 = tpu.vector_load %arg5[%swap3A_109] {strides = array<i32>} : memref<1024xf32, #tpu.memory_space<vmem>>, vector<16xf32>,
    %swap3A_111 = vector.shape_cast %swap3A_110 : vector<16xf32> to vector<16xf32>
    %swap3A_112 = vector.shape_cast %broadcast_in_dim3A_108 : vector<16xf32> to vector<16xf32>
    tpu.vector_store %arg5[%swap3A_109], %swap3A_112 {strides = array<i32>} : memref<1024xf32, #tpu.memory_space<vmem>>, vector<16xf32>,
    %broadcast_in_dim3A_113 = arith.constant 1.000000e+00 : f32
    %broadcast_in_dim3A_114 = vector.broadcast %broadcast_in_dim3A_113 : f32 to vector<16xf32>
    %swap3A_115 = arith.constant 304 : index
    %swap3A_116 = tpu.vector_load %arg5[%swap3A_115] {strides = array<i32>} : memref<1024xf32, #tpu.memory_space<vmem>>, vector<16xf32>,
    %swap3A_117 = vector.shape_cast %swap3A_116 : vector<16xf32> to vector<16xf32>
    %swap3A_118 = vector.shape_cast %broadcast_in_dim3A_114 : vector<16xf32> to vector<16xf32>
    tpu.vector_store %arg5[%swap3A_115], %swap3A_118 {strides = array<i32>} : memref<1024xf32, #tpu.memory_space<vmem>>, vector<16xf32>,
    %broadcast_in_dim3A_119 = arith.constant 1.000000e+00 : f32
    %broadcast_in_dim3A_120 = vector.broadcast %broadcast_in_dim3A_119 : f32 to vector<16xf32>
    %swap3A_121 = arith.constant 320 : index
    %swap3A_122 = tpu.vector_load %arg5[%swap3A_121] {strides = array<i32>} : memref<1024xf32, #tpu.memory_space<vmem>>, vector<16xf32>,
    %swap3A_123 = vector.shape_cast %swap3A_122 : vector<16xf32> to vector<16xf32>
    %swap3A_124 = vector.shape_cast %broadcast_in_dim3A_120 : vector<16xf32> to vector<16xf32>
    tpu.vector_store %arg5[%swap3A_121], %swap3A_124 {strides = array<i32>} : memref<1024xf32, #tpu.memory_space<vmem>>, vector<16xf32>,
    %broadcast_in_dim3A_125 = arith.constant 1.000000e+00 : f32
    %broadcast_in_dim3A_126 = vector.broadcast %broadcast_in_dim3A_125 : f32 to vector<16xf32>
    %swap3A_127 = arith.constant 336 : index
    %swap3A_128 = tpu.vector_load %arg5[%swap3A_127] {strides = array<i32>} : memref<1024xf32, #tpu.memory_space<vmem>>, vector<16xf32>,
    %swap3A_129 = vector.shape_cast %swap3A_128 : vector<16xf32> to vector<16xf32>
    %swap3A_130 = vector.shape_cast %broadcast_in_dim3A_126 : vector<16xf32> to vector<16xf32>
    tpu.vector_store %arg5[%swap3A_127], %swap3A_130 {strides = array<i32>} : memref<1024xf32, #tpu.memory_space<vmem>>, vector<16xf32>,
    %broadcast_in_dim3A_131 = arith.constant 1.000000e+00 : f32
    %broadcast_in_dim3A_132 = vector.broadcast %broadcast_in_dim3A_131 : f32 to vector<16xf32>
    %swap3A_133 = arith.constant 352 : index
    %swap3A_134 = tpu.vector_load %arg5[%swap3A_133] {strides = array<i32>} : memref<1024xf32, #tpu.memory_space<vmem>>, vector<16xf32>,
    %swap3A_135 = vector.shape_cast %swap3A_134 : vector<16xf32> to vector<16xf32>
    %swap3A_136 = vector.shape_cast %broadcast_in_dim3A_132 : vector<16xf32> to vector<16xf32>
    tpu.vector_store %arg5[%swap3A_133], %swap3A_136 {strides = array<i32>} : memref<1024xf32, #tpu.memory_space<vmem>>, vector<16xf32>,
    %broadcast_in_dim3A_137 = arith.constant 1.000000e+00 : f32
    %broadcast_in_dim3A_138 = vector.broadcast %broadcast_in_dim3A_137 : f32 to vector<16xf32>
    %swap3A_139 = arith.constant 368 : index
    %swap3A_140 = tpu.vector_load %arg5[%swap3A_139] {strides = array<i32>} : memref<1024xf32, #tpu.memory_space<vmem>>, vector<16xf32>,
    %swap3A_141 = vector.shape_cast %swap3A_140 : vector<16xf32> to vector<16xf32>
    %swap3A_142 = vector.shape_cast %broadcast_in_dim3A_138 : vector<16xf32> to vector<16xf32>
    tpu.vector_store %arg5[%swap3A_139], %swap3A_142 {strides = array<i32>} : memref<1024xf32, #tpu.memory_space<vmem>>, vector<16xf32>,
    %broadcast_in_dim3A_143 = arith.constant 1.000000e+00 : f32
    %broadcast_in_dim3A_144 = vector.broadcast %broadcast_in_dim3A_143 : f32 to vector<16xf32>
    %swap3A_145 = arith.constant 384 : index
    %swap3A_146 = tpu.vector_load %arg5[%swap3A_145] {strides = array<i32>} : memref<1024xf32, #tpu.memory_space<vmem>>, vector<16xf32>,
    %swap3A_147 = vector.shape_cast %swap3A_146 : vector<16xf32> to vector<16xf32>
    %swap3A_148 = vector.shape_cast %broadcast_in_dim3A_144 : vector<16xf32> to vector<16xf32>
    tpu.vector_store %arg5[%swap3A_145], %swap3A_148 {strides = array<i32>} : memref<1024xf32, #tpu.memory_space<vmem>>, vector<16xf32>,
    %broadcast_in_dim3A_149 = arith.constant 1.000000e+00 : f32
    %broadcast_in_dim3A_150 = vector.broadcast %broadcast_in_dim3A_149 : f32 to vector<16xf32>
    %swap3A_151 = arith.constant 400 : index
    %swap3A_152 = tpu.vector_load %arg5[%swap3A_151] {strides = array<i32>} : memref<1024xf32, #tpu.memory_space<vmem>>, vector<16xf32>,
    %swap3A_153 = vector.shape_cast %swap3A_152 : vector<16xf32> to vector<16xf32>
    %swap3A_154 = vector.shape_cast %broadcast_in_dim3A_150 : vector<16xf32> to vector<16xf32>
    tpu.vector_store %arg5[%swap3A_151], %swap3A_154 {strides = array<i32>} : memref<1024xf32, #tpu.memory_space<vmem>>, vector<16xf32>,
    %broadcast_in_dim3A_155 = arith.constant 1.000000e+00 : f32
    %broadcast_in_dim3A_156 = vector.broadcast %broadcast_in_dim3A_155 : f32 to vector<16xf32>
    %swap3A_157 = arith.constant 416 : index
    %swap3A_158 = tpu.vector_load %arg5[%swap3A_157] {strides = array<i32>} : memref<1024xf32, #tpu.memory_space<vmem>>, vector<16xf32>,
    %swap3A_159 = vector.shape_cast %swap3A_158 : vector<16xf32> to vector<16xf32>
    %swap3A_160 = vector.shape_cast %broadcast_in_dim3A_156 : vector<16xf32> to vector<16xf32>
    tpu.vector_store %arg5[%swap3A_157], %swap3A_160 {strides = array<i32>} : memref<1024xf32, #tpu.memory_space<vmem>>, vector<16xf32>,
    %broadcast_in_dim3A_161 = arith.constant 1.000000e+00 : f32
    %broadcast_in_dim3A_162 = vector.broadcast %broadcast_in_dim3A_161 : f32 to vector<16xf32>
    %swap3A_163 = arith.constant 432 : index
    %swap3A_164 = tpu.vector_load %arg5[%swap3A_163] {strides = array<i32>} : memref<1024xf32, #tpu.memory_space<vmem>>, vector<16xf32>,
    %swap3A_165 = vector.shape_cast %swap3A_164 : vector<16xf32> to vector<16xf32>
    %swap3A_166 = vector.shape_cast %broadcast_in_dim3A_162 : vector<16xf32> to vector<16xf32>
    tpu.vector_store %arg5[%swap3A_163], %swap3A_166 {strides = array<i32>} : memref<1024xf32, #tpu.memory_space<vmem>>, vector<16xf32>,
    %broadcast_in_dim3A_167 = arith.constant 1.000000e+00 : f32
    %broadcast_in_dim3A_168 = vector.broadcast %broadcast_in_dim3A_167 : f32 to vector<16xf32>
    %swap3A_169 = arith.constant 448 : index
    %swap3A_170 = tpu.vector_load %arg5[%swap3A_169] {strides = array<i32>} : memref<1024xf32, #tpu.memory_space<vmem>>, vector<16xf32>,
    %swap3A_171 = vector.shape_cast %swap3A_170 : vector<16xf32> to vector<16xf32>
    %swap3A_172 = vector.shape_cast %broadcast_in_dim3A_168 : vector<16xf32> to vector<16xf32>
    tpu.vector_store %arg5[%swap3A_169], %swap3A_172 {strides = array<i32>} : memref<1024xf32, #tpu.memory_space<vmem>>, vector<16xf32>,
    %broadcast_in_dim3A_173 = arith.constant 1.000000e+00 : f32
    %broadcast_in_dim3A_174 = vector.broadcast %broadcast_in_dim3A_173 : f32 to vector<16xf32>
    %swap3A_175 = arith.constant 464 : index
    %swap3A_176 = tpu.vector_load %arg5[%swap3A_175] {strides = array<i32>} : memref<1024xf32, #tpu.memory_space<vmem>>, vector<16xf32>,
    %swap3A_177 = vector.shape_cast %swap3A_176 : vector<16xf32> to vector<16xf32>
    %swap3A_178 = vector.shape_cast %broadcast_in_dim3A_174 : vector<16xf32> to vector<16xf32>
    tpu.vector_store %arg5[%swap3A_175], %swap3A_178 {strides = array<i32>} : memref<1024xf32, #tpu.memory_space<vmem>>, vector<16xf32>,
    %broadcast_in_dim3A_179 = arith.constant 1.000000e+00 : f32
    %broadcast_in_dim3A_180 = vector.broadcast %broadcast_in_dim3A_179 : f32 to vector<16xf32>
    %swap3A_181 = arith.constant 480 : index
    %swap3A_182 = tpu.vector_load %arg5[%swap3A_181] {strides = array<i32>} : memref<1024xf32, #tpu.memory_space<vmem>>, vector<16xf32>,
    %swap3A_183 = vector.shape_cast %swap3A_182 : vector<16xf32> to vector<16xf32>
    %swap3A_184 = vector.shape_cast %broadcast_in_dim3A_180 : vector<16xf32> to vector<16xf32>
    tpu.vector_store %arg5[%swap3A_181], %swap3A_184 {strides = array<i32>} : memref<1024xf32, #tpu.memory_space<vmem>>, vector<16xf32>,
    %broadcast_in_dim3A_185 = arith.constant 1.000000e+00 : f32
    %broadcast_in_dim3A_186 = vector.broadcast %broadcast_in_dim3A_185 : f32 to vector<16xf32>
    %swap3A_187 = arith.constant 496 : index
    %swap3A_188 = tpu.vector_load %arg5[%swap3A_187] {strides = array<i32>} : memref<1024xf32, #tpu.memory_space<vmem>>, vector<16xf32>,
    %swap3A_189 = vector.shape_cast %swap3A_188 : vector<16xf32> to vector<16xf32>
    %swap3A_190 = vector.shape_cast %broadcast_in_dim3A_186 : vector<16xf32> to vector<16xf32>
    tpu.vector_store %arg5[%swap3A_187], %swap3A_190 {strides = array<i32>} : memref<1024xf32, #tpu.memory_space<vmem>>, vector<16xf32>,
    %broadcast_in_dim3A_191 = arith.constant 1.000000e+00 : f32
    %broadcast_in_dim3A_192 = vector.broadcast %broadcast_in_dim3A_191 : f32 to vector<16xf32>
    %swap3A_193 = arith.constant 512 : index
    %swap3A_194 = tpu.vector_load %arg5[%swap3A_193] {strides = array<i32>} : memref<1024xf32, #tpu.memory_space<vmem>>, vector<16xf32>,
    %swap3A_195 = vector.shape_cast %swap3A_194 : vector<16xf32> to vector<16xf32>
    %swap3A_196 = vector.shape_cast %broadcast_in_dim3A_192 : vector<16xf32> to vector<16xf32>
    tpu.vector_store %arg5[%swap3A_193], %swap3A_196 {strides = array<i32>} : memref<1024xf32, #tpu.memory_space<vmem>>, vector<16xf32>,
    %broadcast_in_dim3A_197 = arith.constant 1.000000e+00 : f32
    %broadcast_in_dim3A_198 = vector.broadcast %broadcast_in_dim3A_197 : f32 to vector<16xf32>
    %swap3A_199 = arith.constant 528 : index
    %swap3A_200 = tpu.vector_load %arg5[%swap3A_199] {strides = array<i32>} : memref<1024xf32, #tpu.memory_space<vmem>>, vector<16xf32>,
    %swap3A_201 = vector.shape_cast %swap3A_200 : vector<16xf32> to vector<16xf32>
    %swap3A_202 = vector.shape_cast %broadcast_in_dim3A_198 : vector<16xf32> to vector<16xf32>
    tpu.vector_store %arg5[%swap3A_199], %swap3A_202 {strides = array<i32>} : memref<1024xf32, #tpu.memory_space<vmem>>, vector<16xf32>,
    %broadcast_in_dim3A_203 = arith.constant 1.000000e+00 : f32
    %broadcast_in_dim3A_204 = vector.broadcast %broadcast_in_dim3A_203 : f32 to vector<16xf32>
    %swap3A_205 = arith.constant 544 : index
    %swap3A_206 = tpu.vector_load %arg5[%swap3A_205] {strides = array<i32>} : memref<1024xf32, #tpu.memory_space<vmem>>, vector<16xf32>,
    %swap3A_207 = vector.shape_cast %swap3A_206 : vector<16xf32> to vector<16xf32>
    %swap3A_208 = vector.shape_cast %broadcast_in_dim3A_204 : vector<16xf32> to vector<16xf32>
    tpu.vector_store %arg5[%swap3A_205], %swap3A_208 {strides = array<i32>} : memref<1024xf32, #tpu.memory_space<vmem>>, vector<16xf32>,
    %broadcast_in_dim3A_209 = arith.constant 1.000000e+00 : f32
    %broadcast_in_dim3A_210 = vector.broadcast %broadcast_in_dim3A_209 : f32 to vector<16xf32>
    %swap3A_211 = arith.constant 560 : index
    %swap3A_212 = tpu.vector_load %arg5[%swap3A_211] {strides = array<i32>} : memref<1024xf32, #tpu.memory_space<vmem>>, vector<16xf32>,
    %swap3A_213 = vector.shape_cast %swap3A_212 : vector<16xf32> to vector<16xf32>
    %swap3A_214 = vector.shape_cast %broadcast_in_dim3A_210 : vector<16xf32> to vector<16xf32>
    tpu.vector_store %arg5[%swap3A_211], %swap3A_214 {strides = array<i32>} : memref<1024xf32, #tpu.memory_space<vmem>>, vector<16xf32>,
    %broadcast_in_dim3A_215 = arith.constant 1.000000e+00 : f32
    %broadcast_in_dim3A_216 = vector.broadcast %broadcast_in_dim3A_215 : f32 to vector<16xf32>
    %swap3A_217 = arith.constant 576 : index
    %swap3A_218 = tpu.vector_load %arg5[%swap3A_217] {strides = array<i32>} : memref<1024xf32, #tpu.memory_space<vmem>>, vector<16xf32>,
    %swap3A_219 = vector.shape_cast %swap3A_218 : vector<16xf32> to vector<16xf32>
    %swap3A_220 = vector.shape_cast %broadcast_in_dim3A_216 : vector<16xf32> to vector<16xf32>
    tpu.vector_store %arg5[%swap3A_217], %swap3A_220 {strides = array<i32>} : memref<1024xf32, #tpu.memory_space<vmem>>, vector<16xf32>,
    %broadcast_in_dim3A_221 = arith.constant 1.000000e+00 : f32
    %broadcast_in_dim3A_222 = vector.broadcast %broadcast_in_dim3A_221 : f32 to vector<16xf32>
    %swap3A_223 = arith.constant 592 : index
    %swap3A_224 = tpu.vector_load %arg5[%swap3A_223] {strides = array<i32>} : memref<1024xf32, #tpu.memory_space<vmem>>, vector<16xf32>,
    %swap3A_225 = vector.shape_cast %swap3A_224 : vector<16xf32> to vector<16xf32>
    %swap3A_226 = vector.shape_cast %broadcast_in_dim3A_222 : vector<16xf32> to vector<16xf32>
    tpu.vector_store %arg5[%swap3A_223], %swap3A_226 {strides = array<i32>} : memref<1024xf32, #tpu.memory_space<vmem>>, vector<16xf32>,
    %broadcast_in_dim3A_227 = arith.constant 1.000000e+00 : f32
    %broadcast_in_dim3A_228 = vector.broadcast %broadcast_in_dim3A_227 : f32 to vector<16xf32>
    %swap3A_229 = arith.constant 608 : index
    %swap3A_230 = tpu.vector_load %arg5[%swap3A_229] {strides = array<i32>} : memref<1024xf32, #tpu.memory_space<vmem>>, vector<16xf32>,
    %swap3A_231 = vector.shape_cast %swap3A_230 : vector<16xf32> to vector<16xf32>
    %swap3A_232 = vector.shape_cast %broadcast_in_dim3A_228 : vector<16xf32> to vector<16xf32>
    tpu.vector_store %arg5[%swap3A_229], %swap3A_232 {strides = array<i32>} : memref<1024xf32, #tpu.memory_space<vmem>>, vector<16xf32>,
    %broadcast_in_dim3A_233 = arith.constant 1.000000e+00 : f32
    %broadcast_in_dim3A_234 = vector.broadcast %broadcast_in_dim3A_233 : f32 to vector<16xf32>
    %swap3A_235 = arith.constant 624 : index
    %swap3A_236 = tpu.vector_load %arg5[%swap3A_235] {strides = array<i32>} : memref<1024xf32, #tpu.memory_space<vmem>>, vector<16xf32>,
    %swap3A_237 = vector.shape_cast %swap3A_236 : vector<16xf32> to vector<16xf32>
    %swap3A_238 = vector.shape_cast %broadcast_in_dim3A_234 : vector<16xf32> to vector<16xf32>
    tpu.vector_store %arg5[%swap3A_235], %swap3A_238 {strides = array<i32>} : memref<1024xf32, #tpu.memory_space<vmem>>, vector<16xf32>,
    %broadcast_in_dim3A_239 = arith.constant 1.000000e+00 : f32
    %broadcast_in_dim3A_240 = vector.broadcast %broadcast_in_dim3A_239 : f32 to vector<16xf32>
    %swap3A_241 = arith.constant 640 : index
    %swap3A_242 = tpu.vector_load %arg5[%swap3A_241] {strides = array<i32>} : memref<1024xf32, #tpu.memory_space<vmem>>, vector<16xf32>,
    %swap3A_243 = vector.shape_cast %swap3A_242 : vector<16xf32> to vector<16xf32>
    %swap3A_244 = vector.shape_cast %broadcast_in_dim3A_240 : vector<16xf32> to vector<16xf32>
    tpu.vector_store %arg5[%swap3A_241], %swap3A_244 {strides = array<i32>} : memref<1024xf32, #tpu.memory_space<vmem>>, vector<16xf32>,
    %broadcast_in_dim3A_245 = arith.constant 1.000000e+00 : f32
    %broadcast_in_dim3A_246 = vector.broadcast %broadcast_in_dim3A_245 : f32 to vector<16xf32>
    %swap3A_247 = arith.constant 656 : index
    %swap3A_248 = tpu.vector_load %arg5[%swap3A_247] {strides = array<i32>} : memref<1024xf32, #tpu.memory_space<vmem>>, vector<16xf32>,
    %swap3A_249 = vector.shape_cast %swap3A_248 : vector<16xf32> to vector<16xf32>
    %swap3A_250 = vector.shape_cast %broadcast_in_dim3A_246 : vector<16xf32> to vector<16xf32>
    tpu.vector_store %arg5[%swap3A_247], %swap3A_250 {strides = array<i32>} : memref<1024xf32, #tpu.memory_space<vmem>>, vector<16xf32>,
    %broadcast_in_dim3A_251 = arith.constant 1.000000e+00 : f32
    %broadcast_in_dim3A_252 = vector.broadcast %broadcast_in_dim3A_251 : f32 to vector<16xf32>
    %swap3A_253 = arith.constant 672 : index
    %swap3A_254 = tpu.vector_load %arg5[%swap3A_253] {strides = array<i32>} : memref<1024xf32, #tpu.memory_space<vmem>>, vector<16xf32>,
    %swap3A_255 = vector.shape_cast %swap3A_254 : vector<16xf32> to vector<16xf32>
    %swap3A_256 = vector.shape_cast %broadcast_in_dim3A_252 : vector<16xf32> to vector<16xf32>
    tpu.vector_store %arg5[%swap3A_253], %swap3A_256 {strides = array<i32>} : memref<1024xf32, #tpu.memory_space<vmem>>, vector<16xf32>,
    %broadcast_in_dim3A_257 = arith.constant 1.000000e+00 : f32
    %broadcast_in_dim3A_258 = vector.broadcast %broadcast_in_dim3A_257 : f32 to vector<16xf32>
    %swap3A_259 = arith.constant 688 : index
    %swap3A_260 = tpu.vector_load %arg5[%swap3A_259] {strides = array<i32>} : memref<1024xf32, #tpu.memory_space<vmem>>, vector<16xf32>,
    %swap3A_261 = vector.shape_cast %swap3A_260 : vector<16xf32> to vector<16xf32>
    %swap3A_262 = vector.shape_cast %broadcast_in_dim3A_258 : vector<16xf32> to vector<16xf32>
    tpu.vector_store %arg5[%swap3A_259], %swap3A_262 {strides = array<i32>} : memref<1024xf32, #tpu.memory_space<vmem>>, vector<16xf32>,
    %broadcast_in_dim3A_263 = arith.constant 1.000000e+00 : f32
    %broadcast_in_dim3A_264 = vector.broadcast %broadcast_in_dim3A_263 : f32 to vector<16xf32>
    %swap3A_265 = arith.constant 704 : index
    %swap3A_266 = tpu.vector_load %arg5[%swap3A_265] {strides = array<i32>} : memref<1024xf32, #tpu.memory_space<vmem>>, vector<16xf32>,
    %swap3A_267 = vector.shape_cast %swap3A_266 : vector<16xf32> to vector<16xf32>
    %swap3A_268 = vector.shape_cast %broadcast_in_dim3A_264 : vector<16xf32> to vector<16xf32>
    tpu.vector_store %arg5[%swap3A_265], %swap3A_268 {strides = array<i32>} : memref<1024xf32, #tpu.memory_space<vmem>>, vector<16xf32>,
    %broadcast_in_dim3A_269 = arith.constant 1.000000e+00 : f32
    %broadcast_in_dim3A_270 = vector.broadcast %broadcast_in_dim3A_269 : f32 to vector<16xf32>
    %swap3A_271 = arith.constant 720 : index
    %swap3A_272 = tpu.vector_load %arg5[%swap3A_271] {strides = array<i32>} : memref<1024xf32, #tpu.memory_space<vmem>>, vector<16xf32>,
    %swap3A_273 = vector.shape_cast %swap3A_272 : vector<16xf32> to vector<16xf32>
    %swap3A_274 = vector.shape_cast %broadcast_in_dim3A_270 : vector<16xf32> to vector<16xf32>
    tpu.vector_store %arg5[%swap3A_271], %swap3A_274 {strides = array<i32>} : memref<1024xf32, #tpu.memory_space<vmem>>, vector<16xf32>,
    %broadcast_in_dim3A_275 = arith.constant 1.000000e+00 : f32
    %broadcast_in_dim3A_276 = vector.broadcast %broadcast_in_dim3A_275 : f32 to vector<16xf32>
    %swap3A_277 = arith.constant 736 : index
    %swap3A_278 = tpu.vector_load %arg5[%swap3A_277] {strides = array<i32>} : memref<1024xf32, #tpu.memory_space<vmem>>, vector<16xf32>,
    %swap3A_279 = vector.shape_cast %swap3A_278 : vector<16xf32> to vector<16xf32>
    %swap3A_280 = vector.shape_cast %broadcast_in_dim3A_276 : vector<16xf32> to vector<16xf32>
    tpu.vector_store %arg5[%swap3A_277], %swap3A_280 {strides = array<i32>} : memref<1024xf32, #tpu.memory_space<vmem>>, vector<16xf32>,
    %broadcast_in_dim3A_281 = arith.constant 1.000000e+00 : f32
    %broadcast_in_dim3A_282 = vector.broadcast %broadcast_in_dim3A_281 : f32 to vector<16xf32>
    %swap3A_283 = arith.constant 752 : index
    %swap3A_284 = tpu.vector_load %arg5[%swap3A_283] {strides = array<i32>} : memref<1024xf32, #tpu.memory_space<vmem>>, vector<16xf32>,
    %swap3A_285 = vector.shape_cast %swap3A_284 : vector<16xf32> to vector<16xf32>
    %swap3A_286 = vector.shape_cast %broadcast_in_dim3A_282 : vector<16xf32> to vector<16xf32>
    tpu.vector_store %arg5[%swap3A_283], %swap3A_286 {strides = array<i32>} : memref<1024xf32, #tpu.memory_space<vmem>>, vector<16xf32>,
    %broadcast_in_dim3A_287 = arith.constant 1.000000e+00 : f32
    %broadcast_in_dim3A_288 = vector.broadcast %broadcast_in_dim3A_287 : f32 to vector<16xf32>
    %swap3A_289 = arith.constant 768 : index
    %swap3A_290 = tpu.vector_load %arg5[%swap3A_289] {strides = array<i32>} : memref<1024xf32, #tpu.memory_space<vmem>>, vector<16xf32>,
    %swap3A_291 = vector.shape_cast %swap3A_290 : vector<16xf32> to vector<16xf32>
    %swap3A_292 = vector.shape_cast %broadcast_in_dim3A_288 : vector<16xf32> to vector<16xf32>
    tpu.vector_store %arg5[%swap3A_289], %swap3A_292 {strides = array<i32>} : memref<1024xf32, #tpu.memory_space<vmem>>, vector<16xf32>,
    %broadcast_in_dim3A_293 = arith.constant 1.000000e+00 : f32
    %broadcast_in_dim3A_294 = vector.broadcast %broadcast_in_dim3A_293 : f32 to vector<16xf32>
    %swap3A_295 = arith.constant 784 : index
    %swap3A_296 = tpu.vector_load %arg5[%swap3A_295] {strides = array<i32>} : memref<1024xf32, #tpu.memory_space<vmem>>, vector<16xf32>,
    %swap3A_297 = vector.shape_cast %swap3A_296 : vector<16xf32> to vector<16xf32>
    %swap3A_298 = vector.shape_cast %broadcast_in_dim3A_294 : vector<16xf32> to vector<16xf32>
    tpu.vector_store %arg5[%swap3A_295], %swap3A_298 {strides = array<i32>} : memref<1024xf32, #tpu.memory_space<vmem>>, vector<16xf32>,
    %broadcast_in_dim3A_299 = arith.constant 1.000000e+00 : f32
    %broadcast_in_dim3A_300 = vector.broadcast %broadcast_in_dim3A_299 : f32 to vector<16xf32>
    %swap3A_301 = arith.constant 800 : index
    %swap3A_302 = tpu.vector_load %arg5[%swap3A_301] {strides = array<i32>} : memref<1024xf32, #tpu.memory_space<vmem>>, vector<16xf32>,
    %swap3A_303 = vector.shape_cast %swap3A_302 : vector<16xf32> to vector<16xf32>
    %swap3A_304 = vector.shape_cast %broadcast_in_dim3A_300 : vector<16xf32> to vector<16xf32>
    tpu.vector_store %arg5[%swap3A_301], %swap3A_304 {strides = array<i32>} : memref<1024xf32, #tpu.memory_space<vmem>>, vector<16xf32>,
    %broadcast_in_dim3A_305 = arith.constant 1.000000e+00 : f32
    %broadcast_in_dim3A_306 = vector.broadcast %broadcast_in_dim3A_305 : f32 to vector<16xf32>
    %swap3A_307 = arith.constant 816 : index
    %swap3A_308 = tpu.vector_load %arg5[%swap3A_307] {strides = array<i32>} : memref<1024xf32, #tpu.memory_space<vmem>>, vector<16xf32>,
    %swap3A_309 = vector.shape_cast %swap3A_308 : vector<16xf32> to vector<16xf32>
    %swap3A_310 = vector.shape_cast %broadcast_in_dim3A_306 : vector<16xf32> to vector<16xf32>
    tpu.vector_store %arg5[%swap3A_307], %swap3A_310 {strides = array<i32>} : memref<1024xf32, #tpu.memory_space<vmem>>, vector<16xf32>,
    %broadcast_in_dim3A_311 = arith.constant 1.000000e+00 : f32
    %broadcast_in_dim3A_312 = vector.broadcast %broadcast_in_dim3A_311 : f32 to vector<16xf32>
    %swap3A_313 = arith.constant 832 : index
    %swap3A_314 = tpu.vector_load %arg5[%swap3A_313] {strides = array<i32>} : memref<1024xf32, #tpu.memory_space<vmem>>, vector<16xf32>,
    %swap3A_315 = vector.shape_cast %swap3A_314 : vector<16xf32> to vector<16xf32>
    %swap3A_316 = vector.shape_cast %broadcast_in_dim3A_312 : vector<16xf32> to vector<16xf32>
    tpu.vector_store %arg5[%swap3A_313], %swap3A_316 {strides = array<i32>} : memref<1024xf32, #tpu.memory_space<vmem>>, vector<16xf32>,
    %broadcast_in_dim3A_317 = arith.constant 1.000000e+00 : f32
    %broadcast_in_dim3A_318 = vector.broadcast %broadcast_in_dim3A_317 : f32 to vector<16xf32>
    %swap3A_319 = arith.constant 848 : index
    %swap3A_320 = tpu.vector_load %arg5[%swap3A_319] {strides = array<i32>} : memref<1024xf32, #tpu.memory_space<vmem>>, vector<16xf32>,
    %swap3A_321 = vector.shape_cast %swap3A_320 : vector<16xf32> to vector<16xf32>
    %swap3A_322 = vector.shape_cast %broadcast_in_dim3A_318 : vector<16xf32> to vector<16xf32>
    tpu.vector_store %arg5[%swap3A_319], %swap3A_322 {strides = array<i32>} : memref<1024xf32, #tpu.memory_space<vmem>>, vector<16xf32>,
    %broadcast_in_dim3A_323 = arith.constant 1.000000e+00 : f32
    %broadcast_in_dim3A_324 = vector.broadcast %broadcast_in_dim3A_323 : f32 to vector<16xf32>
    %swap3A_325 = arith.constant 864 : index
    %swap3A_326 = tpu.vector_load %arg5[%swap3A_325] {strides = array<i32>} : memref<1024xf32, #tpu.memory_space<vmem>>, vector<16xf32>,
    %swap3A_327 = vector.shape_cast %swap3A_326 : vector<16xf32> to vector<16xf32>
    %swap3A_328 = vector.shape_cast %broadcast_in_dim3A_324 : vector<16xf32> to vector<16xf32>
    tpu.vector_store %arg5[%swap3A_325], %swap3A_328 {strides = array<i32>} : memref<1024xf32, #tpu.memory_space<vmem>>, vector<16xf32>,
    %broadcast_in_dim3A_329 = arith.constant 1.000000e+00 : f32
    %broadcast_in_dim3A_330 = vector.broadcast %broadcast_in_dim3A_329 : f32 to vector<16xf32>
    %swap3A_331 = arith.constant 880 : index
    %swap3A_332 = tpu.vector_load %arg5[%swap3A_331] {strides = array<i32>} : memref<1024xf32, #tpu.memory_space<vmem>>, vector<16xf32>,
    %swap3A_333 = vector.shape_cast %swap3A_332 : vector<16xf32> to vector<16xf32>
    %swap3A_334 = vector.shape_cast %broadcast_in_dim3A_330 : vector<16xf32> to vector<16xf32>
    tpu.vector_store %arg5[%swap3A_331], %swap3A_334 {strides = array<i32>} : memref<1024xf32, #tpu.memory_space<vmem>>, vector<16xf32>,
    %broadcast_in_dim3A_335 = arith.constant 1.000000e+00 : f32
    %broadcast_in_dim3A_336 = vector.broadcast %broadcast_in_dim3A_335 : f32 to vector<16xf32>
    %swap3A_337 = arith.constant 896 : index
    %swap3A_338 = tpu.vector_load %arg5[%swap3A_337] {strides = array<i32>} : memref<1024xf32, #tpu.memory_space<vmem>>, vector<16xf32>,
    %swap3A_339 = vector.shape_cast %swap3A_338 : vector<16xf32> to vector<16xf32>
    %swap3A_340 = vector.shape_cast %broadcast_in_dim3A_336 : vector<16xf32> to vector<16xf32>
    tpu.vector_store %arg5[%swap3A_337], %swap3A_340 {strides = array<i32>} : memref<1024xf32, #tpu.memory_space<vmem>>, vector<16xf32>,
    %broadcast_in_dim3A_341 = arith.constant 1.000000e+00 : f32
    %broadcast_in_dim3A_342 = vector.broadcast %broadcast_in_dim3A_341 : f32 to vector<16xf32>
    %swap3A_343 = arith.constant 912 : index
    %swap3A_344 = tpu.vector_load %arg5[%swap3A_343] {strides = array<i32>} : memref<1024xf32, #tpu.memory_space<vmem>>, vector<16xf32>,
    %swap3A_345 = vector.shape_cast %swap3A_344 : vector<16xf32> to vector<16xf32>
    %swap3A_346 = vector.shape_cast %broadcast_in_dim3A_342 : vector<16xf32> to vector<16xf32>
    tpu.vector_store %arg5[%swap3A_343], %swap3A_346 {strides = array<i32>} : memref<1024xf32, #tpu.memory_space<vmem>>, vector<16xf32>,
    %broadcast_in_dim3A_347 = arith.constant 1.000000e+00 : f32
    %broadcast_in_dim3A_348 = vector.broadcast %broadcast_in_dim3A_347 : f32 to vector<16xf32>
    %swap3A_349 = arith.constant 928 : index
    %swap3A_350 = tpu.vector_load %arg5[%swap3A_349] {strides = array<i32>} : memref<1024xf32, #tpu.memory_space<vmem>>, vector<16xf32>,
    %swap3A_351 = vector.shape_cast %swap3A_350 : vector<16xf32> to vector<16xf32>
    %swap3A_352 = vector.shape_cast %broadcast_in_dim3A_348 : vector<16xf32> to vector<16xf32>
    tpu.vector_store %arg5[%swap3A_349], %swap3A_352 {strides = array<i32>} : memref<1024xf32, #tpu.memory_space<vmem>>, vector<16xf32>,
    %broadcast_in_dim3A_353 = arith.constant 1.000000e+00 : f32
    %broadcast_in_dim3A_354 = vector.broadcast %broadcast_in_dim3A_353 : f32 to vector<16xf32>
    %swap3A_355 = arith.constant 944 : index
    %swap3A_356 = tpu.vector_load %arg5[%swap3A_355] {strides = array<i32>} : memref<1024xf32, #tpu.memory_space<vmem>>, vector<16xf32>,
    %swap3A_357 = vector.shape_cast %swap3A_356 : vector<16xf32> to vector<16xf32>
    %swap3A_358 = vector.shape_cast %broadcast_in_dim3A_354 : vector<16xf32> to vector<16xf32>
    tpu.vector_store %arg5[%swap3A_355], %swap3A_358 {strides = array<i32>} : memref<1024xf32, #tpu.memory_space<vmem>>, vector<16xf32>,
    %broadcast_in_dim3A_359 = arith.constant 1.000000e+00 : f32
    %broadcast_in_dim3A_360 = vector.broadcast %broadcast_in_dim3A_359 : f32 to vector<16xf32>
    %swap3A_361 = arith.constant 960 : index
    %swap3A_362 = tpu.vector_load %arg5[%swap3A_361] {strides = array<i32>} : memref<1024xf32, #tpu.memory_space<vmem>>, vector<16xf32>,
    %swap3A_363 = vector.shape_cast %swap3A_362 : vector<16xf32> to vector<16xf32>
    %swap3A_364 = vector.shape_cast %broadcast_in_dim3A_360 : vector<16xf32> to vector<16xf32>
    tpu.vector_store %arg5[%swap3A_361], %swap3A_364 {strides = array<i32>} : memref<1024xf32, #tpu.memory_space<vmem>>, vector<16xf32>,
    %broadcast_in_dim3A_365 = arith.constant 1.000000e+00 : f32
    %broadcast_in_dim3A_366 = vector.broadcast %broadcast_in_dim3A_365 : f32 to vector<16xf32>
    %swap3A_367 = arith.constant 976 : index
    %swap3A_368 = tpu.vector_load %arg5[%swap3A_367] {strides = array<i32>} : memref<1024xf32, #tpu.memory_space<vmem>>, vector<16xf32>,
    %swap3A_369 = vector.shape_cast %swap3A_368 : vector<16xf32> to vector<16xf32>
    %swap3A_370 = vector.shape_cast %broadcast_in_dim3A_366 : vector<16xf32> to vector<16xf32>
    tpu.vector_store %arg5[%swap3A_367], %swap3A_370 {strides = array<i32>} : memref<1024xf32, #tpu.memory_space<vmem>>, vector<16xf32>,
    %broadcast_in_dim3A_371 = arith.constant 1.000000e+00 : f32
    %broadcast_in_dim3A_372 = vector.broadcast %broadcast_in_dim3A_371 : f32 to vector<16xf32>
    %swap3A_373 = arith.constant 992 : index
    %swap3A_374 = tpu.vector_load %arg5[%swap3A_373] {strides = array<i32>} : memref<1024xf32, #tpu.memory_space<vmem>>, vector<16xf32>,
    %swap3A_375 = vector.shape_cast %swap3A_374 : vector<16xf32> to vector<16xf32>
    %swap3A_376 = vector.shape_cast %broadcast_in_dim3A_372 : vector<16xf32> to vector<16xf32>
    tpu.vector_store %arg5[%swap3A_373], %swap3A_376 {strides = array<i32>} : memref<1024xf32, #tpu.memory_space<vmem>>, vector<16xf32>,
    %broadcast_in_dim3A_377 = arith.constant 1.000000e+00 : f32
    %broadcast_in_dim3A_378 = vector.broadcast %broadcast_in_dim3A_377 : f32 to vector<16xf32>
    %swap3A_379 = arith.constant 1008 : index
    %swap3A_380 = tpu.vector_load %arg5[%swap3A_379] {strides = array<i32>} : memref<1024xf32, #tpu.memory_space<vmem>>, vector<16xf32>,
    %swap3A_381 = vector.shape_cast %swap3A_380 : vector<16xf32> to vector<16xf32>
    %swap3A_382 = vector.shape_cast %broadcast_in_dim3A_378 : vector<16xf32> to vector<16xf32>
    tpu.vector_store %arg5[%swap3A_379], %swap3A_382 {strides = array<i32>} : memref<1024xf32, #tpu.memory_space<vmem>>, vector<16xf32>,
    %broadcast_in_dim3A_383 = arith.constant 0.000000e+00 : f32
    %broadcast_in_dim3A_384 = vector.broadcast %broadcast_in_dim3A_383 : f32 to vector<16xf32>
    %swap3A_385 = arith.constant 0 : index
    %swap3A_386 = tpu.vector_load %arg6[%swap3A_385] {strides = array<i32>} : memref<640xf32, #tpu.memory_space<vmem>>, vector<16xf32>,
    %swap3A_387 = vector.shape_cast %swap3A_386 : vector<16xf32> to vector<16xf32>
    %swap3A_388 = vector.shape_cast %broadcast_in_dim3A_384 : vector<16xf32> to vector<16xf32>
    tpu.vector_store %arg6[%swap3A_385], %swap3A_388 {strides = array<i32>} : memref<640xf32, #tpu.memory_space<vmem>>, vector<16xf32>,
    %broadcast_in_dim3A_389 = arith.constant 0.000000e+00 : f32
    %broadcast_in_dim3A_390 = vector.broadcast %broadcast_in_dim3A_389 : f32 to vector<16xf32>
    %swap3A_391 = arith.constant 16 : index
    %swap3A_392 = tpu.vector_load %arg6[%swap3A_391] {strides = array<i32>} : memref<640xf32, #tpu.memory_space<vmem>>, vector<16xf32>,
    %swap3A_393 = vector.shape_cast %swap3A_392 : vector<16xf32> to vector<16xf32>
    %swap3A_394 = vector.shape_cast %broadcast_in_dim3A_390 : vector<16xf32> to vector<16xf32>
    tpu.vector_store %arg6[%swap3A_391], %swap3A_394 {strides = array<i32>} : memref<640xf32, #tpu.memory_space<vmem>>, vector<16xf32>,
    %broadcast_in_dim3A_395 = arith.constant 0.000000e+00 : f32
    %broadcast_in_dim3A_396 = vector.broadcast %broadcast_in_dim3A_395 : f32 to vector<16xf32>
    %swap3A_397 = arith.constant 32 : index
    %swap3A_398 = tpu.vector_load %arg6[%swap3A_397] {strides = array<i32>} : memref<640xf32, #tpu.memory_space<vmem>>, vector<16xf32>,
    %swap3A_399 = vector.shape_cast %swap3A_398 : vector<16xf32> to vector<16xf32>
    %swap3A_400 = vector.shape_cast %broadcast_in_dim3A_396 : vector<16xf32> to vector<16xf32>
    tpu.vector_store %arg6[%swap3A_397], %swap3A_400 {strides = array<i32>} : memref<640xf32, #tpu.memory_space<vmem>>, vector<16xf32>,
    %broadcast_in_dim3A_401 = arith.constant 0.000000e+00 : f32
    %broadcast_in_dim3A_402 = vector.broadcast %broadcast_in_dim3A_401 : f32 to vector<16xf32>
    %swap3A_403 = arith.constant 48 : index
    %swap3A_404 = tpu.vector_load %arg6[%swap3A_403] {strides = array<i32>} : memref<640xf32, #tpu.memory_space<vmem>>, vector<16xf32>,
    %swap3A_405 = vector.shape_cast %swap3A_404 : vector<16xf32> to vector<16xf32>
    %swap3A_406 = vector.shape_cast %broadcast_in_dim3A_402 : vector<16xf32> to vector<16xf32>
    tpu.vector_store %arg6[%swap3A_403], %swap3A_406 {strides = array<i32>} : memref<640xf32, #tpu.memory_space<vmem>>, vector<16xf32>,
    %broadcast_in_dim3A_407 = arith.constant 0.000000e+00 : f32
    %broadcast_in_dim3A_408 = vector.broadcast %broadcast_in_dim3A_407 : f32 to vector<16xf32>
    %swap3A_409 = arith.constant 64 : index
    %swap3A_410 = tpu.vector_load %arg6[%swap3A_409] {strides = array<i32>} : memref<640xf32, #tpu.memory_space<vmem>>, vector<16xf32>,
    %swap3A_411 = vector.shape_cast %swap3A_410 : vector<16xf32> to vector<16xf32>
    %swap3A_412 = vector.shape_cast %broadcast_in_dim3A_408 : vector<16xf32> to vector<16xf32>
    tpu.vector_store %arg6[%swap3A_409], %swap3A_412 {strides = array<i32>} : memref<640xf32, #tpu.memory_space<vmem>>, vector<16xf32>,
    %broadcast_in_dim3A_413 = arith.constant 0.000000e+00 : f32
    %broadcast_in_dim3A_414 = vector.broadcast %broadcast_in_dim3A_413 : f32 to vector<16xf32>
    %swap3A_415 = arith.constant 80 : index
    %swap3A_416 = tpu.vector_load %arg6[%swap3A_415] {strides = array<i32>} : memref<640xf32, #tpu.memory_space<vmem>>, vector<16xf32>,
    %swap3A_417 = vector.shape_cast %swap3A_416 : vector<16xf32> to vector<16xf32>
    %swap3A_418 = vector.shape_cast %broadcast_in_dim3A_414 : vector<16xf32> to vector<16xf32>
    tpu.vector_store %arg6[%swap3A_415], %swap3A_418 {strides = array<i32>} : memref<640xf32, #tpu.memory_space<vmem>>, vector<16xf32>,
    %broadcast_in_dim3A_419 = arith.constant 0.000000e+00 : f32
    %broadcast_in_dim3A_420 = vector.broadcast %broadcast_in_dim3A_419 : f32 to vector<16xf32>
    %swap3A_421 = arith.constant 96 : index
    %swap3A_422 = tpu.vector_load %arg6[%swap3A_421] {strides = array<i32>} : memref<640xf32, #tpu.memory_space<vmem>>, vector<16xf32>,
    %swap3A_423 = vector.shape_cast %swap3A_422 : vector<16xf32> to vector<16xf32>
    %swap3A_424 = vector.shape_cast %broadcast_in_dim3A_420 : vector<16xf32> to vector<16xf32>
    tpu.vector_store %arg6[%swap3A_421], %swap3A_424 {strides = array<i32>} : memref<640xf32, #tpu.memory_space<vmem>>, vector<16xf32>,
    %broadcast_in_dim3A_425 = arith.constant 0.000000e+00 : f32
    %broadcast_in_dim3A_426 = vector.broadcast %broadcast_in_dim3A_425 : f32 to vector<16xf32>
    %swap3A_427 = arith.constant 112 : index
    %swap3A_428 = tpu.vector_load %arg6[%swap3A_427] {strides = array<i32>} : memref<640xf32, #tpu.memory_space<vmem>>, vector<16xf32>,
    %swap3A_429 = vector.shape_cast %swap3A_428 : vector<16xf32> to vector<16xf32>
    %swap3A_430 = vector.shape_cast %broadcast_in_dim3A_426 : vector<16xf32> to vector<16xf32>
    tpu.vector_store %arg6[%swap3A_427], %swap3A_430 {strides = array<i32>} : memref<640xf32, #tpu.memory_space<vmem>>, vector<16xf32>,
    %broadcast_in_dim3A_431 = arith.constant 0.000000e+00 : f32
    %broadcast_in_dim3A_432 = vector.broadcast %broadcast_in_dim3A_431 : f32 to vector<16xf32>
    %swap3A_433 = arith.constant 128 : index
    %swap3A_434 = tpu.vector_load %arg6[%swap3A_433] {strides = array<i32>} : memref<640xf32, #tpu.memory_space<vmem>>, vector<16xf32>,
    %swap3A_435 = vector.shape_cast %swap3A_434 : vector<16xf32> to vector<16xf32>
    %swap3A_436 = vector.shape_cast %broadcast_in_dim3A_432 : vector<16xf32> to vector<16xf32>
    tpu.vector_store %arg6[%swap3A_433], %swap3A_436 {strides = array<i32>} : memref<640xf32, #tpu.memory_space<vmem>>, vector<16xf32>,
    %broadcast_in_dim3A_437 = arith.constant 0.000000e+00 : f32
    %broadcast_in_dim3A_438 = vector.broadcast %broadcast_in_dim3A_437 : f32 to vector<16xf32>
    %swap3A_439 = arith.constant 144 : index
    %swap3A_440 = tpu.vector_load %arg6[%swap3A_439] {strides = array<i32>} : memref<640xf32, #tpu.memory_space<vmem>>, vector<16xf32>,
    %swap3A_441 = vector.shape_cast %swap3A_440 : vector<16xf32> to vector<16xf32>
    %swap3A_442 = vector.shape_cast %broadcast_in_dim3A_438 : vector<16xf32> to vector<16xf32>
    tpu.vector_store %arg6[%swap3A_439], %swap3A_442 {strides = array<i32>} : memref<640xf32, #tpu.memory_space<vmem>>, vector<16xf32>,
    %broadcast_in_dim3A_443 = arith.constant 0.000000e+00 : f32
    %broadcast_in_dim3A_444 = vector.broadcast %broadcast_in_dim3A_443 : f32 to vector<16xf32>
    %swap3A_445 = arith.constant 160 : index
    %swap3A_446 = tpu.vector_load %arg6[%swap3A_445] {strides = array<i32>} : memref<640xf32, #tpu.memory_space<vmem>>, vector<16xf32>,
    %swap3A_447 = vector.shape_cast %swap3A_446 : vector<16xf32> to vector<16xf32>
    %swap3A_448 = vector.shape_cast %broadcast_in_dim3A_444 : vector<16xf32> to vector<16xf32>
    tpu.vector_store %arg6[%swap3A_445], %swap3A_448 {strides = array<i32>} : memref<640xf32, #tpu.memory_space<vmem>>, vector<16xf32>,
    %broadcast_in_dim3A_449 = arith.constant 0.000000e+00 : f32
    %broadcast_in_dim3A_450 = vector.broadcast %broadcast_in_dim3A_449 : f32 to vector<16xf32>
    %swap3A_451 = arith.constant 176 : index
    %swap3A_452 = tpu.vector_load %arg6[%swap3A_451] {strides = array<i32>} : memref<640xf32, #tpu.memory_space<vmem>>, vector<16xf32>,
    %swap3A_453 = vector.shape_cast %swap3A_452 : vector<16xf32> to vector<16xf32>
    %swap3A_454 = vector.shape_cast %broadcast_in_dim3A_450 : vector<16xf32> to vector<16xf32>
    tpu.vector_store %arg6[%swap3A_451], %swap3A_454 {strides = array<i32>} : memref<640xf32, #tpu.memory_space<vmem>>, vector<16xf32>,
    %broadcast_in_dim3A_455 = arith.constant 0.000000e+00 : f32
    %broadcast_in_dim3A_456 = vector.broadcast %broadcast_in_dim3A_455 : f32 to vector<16xf32>
    %swap3A_457 = arith.constant 192 : index
    %swap3A_458 = tpu.vector_load %arg6[%swap3A_457] {strides = array<i32>} : memref<640xf32, #tpu.memory_space<vmem>>, vector<16xf32>,
    %swap3A_459 = vector.shape_cast %swap3A_458 : vector<16xf32> to vector<16xf32>
    %swap3A_460 = vector.shape_cast %broadcast_in_dim3A_456 : vector<16xf32> to vector<16xf32>
    tpu.vector_store %arg6[%swap3A_457], %swap3A_460 {strides = array<i32>} : memref<640xf32, #tpu.memory_space<vmem>>, vector<16xf32>,
    %broadcast_in_dim3A_461 = arith.constant 0.000000e+00 : f32
    %broadcast_in_dim3A_462 = vector.broadcast %broadcast_in_dim3A_461 : f32 to vector<16xf32>
    %swap3A_463 = arith.constant 208 : index
    %swap3A_464 = tpu.vector_load %arg6[%swap3A_463] {strides = array<i32>} : memref<640xf32, #tpu.memory_space<vmem>>, vector<16xf32>,
    %swap3A_465 = vector.shape_cast %swap3A_464 : vector<16xf32> to vector<16xf32>
    %swap3A_466 = vector.shape_cast %broadcast_in_dim3A_462 : vector<16xf32> to vector<16xf32>
    tpu.vector_store %arg6[%swap3A_463], %swap3A_466 {strides = array<i32>} : memref<640xf32, #tpu.memory_space<vmem>>, vector<16xf32>,
    %broadcast_in_dim3A_467 = arith.constant 0.000000e+00 : f32
    %broadcast_in_dim3A_468 = vector.broadcast %broadcast_in_dim3A_467 : f32 to vector<16xf32>
    %swap3A_469 = arith.constant 224 : index
    %swap3A_470 = tpu.vector_load %arg6[%swap3A_469] {strides = array<i32>} : memref<640xf32, #tpu.memory_space<vmem>>, vector<16xf32>,
    %swap3A_471 = vector.shape_cast %swap3A_470 : vector<16xf32> to vector<16xf32>
    %swap3A_472 = vector.shape_cast %broadcast_in_dim3A_468 : vector<16xf32> to vector<16xf32>
    tpu.vector_store %arg6[%swap3A_469], %swap3A_472 {strides = array<i32>} : memref<640xf32, #tpu.memory_space<vmem>>, vector<16xf32>,
    %broadcast_in_dim3A_473 = arith.constant 0.000000e+00 : f32
    %broadcast_in_dim3A_474 = vector.broadcast %broadcast_in_dim3A_473 : f32 to vector<16xf32>
    %swap3A_475 = arith.constant 240 : index
    %swap3A_476 = tpu.vector_load %arg6[%swap3A_475] {strides = array<i32>} : memref<640xf32, #tpu.memory_space<vmem>>, vector<16xf32>,
    %swap3A_477 = vector.shape_cast %swap3A_476 : vector<16xf32> to vector<16xf32>
    %swap3A_478 = vector.shape_cast %broadcast_in_dim3A_474 : vector<16xf32> to vector<16xf32>
    tpu.vector_store %arg6[%swap3A_475], %swap3A_478 {strides = array<i32>} : memref<640xf32, #tpu.memory_space<vmem>>, vector<16xf32>,
    %broadcast_in_dim3A_479 = arith.constant 0.000000e+00 : f32
    %broadcast_in_dim3A_480 = vector.broadcast %broadcast_in_dim3A_479 : f32 to vector<16xf32>
    %swap3A_481 = arith.constant 256 : index
    %swap3A_482 = tpu.vector_load %arg6[%swap3A_481] {strides = array<i32>} : memref<640xf32, #tpu.memory_space<vmem>>, vector<16xf32>,
    %swap3A_483 = vector.shape_cast %swap3A_482 : vector<16xf32> to vector<16xf32>
    %swap3A_484 = vector.shape_cast %broadcast_in_dim3A_480 : vector<16xf32> to vector<16xf32>
    tpu.vector_store %arg6[%swap3A_481], %swap3A_484 {strides = array<i32>} : memref<640xf32, #tpu.memory_space<vmem>>, vector<16xf32>,
    %broadcast_in_dim3A_485 = arith.constant 0.000000e+00 : f32
    %broadcast_in_dim3A_486 = vector.broadcast %broadcast_in_dim3A_485 : f32 to vector<16xf32>
    %swap3A_487 = arith.constant 272 : index
    %swap3A_488 = tpu.vector_load %arg6[%swap3A_487] {strides = array<i32>} : memref<640xf32, #tpu.memory_space<vmem>>, vector<16xf32>,
    %swap3A_489 = vector.shape_cast %swap3A_488 : vector<16xf32> to vector<16xf32>
    %swap3A_490 = vector.shape_cast %broadcast_in_dim3A_486 : vector<16xf32> to vector<16xf32>
    tpu.vector_store %arg6[%swap3A_487], %swap3A_490 {strides = array<i32>} : memref<640xf32, #tpu.memory_space<vmem>>, vector<16xf32>,
    %broadcast_in_dim3A_491 = arith.constant 0.000000e+00 : f32
    %broadcast_in_dim3A_492 = vector.broadcast %broadcast_in_dim3A_491 : f32 to vector<16xf32>
    %swap3A_493 = arith.constant 288 : index
    %swap3A_494 = tpu.vector_load %arg6[%swap3A_493] {strides = array<i32>} : memref<640xf32, #tpu.memory_space<vmem>>, vector<16xf32>,
    %swap3A_495 = vector.shape_cast %swap3A_494 : vector<16xf32> to vector<16xf32>
    %swap3A_496 = vector.shape_cast %broadcast_in_dim3A_492 : vector<16xf32> to vector<16xf32>
    tpu.vector_store %arg6[%swap3A_493], %swap3A_496 {strides = array<i32>} : memref<640xf32, #tpu.memory_space<vmem>>, vector<16xf32>,
    %broadcast_in_dim3A_497 = arith.constant 0.000000e+00 : f32
    %broadcast_in_dim3A_498 = vector.broadcast %broadcast_in_dim3A_497 : f32 to vector<16xf32>
    %swap3A_499 = arith.constant 304 : index
    %swap3A_500 = tpu.vector_load %arg6[%swap3A_499] {strides = array<i32>} : memref<640xf32, #tpu.memory_space<vmem>>, vector<16xf32>,
    %swap3A_501 = vector.shape_cast %swap3A_500 : vector<16xf32> to vector<16xf32>
    %swap3A_502 = vector.shape_cast %broadcast_in_dim3A_498 : vector<16xf32> to vector<16xf32>
    tpu.vector_store %arg6[%swap3A_499], %swap3A_502 {strides = array<i32>} : memref<640xf32, #tpu.memory_space<vmem>>, vector<16xf32>,
    %broadcast_in_dim3A_503 = arith.constant 0.000000e+00 : f32
    %broadcast_in_dim3A_504 = vector.broadcast %broadcast_in_dim3A_503 : f32 to vector<16xf32>
    %swap3A_505 = arith.constant 320 : index
    %swap3A_506 = tpu.vector_load %arg6[%swap3A_505] {strides = array<i32>} : memref<640xf32, #tpu.memory_space<vmem>>, vector<16xf32>,
    %swap3A_507 = vector.shape_cast %swap3A_506 : vector<16xf32> to vector<16xf32>
    %swap3A_508 = vector.shape_cast %broadcast_in_dim3A_504 : vector<16xf32> to vector<16xf32>
    tpu.vector_store %arg6[%swap3A_505], %swap3A_508 {strides = array<i32>} : memref<640xf32, #tpu.memory_space<vmem>>, vector<16xf32>,
    %broadcast_in_dim3A_509 = arith.constant 0.000000e+00 : f32
    %broadcast_in_dim3A_510 = vector.broadcast %broadcast_in_dim3A_509 : f32 to vector<16xf32>
    %swap3A_511 = arith.constant 336 : index
    %swap3A_512 = tpu.vector_load %arg6[%swap3A_511] {strides = array<i32>} : memref<640xf32, #tpu.memory_space<vmem>>, vector<16xf32>,
    %swap3A_513 = vector.shape_cast %swap3A_512 : vector<16xf32> to vector<16xf32>
    %swap3A_514 = vector.shape_cast %broadcast_in_dim3A_510 : vector<16xf32> to vector<16xf32>
    tpu.vector_store %arg6[%swap3A_511], %swap3A_514 {strides = array<i32>} : memref<640xf32, #tpu.memory_space<vmem>>, vector<16xf32>,
    %broadcast_in_dim3A_515 = arith.constant 0.000000e+00 : f32
    %broadcast_in_dim3A_516 = vector.broadcast %broadcast_in_dim3A_515 : f32 to vector<16xf32>
    %swap3A_517 = arith.constant 352 : index
    %swap3A_518 = tpu.vector_load %arg6[%swap3A_517] {strides = array<i32>} : memref<640xf32, #tpu.memory_space<vmem>>, vector<16xf32>,
    %swap3A_519 = vector.shape_cast %swap3A_518 : vector<16xf32> to vector<16xf32>
    %swap3A_520 = vector.shape_cast %broadcast_in_dim3A_516 : vector<16xf32> to vector<16xf32>
    tpu.vector_store %arg6[%swap3A_517], %swap3A_520 {strides = array<i32>} : memref<640xf32, #tpu.memory_space<vmem>>, vector<16xf32>,
    %broadcast_in_dim3A_521 = arith.constant 0.000000e+00 : f32
    %broadcast_in_dim3A_522 = vector.broadcast %broadcast_in_dim3A_521 : f32 to vector<16xf32>
    %swap3A_523 = arith.constant 368 : index
    %swap3A_524 = tpu.vector_load %arg6[%swap3A_523] {strides = array<i32>} : memref<640xf32, #tpu.memory_space<vmem>>, vector<16xf32>,
    %swap3A_525 = vector.shape_cast %swap3A_524 : vector<16xf32> to vector<16xf32>
    %swap3A_526 = vector.shape_cast %broadcast_in_dim3A_522 : vector<16xf32> to vector<16xf32>
    tpu.vector_store %arg6[%swap3A_523], %swap3A_526 {strides = array<i32>} : memref<640xf32, #tpu.memory_space<vmem>>, vector<16xf32>,
    %broadcast_in_dim3A_527 = arith.constant 0.000000e+00 : f32
    %broadcast_in_dim3A_528 = vector.broadcast %broadcast_in_dim3A_527 : f32 to vector<16xf32>
    %swap3A_529 = arith.constant 384 : index
    %swap3A_530 = tpu.vector_load %arg6[%swap3A_529] {strides = array<i32>} : memref<640xf32, #tpu.memory_space<vmem>>, vector<16xf32>,
    %swap3A_531 = vector.shape_cast %swap3A_530 : vector<16xf32> to vector<16xf32>
    %swap3A_532 = vector.shape_cast %broadcast_in_dim3A_528 : vector<16xf32> to vector<16xf32>
    tpu.vector_store %arg6[%swap3A_529], %swap3A_532 {strides = array<i32>} : memref<640xf32, #tpu.memory_space<vmem>>, vector<16xf32>,
    %broadcast_in_dim3A_533 = arith.constant 0.000000e+00 : f32
    %broadcast_in_dim3A_534 = vector.broadcast %broadcast_in_dim3A_533 : f32 to vector<16xf32>
    %swap3A_535 = arith.constant 400 : index
    %swap3A_536 = tpu.vector_load %arg6[%swap3A_535] {strides = array<i32>} : memref<640xf32, #tpu.memory_space<vmem>>, vector<16xf32>,
    %swap3A_537 = vector.shape_cast %swap3A_536 : vector<16xf32> to vector<16xf32>
    %swap3A_538 = vector.shape_cast %broadcast_in_dim3A_534 : vector<16xf32> to vector<16xf32>
    tpu.vector_store %arg6[%swap3A_535], %swap3A_538 {strides = array<i32>} : memref<640xf32, #tpu.memory_space<vmem>>, vector<16xf32>,
    %broadcast_in_dim3A_539 = arith.constant 0.000000e+00 : f32
    %broadcast_in_dim3A_540 = vector.broadcast %broadcast_in_dim3A_539 : f32 to vector<16xf32>
    %swap3A_541 = arith.constant 416 : index
    %swap3A_542 = tpu.vector_load %arg6[%swap3A_541] {strides = array<i32>} : memref<640xf32, #tpu.memory_space<vmem>>, vector<16xf32>,
    %swap3A_543 = vector.shape_cast %swap3A_542 : vector<16xf32> to vector<16xf32>
    %swap3A_544 = vector.shape_cast %broadcast_in_dim3A_540 : vector<16xf32> to vector<16xf32>
    tpu.vector_store %arg6[%swap3A_541], %swap3A_544 {strides = array<i32>} : memref<640xf32, #tpu.memory_space<vmem>>, vector<16xf32>,
    %broadcast_in_dim3A_545 = arith.constant 0.000000e+00 : f32
    %broadcast_in_dim3A_546 = vector.broadcast %broadcast_in_dim3A_545 : f32 to vector<16xf32>
    %swap3A_547 = arith.constant 432 : index
    %swap3A_548 = tpu.vector_load %arg6[%swap3A_547] {strides = array<i32>} : memref<640xf32, #tpu.memory_space<vmem>>, vector<16xf32>,
    %swap3A_549 = vector.shape_cast %swap3A_548 : vector<16xf32> to vector<16xf32>
    %swap3A_550 = vector.shape_cast %broadcast_in_dim3A_546 : vector<16xf32> to vector<16xf32>
    tpu.vector_store %arg6[%swap3A_547], %swap3A_550 {strides = array<i32>} : memref<640xf32, #tpu.memory_space<vmem>>, vector<16xf32>,
    %broadcast_in_dim3A_551 = arith.constant 0.000000e+00 : f32
    %broadcast_in_dim3A_552 = vector.broadcast %broadcast_in_dim3A_551 : f32 to vector<16xf32>
    %swap3A_553 = arith.constant 448 : index
    %swap3A_554 = tpu.vector_load %arg6[%swap3A_553] {strides = array<i32>} : memref<640xf32, #tpu.memory_space<vmem>>, vector<16xf32>,
    %swap3A_555 = vector.shape_cast %swap3A_554 : vector<16xf32> to vector<16xf32>
    %swap3A_556 = vector.shape_cast %broadcast_in_dim3A_552 : vector<16xf32> to vector<16xf32>
    tpu.vector_store %arg6[%swap3A_553], %swap3A_556 {strides = array<i32>} : memref<640xf32, #tpu.memory_space<vmem>>, vector<16xf32>,
    %broadcast_in_dim3A_557 = arith.constant 0.000000e+00 : f32
    %broadcast_in_dim3A_558 = vector.broadcast %broadcast_in_dim3A_557 : f32 to vector<16xf32>
    %swap3A_559 = arith.constant 464 : index
    %swap3A_560 = tpu.vector_load %arg6[%swap3A_559] {strides = array<i32>} : memref<640xf32, #tpu.memory_space<vmem>>, vector<16xf32>,
    %swap3A_561 = vector.shape_cast %swap3A_560 : vector<16xf32> to vector<16xf32>
    %swap3A_562 = vector.shape_cast %broadcast_in_dim3A_558 : vector<16xf32> to vector<16xf32>
    tpu.vector_store %arg6[%swap3A_559], %swap3A_562 {strides = array<i32>} : memref<640xf32, #tpu.memory_space<vmem>>, vector<16xf32>,
    %broadcast_in_dim3A_563 = arith.constant 0.000000e+00 : f32
    %broadcast_in_dim3A_564 = vector.broadcast %broadcast_in_dim3A_563 : f32 to vector<16xf32>
    %swap3A_565 = arith.constant 480 : index
    %swap3A_566 = tpu.vector_load %arg6[%swap3A_565] {strides = array<i32>} : memref<640xf32, #tpu.memory_space<vmem>>, vector<16xf32>,
    %swap3A_567 = vector.shape_cast %swap3A_566 : vector<16xf32> to vector<16xf32>
    %swap3A_568 = vector.shape_cast %broadcast_in_dim3A_564 : vector<16xf32> to vector<16xf32>
    tpu.vector_store %arg6[%swap3A_565], %swap3A_568 {strides = array<i32>} : memref<640xf32, #tpu.memory_space<vmem>>, vector<16xf32>,
    %broadcast_in_dim3A_569 = arith.constant 0.000000e+00 : f32
    %broadcast_in_dim3A_570 = vector.broadcast %broadcast_in_dim3A_569 : f32 to vector<16xf32>
    %swap3A_571 = arith.constant 496 : index
    %swap3A_572 = tpu.vector_load %arg6[%swap3A_571] {strides = array<i32>} : memref<640xf32, #tpu.memory_space<vmem>>, vector<16xf32>,
    %swap3A_573 = vector.shape_cast %swap3A_572 : vector<16xf32> to vector<16xf32>
    %swap3A_574 = vector.shape_cast %broadcast_in_dim3A_570 : vector<16xf32> to vector<16xf32>
    tpu.vector_store %arg6[%swap3A_571], %swap3A_574 {strides = array<i32>} : memref<640xf32, #tpu.memory_space<vmem>>, vector<16xf32>,
    %broadcast_in_dim3A_575 = arith.constant 0.000000e+00 : f32
    %broadcast_in_dim3A_576 = vector.broadcast %broadcast_in_dim3A_575 : f32 to vector<16xf32>
    %swap3A_577 = arith.constant 512 : index
    %swap3A_578 = tpu.vector_load %arg6[%swap3A_577] {strides = array<i32>} : memref<640xf32, #tpu.memory_space<vmem>>, vector<16xf32>,
    %swap3A_579 = vector.shape_cast %swap3A_578 : vector<16xf32> to vector<16xf32>
    %swap3A_580 = vector.shape_cast %broadcast_in_dim3A_576 : vector<16xf32> to vector<16xf32>
    tpu.vector_store %arg6[%swap3A_577], %swap3A_580 {strides = array<i32>} : memref<640xf32, #tpu.memory_space<vmem>>, vector<16xf32>,
    %broadcast_in_dim3A_581 = arith.constant 0.000000e+00 : f32
    %broadcast_in_dim3A_582 = vector.broadcast %broadcast_in_dim3A_581 : f32 to vector<16xf32>
    %swap3A_583 = arith.constant 528 : index
    %swap3A_584 = tpu.vector_load %arg6[%swap3A_583] {strides = array<i32>} : memref<640xf32, #tpu.memory_space<vmem>>, vector<16xf32>,
    %swap3A_585 = vector.shape_cast %swap3A_584 : vector<16xf32> to vector<16xf32>
    %swap3A_586 = vector.shape_cast %broadcast_in_dim3A_582 : vector<16xf32> to vector<16xf32>
    tpu.vector_store %arg6[%swap3A_583], %swap3A_586 {strides = array<i32>} : memref<640xf32, #tpu.memory_space<vmem>>, vector<16xf32>,
    %broadcast_in_dim3A_587 = arith.constant 0.000000e+00 : f32
    %broadcast_in_dim3A_588 = vector.broadcast %broadcast_in_dim3A_587 : f32 to vector<16xf32>
    %swap3A_589 = arith.constant 544 : index
    %swap3A_590 = tpu.vector_load %arg6[%swap3A_589] {strides = array<i32>} : memref<640xf32, #tpu.memory_space<vmem>>, vector<16xf32>,
    %swap3A_591 = vector.shape_cast %swap3A_590 : vector<16xf32> to vector<16xf32>
    %swap3A_592 = vector.shape_cast %broadcast_in_dim3A_588 : vector<16xf32> to vector<16xf32>
    tpu.vector_store %arg6[%swap3A_589], %swap3A_592 {strides = array<i32>} : memref<640xf32, #tpu.memory_space<vmem>>, vector<16xf32>,
    %broadcast_in_dim3A_593 = arith.constant 0.000000e+00 : f32
    %broadcast_in_dim3A_594 = vector.broadcast %broadcast_in_dim3A_593 : f32 to vector<16xf32>
    %swap3A_595 = arith.constant 560 : index
    %swap3A_596 = tpu.vector_load %arg6[%swap3A_595] {strides = array<i32>} : memref<640xf32, #tpu.memory_space<vmem>>, vector<16xf32>,
    %swap3A_597 = vector.shape_cast %swap3A_596 : vector<16xf32> to vector<16xf32>
    %swap3A_598 = vector.shape_cast %broadcast_in_dim3A_594 : vector<16xf32> to vector<16xf32>
    tpu.vector_store %arg6[%swap3A_595], %swap3A_598 {strides = array<i32>} : memref<640xf32, #tpu.memory_space<vmem>>, vector<16xf32>,
    %broadcast_in_dim3A_599 = arith.constant 0.000000e+00 : f32
    %broadcast_in_dim3A_600 = vector.broadcast %broadcast_in_dim3A_599 : f32 to vector<16xf32>
    %swap3A_601 = arith.constant 576 : index
    %swap3A_602 = tpu.vector_load %arg6[%swap3A_601] {strides = array<i32>} : memref<640xf32, #tpu.memory_space<vmem>>, vector<16xf32>,
    %swap3A_603 = vector.shape_cast %swap3A_602 : vector<16xf32> to vector<16xf32>
    %swap3A_604 = vector.shape_cast %broadcast_in_dim3A_600 : vector<16xf32> to vector<16xf32>
    tpu.vector_store %arg6[%swap3A_601], %swap3A_604 {strides = array<i32>} : memref<640xf32, #tpu.memory_space<vmem>>, vector<16xf32>,
    %broadcast_in_dim3A_605 = arith.constant 0.000000e+00 : f32
    %broadcast_in_dim3A_606 = vector.broadcast %broadcast_in_dim3A_605 : f32 to vector<16xf32>
    %swap3A_607 = arith.constant 592 : index
    %swap3A_608 = tpu.vector_load %arg6[%swap3A_607] {strides = array<i32>} : memref<640xf32, #tpu.memory_space<vmem>>, vector<16xf32>,
    %swap3A_609 = vector.shape_cast %swap3A_608 : vector<16xf32> to vector<16xf32>
    %swap3A_610 = vector.shape_cast %broadcast_in_dim3A_606 : vector<16xf32> to vector<16xf32>
    tpu.vector_store %arg6[%swap3A_607], %swap3A_610 {strides = array<i32>} : memref<640xf32, #tpu.memory_space<vmem>>, vector<16xf32>,
    %broadcast_in_dim3A_611 = arith.constant 0.000000e+00 : f32
    %broadcast_in_dim3A_612 = vector.broadcast %broadcast_in_dim3A_611 : f32 to vector<16xf32>
    %swap3A_613 = arith.constant 608 : index
    %swap3A_614 = tpu.vector_load %arg6[%swap3A_613] {strides = array<i32>} : memref<640xf32, #tpu.memory_space<vmem>>, vector<16xf32>,
    %swap3A_615 = vector.shape_cast %swap3A_614 : vector<16xf32> to vector<16xf32>
    %swap3A_616 = vector.shape_cast %broadcast_in_dim3A_612 : vector<16xf32> to vector<16xf32>
    tpu.vector_store %arg6[%swap3A_613], %swap3A_616 {strides = array<i32>} : memref<640xf32, #tpu.memory_space<vmem>>, vector<16xf32>,
    %broadcast_in_dim3A_617 = arith.constant 0.000000e+00 : f32
    %broadcast_in_dim3A_618 = vector.broadcast %broadcast_in_dim3A_617 : f32 to vector<16xf32>
    %swap3A_619 = arith.constant 624 : index
    %swap3A_620 = tpu.vector_load %arg6[%swap3A_619] {strides = array<i32>} : memref<640xf32, #tpu.memory_space<vmem>>, vector<16xf32>,
    %swap3A_621 = vector.shape_cast %swap3A_620 : vector<16xf32> to vector<16xf32>
    %swap3A_622 = vector.shape_cast %broadcast_in_dim3A_618 : vector<16xf32> to vector<16xf32>
    tpu.vector_store %arg6[%swap3A_619], %swap3A_622 {strides = array<i32>} : memref<640xf32, #tpu.memory_space<vmem>>, vector<16xf32>,
    %mul3A_623 = arith.constant 640 : i32
    %mul3A_624 = arith.muli %arg1, %mul3A_623 : i32
    "tpu.region"() ({
      %run_scoped3A = tpu.sem_alloc : memref<!tpu.dma_semaphore, #tpu.memory_space<semaphore_mem>>
      %dma_start3A_769 = tpu.memref_slice %arg7[%mul3A_624] : memref<10240xf32, #tpu.memory_space<vmem_shared>> -> memref<640xf32, #tpu.memory_space<vmem_shared>>
      %dma_start3A_770 = tpu.memref_slice %arg7[%mul3A_624] : memref<10240xf32, #tpu.memory_space<vmem_shared>> -> memref<640xf32, #tpu.memory_space<vmem_shared>>
      tpu.enqueue_dma source(%arg6 : memref<640xf32, #tpu.memory_space<vmem>>) target(%dma_start3A_770 : memref<640xf32, #tpu.memory_space<vmem_shared>>) target_semaphore(%run_scoped3A : memref<!tpu.dma_semaphore, #tpu.memory_space<semaphore_mem>>)
      %dma_wait3A_771 = tpu.memref_slice %arg7[%mul3A_624] : memref<10240xf32, #tpu.memory_space<vmem_shared>> -> memref<640xf32, #tpu.memory_space<vmem_shared>>
      %dma_wait3A_772 = tpu.memref_slice %arg7[%mul3A_624] : memref<10240xf32, #tpu.memory_space<vmem_shared>> -> memref<640xf32, #tpu.memory_space<vmem_shared>>
      tpu.wait_dma2 semaphore(%run_scoped3A : memref<!tpu.dma_semaphore, #tpu.memory_space<semaphore_mem>>) src(%arg6 : memref<640xf32, #tpu.memory_space<vmem>>) dst(%dma_wait3A_772 : memref<640xf32, #tpu.memory_space<vmem_shared>>)
      tpu.yield
    }) : () -> ()
    %barrier3A = arith.constant 0 : index
    tpu.barrier barrier_id(%barrier3A)
    %dma_start3A = arith.constant 0 : i32
    %dma_start3A_625 = arith.constant 0 : i32
    %dma_start3A_626 = tpu.memref_slice %arg5[%dma_start3A_625] : memref<1024xf32, #tpu.memory_space<vmem>> -> memref<128xf32, #tpu.memory_space<vmem>>
    %dma_start3A_627 = arith.constant 0 : i32
    %dma_start3A_628 = tpu.memref_slice %arg4[%dma_start3A, %dma_start3A_627] : memref<80x128xi32, #tpu.memory_space<vmem>> -> memref<1x128xi32, #tpu.memory_space<vmem>>
    %dma_start3A_629 = tpu.memref_squeeze %dma_start3A_628 : memref<1x128xi32, #tpu.memory_space<vmem>> -> memref<128xi32, #tpu.memory_space<vmem>>
    %dma_start3A_630 = arith.constant 0 : i32
    %dma_start3A_631 = tpu.memref_slice %arg7[%dma_start3A_630] : memref<10240xf32, #tpu.memory_space<vmem_shared>> -> memref<10240xf32, #tpu.memory_space<vmem_shared>>
    tpu.enqueue_indirect_dma source(%dma_start3A_626 : memref<128xf32, #tpu.memory_space<vmem>>) target(%dma_start3A_631 : memref<10240xf32, #tpu.memory_space<vmem_shared>>) offsets(%dma_start3A_629 : memref<128xi32, #tpu.memory_space<vmem>>) semaphore(%arg8 : memref<!tpu.dma_semaphore, #tpu.memory_space<semaphore_mem>>) {add = true}
    %dma_start3A_632 = arith.constant 1 : i32
    %dma_start3A_633 = arith.constant 128 : i32
    %dma_start3A_634 = tpu.memref_slice %arg5[%dma_start3A_633] : memref<1024xf32, #tpu.memory_space<vmem>> -> memref<128xf32, #tpu.memory_space<vmem>>
    %dma_start3A_635 = arith.constant 0 : i32
    %dma_start3A_636 = tpu.memref_slice %arg4[%dma_start3A_632, %dma_start3A_635] : memref<80x128xi32, #tpu.memory_space<vmem>> -> memref<1x128xi32, #tpu.memory_space<vmem>>
    %dma_start3A_637 = tpu.memref_squeeze %dma_start3A_636 : memref<1x128xi32, #tpu.memory_space<vmem>> -> memref<128xi32, #tpu.memory_space<vmem>>
    %dma_start3A_638 = arith.constant 0 : i32
    %dma_start3A_639 = tpu.memref_slice %arg7[%dma_start3A_638] : memref<10240xf32, #tpu.memory_space<vmem_shared>> -> memref<10240xf32, #tpu.memory_space<vmem_shared>>
    tpu.enqueue_indirect_dma source(%dma_start3A_634 : memref<128xf32, #tpu.memory_space<vmem>>) target(%dma_start3A_639 : memref<10240xf32, #tpu.memory_space<vmem_shared>>) offsets(%dma_start3A_637 : memref<128xi32, #tpu.memory_space<vmem>>) semaphore(%arg8 : memref<!tpu.dma_semaphore, #tpu.memory_space<semaphore_mem>>) {add = true}
    %dma_start3A_640 = arith.constant 2 : i32
    %dma_start3A_641 = arith.constant 256 : i32
    %dma_start3A_642 = tpu.memref_slice %arg5[%dma_start3A_641] : memref<1024xf32, #tpu.memory_space<vmem>> -> memref<128xf32, #tpu.memory_space<vmem>>
    %dma_start3A_643 = arith.constant 0 : i32
    %dma_start3A_644 = tpu.memref_slice %arg4[%dma_start3A_640, %dma_start3A_643] : memref<80x128xi32, #tpu.memory_space<vmem>> -> memref<1x128xi32, #tpu.memory_space<vmem>>
    %dma_start3A_645 = tpu.memref_squeeze %dma_start3A_644 : memref<1x128xi32, #tpu.memory_space<vmem>> -> memref<128xi32, #tpu.memory_space<vmem>>
    %dma_start3A_646 = arith.constant 0 : i32
    %dma_start3A_647 = tpu.memref_slice %arg7[%dma_start3A_646] : memref<10240xf32, #tpu.memory_space<vmem_shared>> -> memref<10240xf32, #tpu.memory_space<vmem_shared>>
    tpu.enqueue_indirect_dma source(%dma_start3A_642 : memref<128xf32, #tpu.memory_space<vmem>>) target(%dma_start3A_647 : memref<10240xf32, #tpu.memory_space<vmem_shared>>) offsets(%dma_start3A_645 : memref<128xi32, #tpu.memory_space<vmem>>) semaphore(%arg8 : memref<!tpu.dma_semaphore, #tpu.memory_space<semaphore_mem>>) {add = true}
    %dma_start3A_648 = arith.constant 3 : i32
    %dma_start3A_649 = arith.constant 384 : i32
    %dma_start3A_650 = tpu.memref_slice %arg5[%dma_start3A_649] : memref<1024xf32, #tpu.memory_space<vmem>> -> memref<128xf32, #tpu.memory_space<vmem>>
    %dma_start3A_651 = arith.constant 0 : i32
    %dma_start3A_652 = tpu.memref_slice %arg4[%dma_start3A_648, %dma_start3A_651] : memref<80x128xi32, #tpu.memory_space<vmem>> -> memref<1x128xi32, #tpu.memory_space<vmem>>
    %dma_start3A_653 = tpu.memref_squeeze %dma_start3A_652 : memref<1x128xi32, #tpu.memory_space<vmem>> -> memref<128xi32, #tpu.memory_space<vmem>>
    %dma_start3A_654 = arith.constant 0 : i32
    %dma_start3A_655 = tpu.memref_slice %arg7[%dma_start3A_654] : memref<10240xf32, #tpu.memory_space<vmem_shared>> -> memref<10240xf32, #tpu.memory_space<vmem_shared>>
    tpu.enqueue_indirect_dma source(%dma_start3A_650 : memref<128xf32, #tpu.memory_space<vmem>>) target(%dma_start3A_655 : memref<10240xf32, #tpu.memory_space<vmem_shared>>) offsets(%dma_start3A_653 : memref<128xi32, #tpu.memory_space<vmem>>) semaphore(%arg8 : memref<!tpu.dma_semaphore, #tpu.memory_space<semaphore_mem>>) {add = true}
    %dma_start3A_656 = arith.constant 4 : i32
    %dma_start3A_657 = arith.constant 512 : i32
    %dma_start3A_658 = tpu.memref_slice %arg5[%dma_start3A_657] : memref<1024xf32, #tpu.memory_space<vmem>> -> memref<128xf32, #tpu.memory_space<vmem>>
    %dma_start3A_659 = arith.constant 0 : i32
    %dma_start3A_660 = tpu.memref_slice %arg4[%dma_start3A_656, %dma_start3A_659] : memref<80x128xi32, #tpu.memory_space<vmem>> -> memref<1x128xi32, #tpu.memory_space<vmem>>
    %dma_start3A_661 = tpu.memref_squeeze %dma_start3A_660 : memref<1x128xi32, #tpu.memory_space<vmem>> -> memref<128xi32, #tpu.memory_space<vmem>>
    %dma_start3A_662 = arith.constant 0 : i32
    %dma_start3A_663 = tpu.memref_slice %arg7[%dma_start3A_662] : memref<10240xf32, #tpu.memory_space<vmem_shared>> -> memref<10240xf32, #tpu.memory_space<vmem_shared>>
    tpu.enqueue_indirect_dma source(%dma_start3A_658 : memref<128xf32, #tpu.memory_space<vmem>>) target(%dma_start3A_663 : memref<10240xf32, #tpu.memory_space<vmem_shared>>) offsets(%dma_start3A_661 : memref<128xi32, #tpu.memory_space<vmem>>) semaphore(%arg8 : memref<!tpu.dma_semaphore, #tpu.memory_space<semaphore_mem>>) {add = true}
    %dma_start3A_664 = arith.constant 5 : i32
    %dma_start3A_665 = arith.constant 640 : i32
    %dma_start3A_666 = tpu.memref_slice %arg5[%dma_start3A_665] : memref<1024xf32, #tpu.memory_space<vmem>> -> memref<128xf32, #tpu.memory_space<vmem>>
    %dma_start3A_667 = arith.constant 0 : i32
    %dma_start3A_668 = tpu.memref_slice %arg4[%dma_start3A_664, %dma_start3A_667] : memref<80x128xi32, #tpu.memory_space<vmem>> -> memref<1x128xi32, #tpu.memory_space<vmem>>
    %dma_start3A_669 = tpu.memref_squeeze %dma_start3A_668 : memref<1x128xi32, #tpu.memory_space<vmem>> -> memref<128xi32, #tpu.memory_space<vmem>>
    %dma_start3A_670 = arith.constant 0 : i32
    %dma_start3A_671 = tpu.memref_slice %arg7[%dma_start3A_670] : memref<10240xf32, #tpu.memory_space<vmem_shared>> -> memref<10240xf32, #tpu.memory_space<vmem_shared>>
    tpu.enqueue_indirect_dma source(%dma_start3A_666 : memref<128xf32, #tpu.memory_space<vmem>>) target(%dma_start3A_671 : memref<10240xf32, #tpu.memory_space<vmem_shared>>) offsets(%dma_start3A_669 : memref<128xi32, #tpu.memory_space<vmem>>) semaphore(%arg8 : memref<!tpu.dma_semaphore, #tpu.memory_space<semaphore_mem>>) {add = true}
    %dma_start3A_672 = arith.constant 6 : i32
    %dma_start3A_673 = arith.constant 768 : i32
    %dma_start3A_674 = tpu.memref_slice %arg5[%dma_start3A_673] : memref<1024xf32, #tpu.memory_space<vmem>> -> memref<128xf32, #tpu.memory_space<vmem>>
    %dma_start3A_675 = arith.constant 0 : i32
    %dma_start3A_676 = tpu.memref_slice %arg4[%dma_start3A_672, %dma_start3A_675] : memref<80x128xi32, #tpu.memory_space<vmem>> -> memref<1x128xi32, #tpu.memory_space<vmem>>
    %dma_start3A_677 = tpu.memref_squeeze %dma_start3A_676 : memref<1x128xi32, #tpu.memory_space<vmem>> -> memref<128xi32, #tpu.memory_space<vmem>>
    %dma_start3A_678 = arith.constant 0 : i32
    %dma_start3A_679 = tpu.memref_slice %arg7[%dma_start3A_678] : memref<10240xf32, #tpu.memory_space<vmem_shared>> -> memref<10240xf32, #tpu.memory_space<vmem_shared>>
    tpu.enqueue_indirect_dma source(%dma_start3A_674 : memref<128xf32, #tpu.memory_space<vmem>>) target(%dma_start3A_679 : memref<10240xf32, #tpu.memory_space<vmem_shared>>) offsets(%dma_start3A_677 : memref<128xi32, #tpu.memory_space<vmem>>) semaphore(%arg8 : memref<!tpu.dma_semaphore, #tpu.memory_space<semaphore_mem>>) {add = true}
    %dma_start3A_680 = arith.constant 7 : i32
    %dma_start3A_681 = arith.constant 896 : i32
    %dma_start3A_682 = tpu.memref_slice %arg5[%dma_start3A_681] : memref<1024xf32, #tpu.memory_space<vmem>> -> memref<128xf32, #tpu.memory_space<vmem>>
    %dma_start3A_683 = arith.constant 0 : i32
    %dma_start3A_684 = tpu.memref_slice %arg4[%dma_start3A_680, %dma_start3A_683] : memref<80x128xi32, #tpu.memory_space<vmem>> -> memref<1x128xi32, #tpu.memory_space<vmem>>
    %dma_start3A_685 = tpu.memref_squeeze %dma_start3A_684 : memref<1x128xi32, #tpu.memory_space<vmem>> -> memref<128xi32, #tpu.memory_space<vmem>>
    %dma_start3A_686 = arith.constant 0 : i32
    %dma_start3A_687 = tpu.memref_slice %arg7[%dma_start3A_686] : memref<10240xf32, #tpu.memory_space<vmem_shared>> -> memref<10240xf32, #tpu.memory_space<vmem_shared>>
    tpu.enqueue_indirect_dma source(%dma_start3A_682 : memref<128xf32, #tpu.memory_space<vmem>>) target(%dma_start3A_687 : memref<10240xf32, #tpu.memory_space<vmem_shared>>) offsets(%dma_start3A_685 : memref<128xi32, #tpu.memory_space<vmem>>) semaphore(%arg8 : memref<!tpu.dma_semaphore, #tpu.memory_space<semaphore_mem>>) {add = true}
    %dma_start3A_688 = arith.constant 8 : i32
    %dma_start3A_689 = arith.constant 0 : i32
    %dma_start3A_690 = tpu.memref_slice %arg5[%dma_start3A_689] : memref<1024xf32, #tpu.memory_space<vmem>> -> memref<128xf32, #tpu.memory_space<vmem>>
    %dma_start3A_691 = arith.constant 0 : i32
    %dma_start3A_692 = tpu.memref_slice %arg4[%dma_start3A_688, %dma_start3A_691] : memref<80x128xi32, #tpu.memory_space<vmem>> -> memref<1x128xi32, #tpu.memory_space<vmem>>
    %dma_start3A_693 = tpu.memref_squeeze %dma_start3A_692 : memref<1x128xi32, #tpu.memory_space<vmem>> -> memref<128xi32, #tpu.memory_space<vmem>>
    %dma_start3A_694 = arith.constant 0 : i32
    %dma_start3A_695 = tpu.memref_slice %arg7[%dma_start3A_694] : memref<10240xf32, #tpu.memory_space<vmem_shared>> -> memref<10240xf32, #tpu.memory_space<vmem_shared>>
    tpu.enqueue_indirect_dma source(%dma_start3A_690 : memref<128xf32, #tpu.memory_space<vmem>>) target(%dma_start3A_695 : memref<10240xf32, #tpu.memory_space<vmem_shared>>) offsets(%dma_start3A_693 : memref<128xi32, #tpu.memory_space<vmem>>) semaphore(%arg9 : memref<!tpu.dma_semaphore, #tpu.memory_space<semaphore_mem>>) {add = true}
    %dma_start3A_696 = arith.constant 9 : i32
    %dma_start3A_697 = arith.constant 128 : i32
    %dma_start3A_698 = tpu.memref_slice %arg5[%dma_start3A_697] : memref<1024xf32, #tpu.memory_space<vmem>> -> memref<128xf32, #tpu.memory_space<vmem>>
    %dma_start3A_699 = arith.constant 0 : i32
    %dma_start3A_700 = tpu.memref_slice %arg4[%dma_start3A_696, %dma_start3A_699] : memref<80x128xi32, #tpu.memory_space<vmem>> -> memref<1x128xi32, #tpu.memory_space<vmem>>
    %dma_start3A_701 = tpu.memref_squeeze %dma_start3A_700 : memref<1x128xi32, #tpu.memory_space<vmem>> -> memref<128xi32, #tpu.memory_space<vmem>>
    %dma_start3A_702 = arith.constant 0 : i32
    %dma_start3A_703 = tpu.memref_slice %arg7[%dma_start3A_702] : memref<10240xf32, #tpu.memory_space<vmem_shared>> -> memref<10240xf32, #tpu.memory_space<vmem_shared>>
    tpu.enqueue_indirect_dma source(%dma_start3A_698 : memref<128xf32, #tpu.memory_space<vmem>>) target(%dma_start3A_703 : memref<10240xf32, #tpu.memory_space<vmem_shared>>) offsets(%dma_start3A_701 : memref<128xi32, #tpu.memory_space<vmem>>) semaphore(%arg9 : memref<!tpu.dma_semaphore, #tpu.memory_space<semaphore_mem>>) {add = true}
    %dma_start3A_704 = arith.constant 10 : i32
    %dma_start3A_705 = arith.constant 256 : i32
    %dma_start3A_706 = tpu.memref_slice %arg5[%dma_start3A_705] : memref<1024xf32, #tpu.memory_space<vmem>> -> memref<128xf32, #tpu.memory_space<vmem>>
    %dma_start3A_707 = arith.constant 0 : i32
    %dma_start3A_708 = tpu.memref_slice %arg4[%dma_start3A_704, %dma_start3A_707] : memref<80x128xi32, #tpu.memory_space<vmem>> -> memref<1x128xi32, #tpu.memory_space<vmem>>
    %dma_start3A_709 = tpu.memref_squeeze %dma_start3A_708 : memref<1x128xi32, #tpu.memory_space<vmem>> -> memref<128xi32, #tpu.memory_space<vmem>>
    %dma_start3A_710 = arith.constant 0 : i32
    %dma_start3A_711 = tpu.memref_slice %arg7[%dma_start3A_710] : memref<10240xf32, #tpu.memory_space<vmem_shared>> -> memref<10240xf32, #tpu.memory_space<vmem_shared>>
    tpu.enqueue_indirect_dma source(%dma_start3A_706 : memref<128xf32, #tpu.memory_space<vmem>>) target(%dma_start3A_711 : memref<10240xf32, #tpu.memory_space<vmem_shared>>) offsets(%dma_start3A_709 : memref<128xi32, #tpu.memory_space<vmem>>) semaphore(%arg9 : memref<!tpu.dma_semaphore, #tpu.memory_space<semaphore_mem>>) {add = true}
    %dma_start3A_712 = arith.constant 11 : i32
    %dma_start3A_713 = arith.constant 384 : i32
    %dma_start3A_714 = tpu.memref_slice %arg5[%dma_start3A_713] : memref<1024xf32, #tpu.memory_space<vmem>> -> memref<128xf32, #tpu.memory_space<vmem>>
    %dma_start3A_715 = arith.constant 0 : i32
    %dma_start3A_716 = tpu.memref_slice %arg4[%dma_start3A_712, %dma_start3A_715] : memref<80x128xi32, #tpu.memory_space<vmem>> -> memref<1x128xi32, #tpu.memory_space<vmem>>
    %dma_start3A_717 = tpu.memref_squeeze %dma_start3A_716 : memref<1x128xi32, #tpu.memory_space<vmem>> -> memref<128xi32, #tpu.memory_space<vmem>>
    %dma_start3A_718 = arith.constant 0 : i32
    %dma_start3A_719 = tpu.memref_slice %arg7[%dma_start3A_718] : memref<10240xf32, #tpu.memory_space<vmem_shared>> -> memref<10240xf32, #tpu.memory_space<vmem_shared>>
    tpu.enqueue_indirect_dma source(%dma_start3A_714 : memref<128xf32, #tpu.memory_space<vmem>>) target(%dma_start3A_719 : memref<10240xf32, #tpu.memory_space<vmem_shared>>) offsets(%dma_start3A_717 : memref<128xi32, #tpu.memory_space<vmem>>) semaphore(%arg9 : memref<!tpu.dma_semaphore, #tpu.memory_space<semaphore_mem>>) {add = true}
    %dma_start3A_720 = arith.constant 12 : i32
    %dma_start3A_721 = arith.constant 512 : i32
    %dma_start3A_722 = tpu.memref_slice %arg5[%dma_start3A_721] : memref<1024xf32, #tpu.memory_space<vmem>> -> memref<128xf32, #tpu.memory_space<vmem>>
    %dma_start3A_723 = arith.constant 0 : i32
    %dma_start3A_724 = tpu.memref_slice %arg4[%dma_start3A_720, %dma_start3A_723] : memref<80x128xi32, #tpu.memory_space<vmem>> -> memref<1x128xi32, #tpu.memory_space<vmem>>
    %dma_start3A_725 = tpu.memref_squeeze %dma_start3A_724 : memref<1x128xi32, #tpu.memory_space<vmem>> -> memref<128xi32, #tpu.memory_space<vmem>>
    %dma_start3A_726 = arith.constant 0 : i32
    %dma_start3A_727 = tpu.memref_slice %arg7[%dma_start3A_726] : memref<10240xf32, #tpu.memory_space<vmem_shared>> -> memref<10240xf32, #tpu.memory_space<vmem_shared>>
    tpu.enqueue_indirect_dma source(%dma_start3A_722 : memref<128xf32, #tpu.memory_space<vmem>>) target(%dma_start3A_727 : memref<10240xf32, #tpu.memory_space<vmem_shared>>) offsets(%dma_start3A_725 : memref<128xi32, #tpu.memory_space<vmem>>) semaphore(%arg9 : memref<!tpu.dma_semaphore, #tpu.memory_space<semaphore_mem>>) {add = true}
    %dma_start3A_728 = arith.constant 13 : i32
    %dma_start3A_729 = arith.constant 640 : i32
    %dma_start3A_730 = tpu.memref_slice %arg5[%dma_start3A_729] : memref<1024xf32, #tpu.memory_space<vmem>> -> memref<128xf32, #tpu.memory_space<vmem>>
    %dma_start3A_731 = arith.constant 0 : i32
    %dma_start3A_732 = tpu.memref_slice %arg4[%dma_start3A_728, %dma_start3A_731] : memref<80x128xi32, #tpu.memory_space<vmem>> -> memref<1x128xi32, #tpu.memory_space<vmem>>
    %dma_start3A_733 = tpu.memref_squeeze %dma_start3A_732 : memref<1x128xi32, #tpu.memory_space<vmem>> -> memref<128xi32, #tpu.memory_space<vmem>>
    %dma_start3A_734 = arith.constant 0 : i32
    %dma_start3A_735 = tpu.memref_slice %arg7[%dma_start3A_734] : memref<10240xf32, #tpu.memory_space<vmem_shared>> -> memref<10240xf32, #tpu.memory_space<vmem_shared>>
    tpu.enqueue_indirect_dma source(%dma_start3A_730 : memref<128xf32, #tpu.memory_space<vmem>>) target(%dma_start3A_735 : memref<10240xf32, #tpu.memory_space<vmem_shared>>) offsets(%dma_start3A_733 : memref<128xi32, #tpu.memory_space<vmem>>) semaphore(%arg9 : memref<!tpu.dma_semaphore, #tpu.memory_space<semaphore_mem>>) {add = true}
    %dma_start3A_736 = arith.constant 14 : i32
    %dma_start3A_737 = arith.constant 768 : i32
    %dma_start3A_738 = tpu.memref_slice %arg5[%dma_start3A_737] : memref<1024xf32, #tpu.memory_space<vmem>> -> memref<128xf32, #tpu.memory_space<vmem>>
    %dma_start3A_739 = arith.constant 0 : i32
    %dma_start3A_740 = tpu.memref_slice %arg4[%dma_start3A_736, %dma_start3A_739] : memref<80x128xi32, #tpu.memory_space<vmem>> -> memref<1x128xi32, #tpu.memory_space<vmem>>
    %dma_start3A_741 = tpu.memref_squeeze %dma_start3A_740 : memref<1x128xi32, #tpu.memory_space<vmem>> -> memref<128xi32, #tpu.memory_space<vmem>>
    %dma_start3A_742 = arith.constant 0 : i32
    %dma_start3A_743 = tpu.memref_slice %arg7[%dma_start3A_742] : memref<10240xf32, #tpu.memory_space<vmem_shared>> -> memref<10240xf32, #tpu.memory_space<vmem_shared>>
    tpu.enqueue_indirect_dma source(%dma_start3A_738 : memref<128xf32, #tpu.memory_space<vmem>>) target(%dma_start3A_743 : memref<10240xf32, #tpu.memory_space<vmem_shared>>) offsets(%dma_start3A_741 : memref<128xi32, #tpu.memory_space<vmem>>) semaphore(%arg9 : memref<!tpu.dma_semaphore, #tpu.memory_space<semaphore_mem>>) {add = true}
    %dma_start3A_744 = arith.constant 15 : i32
    %dma_start3A_745 = arith.constant 896 : i32
    %dma_start3A_746 = tpu.memref_slice %arg5[%dma_start3A_745] : memref<1024xf32, #tpu.memory_space<vmem>> -> memref<128xf32, #tpu.memory_space<vmem>>
    %dma_start3A_747 = arith.constant 0 : i32
    %dma_start3A_748 = tpu.memref_slice %arg4[%dma_start3A_744, %dma_start3A_747] : memref<80x128xi32, #tpu.memory_space<vmem>> -> memref<1x128xi32, #tpu.memory_space<vmem>>
    %dma_start3A_749 = tpu.memref_squeeze %dma_start3A_748 : memref<1x128xi32, #tpu.memory_space<vmem>> -> memref<128xi32, #tpu.memory_space<vmem>>
    %dma_start3A_750 = arith.constant 0 : i32
    %dma_start3A_751 = tpu.memref_slice %arg7[%dma_start3A_750] : memref<10240xf32, #tpu.memory_space<vmem_shared>> -> memref<10240xf32, #tpu.memory_space<vmem_shared>>
    tpu.enqueue_indirect_dma source(%dma_start3A_746 : memref<128xf32, #tpu.memory_space<vmem>>) target(%dma_start3A_751 : memref<10240xf32, #tpu.memory_space<vmem_shared>>) offsets(%dma_start3A_749 : memref<128xi32, #tpu.memory_space<vmem>>) semaphore(%arg9 : memref<!tpu.dma_semaphore, #tpu.memory_space<semaphore_mem>>) {add = true}
    %scan3A = arith.constant 0 : i32
    %scan3A_752 = arith.constant 1 : i32
    %scan3A_753 = arith.constant 4 : i32
    %scan3A_754 = arith.addi %scan3A_752, %scan3A_753 : i32
    %scan3A_755 = arith.constant 1 : i32
    scf.for %scan3A_769 = %scan3A_752 to %scan3A_754 step %scan3A_755  : i32 {
      %dma_wait3A_770 = arith.constant 0 : i32
      %dma_wait3A_771 = tpu.memref_slice %arg7[%dma_wait3A_770] : memref<10240xf32, #tpu.memory_space<vmem_shared>> -> memref<1024xf32, #tpu.memory_space<vmem_shared>>
      %dma_wait3A_772 = arith.constant 0 : i32
      %dma_wait3A_773 = tpu.memref_slice %arg7[%dma_wait3A_772] : memref<10240xf32, #tpu.memory_space<vmem_shared>> -> memref<1024xf32, #tpu.memory_space<vmem_shared>>
      tpu.wait_dma2 semaphore(%arg8 : memref<!tpu.dma_semaphore, #tpu.memory_space<semaphore_mem>>) src(%arg5 : memref<1024xf32, #tpu.memory_space<vmem>>) dst(%dma_wait3A_773 : memref<1024xf32, #tpu.memory_space<vmem_shared>>)
      %mul3A_774 = arith.constant 2 : i32
      %mul3A_775 = arith.muli %mul3A_774, %scan3A_769 : i32
      %mul3A_776 = arith.constant 8 : i32
      %mul3A_777 = arith.muli %mul3A_775, %mul3A_776 : i32
      %add3A_778 = arith.constant 0 : i32
      %add3A_779 = arith.addi %mul3A_777, %add3A_778 : i32
      %dma_start3A_780 = arith.constant 0 : i32
      %dma_start3A_781 = tpu.memref_slice %arg5[%dma_start3A_780] : memref<1024xf32, #tpu.memory_space<vmem>> -> memref<128xf32, #tpu.memory_space<vmem>>
      %dma_start3A_782 = arith.constant 0 : i32
      %dma_start3A_783 = tpu.memref_slice %arg4[%add3A_779, %dma_start3A_782] : memref<80x128xi32, #tpu.memory_space<vmem>> -> memref<1x128xi32, #tpu.memory_space<vmem>>
      %dma_start3A_784 = tpu.memref_squeeze %dma_start3A_783 : memref<1x128xi32, #tpu.memory_space<vmem>> -> memref<128xi32, #tpu.memory_space<vmem>>
      %dma_start3A_785 = arith.constant 0 : i32
      %dma_start3A_786 = tpu.memref_slice %arg7[%dma_start3A_785] : memref<10240xf32, #tpu.memory_space<vmem_shared>> -> memref<10240xf32, #tpu.memory_space<vmem_shared>>
      tpu.enqueue_indirect_dma source(%dma_start3A_781 : memref<128xf32, #tpu.memory_space<vmem>>) target(%dma_start3A_786 : memref<10240xf32, #tpu.memory_space<vmem_shared>>) offsets(%dma_start3A_784 : memref<128xi32, #tpu.memory_space<vmem>>) semaphore(%arg8 : memref<!tpu.dma_semaphore, #tpu.memory_space<semaphore_mem>>) {add = true}
      %mul3A_787 = arith.constant 8 : i32
      %mul3A_788 = arith.muli %mul3A_775, %mul3A_787 : i32
      %add3A_789 = arith.constant 1 : i32
      %add3A_790 = arith.addi %mul3A_788, %add3A_789 : i32
      %dma_start3A_791 = arith.constant 128 : i32
      %dma_start3A_792 = tpu.memref_slice %arg5[%dma_start3A_791] : memref<1024xf32, #tpu.memory_space<vmem>> -> memref<128xf32, #tpu.memory_space<vmem>>
      %dma_start3A_793 = arith.constant 0 : i32
      %dma_start3A_794 = tpu.memref_slice %arg4[%add3A_790, %dma_start3A_793] : memref<80x128xi32, #tpu.memory_space<vmem>> -> memref<1x128xi32, #tpu.memory_space<vmem>>
      %dma_start3A_795 = tpu.memref_squeeze %dma_start3A_794 : memref<1x128xi32, #tpu.memory_space<vmem>> -> memref<128xi32, #tpu.memory_space<vmem>>
      %dma_start3A_796 = arith.constant 0 : i32
      %dma_start3A_797 = tpu.memref_slice %arg7[%dma_start3A_796] : memref<10240xf32, #tpu.memory_space<vmem_shared>> -> memref<10240xf32, #tpu.memory_space<vmem_shared>>
      tpu.enqueue_indirect_dma source(%dma_start3A_792 : memref<128xf32, #tpu.memory_space<vmem>>) target(%dma_start3A_797 : memref<10240xf32, #tpu.memory_space<vmem_shared>>) offsets(%dma_start3A_795 : memref<128xi32, #tpu.memory_space<vmem>>) semaphore(%arg8 : memref<!tpu.dma_semaphore, #tpu.memory_space<semaphore_mem>>) {add = true}
      %mul3A_798 = arith.constant 8 : i32
      %mul3A_799 = arith.muli %mul3A_775, %mul3A_798 : i32
      %add3A_800 = arith.constant 2 : i32
      %add3A_801 = arith.addi %mul3A_799, %add3A_800 : i32
      %dma_start3A_802 = arith.constant 256 : i32
      %dma_start3A_803 = tpu.memref_slice %arg5[%dma_start3A_802] : memref<1024xf32, #tpu.memory_space<vmem>> -> memref<128xf32, #tpu.memory_space<vmem>>
      %dma_start3A_804 = arith.constant 0 : i32
      %dma_start3A_805 = tpu.memref_slice %arg4[%add3A_801, %dma_start3A_804] : memref<80x128xi32, #tpu.memory_space<vmem>> -> memref<1x128xi32, #tpu.memory_space<vmem>>
      %dma_start3A_806 = tpu.memref_squeeze %dma_start3A_805 : memref<1x128xi32, #tpu.memory_space<vmem>> -> memref<128xi32, #tpu.memory_space<vmem>>
      %dma_start3A_807 = arith.constant 0 : i32
      %dma_start3A_808 = tpu.memref_slice %arg7[%dma_start3A_807] : memref<10240xf32, #tpu.memory_space<vmem_shared>> -> memref<10240xf32, #tpu.memory_space<vmem_shared>>
      tpu.enqueue_indirect_dma source(%dma_start3A_803 : memref<128xf32, #tpu.memory_space<vmem>>) target(%dma_start3A_808 : memref<10240xf32, #tpu.memory_space<vmem_shared>>) offsets(%dma_start3A_806 : memref<128xi32, #tpu.memory_space<vmem>>) semaphore(%arg8 : memref<!tpu.dma_semaphore, #tpu.memory_space<semaphore_mem>>) {add = true}
      %mul3A_809 = arith.constant 8 : i32
      %mul3A_810 = arith.muli %mul3A_775, %mul3A_809 : i32
      %add3A_811 = arith.constant 3 : i32
      %add3A_812 = arith.addi %mul3A_810, %add3A_811 : i32
      %dma_start3A_813 = arith.constant 384 : i32
      %dma_start3A_814 = tpu.memref_slice %arg5[%dma_start3A_813] : memref<1024xf32, #tpu.memory_space<vmem>> -> memref<128xf32, #tpu.memory_space<vmem>>
      %dma_start3A_815 = arith.constant 0 : i32
      %dma_start3A_816 = tpu.memref_slice %arg4[%add3A_812, %dma_start3A_815] : memref<80x128xi32, #tpu.memory_space<vmem>> -> memref<1x128xi32, #tpu.memory_space<vmem>>
      %dma_start3A_817 = tpu.memref_squeeze %dma_start3A_816 : memref<1x128xi32, #tpu.memory_space<vmem>> -> memref<128xi32, #tpu.memory_space<vmem>>
      %dma_start3A_818 = arith.constant 0 : i32
      %dma_start3A_819 = tpu.memref_slice %arg7[%dma_start3A_818] : memref<10240xf32, #tpu.memory_space<vmem_shared>> -> memref<10240xf32, #tpu.memory_space<vmem_shared>>
      tpu.enqueue_indirect_dma source(%dma_start3A_814 : memref<128xf32, #tpu.memory_space<vmem>>) target(%dma_start3A_819 : memref<10240xf32, #tpu.memory_space<vmem_shared>>) offsets(%dma_start3A_817 : memref<128xi32, #tpu.memory_space<vmem>>) semaphore(%arg8 : memref<!tpu.dma_semaphore, #tpu.memory_space<semaphore_mem>>) {add = true}
      %mul3A_820 = arith.constant 8 : i32
      %mul3A_821 = arith.muli %mul3A_775, %mul3A_820 : i32
      %add3A_822 = arith.constant 4 : i32
      %add3A_823 = arith.addi %mul3A_821, %add3A_822 : i32
      %dma_start3A_824 = arith.constant 512 : i32
      %dma_start3A_825 = tpu.memref_slice %arg5[%dma_start3A_824] : memref<1024xf32, #tpu.memory_space<vmem>> -> memref<128xf32, #tpu.memory_space<vmem>>
      %dma_start3A_826 = arith.constant 0 : i32
      %dma_start3A_827 = tpu.memref_slice %arg4[%add3A_823, %dma_start3A_826] : memref<80x128xi32, #tpu.memory_space<vmem>> -> memref<1x128xi32, #tpu.memory_space<vmem>>
      %dma_start3A_828 = tpu.memref_squeeze %dma_start3A_827 : memref<1x128xi32, #tpu.memory_space<vmem>> -> memref<128xi32, #tpu.memory_space<vmem>>
      %dma_start3A_829 = arith.constant 0 : i32
      %dma_start3A_830 = tpu.memref_slice %arg7[%dma_start3A_829] : memref<10240xf32, #tpu.memory_space<vmem_shared>> -> memref<10240xf32, #tpu.memory_space<vmem_shared>>
      tpu.enqueue_indirect_dma source(%dma_start3A_825 : memref<128xf32, #tpu.memory_space<vmem>>) target(%dma_start3A_830 : memref<10240xf32, #tpu.memory_space<vmem_shared>>) offsets(%dma_start3A_828 : memref<128xi32, #tpu.memory_space<vmem>>) semaphore(%arg8 : memref<!tpu.dma_semaphore, #tpu.memory_space<semaphore_mem>>) {add = true}
      %mul3A_831 = arith.constant 8 : i32
      %mul3A_832 = arith.muli %mul3A_775, %mul3A_831 : i32
      %add3A_833 = arith.constant 5 : i32
      %add3A_834 = arith.addi %mul3A_832, %add3A_833 : i32
      %dma_start3A_835 = arith.constant 640 : i32
      %dma_start3A_836 = tpu.memref_slice %arg5[%dma_start3A_835] : memref<1024xf32, #tpu.memory_space<vmem>> -> memref<128xf32, #tpu.memory_space<vmem>>
      %dma_start3A_837 = arith.constant 0 : i32
      %dma_start3A_838 = tpu.memref_slice %arg4[%add3A_834, %dma_start3A_837] : memref<80x128xi32, #tpu.memory_space<vmem>> -> memref<1x128xi32, #tpu.memory_space<vmem>>
      %dma_start3A_839 = tpu.memref_squeeze %dma_start3A_838 : memref<1x128xi32, #tpu.memory_space<vmem>> -> memref<128xi32, #tpu.memory_space<vmem>>
      %dma_start3A_840 = arith.constant 0 : i32
      %dma_start3A_841 = tpu.memref_slice %arg7[%dma_start3A_840] : memref<10240xf32, #tpu.memory_space<vmem_shared>> -> memref<10240xf32, #tpu.memory_space<vmem_shared>>
      tpu.enqueue_indirect_dma source(%dma_start3A_836 : memref<128xf32, #tpu.memory_space<vmem>>) target(%dma_start3A_841 : memref<10240xf32, #tpu.memory_space<vmem_shared>>) offsets(%dma_start3A_839 : memref<128xi32, #tpu.memory_space<vmem>>) semaphore(%arg8 : memref<!tpu.dma_semaphore, #tpu.memory_space<semaphore_mem>>) {add = true}
      %mul3A_842 = arith.constant 8 : i32
      %mul3A_843 = arith.muli %mul3A_775, %mul3A_842 : i32
      %add3A_844 = arith.constant 6 : i32
      %add3A_845 = arith.addi %mul3A_843, %add3A_844 : i32
      %dma_start3A_846 = arith.constant 768 : i32
      %dma_start3A_847 = tpu.memref_slice %arg5[%dma_start3A_846] : memref<1024xf32, #tpu.memory_space<vmem>> -> memref<128xf32, #tpu.memory_space<vmem>>
      %dma_start3A_848 = arith.constant 0 : i32
      %dma_start3A_849 = tpu.memref_slice %arg4[%add3A_845, %dma_start3A_848] : memref<80x128xi32, #tpu.memory_space<vmem>> -> memref<1x128xi32, #tpu.memory_space<vmem>>
      %dma_start3A_850 = tpu.memref_squeeze %dma_start3A_849 : memref<1x128xi32, #tpu.memory_space<vmem>> -> memref<128xi32, #tpu.memory_space<vmem>>
      %dma_start3A_851 = arith.constant 0 : i32
      %dma_start3A_852 = tpu.memref_slice %arg7[%dma_start3A_851] : memref<10240xf32, #tpu.memory_space<vmem_shared>> -> memref<10240xf32, #tpu.memory_space<vmem_shared>>
      tpu.enqueue_indirect_dma source(%dma_start3A_847 : memref<128xf32, #tpu.memory_space<vmem>>) target(%dma_start3A_852 : memref<10240xf32, #tpu.memory_space<vmem_shared>>) offsets(%dma_start3A_850 : memref<128xi32, #tpu.memory_space<vmem>>) semaphore(%arg8 : memref<!tpu.dma_semaphore, #tpu.memory_space<semaphore_mem>>) {add = true}
      %mul3A_853 = arith.constant 8 : i32
      %mul3A_854 = arith.muli %mul3A_775, %mul3A_853 : i32
      %add3A_855 = arith.constant 7 : i32
      %add3A_856 = arith.addi %mul3A_854, %add3A_855 : i32
      %dma_start3A_857 = arith.constant 896 : i32
      %dma_start3A_858 = tpu.memref_slice %arg5[%dma_start3A_857] : memref<1024xf32, #tpu.memory_space<vmem>> -> memref<128xf32, #tpu.memory_space<vmem>>
      %dma_start3A_859 = arith.constant 0 : i32
      %dma_start3A_860 = tpu.memref_slice %arg4[%add3A_856, %dma_start3A_859] : memref<80x128xi32, #tpu.memory_space<vmem>> -> memref<1x128xi32, #tpu.memory_space<vmem>>
      %dma_start3A_861 = tpu.memref_squeeze %dma_start3A_860 : memref<1x128xi32, #tpu.memory_space<vmem>> -> memref<128xi32, #tpu.memory_space<vmem>>
      %dma_start3A_862 = arith.constant 0 : i32
      %dma_start3A_863 = tpu.memref_slice %arg7[%dma_start3A_862] : memref<10240xf32, #tpu.memory_space<vmem_shared>> -> memref<10240xf32, #tpu.memory_space<vmem_shared>>
      tpu.enqueue_indirect_dma source(%dma_start3A_858 : memref<128xf32, #tpu.memory_space<vmem>>) target(%dma_start3A_863 : memref<10240xf32, #tpu.memory_space<vmem_shared>>) offsets(%dma_start3A_861 : memref<128xi32, #tpu.memory_space<vmem>>) semaphore(%arg8 : memref<!tpu.dma_semaphore, #tpu.memory_space<semaphore_mem>>) {add = true}
      %dma_wait3A_864 = arith.constant 0 : i32
      %dma_wait3A_865 = tpu.memref_slice %arg7[%dma_wait3A_864] : memref<10240xf32, #tpu.memory_space<vmem_shared>> -> memref<1024xf32, #tpu.memory_space<vmem_shared>>
      %dma_wait3A_866 = arith.constant 0 : i32
      %dma_wait3A_867 = tpu.memref_slice %arg7[%dma_wait3A_866] : memref<10240xf32, #tpu.memory_space<vmem_shared>> -> memref<1024xf32, #tpu.memory_space<vmem_shared>>
      tpu.wait_dma2 semaphore(%arg9 : memref<!tpu.dma_semaphore, #tpu.memory_space<semaphore_mem>>) src(%arg5 : memref<1024xf32, #tpu.memory_space<vmem>>) dst(%dma_wait3A_867 : memref<1024xf32, #tpu.memory_space<vmem_shared>>)
      %mul3A_868 = arith.constant 2 : i32
      %mul3A_869 = arith.muli %mul3A_868, %scan3A_769 : i32
      %add3A_870 = arith.constant 1 : i32
      %add3A_871 = arith.addi %mul3A_869, %add3A_870 : i32
      %mul3A_872 = arith.constant 8 : i32
      %mul3A_873 = arith.muli %add3A_871, %mul3A_872 : i32
      %add3A_874 = arith.constant 0 : i32
      %add3A_875 = arith.addi %mul3A_873, %add3A_874 : i32
      %dma_start3A_876 = arith.constant 0 : i32
      %dma_start3A_877 = tpu.memref_slice %arg5[%dma_start3A_876] : memref<1024xf32, #tpu.memory_space<vmem>> -> memref<128xf32, #tpu.memory_space<vmem>>
      %dma_start3A_878 = arith.constant 0 : i32
      %dma_start3A_879 = tpu.memref_slice %arg4[%add3A_875, %dma_start3A_878] : memref<80x128xi32, #tpu.memory_space<vmem>> -> memref<1x128xi32, #tpu.memory_space<vmem>>
      %dma_start3A_880 = tpu.memref_squeeze %dma_start3A_879 : memref<1x128xi32, #tpu.memory_space<vmem>> -> memref<128xi32, #tpu.memory_space<vmem>>
      %dma_start3A_881 = arith.constant 0 : i32
      %dma_start3A_882 = tpu.memref_slice %arg7[%dma_start3A_881] : memref<10240xf32, #tpu.memory_space<vmem_shared>> -> memref<10240xf32, #tpu.memory_space<vmem_shared>>
      tpu.enqueue_indirect_dma source(%dma_start3A_877 : memref<128xf32, #tpu.memory_space<vmem>>) target(%dma_start3A_882 : memref<10240xf32, #tpu.memory_space<vmem_shared>>) offsets(%dma_start3A_880 : memref<128xi32, #tpu.memory_space<vmem>>) semaphore(%arg9 : memref<!tpu.dma_semaphore, #tpu.memory_space<semaphore_mem>>) {add = true}
      %mul3A_883 = arith.constant 8 : i32
      %mul3A_884 = arith.muli %add3A_871, %mul3A_883 : i32
      %add3A_885 = arith.constant 1 : i32
      %add3A_886 = arith.addi %mul3A_884, %add3A_885 : i32
      %dma_start3A_887 = arith.constant 128 : i32
      %dma_start3A_888 = tpu.memref_slice %arg5[%dma_start3A_887] : memref<1024xf32, #tpu.memory_space<vmem>> -> memref<128xf32, #tpu.memory_space<vmem>>
      %dma_start3A_889 = arith.constant 0 : i32
      %dma_start3A_890 = tpu.memref_slice %arg4[%add3A_886, %dma_start3A_889] : memref<80x128xi32, #tpu.memory_space<vmem>> -> memref<1x128xi32, #tpu.memory_space<vmem>>
      %dma_start3A_891 = tpu.memref_squeeze %dma_start3A_890 : memref<1x128xi32, #tpu.memory_space<vmem>> -> memref<128xi32, #tpu.memory_space<vmem>>
      %dma_start3A_892 = arith.constant 0 : i32
      %dma_start3A_893 = tpu.memref_slice %arg7[%dma_start3A_892] : memref<10240xf32, #tpu.memory_space<vmem_shared>> -> memref<10240xf32, #tpu.memory_space<vmem_shared>>
      tpu.enqueue_indirect_dma source(%dma_start3A_888 : memref<128xf32, #tpu.memory_space<vmem>>) target(%dma_start3A_893 : memref<10240xf32, #tpu.memory_space<vmem_shared>>) offsets(%dma_start3A_891 : memref<128xi32, #tpu.memory_space<vmem>>) semaphore(%arg9 : memref<!tpu.dma_semaphore, #tpu.memory_space<semaphore_mem>>) {add = true}
      %mul3A_894 = arith.constant 8 : i32
      %mul3A_895 = arith.muli %add3A_871, %mul3A_894 : i32
      %add3A_896 = arith.constant 2 : i32
      %add3A_897 = arith.addi %mul3A_895, %add3A_896 : i32
      %dma_start3A_898 = arith.constant 256 : i32
      %dma_start3A_899 = tpu.memref_slice %arg5[%dma_start3A_898] : memref<1024xf32, #tpu.memory_space<vmem>> -> memref<128xf32, #tpu.memory_space<vmem>>
      %dma_start3A_900 = arith.constant 0 : i32
      %dma_start3A_901 = tpu.memref_slice %arg4[%add3A_897, %dma_start3A_900] : memref<80x128xi32, #tpu.memory_space<vmem>> -> memref<1x128xi32, #tpu.memory_space<vmem>>
      %dma_start3A_902 = tpu.memref_squeeze %dma_start3A_901 : memref<1x128xi32, #tpu.memory_space<vmem>> -> memref<128xi32, #tpu.memory_space<vmem>>
      %dma_start3A_903 = arith.constant 0 : i32
      %dma_start3A_904 = tpu.memref_slice %arg7[%dma_start3A_903] : memref<10240xf32, #tpu.memory_space<vmem_shared>> -> memref<10240xf32, #tpu.memory_space<vmem_shared>>
      tpu.enqueue_indirect_dma source(%dma_start3A_899 : memref<128xf32, #tpu.memory_space<vmem>>) target(%dma_start3A_904 : memref<10240xf32, #tpu.memory_space<vmem_shared>>) offsets(%dma_start3A_902 : memref<128xi32, #tpu.memory_space<vmem>>) semaphore(%arg9 : memref<!tpu.dma_semaphore, #tpu.memory_space<semaphore_mem>>) {add = true}
      %mul3A_905 = arith.constant 8 : i32
      %mul3A_906 = arith.muli %add3A_871, %mul3A_905 : i32
      %add3A_907 = arith.constant 3 : i32
      %add3A_908 = arith.addi %mul3A_906, %add3A_907 : i32
      %dma_start3A_909 = arith.constant 384 : i32
      %dma_start3A_910 = tpu.memref_slice %arg5[%dma_start3A_909] : memref<1024xf32, #tpu.memory_space<vmem>> -> memref<128xf32, #tpu.memory_space<vmem>>
      %dma_start3A_911 = arith.constant 0 : i32
      %dma_start3A_912 = tpu.memref_slice %arg4[%add3A_908, %dma_start3A_911] : memref<80x128xi32, #tpu.memory_space<vmem>> -> memref<1x128xi32, #tpu.memory_space<vmem>>
      %dma_start3A_913 = tpu.memref_squeeze %dma_start3A_912 : memref<1x128xi32, #tpu.memory_space<vmem>> -> memref<128xi32, #tpu.memory_space<vmem>>
      %dma_start3A_914 = arith.constant 0 : i32
      %dma_start3A_915 = tpu.memref_slice %arg7[%dma_start3A_914] : memref<10240xf32, #tpu.memory_space<vmem_shared>> -> memref<10240xf32, #tpu.memory_space<vmem_shared>>
      tpu.enqueue_indirect_dma source(%dma_start3A_910 : memref<128xf32, #tpu.memory_space<vmem>>) target(%dma_start3A_915 : memref<10240xf32, #tpu.memory_space<vmem_shared>>) offsets(%dma_start3A_913 : memref<128xi32, #tpu.memory_space<vmem>>) semaphore(%arg9 : memref<!tpu.dma_semaphore, #tpu.memory_space<semaphore_mem>>) {add = true}
      %mul3A_916 = arith.constant 8 : i32
      %mul3A_917 = arith.muli %add3A_871, %mul3A_916 : i32
      %add3A_918 = arith.constant 4 : i32
      %add3A_919 = arith.addi %mul3A_917, %add3A_918 : i32
      %dma_start3A_920 = arith.constant 512 : i32
      %dma_start3A_921 = tpu.memref_slice %arg5[%dma_start3A_920] : memref<1024xf32, #tpu.memory_space<vmem>> -> memref<128xf32, #tpu.memory_space<vmem>>
      %dma_start3A_922 = arith.constant 0 : i32
      %dma_start3A_923 = tpu.memref_slice %arg4[%add3A_919, %dma_start3A_922] : memref<80x128xi32, #tpu.memory_space<vmem>> -> memref<1x128xi32, #tpu.memory_space<vmem>>
      %dma_start3A_924 = tpu.memref_squeeze %dma_start3A_923 : memref<1x128xi32, #tpu.memory_space<vmem>> -> memref<128xi32, #tpu.memory_space<vmem>>
      %dma_start3A_925 = arith.constant 0 : i32
      %dma_start3A_926 = tpu.memref_slice %arg7[%dma_start3A_925] : memref<10240xf32, #tpu.memory_space<vmem_shared>> -> memref<10240xf32, #tpu.memory_space<vmem_shared>>
      tpu.enqueue_indirect_dma source(%dma_start3A_921 : memref<128xf32, #tpu.memory_space<vmem>>) target(%dma_start3A_926 : memref<10240xf32, #tpu.memory_space<vmem_shared>>) offsets(%dma_start3A_924 : memref<128xi32, #tpu.memory_space<vmem>>) semaphore(%arg9 : memref<!tpu.dma_semaphore, #tpu.memory_space<semaphore_mem>>) {add = true}
      %mul3A_927 = arith.constant 8 : i32
      %mul3A_928 = arith.muli %add3A_871, %mul3A_927 : i32
      %add3A_929 = arith.constant 5 : i32
      %add3A_930 = arith.addi %mul3A_928, %add3A_929 : i32
      %dma_start3A_931 = arith.constant 640 : i32
      %dma_start3A_932 = tpu.memref_slice %arg5[%dma_start3A_931] : memref<1024xf32, #tpu.memory_space<vmem>> -> memref<128xf32, #tpu.memory_space<vmem>>
      %dma_start3A_933 = arith.constant 0 : i32
      %dma_start3A_934 = tpu.memref_slice %arg4[%add3A_930, %dma_start3A_933] : memref<80x128xi32, #tpu.memory_space<vmem>> -> memref<1x128xi32, #tpu.memory_space<vmem>>
      %dma_start3A_935 = tpu.memref_squeeze %dma_start3A_934 : memref<1x128xi32, #tpu.memory_space<vmem>> -> memref<128xi32, #tpu.memory_space<vmem>>
      %dma_start3A_936 = arith.constant 0 : i32
      %dma_start3A_937 = tpu.memref_slice %arg7[%dma_start3A_936] : memref<10240xf32, #tpu.memory_space<vmem_shared>> -> memref<10240xf32, #tpu.memory_space<vmem_shared>>
      tpu.enqueue_indirect_dma source(%dma_start3A_932 : memref<128xf32, #tpu.memory_space<vmem>>) target(%dma_start3A_937 : memref<10240xf32, #tpu.memory_space<vmem_shared>>) offsets(%dma_start3A_935 : memref<128xi32, #tpu.memory_space<vmem>>) semaphore(%arg9 : memref<!tpu.dma_semaphore, #tpu.memory_space<semaphore_mem>>) {add = true}
      %mul3A_938 = arith.constant 8 : i32
      %mul3A_939 = arith.muli %add3A_871, %mul3A_938 : i32
      %add3A_940 = arith.constant 6 : i32
      %add3A_941 = arith.addi %mul3A_939, %add3A_940 : i32
      %dma_start3A_942 = arith.constant 768 : i32
      %dma_start3A_943 = tpu.memref_slice %arg5[%dma_start3A_942] : memref<1024xf32, #tpu.memory_space<vmem>> -> memref<128xf32, #tpu.memory_space<vmem>>
      %dma_start3A_944 = arith.constant 0 : i32
      %dma_start3A_945 = tpu.memref_slice %arg4[%add3A_941, %dma_start3A_944] : memref<80x128xi32, #tpu.memory_space<vmem>> -> memref<1x128xi32, #tpu.memory_space<vmem>>
      %dma_start3A_946 = tpu.memref_squeeze %dma_start3A_945 : memref<1x128xi32, #tpu.memory_space<vmem>> -> memref<128xi32, #tpu.memory_space<vmem>>
      %dma_start3A_947 = arith.constant 0 : i32
      %dma_start3A_948 = tpu.memref_slice %arg7[%dma_start3A_947] : memref<10240xf32, #tpu.memory_space<vmem_shared>> -> memref<10240xf32, #tpu.memory_space<vmem_shared>>
      tpu.enqueue_indirect_dma source(%dma_start3A_943 : memref<128xf32, #tpu.memory_space<vmem>>) target(%dma_start3A_948 : memref<10240xf32, #tpu.memory_space<vmem_shared>>) offsets(%dma_start3A_946 : memref<128xi32, #tpu.memory_space<vmem>>) semaphore(%arg9 : memref<!tpu.dma_semaphore, #tpu.memory_space<semaphore_mem>>) {add = true}
      %mul3A_949 = arith.constant 8 : i32
      %mul3A_950 = arith.muli %add3A_871, %mul3A_949 : i32
      %add3A_951 = arith.constant 7 : i32
      %add3A_952 = arith.addi %mul3A_950, %add3A_951 : i32
      %dma_start3A_953 = arith.constant 896 : i32
      %dma_start3A_954 = tpu.memref_slice %arg5[%dma_start3A_953] : memref<1024xf32, #tpu.memory_space<vmem>> -> memref<128xf32, #tpu.memory_space<vmem>>
      %dma_start3A_955 = arith.constant 0 : i32
      %dma_start3A_956 = tpu.memref_slice %arg4[%add3A_952, %dma_start3A_955] : memref<80x128xi32, #tpu.memory_space<vmem>> -> memref<1x128xi32, #tpu.memory_space<vmem>>
      %dma_start3A_957 = tpu.memref_squeeze %dma_start3A_956 : memref<1x128xi32, #tpu.memory_space<vmem>> -> memref<128xi32, #tpu.memory_space<vmem>>
      %dma_start3A_958 = arith.constant 0 : i32
      %dma_start3A_959 = tpu.memref_slice %arg7[%dma_start3A_958] : memref<10240xf32, #tpu.memory_space<vmem_shared>> -> memref<10240xf32, #tpu.memory_space<vmem_shared>>
      tpu.enqueue_indirect_dma source(%dma_start3A_954 : memref<128xf32, #tpu.memory_space<vmem>>) target(%dma_start3A_959 : memref<10240xf32, #tpu.memory_space<vmem_shared>>) offsets(%dma_start3A_957 : memref<128xi32, #tpu.memory_space<vmem>>) semaphore(%arg9 : memref<!tpu.dma_semaphore, #tpu.memory_space<semaphore_mem>>) {add = true}
    }
    %scan3A_756 = arith.constant 4 : i32
    %dma_wait3A = arith.constant 0 : i32
    %dma_wait3A_757 = tpu.memref_slice %arg7[%dma_wait3A] : memref<10240xf32, #tpu.memory_space<vmem_shared>> -> memref<1024xf32, #tpu.memory_space<vmem_shared>>
    %dma_wait3A_758 = arith.constant 0 : i32
    %dma_wait3A_759 = tpu.memref_slice %arg7[%dma_wait3A_758] : memref<10240xf32, #tpu.memory_space<vmem_shared>> -> memref<1024xf32, #tpu.memory_space<vmem_shared>>
    tpu.wait_dma2 semaphore(%arg8 : memref<!tpu.dma_semaphore, #tpu.memory_space<semaphore_mem>>) src(%arg5 : memref<1024xf32, #tpu.memory_space<vmem>>) dst(%dma_wait3A_759 : memref<1024xf32, #tpu.memory_space<vmem_shared>>)
    %dma_wait3A_760 = arith.constant 0 : i32
    %dma_wait3A_761 = tpu.memref_slice %arg7[%dma_wait3A_760] : memref<10240xf32, #tpu.memory_space<vmem_shared>> -> memref<1024xf32, #tpu.memory_space<vmem_shared>>
    %dma_wait3A_762 = arith.constant 0 : i32
    %dma_wait3A_763 = tpu.memref_slice %arg7[%dma_wait3A_762] : memref<10240xf32, #tpu.memory_space<vmem_shared>> -> memref<1024xf32, #tpu.memory_space<vmem_shared>>
    tpu.wait_dma2 semaphore(%arg9 : memref<!tpu.dma_semaphore, #tpu.memory_space<semaphore_mem>>) src(%arg5 : memref<1024xf32, #tpu.memory_space<vmem>>) dst(%dma_wait3A_763 : memref<1024xf32, #tpu.memory_space<vmem_shared>>)
    %barrier3A_764 = arith.constant 0 : index
    tpu.barrier barrier_id(%barrier3A_764)
    %mul3A_765 = arith.constant 640 : i32
    %mul3A_766 = arith.muli %arg1, %mul3A_765 : i32
    "tpu.region"() ({
      %run_scoped3A = tpu.sem_alloc : memref<!tpu.dma_semaphore, #tpu.memory_space<semaphore_mem>>
      %dma_start3A_769 = tpu.memref_slice %arg7[%mul3A_766] : memref<10240xf32, #tpu.memory_space<vmem_shared>> -> memref<640xf32, #tpu.memory_space<vmem_shared>>
      %dma_start3A_770 = tpu.memref_slice %arg7[%mul3A_766] : memref<10240xf32, #tpu.memory_space<vmem_shared>> -> memref<640xf32, #tpu.memory_space<vmem_shared>>
      tpu.enqueue_dma source(%dma_start3A_770 : memref<640xf32, #tpu.memory_space<vmem_shared>>) target(%arg6 : memref<640xf32, #tpu.memory_space<vmem>>) target_semaphore(%run_scoped3A : memref<!tpu.dma_semaphore, #tpu.memory_space<semaphore_mem>>)
      %dma_wait3A_771 = tpu.memref_slice %arg7[%mul3A_766] : memref<10240xf32, #tpu.memory_space<vmem_shared>> -> memref<640xf32, #tpu.memory_space<vmem_shared>>
      %dma_wait3A_772 = tpu.memref_slice %arg7[%mul3A_766] : memref<10240xf32, #tpu.memory_space<vmem_shared>> -> memref<640xf32, #tpu.memory_space<vmem_shared>>
      tpu.wait_dma2 semaphore(%run_scoped3A : memref<!tpu.dma_semaphore, #tpu.memory_space<semaphore_mem>>) src(%dma_wait3A_772 : memref<640xf32, #tpu.memory_space<vmem_shared>>) dst(%arg6 : memref<640xf32, #tpu.memory_space<vmem>>)
      tpu.yield
    }) : () -> ()
    %mul3A_767 = arith.constant 640 : i32
    %mul3A_768 = arith.muli %arg1, %mul3A_767 : i32
    "tpu.region"() ({
      %run_scoped3A = tpu.sem_alloc : memref<!tpu.dma_semaphore, #tpu.memory_space<semaphore_mem>>
      %dma_start3A_769 = tpu.memref_slice %arg3[%arg0, %mul3A_768] : memref<2x10240xf32, #tpu.memory_space<hbm>> -> memref<1x640xf32, #tpu.memory_space<hbm>>
      %dma_start3A_770 = tpu.memref_squeeze %dma_start3A_769 : memref<1x640xf32, #tpu.memory_space<hbm>> -> memref<640xf32, #tpu.memory_space<hbm>>
      %dma_start3A_771 = tpu.memref_slice %arg3[%arg0, %mul3A_768] : memref<2x10240xf32, #tpu.memory_space<hbm>> -> memref<1x640xf32, #tpu.memory_space<hbm>>
      %dma_start3A_772 = tpu.memref_squeeze %dma_start3A_771 : memref<1x640xf32, #tpu.memory_space<hbm>> -> memref<640xf32, #tpu.memory_space<hbm>>
      tpu.enqueue_dma source(%arg6 : memref<640xf32, #tpu.memory_space<vmem>>) target(%dma_start3A_772 : memref<640xf32, #tpu.memory_space<hbm>>) target_semaphore(%run_scoped3A : memref<!tpu.dma_semaphore, #tpu.memory_space<semaphore_mem>>)
      %dma_wait3A_773 = tpu.memref_slice %arg3[%arg0, %mul3A_768] : memref<2x10240xf32, #tpu.memory_space<hbm>> -> memref<1x640xf32, #tpu.memory_space<hbm>>
      %dma_wait3A_774 = tpu.memref_squeeze %dma_wait3A_773 : memref<1x640xf32, #tpu.memory_space<hbm>> -> memref<640xf32, #tpu.memory_space<hbm>>
      %dma_wait3A_775 = tpu.memref_slice %arg3[%arg0, %mul3A_768] : memref<2x10240xf32, #tpu.memory_space<hbm>> -> memref<1x640xf32, #tpu.memory_space<hbm>>
      %dma_wait3A_776 = tpu.memref_squeeze %dma_wait3A_775 : memref<1x640xf32, #tpu.memory_space<hbm>> -> memref<640xf32, #tpu.memory_space<hbm>>
      tpu.wait_dma2 semaphore(%run_scoped3A : memref<!tpu.dma_semaphore, #tpu.memory_space<semaphore_mem>>) src(%arg6 : memref<640xf32, #tpu.memory_space<vmem>>) dst(%dma_wait3A_776 : memref<640xf32, #tpu.memory_space<hbm>>)
      tpu.yield
    }) : () -> ()
    return
  }
}

module attributes {stable_mosaic.version = 14 : i64} {
  func.func @_tc_prep_body(%arg0: memref<1280x1024xf32, #tpu.memory_space<vmem>>, %arg1: memref<1024x128xf32, #tpu.memory_space<vmem>>, %arg2: memref<2x80x128xf32, #tpu.memory_space<vmem>>, %arg3: memref<128x2048xf32, #tpu.memory_space<vmem>>, %arg4: memref<1280x128xf32, #tpu.memory_space<vmem>>, %arg5: memref<1280x128xf32, #tpu.memory_space<vmem>>) attributes {dimension_semantics = [], scalar_prefetch = 0 : i64, scratch_operands = 0 : i64, tpu.core_type = #tpu.core_type<tc>} {
    %get3A = arith.constant 0 : index
    %get3A_0 = arith.constant 0 : index
    %get3A_1 = arith.constant 0 : index
    %get3A_2 = vector.load %arg2[%get3A, %get3A_0, %get3A_1] : memref<2x80x128xf32, #tpu.memory_space<vmem>>, vector<1x80x128xf32>
    %get3A_3 = vector.shape_cast %get3A_2 : vector<1x80x128xf32> to vector<80x128xf32>
    %get3A_4 = arith.constant 1 : index
    %get3A_5 = arith.constant 0 : index
    %get3A_6 = arith.constant 0 : index
    %get3A_7 = vector.load %arg2[%get3A_4, %get3A_5, %get3A_6] : memref<2x80x128xf32, #tpu.memory_space<vmem>>, vector<1x80x128xf32>
    %get3A_8 = vector.shape_cast %get3A_7 : vector<1x80x128xf32> to vector<80x128xf32>
    %add3A = arith.addf %get3A_3, %get3A_8 : vector<80x128xf32>
    %add3A_9 = arith.constant 1.000000e+00 : f32
    %add3A_10 = vector.broadcast %add3A_9 : f32 to vector<80x128xf32>
    %add3A_11 = arith.addf %add3A, %add3A_10 : vector<80x128xf32>
    %get3A_12 = arith.constant 0 : index
    %get3A_13 = arith.constant 0 : index
    %get3A_14 = vector.load %arg3[%get3A_12, %get3A_13] : memref<128x2048xf32, #tpu.memory_space<vmem>>, vector<128x2048xf32>
    %dot_general3A = arith.constant dense<0.000000e+00> : vector<80x2048xf32>
    %dot_general3A_15 = tpu.matmul %add3A_11, %get3A_14, %dot_general3A {dimension_numbers = #tpu.dot_dimension_numbers<[1], [0], [0], [1], [0, 0, 1, 1], [], []>, precision = #tpu.contract_precision<fp32>, transpose_lhs_hint = false} : vector<80x128xf32>, vector<128x2048xf32>, vector<80x2048xf32> -> vector<80x2048xf32>
    %reshape3A = vector.shape_cast %dot_general3A_15 : vector<80x2048xf32> to vector<1280x128xf32>
    %rsqrt3A = math.rsqrt %reshape3A : vector<1280x128xf32>
    %swap3A = arith.constant 0 : index
    %swap3A_16 = arith.constant 0 : index
    %swap3A_17 = vector.load %arg5[%swap3A, %swap3A_16] : memref<1280x128xf32, #tpu.memory_space<vmem>>, vector<1280x128xf32>
    tpu.vector_store %arg5[%swap3A, %swap3A_16], %rsqrt3A {strides = array<i32>} : memref<1280x128xf32, #tpu.memory_space<vmem>>, vector<1280x128xf32>,
    %get3A_18 = arith.constant 0 : index
    %get3A_19 = arith.constant 0 : index
    %get3A_20 = vector.load %arg0[%get3A_18, %get3A_19] : memref<1280x1024xf32, #tpu.memory_space<vmem>>, vector<1280x1024xf32>
    %get3A_21 = arith.constant 0 : index
    %get3A_22 = arith.constant 0 : index
    %get3A_23 = vector.load %arg1[%get3A_21, %get3A_22] : memref<1024x128xf32, #tpu.memory_space<vmem>>, vector<1024x128xf32>
    %dot_general3A_24 = arith.constant dense<0.000000e+00> : vector<1280x128xf32>
    %dot_general3A_25 = tpu.matmul %get3A_20, %get3A_23, %dot_general3A_24 {dimension_numbers = #tpu.dot_dimension_numbers<[1], [0], [0], [1], [0, 0, 1, 1], [], []>, transpose_lhs_hint = false} : vector<1280x1024xf32>, vector<1024x128xf32>, vector<1280x128xf32> -> vector<1280x128xf32>
    %mul3A = arith.mulf %dot_general3A_25, %rsqrt3A : vector<1280x128xf32>
    %swap3A_26 = arith.constant 0 : index
    %swap3A_27 = arith.constant 0 : index
    %swap3A_28 = vector.load %arg4[%swap3A_26, %swap3A_27] : memref<1280x128xf32, #tpu.memory_space<vmem>>, vector<1280x128xf32>
    tpu.vector_store %arg4[%swap3A_26, %swap3A_27], %mul3A {strides = array<i32>} : memref<1280x128xf32, #tpu.memory_space<vmem>>, vector<1280x128xf32>,
    return
  }
}

module attributes {stable_mosaic.version = 14 : i64} {
  func.func @_tc_mid_body(%arg0: memref<2x1280x128xf32, #tpu.memory_space<vmem>>, %arg1: memref<1280x128xf32, #tpu.memory_space<vmem>>, %arg2: memref<1280x128xf32, #tpu.memory_space<vmem>>, %arg3: memref<128x128xf32, #tpu.memory_space<vmem>>, %arg4: memref<1x128xf32, #tpu.memory_space<vmem>>, %arg5: memref<1280x128xf32, #tpu.memory_space<vmem>>) attributes {dimension_semantics = [], scalar_prefetch = 0 : i64, scratch_operands = 0 : i64, tpu.core_type = #tpu.core_type<tc>} {
    %get3A = arith.constant 0 : index
    %get3A_0 = arith.constant 0 : index
    %get3A_1 = vector.load %arg2[%get3A, %get3A_0] : memref<1280x128xf32, #tpu.memory_space<vmem>>, vector<1280x128xf32>
    %get3A_2 = arith.constant 0 : index
    %get3A_3 = arith.constant 0 : index
    %get3A_4 = arith.constant 0 : index
    %get3A_5 = vector.load %arg0[%get3A_2, %get3A_3, %get3A_4] : memref<2x1280x128xf32, #tpu.memory_space<vmem>>, vector<1x1280x128xf32>
    %get3A_6 = vector.shape_cast %get3A_5 : vector<1x1280x128xf32> to vector<1280x128xf32>
    %get3A_7 = arith.constant 1 : index
    %get3A_8 = arith.constant 0 : index
    %get3A_9 = arith.constant 0 : index
    %get3A_10 = vector.load %arg0[%get3A_7, %get3A_8, %get3A_9] : memref<2x1280x128xf32, #tpu.memory_space<vmem>>, vector<1x1280x128xf32>
    %get3A_11 = vector.shape_cast %get3A_10 : vector<1x1280x128xf32> to vector<1280x128xf32>
    %add3A = arith.addf %get3A_6, %get3A_11 : vector<1280x128xf32>
    %get3A_12 = arith.constant 0 : index
    %get3A_13 = arith.constant 0 : index
    %get3A_14 = vector.load %arg1[%get3A_12, %get3A_13] : memref<1280x128xf32, #tpu.memory_space<vmem>>, vector<1280x128xf32>
    %add3A_15 = arith.addf %add3A, %get3A_14 : vector<1280x128xf32>
    %mul3A = arith.mulf %add3A_15, %get3A_1 : vector<1280x128xf32>
    %get3A_16 = arith.constant 0 : index
    %get3A_17 = arith.constant 0 : index
    %get3A_18 = vector.load %arg4[%get3A_16, %get3A_17] : memref<1x128xf32, #tpu.memory_space<vmem>>, vector<1x128xf32>
    %add3A_19 = vector.broadcast %get3A_18 : vector<1x128xf32> to vector<1280x128xf32>
    %add3A_20 = arith.addf %mul3A, %add3A_19 : vector<1280x128xf32>
    %max3A = arith.constant 0.000000e+00 : f32
    %max3A_21 = vector.broadcast %max3A : f32 to vector<1280x128xf32>
    %max3A_22 = arith.maximumf %add3A_20, %max3A_21 : vector<1280x128xf32>
    %get3A_23 = arith.constant 0 : index
    %get3A_24 = arith.constant 0 : index
    %get3A_25 = vector.load %arg3[%get3A_23, %get3A_24] : memref<128x128xf32, #tpu.memory_space<vmem>>, vector<128x128xf32>
    %dot_general3A = arith.constant dense<0.000000e+00> : vector<1280x128xf32>
    %dot_general3A_26 = tpu.matmul %max3A_22, %get3A_25, %dot_general3A {dimension_numbers = #tpu.dot_dimension_numbers<[1], [0], [0], [1], [0, 0, 1, 1], [], []>, precision = #tpu.contract_precision<fp32>, transpose_lhs_hint = false} : vector<1280x128xf32>, vector<128x128xf32>, vector<1280x128xf32> -> vector<1280x128xf32>
    %iota3A = tpu.iota {dimensions = array<i32: 0>} : vector<1280x128xi32>
    %mul3A_27 = arith.constant 8 : i32
    %mul3A_28 = vector.broadcast %mul3A_27 : i32 to vector<1280x128xi32>
    %mul3A_29 = arith.muli %mul3A_28, %iota3A : vector<1280x128xi32>
    %iota3A_30 = tpu.iota {dimensions = array<i32: 1>} : vector<1280x128xi32>
    %jit3A = arith.constant 16 : i32
    %div3A = vector.broadcast %jit3A : i32 to vector<1280x128xi32>
    %div3A_31 = arith.divsi %iota3A_30, %div3A : vector<1280x128xi32>
    %sign3A = arith.constant 0 : i32
    %sign3A_32 = vector.broadcast %sign3A : i32 to vector<1280x128xi32>
    %sign3A_33 = arith.cmpi sgt, %iota3A_30, %sign3A_32 : vector<1280x128xi32>
    %sign3A_34 = arith.extui %sign3A_33 : vector<1280x128xi1> to vector<1280x128xi32>
    %sign3A_35 = arith.constant 0 : i32
    %sign3A_36 = vector.broadcast %sign3A_35 : i32 to vector<1280x128xi32>
    %sign3A_37 = arith.cmpi slt, %iota3A_30, %sign3A_36 : vector<1280x128xi32>
    %sign3A_38 = arith.extui %sign3A_37 : vector<1280x128xi1> to vector<1280x128xi32>
    %sign3A_39 = arith.subi %sign3A_34, %sign3A_38 : vector<1280x128xi32>
    %sign3A_40 = arith.constant 0 : i32
    %sign3A_41 = arith.cmpi sgt, %jit3A, %sign3A_40 : i32
    %sign3A_42 = arith.extui %sign3A_41 : i1 to i32
    %sign3A_43 = arith.constant 0 : i32
    %sign3A_44 = arith.cmpi slt, %jit3A, %sign3A_43 : i32
    %sign3A_45 = arith.extui %sign3A_44 : i1 to i32
    %sign3A_46 = arith.subi %sign3A_42, %sign3A_45 : i32
    %ne3A = vector.broadcast %sign3A_46 : i32 to vector<1280x128xi32>
    %ne3A_47 = arith.cmpi ne, %sign3A_39, %ne3A : vector<1280x128xi32>
    %rem3A = vector.broadcast %jit3A : i32 to vector<1280x128xi32>
    %rem3A_48 = arith.remsi %iota3A_30, %rem3A : vector<1280x128xi32>
    %ne3A_49 = arith.constant 0 : i32
    %ne3A_50 = vector.broadcast %ne3A_49 : i32 to vector<1280x128xi32>
    %ne3A_51 = arith.cmpi ne, %rem3A_48, %ne3A_50 : vector<1280x128xi32>
    %and3A = arith.andi %ne3A_47, %ne3A_51 : vector<1280x128xi1>
    %sub3A = arith.constant 1 : i32
    %sub3A_52 = vector.broadcast %sub3A : i32 to vector<1280x128xi32>
    %sub3A_53 = arith.subi %div3A_31, %sub3A_52 : vector<1280x128xi32>
    %select_n3A = arith.select %and3A, %sub3A_53, %div3A_31 : vector<1280x128xi1>, vector<1280x128xi32>
    %add3A_54 = arith.addi %mul3A_29, %select_n3A : vector<1280x128xi32>
    %lt3A = arith.constant 10000 : i32
    %lt3A_55 = vector.broadcast %lt3A : i32 to vector<1280x128xi32>
    %lt3A_56 = arith.cmpi slt, %add3A_54, %lt3A_55 : vector<1280x128xi32>
    %mul3A_57 = arith.mulf %dot_general3A_26, %get3A_1 : vector<1280x128xf32>
    %jit3A_58 = arith.constant 0.000000e+00 : f32
    %broadcast_in_dim3A = vector.broadcast %jit3A_58 : f32 to vector<1280x128xf32>
    %select_n3A_59 = arith.select %lt3A_56, %mul3A_57, %broadcast_in_dim3A : vector<1280x128xi1>, vector<1280x128xf32>
    %swap3A = arith.constant 0 : index
    %swap3A_60 = arith.constant 0 : index
    %swap3A_61 = vector.load %arg5[%swap3A, %swap3A_60] : memref<1280x128xf32, #tpu.memory_space<vmem>>, vector<1280x128xf32>
    tpu.vector_store %arg5[%swap3A, %swap3A_60], %select_n3A_59 {strides = array<i32>} : memref<1280x128xf32, #tpu.memory_space<vmem>>, vector<1280x128xf32>,
    return
  }
}

module attributes {stable_mosaic.version = 14 : i64} {
  func.func @_tc_out_body(%arg0: memref<2x1280x128xf32, #tpu.memory_space<vmem>>, %arg1: memref<1280x128xf32, #tpu.memory_space<vmem>>, %arg2: memref<1280x128xf32, #tpu.memory_space<vmem>>, %arg3: memref<1x128xf32, #tpu.memory_space<vmem>>, %arg4: memref<128x128xf32, #tpu.memory_space<vmem>>, %arg5: memref<1280x128xf32, #tpu.memory_space<vmem>>) attributes {dimension_semantics = [], scalar_prefetch = 0 : i64, scratch_operands = 0 : i64, tpu.core_type = #tpu.core_type<tc>} {
    %get3A = arith.constant 0 : index
    %get3A_0 = arith.constant 0 : index
    %get3A_1 = arith.constant 0 : index
    %get3A_2 = vector.load %arg0[%get3A, %get3A_0, %get3A_1] : memref<2x1280x128xf32, #tpu.memory_space<vmem>>, vector<1x1280x128xf32>
    %get3A_3 = vector.shape_cast %get3A_2 : vector<1x1280x128xf32> to vector<1280x128xf32>
    %get3A_4 = arith.constant 1 : index
    %get3A_5 = arith.constant 0 : index
    %get3A_6 = arith.constant 0 : index
    %get3A_7 = vector.load %arg0[%get3A_4, %get3A_5, %get3A_6] : memref<2x1280x128xf32, #tpu.memory_space<vmem>>, vector<1x1280x128xf32>
    %get3A_8 = vector.shape_cast %get3A_7 : vector<1x1280x128xf32> to vector<1280x128xf32>
    %add3A = arith.addf %get3A_3, %get3A_8 : vector<1280x128xf32>
    %get3A_9 = arith.constant 0 : index
    %get3A_10 = arith.constant 0 : index
    %get3A_11 = vector.load %arg1[%get3A_9, %get3A_10] : memref<1280x128xf32, #tpu.memory_space<vmem>>, vector<1280x128xf32>
    %add3A_12 = arith.addf %add3A, %get3A_11 : vector<1280x128xf32>
    %get3A_13 = arith.constant 0 : index
    %get3A_14 = arith.constant 0 : index
    %get3A_15 = vector.load %arg2[%get3A_13, %get3A_14] : memref<1280x128xf32, #tpu.memory_space<vmem>>, vector<1280x128xf32>
    %mul3A = arith.mulf %add3A_12, %get3A_15 : vector<1280x128xf32>
    %get3A_16 = arith.constant 0 : index
    %get3A_17 = arith.constant 0 : index
    %get3A_18 = vector.load %arg3[%get3A_16, %get3A_17] : memref<1x128xf32, #tpu.memory_space<vmem>>, vector<1x128xf32>
    %add3A_19 = vector.broadcast %get3A_18 : vector<1x128xf32> to vector<1280x128xf32>
    %add3A_20 = arith.addf %mul3A, %add3A_19 : vector<1280x128xf32>
    %exp3A = math.exp %add3A_20 : vector<1280x128xf32>
    %get3A_21 = arith.constant 0 : index
    %get3A_22 = arith.constant 0 : index
    %get3A_23 = vector.load %arg4[%get3A_21, %get3A_22] : memref<128x128xf32, #tpu.memory_space<vmem>>, vector<128x128xf32>
    %dot_general3A = arith.constant dense<0.000000e+00> : vector<1280x128xf32>
    %dot_general3A_24 = tpu.matmul %exp3A, %get3A_23, %dot_general3A {dimension_numbers = #tpu.dot_dimension_numbers<[1], [0], [0], [1], [0, 0, 1, 1], [], []>, precision = #tpu.contract_precision<fp32>, transpose_lhs_hint = false} : vector<1280x128xf32>, vector<128x128xf32>, vector<1280x128xf32> -> vector<1280x128xf32>
    %log3A = math.log %dot_general3A_24 : vector<1280x128xf32>
    %sub3A = arith.subf %add3A_20, %log3A : vector<1280x128xf32>
    %swap3A = arith.constant 0 : index
    %swap3A_25 = arith.constant 0 : index
    %swap3A_26 = vector.load %arg5[%swap3A, %swap3A_25] : memref<1280x128xf32, #tpu.memory_space<vmem>>, vector<1280x128xf32>
    tpu.vector_store %arg5[%swap3A, %swap3A_25], %sub3A {strides = array<i32>} : memref<1280x128xf32, #tpu.memory_space<vmem>>, vector<1280x128xf32>,
    return
  }
}

</mosaic_0001>

<sc_bundles>
// kernel: kernel.11.cloned.1.call-start
scs
__scs_entry_jumppad:
0x0: {  	(pc) =	sbr.rel $0x88, $3  }
0x1: {  	(tag) =	ssettag $0x0;
	lr =	simm.s32 $0x1  }
0x2: {  	[smem:$0x3F9B] =	sst lr;
	_ =	strace $0xD0000000  }
0x3: {  	_ = 	snop  }
0x4: {  	_ = 	snop  }
0x5: {  	_ = 	snop  }
0x6: {  	_ = 	snop  }
0x7: {  	_ = 	snop  }
__scs_overlays_trampoline_lowered:
0x8: {  	[smem:$0x3FAA] =	sst s0  }
0x9: {  	[smem:$0x3FAB] =	sst s1  }
0xa: {  	[smem:$0x3FAC] =	sst s2  }
0xb: {  	[smem:$0x3FAD] =	sst s3  }
0xc: {  	[smem:$0x3FAE] =	sst s4  }
0xd: {  	[smem:$0x3FAF] =	sst s5  }
0xe: {  	[smem:$0x3FB0] =	sst s6  }
0xf: {  	[smem:$0x3FB1] =	sst s7  }
0x10: {  	[smem:$0x3FB2] =	sst s8  }
0x11: {  	[smem:$0x3FB3] =	sst s9;
	s0 =	simm.s32 @!p0 $0x0  }
0x12: {  	s1 =	sld [smem:$0x3F99];
	s0 =	simm.s32 @p0 $0x1  }
0x13: {  	[smem:$0x3FB4] =	sst s0;
	s0 =	simm.s32 @!p1 $0x0  }
0x14: {  	s2 =	sld [smem:$0x3F98];
	s0 =	simm.s32 @p1 $0x1  }
0x15: {  	[smem:$0x3FB5] =	sst s0;
	s0 =	simm.s32 @!p2 $0x0  }
0x16: {  	s3 =	sld [smem:$0x3FDB];
	s0 =	simm.s32 @p2 $0x1  }
0x17: {  	s4 =	simm.s32 $0x1BF5;
	[smem:$0x3FB7] =	sst s0  }
0x18: {  	s0 =	sld [smem:$0x3F9A];
	_ =	swait.ge [sflag:s4], $0x0  }
0x19: {  	s7 =	sld [smem:$0x3F9B]  }
0x1a: {  	s8 =	sadd.s32 $0xFFFFE003, lr  }
0x1b: {  	s9 =	sadd.s32 $0xFFFFFEF7, lr;
	s5 =	simm.s32 $0xFFFFFFFF;
	p2 =	slt.u32 s8, $0xFFFFF086  }
0x1c: {  	p1 =	slt.u32 s9, $0xF7A;
	s5 =	simm.s32 @!p2 $0x0  }
0x1d: {  	s5 =	simm.s32 @p1 $0x1;
	p0 =	seq.s32 s7, s2  }
0x1e: {  	s7 =	smul.u32 @!p0 $0xF7A, s2;
	p2 =	seq.s32 @!p0 s5, $0x0  }
0x1f: {  	s9 =	smul.u32 $0xF7A, s1;
	s8 =	simm.s32 @!p0 $0x1BF5;
	p2 =	por !p2, p0  }
0x20: {  	[sflag:s8] =	ssyncset.s32 @!p0 $0xFFFFF086;
	s6 =	sadd.s32 @!p0 s3, s7;
	s7 =	simm.s32 @!p0 $0x108  }
0x21: {  	s3 =	sadd.s32 s3, s9;
	s6 =	sadd.s32 @!p0 $0x88, s6;
	s7 =	simm.s32 @p2 $0x1082  }
0x22: {  	[simem:s7], [sflag:s8] =	dma.local @!p0 [hbm:s6], $0xF7A  }
0x23: {  	s9 =	sor.u32 $0xD0000000, s2;
	s6 =	simm.s32 $0x108;
	_ =	swait.ge @!p0 [sflag:s8], $0x0  }
0x24: {  	s3 =	sadd.s32 $0x88, s3;
	s6 =	simm.s32 @!p1 $0x1082;
	[sflag:s4] =	ssyncset.s32 $0xFFFFF086  }
0x25: {  	[simem:s6], [sflag:s4] =	dma.local [hbm:s3], $0xF7A  }
0x26: {  	[smem:$0x3F9B] =	sst s1;
	(tag) =	ssettag s2;
	_ =	strace s9  }
0x27: {  	s1 =	sld [smem:$0x3FAB]  }
0x28: {  	s2 =	sld [smem:$0x3FAC]  }
0x29: {  	s4 =	sld [smem:$0x3FAE]  }
0x2a: {  	p0 =	seq.s32 s5, $0x0;
	s5 =	sld [smem:$0x3FAF]  }
0x2b: {  	s6 =	sld [smem:$0x3FB0]  }
0x2c: {  	s7 =	sld [smem:$0x3FB1]  }
0x2d: {  	s3 =	simm.s32 $0x108;
	s8 =	sld [smem:$0x3FB2]  }
0x2e: {  	s3 =	simm.s32 @!p0 $0x1082;
	s9 =	sld [smem:$0x3FB3]  }
0x2f: {  	lr =	sadd.s32 s0, s3;
	s0 =	sld [smem:$0x3FAA]  }
0x30: {  	s3 =	sld [smem:$0x3FAD]  }
0x31: {  	[smem:$0x3FB6] =	sst s10  }
0x32: {  	s10 =	sld [smem:$0x3FB4];
	_ =	sdelay $0x3  }
0x33: {  	p0 =	seq.s32 s10, $0x1;
	s10 =	sld [smem:$0x3FB6];
	_ =	sdelay $0x3  }
0x34: {  	[smem:$0x3FB6] =	sst s10  }
0x35: {  	s10 =	sld [smem:$0x3FB5];
	_ =	sdelay $0x3  }
0x36: {  	p1 =	seq.s32 s10, $0x1;
	s10 =	sld [smem:$0x3FB6];
	_ =	sdelay $0x3  }
0x37: {  	[smem:$0x3FB6] =	sst s10  }
0x38: {  	s10 =	sld [smem:$0x3FB7]  }
0x39: {  	_ = 	snop;
	(pc) =	sbr.ind lr, $3  }
0x3a: {  	_ = 	snop  }
0x3b: {  	_ = 	snop  }
0x3c: {  	p2 =	seq.s32 s10, $0x1;
	s10 =	sld [smem:$0x3FB6]  }
0x3d: {  	_ =	shalt  }
0x3e: {  	_ =	shalt  }
0x3f: {  	_ =	shalt  }
0x40: {  	_ =	shalt  }
0x41: {  	_ =	shalt  }
0x42: {  	_ =	shalt  }
0x43: {  	_ =	shalt  }
0x44: {  	_ =	shalt  }
0x45: {  	_ =	shalt  }
0x46: {  	_ =	shalt  }
0x47: {  	_ =	shalt  }
0x48: {  	_ =	shalt  }
0x49: {  	_ =	shalt  }
0x4a: {  	_ =	shalt  }
0x4b: {  	_ =	shalt  }
0x4c: {  	_ =	shalt  }
0x4d: {  	_ =	shalt  }
0x4e: {  	_ =	shalt  }
0x4f: {  	_ =	shalt  }
0x50: {  	_ =	shalt  }
0x51: {  	_ =	shalt  }
0x52: {  	_ =	shalt  }
0x53: {  	_ =	shalt  }
0x54: {  	_ =	shalt  }
0x55: {  	_ =	shalt  }
0x56: {  	_ =	shalt  }
0x57: {  	_ =	shalt  }
0x58: {  	_ =	shalt  }
0x59: {  	_ =	shalt  }
0x5a: {  	_ =	shalt  }
0x5b: {  	_ =	shalt  }
0x5c: {  	_ =	shalt  }
0x5d: {  	_ =	shalt  }
0x5e: {  	_ =	shalt  }
0x5f: {  	_ =	shalt  }
0x60: {  	_ =	shalt  }
0x61: {  	_ =	shalt  }
0x62: {  	_ =	shalt  }
0x63: {  	_ =	shalt  }
0x64: {  	_ =	shalt  }
0x65: {  	_ =	shalt  }
0x66: {  	_ =	shalt  }
0x67: {  	_ =	shalt  }
0x68: {  	_ =	shalt  }
0x69: {  	_ =	shalt  }
0x6a: {  	_ =	shalt  }
0x6b: {  	_ =	shalt  }
0x6c: {  	_ =	shalt  }
0x6d: {  	_ =	shalt  }
0x6e: {  	_ =	shalt  }
0x6f: {  	_ =	shalt  }
0x70: {  	_ =	shalt  }
0x71: {  	_ =	shalt  }
0x72: {  	_ =	shalt  }
0x73: {  	_ =	shalt  }
0x74: {  	_ =	shalt  }
0x75: {  	_ =	shalt  }
0x76: {  	_ =	shalt  }
0x77: {  	_ =	shalt  }
0x78: {  	_ =	shalt  }
0x79: {  	_ =	shalt  }
0x7a: {  	_ =	shalt  }
0x7b: {  	_ =	shalt  }
0x7c: {  	_ =	shalt  }
0x7d: {  	_ =	shalt  }
0x7e: {  	_ =	shalt  }
0x7f: {  	_ =	shalt  }
0x80: {  	_ =	shalt  }
0x81: {  	_ =	shalt  }
0x82: {  	_ =	shalt  }
0x83: {  	_ =	shalt  }
0x84: {  	_ =	shalt  }
0x85: {  	_ =	shalt  }
0x86: {  	_ =	shalt  }
0x87: {  	_ =	shalt  }
.Lfunc_end0:
.L_simem_size_0:
called_computation.1_lowered:
.L_overlay_start_0:
0x88: {  	s2 =	sld [smem:$0x3FD9]  }
0x89: {  	s3 =	sld [smem:$0x3FFE];
	_ =	sdelay $0x1  }
0x8a: {  	s1 =	srdreg.scid  }
0x8b: {  	s0 =	sand.u32 $0x1, s1  }
0x8c: {  	s16 =	sshll.u32 s0, $0xA;
	s2 =	sadd.s32 s3, s2  }
0x8d: {  	s2 =	sadd.s32 s2, s16  }
0x8e: {  	[smem:$0x3FC2] =	sst s2  }
0x8f: {  	_ = 	snop  }
0x90: {  	(tm) =	ssettm $0x1  }
0x91: {  	s17 =	sld [smem:$0x3FFB];
	_ =	sdelay $0x3  }
0x92: {  	_ =	strace s17  }
0x93: {  	s2 =	sld [smem:$0x3FFC];
	_ =	sdelay $0x3  }
0x94: {  	_ =	strace s2  }
0x95: {  	s2 =	sld [smem:$0x3FFD];
	_ =	sdelay $0x3  }
0x96: {  	_ =	strace s2  }
0x97: {  	_ =	strace $0x8FFFFFFF  }
0x98: {  	s18 =	sld [smem:$0x3FDB];
	_ =	sdelay $0x1  }
0x99: {  	s19 =	simm.s32 $_scs_section_size  }
0x9a: {  	s4 =	simm.s32 $_size__tile_overlayer_lowered;
	s5 =	simm.s32 $_tile_overlayer_lowered  }
0x9b: {  	s22 =	simm.s32 $0x1BFF;
	s21 =	sshll.u32 s5, $0x1;
	s2 =	sadd.s32 s19, s18  }
0x9c: {  	s6 =	simm.s32 $0x0;
	s20 =	sshll.u32 s4, $0x1;
	s4 =	sadd.s32 s21, s2  }
0x9d: {  	[timem:s6], [sflag:s22] =	dma.local [hbm:s4], s20  }
0x9e: {  	_ =	swait.ge [sflag:s22], s20  }
0x9f: {  	s3 =	ssub.s32 $0x0, s20;
	[sflag:s22] =	ssyncset.done $0x0  }
0xa0: {  	[sflag:s22] =	ssyncadd.s32 s3;
	_ =	sdelay $0x1  }
0xa1: {  	s23 =	simm.s32 $0x1B8B  }
0xa2: {  	_ =	swait.ge [sflag:s23], $0x1  }
0xa3: {  	[sflag:s23] =	ssyncset.done $0x0  }
0xa4: {  	s25 =	simm.s32 $0x1B8E;
	s24 =	sld [smem:$0x3FFE];
	[sflag:s23] =	ssyncadd.s32 $0xFFFFFFFF  }
0xa5: {  	s26 =	simm.s32 $execute0_lowered;
	[smem:$0x3FD2] =	sst s25  }
0xa6: {  	s4 =	sshll.u32 s26, $0x1;
	_ =	strace $0x80000049;
	[dreg:$0x1] =	wrdreg $0xFFFFFFFF  }
0xa7: {  	s28 =	simm.s32 $_size_execute0_lowered;
	s2 =	sadd.s32 s2, s4;
	[dreg:$0x0] =	wrdreg $0x0  }
0xa8: {  	s4 =	sshll.u32 s28, $0x1;
	[dreg:$0x2] =	wrdreg s2  }
0xa9: {  	[dreg:$0x3] =	wrdreg s4  }
0xaa: {  	[dreg:$0x4] =	wrdreg $0xC0  }
0xab: {  	_ =	task [dreg:s6], $0x5FFFF  }
0xac: {  	[dreg:$0x1] =	wrdreg $0xFFFFFFFF  }
0xad: {  	[dreg:$0x0] =	wrdreg $0x60  }
0xae: {  	[dreg:$0x2] =	wrdreg s24  }
0xaf: {  	[dreg:$0x3] =	wrdreg $0xF8000  }
0xb0: {  	[dreg:$0x4] =	wrdreg $0x9  }
0xb1: {  	_ =	task.clear_ibuf [dreg:s6], $0x5FFFF;
	_ =	strace $0x90000049  }
0xb2: {  	s29 =	simm.s32 $0x9;
	_ =	strace $0x8000004B  }
0xb3: {  	_ =	swait.ge [sflag:s29], $0x1  }
0xb4: {  	[sflag:s29] =	ssyncadd.s32 $0xFFFFFFFF  }
0xb5: {  	_ =	strace $0x9000004B  }
0xb6: {  	_ =	sfence  }
0xb7: {  	s30 =	sld [smem:$0x0];
	_ =	sdelay $0x2  }
0xb8: {  	s31 =	sshll.u32 s1, $0xD;
	s1 =	sshrl.u32 s1, $0x2  }
0xb9: {  	s3 =	sand.u32 $0x4000, s31;
	s1 =	sadd.s32 s1, s30  }
0xba: {  	s0 =	sor.u32 s3, s0;
	s1 =	sshll.u32 s1, $0x11  }
0xbb: {  	s0 =	sor.u32 s1, s0  }
0xbc: {  	s0 =	sadd.s32 $0x8F2B, s0  }
0xbd: {  	[sflag:s0] =	ssyncadd.remote.s32 $0x1  }
0xbe: {  	_ =	sfence.sel $0xFFFF  }
0xbf: {  	[dreg:$0x0] =	wrdreg $0xFFFFFFFF;
	(pc) =	sbr.abs _section_cstart, $3  }
0xc0: {  	[dreg:$0x1] =	wrdreg $0xFFFFFFFF  }
0xc1: {  	_ =	task.clear_ibuf [dreg:s6], $0x2FFFF;
	_ =	strace $0x9FFFFFFF  }
0xc2: {  	(tm) =	ssettm $0x7FFFFFFF  }
0xc3: {  	_ =	shalt  }
tec
execute0_lowered:
.L_overlay_start_1:
0x0: {  	(tag) =	ssettag $0x1  }
0x1: {  	s0 =	srdreg.scid;
	s5 =	rddreg [dreg:$0x0]  }
0x2: {  	s9 =	stileid.u32;
	s2 =	rddreg [dreg:$0x1];
	s3 =	simm.s32 $0x0  }
0x3: {  	s28 =	simm.s32 $0x6000;
	s30 =	simm.s32 $0x6800;
	s29 =	simm.s32 $0x8000  }
0x4: {  	s31 =	simm.s32 $0x9000;
	s10 =	simm.s32 $0xC000;
	s11 =	simm.s32 $0xC800  }
0x5: {  	s12 =	simm.s32 $0x1;
	s0 =	sand.u32 $0x1, s0;
	s6 =	smul.u32 $0x2800, s9  }
0x6: {  	[smem:$0x7FF] =	sst s3;
	s1 =	sshll.u32 s0, $0x4;
	s4 =	smul.u32 $0x28000, s0  }
0x7: {  	_ =	strace $0x8000004A;
	s0 =	ssub.s32 $0x2, s0;
	s1 =	sor.u32 s9, s1  }
0x8: {  	s8 =	sshrl.u32 s0, $0x1;
	s1 =	smul.u32 $0x500, s1;
	s4 =	sadd.s32 s6, s4  }
0x9: {  	s9 =	smul.u32 $0xA000, s9;
	s0 =	ssub.s32 s0, s8;
	s7 =	sshrl.u32 s4, $0x3  }
0xa: {  	s4 =	sadd.s32 $0x16600, s5;
	s0 =	smax.u32 s0, $0x1;
	s1 =	sadd.s32 s1, s5  }
0xb: {  	s7 =	sadd.s32 s7, s5;
	s5 =	sadd.s32 $0x1B420, s5;
	[dreg:$0x10] =	wrdreg s0  }
0xc: {  	s13 =	simm.s32 $0x2;
	s16 =	sadd.s32 $0xC600, s1;
	[dreg:$0x5] =	wrdreg s5  }
0xd: {  	s17 =	sshrl.u32 s9, $0x2;
	s1 =	sadd.s32 $0x2600, s1;
	[dreg:$0x3] =	wrdreg s16  }
0xe: {  	s26 =	sadd.s32 $0x1B600, s7;
	[dreg:$0x4] =	wrdreg s1;
	s1 =	sadd.s32 s17, s2  }
0xf: {  	s14 =	simm.s32 $0x3;
	[dreg:$0xf] =	wrdreg s26;
	s18 =	sadd.s32 $0x400, s1  }
0x10: {  	s15 =	simm.s32 $0x4;
	s19 =	sadd.s32 $0x800, s1;
	[dreg:$0x6] =	wrdreg s18  }
0x11: {  	s8 =	sadd.s32 s6, s2;
	s20 =	sadd.s32 $0xC00, s1;
	[dreg:$0x7] =	wrdreg s19  }
0x12: {  	s6 =	simm.s32 $0xA800;
	s21 =	sadd.s32 $0x1000, s1;
	[dreg:$0x8] =	wrdreg s20  }
0x13: {  	s9 =	simm.s32 $0xB800;
	s22 =	sadd.s32 $0x1400, s1;
	[dreg:$0x9] =	wrdreg s21  }
0x14: {  	s0 =	simm.s32 $0x8800;
	s23 =	sadd.s32 $0x1800, s1;
	[dreg:$0xa] =	wrdreg s22  }
0x15: {  	s5 =	simm.s32 $0xA000;
	s24 =	sadd.s32 $0x1C00, s1;
	[dreg:$0xb] =	wrdreg s23  }
0x16: {  	s7 =	simm.s32 $0xB000;
	s25 =	sadd.s32 $0x2000, s1;
	[dreg:$0xc] =	wrdreg s24  }
0x17: {  	s26 =	simm.s32 $0x9800;
	s1 =	sadd.s32 $0x2400, s1;
	[dreg:$0xd] =	wrdreg s25  }
0x18: {  	s16 =	simm.s32 $0x0;
	[dreg:$0xe] =	wrdreg s1;
	s20 =	simm.s32 $0x5  }
0x19: {  	s22 =	simm.s32 $0xD000;
	s23 =	simm.s32 $0x80;
	s24 =	simm.s32 $0x5000  }
0x1a: {  	s25 =	simm.s32 $0x5800;
	s1 =	simm.s32 $0x7000;
	s21 =	simm.s32 $0x7800  }
.LBB2_1:
0x1b: {  	s17 =	rddreg [dreg:$0x3]  }
0x1c: {  	[tilespmem:s3], [sflag:$0x5] =	stream.linear.gather [hbm4b:s17+s3], $0x2800, $0x38;
	[tilespmem:$0x12000] =	vst v63  }
0x1d: {  	_ =	swait.ge [sflag:s20], $0x2800  }
0x1e: {  	[sflag:s20] =	ssyncset.done $0x0  }
0x1f: {  	s18 =	simm.s32 $0x2800;
	s19 =	rddreg [dreg:$0x4];
	[sflag:s20] =	ssyncadd.s32 $0xFFFFD800  }
0x20: {  	[tilespmem:s18], [sflag:$0x5] =	stream.linear.gather [hbm4b:s19+s3], $0x2800, $0x38;
	[tilespmem:$0x12000] =	vst v63  }
0x21: {  	_ =	swait.ge [sflag:s20], $0x2800  }
0x22: {  	[sflag:s20] =	ssyncset.done $0x0  }
0x23: {  	s19 =	rddreg [dreg:$0x5];
	[sflag:s20] =	ssyncadd.s32 $0xFFFFD800  }
0x24: {  	[tilespmem:s22], [sflag:$0x5] =	stream.linear.gather [hbm4b:s19+s3], $0x400, $0x38;
	[tilespmem:$0x12000] =	vst v63  }
0x25: {  	_ =	swait.ge [sflag:s20], $0x400  }
0x26: {  	[sflag:s20] =	ssyncset.done $0x0  }
0x27: {  	[sflag:s20] =	ssyncadd.s32 $0xFFFFFC00  }
0x28: {  	[spmem:s8] =	stream.linear.scatter [tilespmem:s22], [sflag:$0x5], $0x400, $0x38;
	[tilespmem:$0x12000] =	vst v63  }
0x29: {  	_ =	swait.ge [sflag:s20], $0x400  }
0x2a: {  	[sflag:s20] =	ssyncset.done $0x0  }
0x2b: {  	s18 =	rddreg [dreg:$0x6];
	[sflag:s20] =	ssyncadd.s32 $0xFFFFFC00  }
0x2c: {  	[spmem:s18] =	stream.linear.scatter [tilespmem:s22], [sflag:$0x5], $0x400, $0x38;
	[tilespmem:$0x12000] =	vst v63  }
0x2d: {  	_ =	swait.ge [sflag:s20], $0x400  }
0x2e: {  	[sflag:s20] =	ssyncset.done $0x0  }
0x2f: {  	s19 =	rddreg [dreg:$0x7];
	[sflag:s20] =	ssyncadd.s32 $0xFFFFFC00  }
0x30: {  	[spmem:s19] =	stream.linear.scatter [tilespmem:s22], [sflag:$0x5], $0x400, $0x38;
	[tilespmem:$0x12000] =	vst v63  }
0x31: {  	_ =	swait.ge [sflag:s20], $0x400  }
0x32: {  	[sflag:s20] =	ssyncset.done $0x0  }
0x33: {  	s18 =	rddreg [dreg:$0x8];
	[sflag:s20] =	ssyncadd.s32 $0xFFFFFC00  }
0x34: {  	[spmem:s18] =	stream.linear.scatter [tilespmem:s22], [sflag:$0x5], $0x400, $0x38;
	[tilespmem:$0x12000] =	vst v63  }
0x35: {  	_ =	swait.ge [sflag:s20], $0x400  }
0x36: {  	[sflag:s20] =	ssyncset.done $0x0  }
0x37: {  	s19 =	rddreg [dreg:$0x9];
	[sflag:s20] =	ssyncadd.s32 $0xFFFFFC00  }
0x38: {  	[spmem:s19] =	stream.linear.scatter [tilespmem:s22], [sflag:$0x5], $0x400, $0x38;
	[tilespmem:$0x12000] =	vst v63  }
0x39: {  	_ =	swait.ge [sflag:s20], $0x400  }
0x3a: {  	[sflag:s20] =	ssyncset.done $0x0  }
0x3b: {  	s18 =	rddreg [dreg:$0xa];
	[sflag:s20] =	ssyncadd.s32 $0xFFFFFC00  }
0x3c: {  	[spmem:s18] =	stream.linear.scatter [tilespmem:s22], [sflag:$0x5], $0x400, $0x38;
	[tilespmem:$0x12000] =	vst v63  }
0x3d: {  	_ =	swait.ge [sflag:s20], $0x400  }
0x3e: {  	[sflag:s20] =	ssyncset.done $0x0  }
0x3f: {  	s19 =	rddreg [dreg:$0xb];
	[sflag:s20] =	ssyncadd.s32 $0xFFFFFC00  }
0x40: {  	[spmem:s19] =	stream.linear.scatter [tilespmem:s22], [sflag:$0x5], $0x400, $0x38;
	[tilespmem:$0x12000] =	vst v63  }
0x41: {  	_ =	swait.ge [sflag:s20], $0x400  }
0x42: {  	[sflag:s20] =	ssyncset.done $0x0  }
0x43: {  	s18 =	rddreg [dreg:$0xc];
	[sflag:s20] =	ssyncadd.s32 $0xFFFFFC00  }
0x44: {  	[spmem:s18] =	stream.linear.scatter [tilespmem:s22], [sflag:$0x5], $0x400, $0x38;
	[tilespmem:$0x12000] =	vst v63  }
0x45: {  	_ =	swait.ge [sflag:s20], $0x400  }
0x46: {  	[sflag:s20] =	ssyncset.done $0x0  }
0x47: {  	s19 =	rddreg [dreg:$0xd];
	[sflag:s20] =	ssyncadd.s32 $0xFFFFFC00  }
0x48: {  	[spmem:s19] =	stream.linear.scatter [tilespmem:s22], [sflag:$0x5], $0x400, $0x38;
	[tilespmem:$0x12000] =	vst v63  }
0x49: {  	_ =	swait.ge [sflag:s20], $0x400  }
0x4a: {  	[sflag:s20] =	ssyncset.done $0x0  }
0x4b: {  	s18 =	rddreg [dreg:$0xe];
	[sflag:s20] =	ssyncadd.s32 $0xFFFFFC00  }
0x4c: {  	[spmem:s18] =	stream.linear.scatter [tilespmem:s22], [sflag:$0x5], $0x400, $0x38;
	[tilespmem:$0x12000] =	vst v63  }
0x4d: {  	_ =	swait.ge [sflag:s20], $0x400  }
0x4e: {  	[sflag:s20] =	ssyncset.done $0x0  }
0x4f: {  	[sflag:s20] =	ssyncadd.s32 $0xFFFFFC00  }
0x50: {  	[bflag:$0x0] =	sbarrier.arrive $0xFFFF  }
0x51: {  	[tilespmem:s24], [sflag:$0x1] =	stream.indirect.gather [hbm4b:s4+s23], $0x10, s3, s23, $0xb8;
	[tilespmem:$0x12000] =	vst v63  }
0x52: {  	_ = 	snop  }
0x53: {  	[tilespmem:s25], [sflag:$0x1] =	stream.indirect.gather [hbm4b:s4+s23], $0x10, s23, s23, $0xb8;
	[tilespmem:$0x12000] =	vst v63  }
0x54: {  	s19 =	simm.s32 $0x100  }
0x55: {  	[tilespmem:s28], [sflag:$0x1] =	stream.indirect.gather [hbm4b:s4+s23], $0x10, s19, s23, $0xb8;
	[tilespmem:$0x12000] =	vst v63  }
0x56: {  	s18 =	simm.s32 $0x180  }
0x57: {  	[tilespmem:s30], [sflag:$0x1] =	stream.indirect.gather [hbm4b:s4+s23], $0x10, s18, s23, $0xb8;
	[tilespmem:$0x12000] =	vst v63  }
0x58: {  	s19 =	simm.s32 $0x200  }
0x59: {  	[tilespmem:s1], [sflag:$0x1] =	stream.indirect.gather [hbm4b:s4+s23], $0x10, s19, s23, $0xb8;
	[tilespmem:$0x12000] =	vst v63  }
0x5a: {  	s18 =	simm.s32 $0x280  }
0x5b: {  	[tilespmem:s21], [sflag:$0x1] =	stream.indirect.gather [hbm4b:s4+s23], $0x10, s18, s23, $0xb8;
	[tilespmem:$0x12000] =	vst v63  }
0x5c: {  	s19 =	simm.s32 $0x300  }
0x5d: {  	[tilespmem:s29], [sflag:$0x1] =	stream.indirect.gather [hbm4b:s4+s23], $0x10, s19, s23, $0xb8;
	[tilespmem:$0x12000] =	vst v63  }
0x5e: {  	s18 =	simm.s32 $0x380  }
0x5f: {  	[tilespmem:s0], [sflag:$0x1] =	stream.indirect.gather [hbm4b:s4+s23], $0x10, s18, s23, $0xb8;
	[tilespmem:$0x12000] =	vst v63  }
0x60: {  	s19 =	simm.s32 $0x400  }
0x61: {  	[tilespmem:s31], [sflag:$0x2] =	stream.indirect.gather [hbm4b:s4+s23], $0x10, s19, s23, $0xb8;
	[tilespmem:$0x12000] =	vst v63  }
0x62: {  	s18 =	simm.s32 $0x480  }
0x63: {  	[tilespmem:s26], [sflag:$0x2] =	stream.indirect.gather [hbm4b:s4+s23], $0x10, s18, s23, $0xb8;
	[tilespmem:$0x12000] =	vst v63  }
0x64: {  	s19 =	simm.s32 $0x500  }
0x65: {  	[tilespmem:s5], [sflag:$0x2] =	stream.indirect.gather [hbm4b:s4+s23], $0x10, s19, s23, $0xb8;
	[tilespmem:$0x12000] =	vst v63  }
0x66: {  	s18 =	simm.s32 $0x580  }
0x67: {  	[tilespmem:s6], [sflag:$0x2] =	stream.indirect.gather [hbm4b:s4+s23], $0x10, s18, s23, $0xb8;
	[tilespmem:$0x12000] =	vst v63  }
0x68: {  	s19 =	simm.s32 $0x600  }
0x69: {  	[tilespmem:s7], [sflag:$0x2] =	stream.indirect.gather [hbm4b:s4+s23], $0x10, s19, s23, $0xb8;
	[tilespmem:$0x12000] =	vst v63  }
0x6a: {  	s18 =	simm.s32 $0x680  }
0x6b: {  	[tilespmem:s9], [sflag:$0x2] =	stream.indirect.gather [hbm4b:s4+s23], $0x10, s18, s23, $0xb8;
	[tilespmem:$0x12000] =	vst v63  }
0x6c: {  	s19 =	simm.s32 $0x700  }
0x6d: {  	[tilespmem:s10], [sflag:$0x2] =	stream.indirect.gather [hbm4b:s4+s23], $0x10, s19, s23, $0xb8;
	[tilespmem:$0x12000] =	vst v63  }
0x6e: {  	s18 =	simm.s32 $0x780  }
0x6f: {  	[tilespmem:s11], [sflag:$0x2] =	stream.indirect.gather [hbm4b:s4+s23], $0x10, s18, s23, $0xb8;
	[tilespmem:$0x12000] =	vst v63  }
0x70: {  	_ =	swait.ge [sflag:s12], $0x4000  }
0x71: {  	[sflag:s12] =	ssyncset.done $0x0  }
0x72: {  	s19 =	simm.s32 $0x2800;
	[sflag:s12] =	ssyncadd.s32 $0xFFFFC000  }
0x73: {  	[spmem:s2] =	stream.indirect.scatter.add.f32 [tilespmem:s24], [sflag:$0x3], $0x10, s19, s23, $0xb8;
	[tilespmem:$0x12000] =	vst v63  }
0x74: {  	s18 =	simm.s32 $0x2880  }
0x75: {  	[spmem:s2] =	stream.indirect.scatter.add.f32 [tilespmem:s25], [sflag:$0x3], $0x10, s18, s23, $0xb8;
	[tilespmem:$0x12000] =	vst v63  }
0x76: {  	s19 =	simm.s32 $0x2900  }
0x77: {  	[spmem:s2] =	stream.indirect.scatter.add.f32 [tilespmem:s28], [sflag:$0x3], $0x10, s19, s23, $0xb8;
	[tilespmem:$0x12000] =	vst v63  }
0x78: {  	s18 =	simm.s32 $0x2980  }
0x79: {  	[spmem:s2] =	stream.indirect.scatter.add.f32 [tilespmem:s30], [sflag:$0x3], $0x10, s18, s23, $0xb8;
	[tilespmem:$0x12000] =	vst v63  }
0x7a: {  	s19 =	simm.s32 $0x2A00  }
0x7b: {  	[spmem:s2] =	stream.indirect.scatter.add.f32 [tilespmem:s1], [sflag:$0x3], $0x10, s19, s23, $0xb8;
	[tilespmem:$0x12000] =	vst v63  }
0x7c: {  	s18 =	simm.s32 $0x2A80  }
0x7d: {  	[spmem:s2] =	stream.indirect.scatter.add.f32 [tilespmem:s21], [sflag:$0x3], $0x10, s18, s23, $0xb8;
	[tilespmem:$0x12000] =	vst v63  }
0x7e: {  	s19 =	simm.s32 $0x2B00  }
0x7f: {  	[spmem:s2] =	stream.indirect.scatter.add.f32 [tilespmem:s29], [sflag:$0x3], $0x10, s19, s23, $0xb8;
	[tilespmem:$0x12000] =	vst v63  }
0x80: {  	s18 =	simm.s32 $0x2B80  }
0x81: {  	[spmem:s2] =	stream.indirect.scatter.add.f32 [tilespmem:s0], [sflag:$0x3], $0x10, s18, s23, $0xb8;
	[tilespmem:$0x12000] =	vst v63  }
0x82: {  	_ =	swait.ge [sflag:s13], $0x4000  }
0x83: {  	[sflag:s13] =	ssyncset.done $0x0  }
0x84: {  	s19 =	simm.s32 $0x2C00;
	[sflag:s13] =	ssyncadd.s32 $0xFFFFC000  }
0x85: {  	[spmem:s2] =	stream.indirect.scatter.add.f32 [tilespmem:s31], [sflag:$0x4], $0x10, s19, s23, $0xb8;
	[tilespmem:$0x12000] =	vst v63  }
0x86: {  	s18 =	simm.s32 $0x2C80  }
0x87: {  	[spmem:s2] =	stream.indirect.scatter.add.f32 [tilespmem:s26], [sflag:$0x4], $0x10, s18, s23, $0xb8;
	[tilespmem:$0x12000] =	vst v63  }
0x88: {  	s19 =	simm.s32 $0x2D00  }
0x89: {  	[spmem:s2] =	stream.indirect.scatter.add.f32 [tilespmem:s5], [sflag:$0x4], $0x10, s19, s23, $0xb8;
	[tilespmem:$0x12000] =	vst v63  }
0x8a: {  	s18 =	simm.s32 $0x2D80  }
0x8b: {  	[spmem:s2] =	stream.indirect.scatter.add.f32 [tilespmem:s6], [sflag:$0x4], $0x10, s18, s23, $0xb8;
	[tilespmem:$0x12000] =	vst v63  }
0x8c: {  	s19 =	simm.s32 $0x2E00  }
0x8d: {  	[spmem:s2] =	stream.indirect.scatter.add.f32 [tilespmem:s7], [sflag:$0x4], $0x10, s19, s23, $0xb8;
	[tilespmem:$0x12000] =	vst v63  }
0x8e: {  	s18 =	simm.s32 $0x2E80  }
0x8f: {  	[spmem:s2] =	stream.indirect.scatter.add.f32 [tilespmem:s9], [sflag:$0x4], $0x10, s18, s23, $0xb8;
	[tilespmem:$0x12000] =	vst v63  }
0x90: {  	s19 =	simm.s32 $0x2F00  }
0x91: {  	[spmem:s2] =	stream.indirect.scatter.add.f32 [tilespmem:s10], [sflag:$0x4], $0x10, s19, s23, $0xb8;
	[tilespmem:$0x12000] =	vst v63  }
0x92: {  	s18 =	simm.s32 $0x2F80  }
0x93: {  	[spmem:s2] =	stream.indirect.scatter.add.f32 [tilespmem:s11], [sflag:$0x4], $0x10, s18, s23, $0xb8;
	[tilespmem:$0x12000] =	vst v63  }
0x94: {  	_ =	swait.ge [sflag:s14], $0x4000  }
0x95: {  	[sflag:s14] =	ssyncset.done $0x0  }
0x96: {  	s19 =	simm.s32 $0x800;
	[sflag:s14] =	ssyncadd.s32 $0xFFFFC000  }
0x97: {  	[tilespmem:s24], [sflag:$0x1] =	stream.indirect.gather [hbm4b:s4+s23], $0x10, s19, s23, $0xb8;
	[tilespmem:$0x12000] =	vst v63  }
0x98: {  	s18 =	simm.s32 $0x880  }
0x99: {  	[tilespmem:s25], [sflag:$0x1] =	stream.indirect.gather [hbm4b:s4+s23], $0x10, s18, s23, $0xb8;
	[tilespmem:$0x12000] =	vst v63  }
0x9a: {  	s19 =	simm.s32 $0x900  }
0x9b: {  	[tilespmem:s28], [sflag:$0x1] =	stream.indirect.gather [hbm4b:s4+s23], $0x10, s19, s23, $0xb8;
	[tilespmem:$0x12000] =	vst v63  }
0x9c: {  	s18 =	simm.s32 $0x980  }
0x9d: {  	[tilespmem:s30], [sflag:$0x1] =	stream.indirect.gather [hbm4b:s4+s23], $0x10, s18, s23, $0xb8;
	[tilespmem:$0x12000] =	vst v63  }
0x9e: {  	s19 =	simm.s32 $0xA00  }
0x9f: {  	[tilespmem:s1], [sflag:$0x1] =	stream.indirect.gather [hbm4b:s4+s23], $0x10, s19, s23, $0xb8;
	[tilespmem:$0x12000] =	vst v63  }
0xa0: {  	s18 =	simm.s32 $0xA80  }
0xa1: {  	[tilespmem:s21], [sflag:$0x1] =	stream.indirect.gather [hbm4b:s4+s23], $0x10, s18, s23, $0xb8;
	[tilespmem:$0x12000] =	vst v63  }
0xa2: {  	s19 =	simm.s32 $0xB00  }
0xa3: {  	[tilespmem:s29], [sflag:$0x1] =	stream.indirect.gather [hbm4b:s4+s23], $0x10, s19, s23, $0xb8;
	[tilespmem:$0x12000] =	vst v63  }
0xa4: {  	s18 =	simm.s32 $0xB80  }
0xa5: {  	[tilespmem:s0], [sflag:$0x1] =	stream.indirect.gather [hbm4b:s4+s23], $0x10, s18, s23, $0xb8;
	[tilespmem:$0x12000] =	vst v63  }
0xa6: {  	_ =	swait.ge [sflag:s15], $0x4000  }
0xa7: {  	[sflag:s15] =	ssyncset.done $0x0  }
0xa8: {  	s19 =	simm.s32 $0xC00;
	[sflag:s15] =	ssyncadd.s32 $0xFFFFC000  }
0xa9: {  	[tilespmem:s31], [sflag:$0x2] =	stream.indirect.gather [hbm4b:s4+s23], $0x10, s19, s23, $0xb8;
	[tilespmem:$0x12000] =	vst v63  }
0xaa: {  	s18 =	simm.s32 $0xC80  }
0xab: {  	[tilespmem:s26], [sflag:$0x2] =	stream.indirect.gather [hbm4b:s4+s23], $0x10, s18, s23, $0xb8;
	[tilespmem:$0x12000] =	vst v63  }
0xac: {  	s19 =	simm.s32 $0xD00  }
0xad: {  	[tilespmem:s5], [sflag:$0x2] =	stream.indirect.gather [hbm4b:s4+s23], $0x10, s19, s23, $0xb8;
	[tilespmem:$0x12000] =	vst v63  }
0xae: {  	s18 =	simm.s32 $0xD80  }
0xaf: {  	[tilespmem:s6], [sflag:$0x2] =	stream.indirect.gather [hbm4b:s4+s23], $0x10, s18, s23, $0xb8;
	[tilespmem:$0x12000] =	vst v63  }
0xb0: {  	s19 =	simm.s32 $0xE00  }
0xb1: {  	[tilespmem:s7], [sflag:$0x2] =	stream.indirect.gather [hbm4b:s4+s23], $0x10, s19, s23, $0xb8;
	[tilespmem:$0x12000] =	vst v63  }
0xb2: {  	s18 =	simm.s32 $0xE80  }
0xb3: {  	[tilespmem:s9], [sflag:$0x2] =	stream.indirect.gather [hbm4b:s4+s23], $0x10, s18, s23, $0xb8;
	[tilespmem:$0x12000] =	vst v63  }
0xb4: {  	s17 =	simm.s32 $0x2000;
	s19 =	simm.s32 $0xF00;
	s18 =	simm.s32 $0xF80  }
0xb5: {  	[tilespmem:s10], [sflag:$0x2] =	stream.indirect.gather [hbm4b:s4+s23], $0x10, s19, s23, $0xb8;
	[tilespmem:$0x12000] =	vst v63  }
.LBB2_2:
0xb6: {  	[tilespmem:s11], [sflag:$0x2] =	stream.indirect.gather [hbm4b:s4+s23], $0x10, s18, s23, $0xb8;
	[tilespmem:$0x12000] =	vst v63  }
0xb7: {  	s18 =	smov.u32 s17  }
0xb8: {  	p0 =	sne.s32 s17, $0x6000;
	s17 =	sadd.s32 $0x2000, s17;
	_ =	swait.ge [sflag:s12], $0x4000  }
0xb9: {  	s18 =	sshra.s32 s18, $0x2;
	[sflag:s12] =	ssyncset.done $0x0  }
0xba: {  	s19 =	sadd.s32 $0x2800, s18;
	[sflag:s12] =	ssyncadd.s32 $0xFFFFC000  }
0xbb: {  	[spmem:s2] =	stream.indirect.scatter.add.f32 [tilespmem:s24], [sflag:$0x3], $0x10, s19, s23, $0xb8;
	[tilespmem:$0x12000] =	vst v63  }
0xbc: {  	s19 =	sadd.s32 $0x2880, s18  }
0xbd: {  	[spmem:s2] =	stream.indirect.scatter.add.f32 [tilespmem:s25], [sflag:$0x3], $0x10, s19, s23, $0xb8;
	[tilespmem:$0x12000] =	vst v63  }
0xbe: {  	s19 =	sadd.s32 $0x2900, s18  }
0xbf: {  	[spmem:s2] =	stream.indirect.scatter.add.f32 [tilespmem:s28], [sflag:$0x3], $0x10, s19, s23, $0xb8;
	[tilespmem:$0x12000] =	vst v63  }
0xc0: {  	s19 =	sadd.s32 $0x2980, s18  }
0xc1: {  	[spmem:s2] =	stream.indirect.scatter.add.f32 [tilespmem:s30], [sflag:$0x3], $0x10, s19, s23, $0xb8;
	[tilespmem:$0x12000] =	vst v63  }
0xc2: {  	s19 =	sadd.s32 $0x2A00, s18  }
0xc3: {  	[spmem:s2] =	stream.indirect.scatter.add.f32 [tilespmem:s1], [sflag:$0x3], $0x10, s19, s23, $0xb8;
	[tilespmem:$0x12000] =	vst v63  }
0xc4: {  	s19 =	sadd.s32 $0x2A80, s18  }
0xc5: {  	[spmem:s2] =	stream.indirect.scatter.add.f32 [tilespmem:s21], [sflag:$0x3], $0x10, s19, s23, $0xb8;
	[tilespmem:$0x12000] =	vst v63  }
0xc6: {  	s19 =	sadd.s32 $0x2B00, s18  }
0xc7: {  	[spmem:s2] =	stream.indirect.scatter.add.f32 [tilespmem:s29], [sflag:$0x3], $0x10, s19, s23, $0xb8;
	[tilespmem:$0x12000] =	vst v63  }
0xc8: {  	s19 =	sadd.s32 $0x2B80, s18  }
0xc9: {  	[spmem:s2] =	stream.indirect.scatter.add.f32 [tilespmem:s0], [sflag:$0x3], $0x10, s19, s23, $0xb8;
	[tilespmem:$0x12000] =	vst v63  }
0xca: {  	_ =	swait.ge [sflag:s13], $0x4000  }
0xcb: {  	[sflag:s13] =	ssyncset.done $0x0  }
0xcc: {  	s19 =	sadd.s32 $0x2C00, s18;
	[sflag:s13] =	ssyncadd.s32 $0xFFFFC000  }
0xcd: {  	[spmem:s2] =	stream.indirect.scatter.add.f32 [tilespmem:s31], [sflag:$0x4], $0x10, s19, s23, $0xb8;
	[tilespmem:$0x12000] =	vst v63  }
0xce: {  	s19 =	sadd.s32 $0x2C80, s18  }
0xcf: {  	[spmem:s2] =	stream.indirect.scatter.add.f32 [tilespmem:s26], [sflag:$0x4], $0x10, s19, s23, $0xb8;
	[tilespmem:$0x12000] =	vst v63  }
0xd0: {  	s19 =	sadd.s32 $0x2D00, s18  }
0xd1: {  	[spmem:s2] =	stream.indirect.scatter.add.f32 [tilespmem:s5], [sflag:$0x4], $0x10, s19, s23, $0xb8;
	[tilespmem:$0x12000] =	vst v63  }
0xd2: {  	s19 =	sadd.s32 $0x2D80, s18  }
0xd3: {  	[spmem:s2] =	stream.indirect.scatter.add.f32 [tilespmem:s6], [sflag:$0x4], $0x10, s19, s23, $0xb8;
	[tilespmem:$0x12000] =	vst v63  }
0xd4: {  	s19 =	sadd.s32 $0x2E00, s18  }
0xd5: {  	[spmem:s2] =	stream.indirect.scatter.add.f32 [tilespmem:s7], [sflag:$0x4], $0x10, s19, s23, $0xb8;
	[tilespmem:$0x12000] =	vst v63  }
0xd6: {  	s19 =	sadd.s32 $0x2E80, s18  }
0xd7: {  	[spmem:s2] =	stream.indirect.scatter.add.f32 [tilespmem:s9], [sflag:$0x4], $0x10, s19, s23, $0xb8;
	[tilespmem:$0x12000] =	vst v63  }
0xd8: {  	s19 =	sadd.s32 $0x2F00, s18  }
0xd9: {  	[spmem:s2] =	stream.indirect.scatter.add.f32 [tilespmem:s10], [sflag:$0x4], $0x10, s19, s23, $0xb8;
	[tilespmem:$0x12000] =	vst v63  }
0xda: {  	s19 =	sadd.s32 $0x2F80, s18  }
0xdb: {  	[spmem:s2] =	stream.indirect.scatter.add.f32 [tilespmem:s11], [sflag:$0x4], $0x10, s19, s23, $0xb8;
	[tilespmem:$0x12000] =	vst v63  }
0xdc: {  	_ =	swait.ge [sflag:s14], $0x4000  }
0xdd: {  	[sflag:s14] =	ssyncset.done $0x0  }
0xde: {  	s19 =	sadd.s32 $0x800, s18;
	[sflag:s14] =	ssyncadd.s32 $0xFFFFC000  }
0xdf: {  	[tilespmem:s24], [sflag:$0x1] =	stream.indirect.gather [hbm4b:s4+s23], $0x10, s19, s23, $0xb8;
	[tilespmem:$0x12000] =	vst v63  }
0xe0: {  	s19 =	sadd.s32 $0x880, s18  }
0xe1: {  	[tilespmem:s25], [sflag:$0x1] =	stream.indirect.gather [hbm4b:s4+s23], $0x10, s19, s23, $0xb8;
	[tilespmem:$0x12000] =	vst v63  }
0xe2: {  	s19 =	sadd.s32 $0x900, s18  }
0xe3: {  	[tilespmem:s28], [sflag:$0x1] =	stream.indirect.gather [hbm4b:s4+s23], $0x10, s19, s23, $0xb8;
	[tilespmem:$0x12000] =	vst v63  }
0xe4: {  	s19 =	sadd.s32 $0x980, s18  }
0xe5: {  	[tilespmem:s30], [sflag:$0x1] =	stream.indirect.gather [hbm4b:s4+s23], $0x10, s19, s23, $0xb8;
	[tilespmem:$0x12000] =	vst v63  }
0xe6: {  	s19 =	sadd.s32 $0xA00, s18  }
0xe7: {  	[tilespmem:s1], [sflag:$0x1] =	stream.indirect.gather [hbm4b:s4+s23], $0x10, s19, s23, $0xb8;
	[tilespmem:$0x12000] =	vst v63  }
0xe8: {  	s19 =	sadd.s32 $0xA80, s18  }
0xe9: {  	[tilespmem:s21], [sflag:$0x1] =	stream.indirect.gather [hbm4b:s4+s23], $0x10, s19, s23, $0xb8;
	[tilespmem:$0x12000] =	vst v63  }
0xea: {  	s19 =	sadd.s32 $0xB00, s18  }
0xeb: {  	[tilespmem:s29], [sflag:$0x1] =	stream.indirect.gather [hbm4b:s4+s23], $0x10, s19, s23, $0xb8;
	[tilespmem:$0x12000] =	vst v63  }
0xec: {  	s19 =	sadd.s32 $0xB80, s18  }
0xed: {  	[tilespmem:s0], [sflag:$0x1] =	stream.indirect.gather [hbm4b:s4+s23], $0x10, s19, s23, $0xb8;
	[tilespmem:$0x12000] =	vst v63  }
0xee: {  	_ =	swait.ge [sflag:s15], $0x4000  }
0xef: {  	[sflag:s15] =	ssyncset.done $0x0  }
0xf0: {  	s19 =	sadd.s32 $0xC00, s18;
	[sflag:s15] =	ssyncadd.s32 $0xFFFFC000  }
0xf1: {  	[tilespmem:s31], [sflag:$0x2] =	stream.indirect.gather [hbm4b:s4+s23], $0x10, s19, s23, $0xb8;
	[tilespmem:$0x12000] =	vst v63  }
0xf2: {  	s19 =	sadd.s32 $0xC80, s18  }
0xf3: {  	[tilespmem:s26], [sflag:$0x2] =	stream.indirect.gather [hbm4b:s4+s23], $0x10, s19, s23, $0xb8;
	[tilespmem:$0x12000] =	vst v63  }
0xf4: {  	s19 =	sadd.s32 $0xD00, s18  }
0xf5: {  	[tilespmem:s5], [sflag:$0x2] =	stream.indirect.gather [hbm4b:s4+s23], $0x10, s19, s23, $0xb8;
	[tilespmem:$0x12000] =	vst v63  }
0xf6: {  	s19 =	sadd.s32 $0xD80, s18  }
0xf7: {  	[tilespmem:s6], [sflag:$0x2] =	stream.indirect.gather [hbm4b:s4+s23], $0x10, s19, s23, $0xb8;
	[tilespmem:$0x12000] =	vst v63  }
0xf8: {  	s19 =	sadd.s32 $0xE00, s18  }
0xf9: {  	[tilespmem:s7], [sflag:$0x2] =	stream.indirect.gather [hbm4b:s4+s23], $0x10, s19, s23, $0xb8;
	[tilespmem:$0x12000] =	vst v63  }
.Ltmp0:
0xfa: {  	s19 =	sadd.s32 $0xE80, s18;
	(pc) =	sbr.rel @p0 .LBB2_2-.Ltmp0, $4  }
0xfb: {  	[tilespmem:s9], [sflag:$0x2] =	stream.indirect.gather [hbm4b:s4+s23], $0x10, s19, s23, $0xb8;
	[tilespmem:$0x12000] =	vst v63  }
0xfc: {  	s19 =	sadd.s32 $0xF00, s18  }
0xfd: {  	[tilespmem:s10], [sflag:$0x2] =	stream.indirect.gather [hbm4b:s4+s23], $0x10, s19, s23, $0xb8;
	[tilespmem:$0x12000] =	vst v63  }
0xfe: {  	s18 =	sadd.s32 $0xF80, s18  }
0xff: {  	[tilespmem:s11], [sflag:$0x2] =	stream.indirect.gather [hbm4b:s4+s23], $0x10, s18, s23, $0xb8;
	[tilespmem:$0x12000] =	vst v63  }
0x100: {  	_ =	swait.ge [sflag:s12], $0x4000  }
0x101: {  	[sflag:s12] =	ssyncset.done $0x0  }
0x102: {  	s17 =	simm.s32 $0x4800;
	[sflag:s12] =	ssyncadd.s32 $0xFFFFC000  }
0x103: {  	[spmem:s2] =	stream.indirect.scatter.add.f32 [tilespmem:s24], [sflag:$0x3], $0x10, s17, s23, $0xb8;
	[tilespmem:$0x12000] =	vst v63  }
0x104: {  	s19 =	simm.s32 $0x4880  }
0x105: {  	[spmem:s2] =	stream.indirect.scatter.add.f32 [tilespmem:s25], [sflag:$0x3], $0x10, s19, s23, $0xb8;
	[tilespmem:$0x12000] =	vst v63  }
0x106: {  	s18 =	simm.s32 $0x4900  }
0x107: {  	[spmem:s2] =	stream.indirect.scatter.add.f32 [tilespmem:s28], [sflag:$0x3], $0x10, s18, s23, $0xb8;
	[tilespmem:$0x12000] =	vst v63  }
0x108: {  	s19 =	simm.s32 $0x4980  }
0x109: {  	[spmem:s2] =	stream.indirect.scatter.add.f32 [tilespmem:s30], [sflag:$0x3], $0x10, s19, s23, $0xb8;
	[tilespmem:$0x12000] =	vst v63  }
0x10a: {  	s18 =	simm.s32 $0x4A00  }
0x10b: {  	[spmem:s2] =	stream.indirect.scatter.add.f32 [tilespmem:s1], [sflag:$0x3], $0x10, s18, s23, $0xb8;
	[tilespmem:$0x12000] =	vst v63  }
0x10c: {  	s19 =	simm.s32 $0x4A80  }
0x10d: {  	[spmem:s2] =	stream.indirect.scatter.add.f32 [tilespmem:s21], [sflag:$0x3], $0x10, s19, s23, $0xb8;
	[tilespmem:$0x12000] =	vst v63  }
0x10e: {  	s18 =	simm.s32 $0x4B00  }
0x10f: {  	[spmem:s2] =	stream.indirect.scatter.add.f32 [tilespmem:s29], [sflag:$0x3], $0x10, s18, s23, $0xb8;
	[tilespmem:$0x12000] =	vst v63  }
0x110: {  	s19 =	simm.s32 $0x4B80  }
0x111: {  	[spmem:s2] =	stream.indirect.scatter.add.f32 [tilespmem:s0], [sflag:$0x3], $0x10, s19, s23, $0xb8;
	[tilespmem:$0x12000] =	vst v63  }
0x112: {  	_ =	swait.ge [sflag:s13], $0x4000  }
0x113: {  	[sflag:s13] =	ssyncset.done $0x0  }
0x114: {  	s18 =	simm.s32 $0x4C00;
	[sflag:s13] =	ssyncadd.s32 $0xFFFFC000  }
0x115: {  	[spmem:s2] =	stream.indirect.scatter.add.f32 [tilespmem:s31], [sflag:$0x4], $0x10, s18, s23, $0xb8;
	[tilespmem:$0x12000] =	vst v63  }
0x116: {  	s19 =	simm.s32 $0x4C80  }
0x117: {  	[spmem:s2] =	stream.indirect.scatter.add.f32 [tilespmem:s26], [sflag:$0x4], $0x10, s19, s23, $0xb8;
	[tilespmem:$0x12000] =	vst v63  }
0x118: {  	s18 =	simm.s32 $0x4D00  }
0x119: {  	[spmem:s2] =	stream.indirect.scatter.add.f32 [tilespmem:s5], [sflag:$0x4], $0x10, s18, s23, $0xb8;
	[tilespmem:$0x12000] =	vst v63  }
0x11a: {  	s19 =	simm.s32 $0x4D80  }
0x11b: {  	[spmem:s2] =	stream.indirect.scatter.add.f32 [tilespmem:s6], [sflag:$0x4], $0x10, s19, s23, $0xb8;
	[tilespmem:$0x12000] =	vst v63  }
0x11c: {  	s18 =	simm.s32 $0x4E00  }
0x11d: {  	[spmem:s2] =	stream.indirect.scatter.add.f32 [tilespmem:s7], [sflag:$0x4], $0x10, s18, s23, $0xb8;
	[tilespmem:$0x12000] =	vst v63  }
0x11e: {  	s19 =	simm.s32 $0x4E80  }
0x11f: {  	[spmem:s2] =	stream.indirect.scatter.add.f32 [tilespmem:s9], [sflag:$0x4], $0x10, s19, s23, $0xb8;
	[tilespmem:$0x12000] =	vst v63  }
0x120: {  	s18 =	simm.s32 $0x4F00  }
0x121: {  	[spmem:s2] =	stream.indirect.scatter.add.f32 [tilespmem:s10], [sflag:$0x4], $0x10, s18, s23, $0xb8;
	[tilespmem:$0x12000] =	vst v63  }
0x122: {  	s19 =	simm.s32 $0x4F80  }
0x123: {  	[spmem:s2] =	stream.indirect.scatter.add.f32 [tilespmem:s11], [sflag:$0x4], $0x10, s19, s23, $0xb8;
	[tilespmem:$0x12000] =	vst v63  }
0x124: {  	_ =	swait.ge [sflag:s14], $0x4000  }
0x125: {  	[sflag:s14] =	ssyncset.done $0x0  }
0x126: {  	[sflag:s14] =	ssyncadd.s32 $0xFFFFC000  }
0x127: {  	_ =	swait.ge [sflag:s15], $0x4000  }
0x128: {  	[sflag:s15] =	ssyncset.done $0x0  }
0x129: {  	[sflag:s15] =	ssyncadd.s32 $0xFFFFC000  }
0x12a: {  	[bflag:$0x0] =	sbarrier.arrive $0xFFFF  }
0x12b: {  	[tilespmem:s22], [sflag:$0x5] =	stream.linear.gather [spmem:s8], $0x2800, $0x38;
	[tilespmem:$0x12000] =	vst v63  }
0x12c: {  	_ =	swait.ge [sflag:s20], $0x2800  }
0x12d: {  	[sflag:s20] =	ssyncset.done $0x0  }
0x12e: {  	s18 =	rddreg [dreg:$0xf];
	[sflag:s20] =	ssyncadd.s32 $0xFFFFD800  }
0x12f: {  	[hbm4b:s18+s3] =	stream.linear.scatter [tilespmem:s22], [sflag:$0x5], $0x2800, $0x38;
	[tilespmem:$0x12000] =	vst v63  }
0x130: {  	_ =	swait.ge [sflag:s20], $0x2800  }
0x131: {  	s16 =	sadd.s32 $0x1, s16;
	s19 =	rddreg [dreg:$0x10]  }
0x132: {  	p0 =	sne.s32 s16, s19  }
.Ltmp1:
0x133: {  	_ = 	snop;
	(pc) =	sbr.rel @p0 .LBB2_1-.Ltmp1, $3  }
0x134: {  	_ =	sdelay $0x1  }
0x135: {  	[sflag:s20] =	ssyncset.done $0x0  }
0x136: {  	[sflag:s20] =	ssyncadd.s32 $0xFFFFD800  }
0x137: {  	_ =	sfence.sel $0x180000  }
0x138: {  	[bflag:$0x0] =	sbarrier.arrive $0xFFFF  }
0x139: {  	_ =	strace $0x9000004A  }
0x13a: {  	s0 =	stileid.u32;
	[bflag:$0x2] =	sbarrier.arrive $0xFFFF  }
0x13b: {  	p0 =	sne.s32 s0, $0x0;
	s0 =	rddreg [dreg:$0x2]  }
0x13c: {  	s0 =	sadd.s32 @!p0 $0x100000, s0  }
0x13d: {  	[sflag:s0] =	ssyncadd.tile.s32 @!p0 $0x1;
	_ =	shalt  }
.Lfunc_end2:
_tile_overlayer_lowered:
.L_overlay_start_2:
0x13e: {  	(tag) =	ssettag $0x2  }
0x13f: {  	s0 =	rddreg [dreg:$0x0];
	s2 =	stileid.u32  }
0x140: {  	s1 =	rddreg [dreg:$0x1];
	p0 =	sne.s32 s2, $0x0  }
0x141: {  	s3 =	rddreg [dreg:$0x2];
	[bflag:$0x3] =	sbarrier.arrive $0xFFFF;
	s2 =	simm.s32 @!p0 $0x1C05  }
0x142: {  	[timem:s3], [sflag:s2] =	dma.local @!p0 [hbm:s0], s1  }
0x143: {  	s0 =	simm.s32 @!p0 $0x5  }
0x144: {  	_ =	swait.ge @!p0 [sflag:s0], s1  }
0x145: {  	s1 =	ssub.s32 @!p0 $0x0, s1;
	[sflag:s0] =	ssyncset.done @!p0 $0x0  }
0x146: {  	[sflag:s0] =	ssyncadd.s32 @!p0 s1  }
0x147: {  	[bflag:$0x3] =	sbarrier.arrive $0xFFFF  }
0x148: {  	_ =	shalt  }

// kernel: kernel.14.cloned.1.call-start
scs
__scs_entry_jumppad:
0x0: {  	(pc) =	sbr.rel $0x88, $3  }
0x1: {  	(tag) =	ssettag $0x0;
	lr =	simm.s32 $0x1  }
0x2: {  	[smem:$0x3F9B] =	sst lr;
	_ =	strace $0xD0000000  }
0x3: {  	_ = 	snop  }
0x4: {  	_ = 	snop  }
0x5: {  	_ = 	snop  }
0x6: {  	_ = 	snop  }
0x7: {  	_ = 	snop  }
__scs_overlays_trampoline_lowered:
0x8: {  	[smem:$0x3FAA] =	sst s0  }
0x9: {  	[smem:$0x3FAB] =	sst s1  }
0xa: {  	[smem:$0x3FAC] =	sst s2  }
0xb: {  	[smem:$0x3FAD] =	sst s3  }
0xc: {  	[smem:$0x3FAE] =	sst s4  }
0xd: {  	[smem:$0x3FAF] =	sst s5  }
0xe: {  	[smem:$0x3FB0] =	sst s6  }
0xf: {  	[smem:$0x3FB1] =	sst s7  }
0x10: {  	[smem:$0x3FB2] =	sst s8  }
0x11: {  	[smem:$0x3FB3] =	sst s9;
	s0 =	simm.s32 @!p0 $0x0  }
0x12: {  	s1 =	sld [smem:$0x3F99];
	s0 =	simm.s32 @p0 $0x1  }
0x13: {  	[smem:$0x3FB4] =	sst s0;
	s0 =	simm.s32 @!p1 $0x0  }
0x14: {  	s2 =	sld [smem:$0x3F98];
	s0 =	simm.s32 @p1 $0x1  }
0x15: {  	[smem:$0x3FB5] =	sst s0;
	s0 =	simm.s32 @!p2 $0x0  }
0x16: {  	s3 =	sld [smem:$0x3FDB];
	s0 =	simm.s32 @p2 $0x1  }
0x17: {  	s4 =	simm.s32 $0x1BF5;
	[smem:$0x3FB7] =	sst s0  }
0x18: {  	s0 =	sld [smem:$0x3F9A];
	_ =	swait.ge [sflag:s4], $0x0  }
0x19: {  	s7 =	sld [smem:$0x3F9B]  }
0x1a: {  	s8 =	sadd.s32 $0xFFFFE003, lr  }
0x1b: {  	s9 =	sadd.s32 $0xFFFFFEF7, lr;
	s5 =	simm.s32 $0xFFFFFFFF;
	p2 =	slt.u32 s8, $0xFFFFF086  }
0x1c: {  	p1 =	slt.u32 s9, $0xF7A;
	s5 =	simm.s32 @!p2 $0x0  }
0x1d: {  	s5 =	simm.s32 @p1 $0x1;
	p0 =	seq.s32 s7, s2  }
0x1e: {  	s7 =	smul.u32 @!p0 $0xF7A, s2;
	p2 =	seq.s32 @!p0 s5, $0x0  }
0x1f: {  	s9 =	smul.u32 $0xF7A, s1;
	s8 =	simm.s32 @!p0 $0x1BF5;
	p2 =	por !p2, p0  }
0x20: {  	[sflag:s8] =	ssyncset.s32 @!p0 $0xFFFFF086;
	s6 =	sadd.s32 @!p0 s3, s7;
	s7 =	simm.s32 @!p0 $0x108  }
0x21: {  	s3 =	sadd.s32 s3, s9;
	s6 =	sadd.s32 @!p0 $0x88, s6;
	s7 =	simm.s32 @p2 $0x1082  }
0x22: {  	[simem:s7], [sflag:s8] =	dma.local @!p0 [hbm:s6], $0xF7A  }
0x23: {  	s9 =	sor.u32 $0xD0000000, s2;
	s6 =	simm.s32 $0x108;
	_ =	swait.ge @!p0 [sflag:s8], $0x0  }
0x24: {  	s3 =	sadd.s32 $0x88, s3;
	s6 =	simm.s32 @!p1 $0x1082;
	[sflag:s4] =	ssyncset.s32 $0xFFFFF086  }
0x25: {  	[simem:s6], [sflag:s4] =	dma.local [hbm:s3], $0xF7A  }
0x26: {  	[smem:$0x3F9B] =	sst s1;
	(tag) =	ssettag s2;
	_ =	strace s9  }
0x27: {  	s1 =	sld [smem:$0x3FAB]  }
0x28: {  	s2 =	sld [smem:$0x3FAC]  }
0x29: {  	s4 =	sld [smem:$0x3FAE]  }
0x2a: {  	p0 =	seq.s32 s5, $0x0;
	s5 =	sld [smem:$0x3FAF]  }
0x2b: {  	s6 =	sld [smem:$0x3FB0]  }
0x2c: {  	s7 =	sld [smem:$0x3FB1]  }
0x2d: {  	s3 =	simm.s32 $0x108;
	s8 =	sld [smem:$0x3FB2]  }
0x2e: {  	s3 =	simm.s32 @!p0 $0x1082;
	s9 =	sld [smem:$0x3FB3]  }
0x2f: {  	lr =	sadd.s32 s0, s3;
	s0 =	sld [smem:$0x3FAA]  }
0x30: {  	s3 =	sld [smem:$0x3FAD]  }
0x31: {  	[smem:$0x3FB6] =	sst s10  }
0x32: {  	s10 =	sld [smem:$0x3FB4];
	_ =	sdelay $0x3  }
0x33: {  	p0 =	seq.s32 s10, $0x1;
	s10 =	sld [smem:$0x3FB6];
	_ =	sdelay $0x3  }
0x34: {  	[smem:$0x3FB6] =	sst s10  }
0x35: {  	s10 =	sld [smem:$0x3FB5];
	_ =	sdelay $0x3  }
0x36: {  	p1 =	seq.s32 s10, $0x1;
	s10 =	sld [smem:$0x3FB6];
	_ =	sdelay $0x3  }
0x37: {  	[smem:$0x3FB6] =	sst s10  }
0x38: {  	s10 =	sld [smem:$0x3FB7]  }
0x39: {  	_ = 	snop;
	(pc) =	sbr.ind lr, $3  }
0x3a: {  	_ = 	snop  }
0x3b: {  	_ = 	snop  }
0x3c: {  	p2 =	seq.s32 s10, $0x1;
	s10 =	sld [smem:$0x3FB6]  }
0x3d: {  	_ =	shalt  }
0x3e: {  	_ =	shalt  }
0x3f: {  	_ =	shalt  }
0x40: {  	_ =	shalt  }
0x41: {  	_ =	shalt  }
0x42: {  	_ =	shalt  }
0x43: {  	_ =	shalt  }
0x44: {  	_ =	shalt  }
0x45: {  	_ =	shalt  }
0x46: {  	_ =	shalt  }
0x47: {  	_ =	shalt  }
0x48: {  	_ =	shalt  }
0x49: {  	_ =	shalt  }
0x4a: {  	_ =	shalt  }
0x4b: {  	_ =	shalt  }
0x4c: {  	_ =	shalt  }
0x4d: {  	_ =	shalt  }
0x4e: {  	_ =	shalt  }
0x4f: {  	_ =	shalt  }
0x50: {  	_ =	shalt  }
0x51: {  	_ =	shalt  }
0x52: {  	_ =	shalt  }
0x53: {  	_ =	shalt  }
0x54: {  	_ =	shalt  }
0x55: {  	_ =	shalt  }
0x56: {  	_ =	shalt  }
0x57: {  	_ =	shalt  }
0x58: {  	_ =	shalt  }
0x59: {  	_ =	shalt  }
0x5a: {  	_ =	shalt  }
0x5b: {  	_ =	shalt  }
0x5c: {  	_ =	shalt  }
0x5d: {  	_ =	shalt  }
0x5e: {  	_ =	shalt  }
0x5f: {  	_ =	shalt  }
0x60: {  	_ =	shalt  }
0x61: {  	_ =	shalt  }
0x62: {  	_ =	shalt  }
0x63: {  	_ =	shalt  }
0x64: {  	_ =	shalt  }
0x65: {  	_ =	shalt  }
0x66: {  	_ =	shalt  }
0x67: {  	_ =	shalt  }
0x68: {  	_ =	shalt  }
0x69: {  	_ =	shalt  }
0x6a: {  	_ =	shalt  }
0x6b: {  	_ =	shalt  }
0x6c: {  	_ =	shalt  }
0x6d: {  	_ =	shalt  }
0x6e: {  	_ =	shalt  }
0x6f: {  	_ =	shalt  }
0x70: {  	_ =	shalt  }
0x71: {  	_ =	shalt  }
0x72: {  	_ =	shalt  }
0x73: {  	_ =	shalt  }
0x74: {  	_ =	shalt  }
0x75: {  	_ =	shalt  }
0x76: {  	_ =	shalt  }
0x77: {  	_ =	shalt  }
0x78: {  	_ =	shalt  }
0x79: {  	_ =	shalt  }
0x7a: {  	_ =	shalt  }
0x7b: {  	_ =	shalt  }
0x7c: {  	_ =	shalt  }
0x7d: {  	_ =	shalt  }
0x7e: {  	_ =	shalt  }
0x7f: {  	_ =	shalt  }
0x80: {  	_ =	shalt  }
0x81: {  	_ =	shalt  }
0x82: {  	_ =	shalt  }
0x83: {  	_ =	shalt  }
0x84: {  	_ =	shalt  }
0x85: {  	_ =	shalt  }
0x86: {  	_ =	shalt  }
0x87: {  	_ =	shalt  }
.Lfunc_end0:
.L_simem_size_0:
called_computation.2_lowered:
.L_overlay_start_0:
0x88: {  	s2 =	sld [smem:$0x3FD9]  }
0x89: {  	s3 =	sld [smem:$0x3FFE];
	_ =	sdelay $0x1  }
0x8a: {  	s1 =	srdreg.scid  }
0x8b: {  	s0 =	sand.u32 $0x1, s1  }
0x8c: {  	s16 =	sshll.u32 s0, $0xA;
	s2 =	sadd.s32 s3, s2  }
0x8d: {  	s2 =	sadd.s32 s2, s16  }
0x8e: {  	[smem:$0x3FC2] =	sst s2  }
0x8f: {  	_ = 	snop  }
0x90: {  	(tm) =	ssettm $0x1  }
0x91: {  	s17 =	sld [smem:$0x3FFB];
	_ =	sdelay $0x3  }
0x92: {  	_ =	strace s17  }
0x93: {  	s2 =	sld [smem:$0x3FFC];
	_ =	sdelay $0x3  }
0x94: {  	_ =	strace s2  }
0x95: {  	s2 =	sld [smem:$0x3FFD];
	_ =	sdelay $0x3  }
0x96: {  	_ =	strace s2  }
0x97: {  	_ =	strace $0x8FFFFFFF  }
0x98: {  	s18 =	sld [smem:$0x3FDB];
	_ =	sdelay $0x1  }
0x99: {  	s19 =	simm.s32 $_scs_section_size  }
0x9a: {  	s4 =	simm.s32 $_size__tile_overlayer_lowered;
	s5 =	simm.s32 $_tile_overlayer_lowered  }
0x9b: {  	s22 =	simm.s32 $0x1BFF;
	s21 =	sshll.u32 s5, $0x1;
	s2 =	sadd.s32 s19, s18  }
0x9c: {  	s6 =	simm.s32 $0x0;
	s20 =	sshll.u32 s4, $0x1;
	s4 =	sadd.s32 s21, s2  }
0x9d: {  	[timem:s6], [sflag:s22] =	dma.local [hbm:s4], s20  }
0x9e: {  	_ =	swait.ge [sflag:s22], s20  }
0x9f: {  	s3 =	ssub.s32 $0x0, s20;
	[sflag:s22] =	ssyncset.done $0x0  }
0xa0: {  	[sflag:s22] =	ssyncadd.s32 s3;
	_ =	sdelay $0x1  }
0xa1: {  	s23 =	simm.s32 $0x1B8B  }
0xa2: {  	_ =	swait.ge [sflag:s23], $0x1  }
0xa3: {  	[sflag:s23] =	ssyncset.done $0x0  }
0xa4: {  	s25 =	simm.s32 $0x1B8E;
	s24 =	sld [smem:$0x3FFE];
	[sflag:s23] =	ssyncadd.s32 $0xFFFFFFFF  }
0xa5: {  	s26 =	simm.s32 $execute0_lowered;
	[smem:$0x3FD2] =	sst s25  }
0xa6: {  	s4 =	sshll.u32 s26, $0x1;
	_ =	strace $0x8000004C;
	[dreg:$0x1] =	wrdreg $0xFFFFFFFF  }
0xa7: {  	s28 =	simm.s32 $_size_execute0_lowered;
	s2 =	sadd.s32 s2, s4;
	[dreg:$0x0] =	wrdreg $0x0  }
0xa8: {  	s4 =	sshll.u32 s28, $0x1;
	[dreg:$0x2] =	wrdreg s2  }
0xa9: {  	[dreg:$0x3] =	wrdreg s4  }
0xaa: {  	[dreg:$0x4] =	wrdreg $0xC0  }
0xab: {  	_ =	task [dreg:s6], $0x5FFFF  }
0xac: {  	[dreg:$0x1] =	wrdreg $0xFFFFFFFF  }
0xad: {  	[dreg:$0x0] =	wrdreg $0x60  }
0xae: {  	[dreg:$0x2] =	wrdreg s24  }
0xaf: {  	[dreg:$0x3] =	wrdreg $0xF8000  }
0xb0: {  	[dreg:$0x4] =	wrdreg $0x9  }
0xb1: {  	_ =	task.clear_ibuf [dreg:s6], $0x5FFFF;
	_ =	strace $0x9000004C  }
0xb2: {  	s29 =	simm.s32 $0x9;
	_ =	strace $0x8000004E  }
0xb3: {  	_ =	swait.ge [sflag:s29], $0x1  }
0xb4: {  	[sflag:s29] =	ssyncadd.s32 $0xFFFFFFFF  }
0xb5: {  	_ =	strace $0x9000004E  }
0xb6: {  	_ =	sfence  }
0xb7: {  	s30 =	sld [smem:$0x0];
	_ =	sdelay $0x2  }
0xb8: {  	s31 =	sshll.u32 s1, $0xD;
	s1 =	sshrl.u32 s1, $0x2  }
0xb9: {  	s3 =	sand.u32 $0x4000, s31;
	s1 =	sadd.s32 s1, s30  }
0xba: {  	s0 =	sor.u32 s3, s0;
	s1 =	sshll.u32 s1, $0x11  }
0xbb: {  	s0 =	sor.u32 s1, s0  }
0xbc: {  	s0 =	sadd.s32 $0x8F2B, s0  }
0xbd: {  	[sflag:s0] =	ssyncadd.remote.s32 $0x1  }
0xbe: {  	_ =	sfence.sel $0xFFFF  }
0xbf: {  	[dreg:$0x0] =	wrdreg $0xFFFFFFFF;
	(pc) =	sbr.abs _section_cstart, $3  }
0xc0: {  	[dreg:$0x1] =	wrdreg $0xFFFFFFFF  }
0xc1: {  	_ =	task.clear_ibuf [dreg:s6], $0x2FFFF;
	_ =	strace $0x9FFFFFFF  }
0xc2: {  	(tm) =	ssettm $0x7FFFFFFF  }
0xc3: {  	_ =	shalt  }
tec
execute0_lowered:
.L_overlay_start_1:
0x0: {  	(tag) =	ssettag $0x1  }
0x1: {  	s0 =	srdreg.scid;
	s5 =	rddreg [dreg:$0x0]  }
0x2: {  	s9 =	stileid.u32;
	s2 =	rddreg [dreg:$0x1];
	s3 =	simm.s32 $0x0  }
0x3: {  	s28 =	simm.s32 $0x6000;
	s30 =	simm.s32 $0x6800;
	s29 =	simm.s32 $0x8000  }
0x4: {  	s31 =	simm.s32 $0x9000;
	s10 =	simm.s32 $0xC000;
	s11 =	simm.s32 $0xC800  }
0x5: {  	s12 =	simm.s32 $0x1;
	s0 =	sand.u32 $0x1, s0;
	s6 =	smul.u32 $0x2800, s9  }
0x6: {  	[smem:$0x7FF] =	sst s3;
	s1 =	sshll.u32 s0, $0x4;
	s4 =	smul.u32 $0x28000, s0  }
0x7: {  	_ =	strace $0x8000004D;
	s0 =	ssub.s32 $0x2, s0;
	s1 =	sor.u32 s9, s1  }
0x8: {  	s8 =	sshrl.u32 s0, $0x1;
	s1 =	smul.u32 $0x500, s1;
	s4 =	sadd.s32 s6, s4  }
0x9: {  	s9 =	smul.u32 $0xA000, s9;
	s0 =	ssub.s32 s0, s8;
	s7 =	sshrl.u32 s4, $0x3  }
0xa: {  	s4 =	sadd.s32 $0x16600, s5;
	s0 =	smax.u32 s0, $0x1;
	s1 =	sadd.s32 s1, s5  }
0xb: {  	s7 =	sadd.s32 s7, s5;
	s5 =	sadd.s32 $0x1B420, s5;
	[dreg:$0x10] =	wrdreg s0  }
0xc: {  	s13 =	simm.s32 $0x2;
	s16 =	sadd.s32 $0xC600, s1;
	[dreg:$0x5] =	wrdreg s5  }
0xd: {  	s17 =	sshrl.u32 s9, $0x2;
	s1 =	sadd.s32 $0x2600, s1;
	[dreg:$0x3] =	wrdreg s16  }
0xe: {  	s26 =	sadd.s32 $0x1B600, s7;
	[dreg:$0x4] =	wrdreg s1;
	s1 =	sadd.s32 s17, s2  }
0xf: {  	s14 =	simm.s32 $0x3;
	[dreg:$0xf] =	wrdreg s26;
	s18 =	sadd.s32 $0x400, s1  }
0x10: {  	s15 =	simm.s32 $0x4;
	s19 =	sadd.s32 $0x800, s1;
	[dreg:$0x6] =	wrdreg s18  }
0x11: {  	s8 =	sadd.s32 s6, s2;
	s20 =	sadd.s32 $0xC00, s1;
	[dreg:$0x7] =	wrdreg s19  }
0x12: {  	s6 =	simm.s32 $0xA800;
	s21 =	sadd.s32 $0x1000, s1;
	[dreg:$0x8] =	wrdreg s20  }
0x13: {  	s9 =	simm.s32 $0xB800;
	s22 =	sadd.s32 $0x1400, s1;
	[dreg:$0x9] =	wrdreg s21  }
0x14: {  	s0 =	simm.s32 $0x8800;
	s23 =	sadd.s32 $0x1800, s1;
	[dreg:$0xa] =	wrdreg s22  }
0x15: {  	s5 =	simm.s32 $0xA000;
	s24 =	sadd.s32 $0x1C00, s1;
	[dreg:$0xb] =	wrdreg s23  }
0x16: {  	s7 =	simm.s32 $0xB000;
	s25 =	sadd.s32 $0x2000, s1;
	[dreg:$0xc] =	wrdreg s24  }
0x17: {  	s26 =	simm.s32 $0x9800;
	s1 =	sadd.s32 $0x2400, s1;
	[dreg:$0xd] =	wrdreg s25  }
0x18: {  	s16 =	simm.s32 $0x0;
	[dreg:$0xe] =	wrdreg s1;
	s20 =	simm.s32 $0x5  }
0x19: {  	s22 =	simm.s32 $0xD000;
	s23 =	simm.s32 $0x80;
	s24 =	simm.s32 $0x5000  }
0x1a: {  	s25 =	simm.s32 $0x5800;
	s1 =	simm.s32 $0x7000;
	s21 =	simm.s32 $0x7800  }
.LBB2_1:
0x1b: {  	s17 =	rddreg [dreg:$0x3]  }
0x1c: {  	[tilespmem:s3], [sflag:$0x5] =	stream.linear.gather [hbm4b:s17+s3], $0x2800, $0x38;
	[tilespmem:$0x12000] =	vst v63  }
0x1d: {  	_ =	swait.ge [sflag:s20], $0x2800  }
0x1e: {  	[sflag:s20] =	ssyncset.done $0x0  }
0x1f: {  	s18 =	simm.s32 $0x2800;
	s19 =	rddreg [dreg:$0x4];
	[sflag:s20] =	ssyncadd.s32 $0xFFFFD800  }
0x20: {  	[tilespmem:s18], [sflag:$0x5] =	stream.linear.gather [hbm4b:s19+s3], $0x2800, $0x38;
	[tilespmem:$0x12000] =	vst v63  }
0x21: {  	_ =	swait.ge [sflag:s20], $0x2800  }
0x22: {  	[sflag:s20] =	ssyncset.done $0x0  }
0x23: {  	s19 =	rddreg [dreg:$0x5];
	[sflag:s20] =	ssyncadd.s32 $0xFFFFD800  }
0x24: {  	[tilespmem:s22], [sflag:$0x5] =	stream.linear.gather [hbm4b:s19+s3], $0x400, $0x38;
	[tilespmem:$0x12000] =	vst v63  }
0x25: {  	_ =	swait.ge [sflag:s20], $0x400  }
0x26: {  	[sflag:s20] =	ssyncset.done $0x0  }
0x27: {  	[sflag:s20] =	ssyncadd.s32 $0xFFFFFC00  }
0x28: {  	[spmem:s8] =	stream.linear.scatter [tilespmem:s22], [sflag:$0x5], $0x400, $0x38;
	[tilespmem:$0x12000] =	vst v63  }
0x29: {  	_ =	swait.ge [sflag:s20], $0x400  }
0x2a: {  	[sflag:s20] =	ssyncset.done $0x0  }
0x2b: {  	s18 =	rddreg [dreg:$0x6];
	[sflag:s20] =	ssyncadd.s32 $0xFFFFFC00  }
0x2c: {  	[spmem:s18] =	stream.linear.scatter [tilespmem:s22], [sflag:$0x5], $0x400, $0x38;
	[tilespmem:$0x12000] =	vst v63  }
0x2d: {  	_ =	swait.ge [sflag:s20], $0x400  }
0x2e: {  	[sflag:s20] =	ssyncset.done $0x0  }
0x2f: {  	s19 =	rddreg [dreg:$0x7];
	[sflag:s20] =	ssyncadd.s32 $0xFFFFFC00  }
0x30: {  	[spmem:s19] =	stream.linear.scatter [tilespmem:s22], [sflag:$0x5], $0x400, $0x38;
	[tilespmem:$0x12000] =	vst v63  }
0x31: {  	_ =	swait.ge [sflag:s20], $0x400  }
0x32: {  	[sflag:s20] =	ssyncset.done $0x0  }
0x33: {  	s18 =	rddreg [dreg:$0x8];
	[sflag:s20] =	ssyncadd.s32 $0xFFFFFC00  }
0x34: {  	[spmem:s18] =	stream.linear.scatter [tilespmem:s22], [sflag:$0x5], $0x400, $0x38;
	[tilespmem:$0x12000] =	vst v63  }
0x35: {  	_ =	swait.ge [sflag:s20], $0x400  }
0x36: {  	[sflag:s20] =	ssyncset.done $0x0  }
0x37: {  	s19 =	rddreg [dreg:$0x9];
	[sflag:s20] =	ssyncadd.s32 $0xFFFFFC00  }
0x38: {  	[spmem:s19] =	stream.linear.scatter [tilespmem:s22], [sflag:$0x5], $0x400, $0x38;
	[tilespmem:$0x12000] =	vst v63  }
0x39: {  	_ =	swait.ge [sflag:s20], $0x400  }
0x3a: {  	[sflag:s20] =	ssyncset.done $0x0  }
0x3b: {  	s18 =	rddreg [dreg:$0xa];
	[sflag:s20] =	ssyncadd.s32 $0xFFFFFC00  }
0x3c: {  	[spmem:s18] =	stream.linear.scatter [tilespmem:s22], [sflag:$0x5], $0x400, $0x38;
	[tilespmem:$0x12000] =	vst v63  }
0x3d: {  	_ =	swait.ge [sflag:s20], $0x400  }
0x3e: {  	[sflag:s20] =	ssyncset.done $0x0  }
0x3f: {  	s19 =	rddreg [dreg:$0xb];
	[sflag:s20] =	ssyncadd.s32 $0xFFFFFC00  }
0x40: {  	[spmem:s19] =	stream.linear.scatter [tilespmem:s22], [sflag:$0x5], $0x400, $0x38;
	[tilespmem:$0x12000] =	vst v63  }
0x41: {  	_ =	swait.ge [sflag:s20], $0x400  }
0x42: {  	[sflag:s20] =	ssyncset.done $0x0  }
0x43: {  	s18 =	rddreg [dreg:$0xc];
	[sflag:s20] =	ssyncadd.s32 $0xFFFFFC00  }
0x44: {  	[spmem:s18] =	stream.linear.scatter [tilespmem:s22], [sflag:$0x5], $0x400, $0x38;
	[tilespmem:$0x12000] =	vst v63  }
0x45: {  	_ =	swait.ge [sflag:s20], $0x400  }
0x46: {  	[sflag:s20] =	ssyncset.done $0x0  }
0x47: {  	s19 =	rddreg [dreg:$0xd];
	[sflag:s20] =	ssyncadd.s32 $0xFFFFFC00  }
0x48: {  	[spmem:s19] =	stream.linear.scatter [tilespmem:s22], [sflag:$0x5], $0x400, $0x38;
	[tilespmem:$0x12000] =	vst v63  }
0x49: {  	_ =	swait.ge [sflag:s20], $0x400  }
0x4a: {  	[sflag:s20] =	ssyncset.done $0x0  }
0x4b: {  	s18 =	rddreg [dreg:$0xe];
	[sflag:s20] =	ssyncadd.s32 $0xFFFFFC00  }
0x4c: {  	[spmem:s18] =	stream.linear.scatter [tilespmem:s22], [sflag:$0x5], $0x400, $0x38;
	[tilespmem:$0x12000] =	vst v63  }
0x4d: {  	_ =	swait.ge [sflag:s20], $0x400  }
0x4e: {  	[sflag:s20] =	ssyncset.done $0x0  }
0x4f: {  	[sflag:s20] =	ssyncadd.s32 $0xFFFFFC00  }
0x50: {  	[bflag:$0x0] =	sbarrier.arrive $0xFFFF  }
0x51: {  	[tilespmem:s24], [sflag:$0x1] =	stream.indirect.gather [hbm4b:s4+s23], $0x10, s3, s23, $0xb8;
	[tilespmem:$0x12000] =	vst v63  }
0x52: {  	_ = 	snop  }
0x53: {  	[tilespmem:s25], [sflag:$0x1] =	stream.indirect.gather [hbm4b:s4+s23], $0x10, s23, s23, $0xb8;
	[tilespmem:$0x12000] =	vst v63  }
0x54: {  	s19 =	simm.s32 $0x100  }
0x55: {  	[tilespmem:s28], [sflag:$0x1] =	stream.indirect.gather [hbm4b:s4+s23], $0x10, s19, s23, $0xb8;
	[tilespmem:$0x12000] =	vst v63  }
0x56: {  	s18 =	simm.s32 $0x180  }
0x57: {  	[tilespmem:s30], [sflag:$0x1] =	stream.indirect.gather [hbm4b:s4+s23], $0x10, s18, s23, $0xb8;
	[tilespmem:$0x12000] =	vst v63  }
0x58: {  	s19 =	simm.s32 $0x200  }
0x59: {  	[tilespmem:s1], [sflag:$0x1] =	stream.indirect.gather [hbm4b:s4+s23], $0x10, s19, s23, $0xb8;
	[tilespmem:$0x12000] =	vst v63  }
0x5a: {  	s18 =	simm.s32 $0x280  }
0x5b: {  	[tilespmem:s21], [sflag:$0x1] =	stream.indirect.gather [hbm4b:s4+s23], $0x10, s18, s23, $0xb8;
	[tilespmem:$0x12000] =	vst v63  }
0x5c: {  	s19 =	simm.s32 $0x300  }
0x5d: {  	[tilespmem:s29], [sflag:$0x1] =	stream.indirect.gather [hbm4b:s4+s23], $0x10, s19, s23, $0xb8;
	[tilespmem:$0x12000] =	vst v63  }
0x5e: {  	s18 =	simm.s32 $0x380  }
0x5f: {  	[tilespmem:s0], [sflag:$0x1] =	stream.indirect.gather [hbm4b:s4+s23], $0x10, s18, s23, $0xb8;
	[tilespmem:$0x12000] =	vst v63  }
0x60: {  	s19 =	simm.s32 $0x400  }
0x61: {  	[tilespmem:s31], [sflag:$0x2] =	stream.indirect.gather [hbm4b:s4+s23], $0x10, s19, s23, $0xb8;
	[tilespmem:$0x12000] =	vst v63  }
0x62: {  	s18 =	simm.s32 $0x480  }
0x63: {  	[tilespmem:s26], [sflag:$0x2] =	stream.indirect.gather [hbm4b:s4+s23], $0x10, s18, s23, $0xb8;
	[tilespmem:$0x12000] =	vst v63  }
0x64: {  	s19 =	simm.s32 $0x500  }
0x65: {  	[tilespmem:s5], [sflag:$0x2] =	stream.indirect.gather [hbm4b:s4+s23], $0x10, s19, s23, $0xb8;
	[tilespmem:$0x12000] =	vst v63  }
0x66: {  	s18 =	simm.s32 $0x580  }
0x67: {  	[tilespmem:s6], [sflag:$0x2] =	stream.indirect.gather [hbm4b:s4+s23], $0x10, s18, s23, $0xb8;
	[tilespmem:$0x12000] =	vst v63  }
0x68: {  	s19 =	simm.s32 $0x600  }
0x69: {  	[tilespmem:s7], [sflag:$0x2] =	stream.indirect.gather [hbm4b:s4+s23], $0x10, s19, s23, $0xb8;
	[tilespmem:$0x12000] =	vst v63  }
0x6a: {  	s18 =	simm.s32 $0x680  }
0x6b: {  	[tilespmem:s9], [sflag:$0x2] =	stream.indirect.gather [hbm4b:s4+s23], $0x10, s18, s23, $0xb8;
	[tilespmem:$0x12000] =	vst v63  }
0x6c: {  	s19 =	simm.s32 $0x700  }
0x6d: {  	[tilespmem:s10], [sflag:$0x2] =	stream.indirect.gather [hbm4b:s4+s23], $0x10, s19, s23, $0xb8;
	[tilespmem:$0x12000] =	vst v63  }
0x6e: {  	s18 =	simm.s32 $0x780  }
0x6f: {  	[tilespmem:s11], [sflag:$0x2] =	stream.indirect.gather [hbm4b:s4+s23], $0x10, s18, s23, $0xb8;
	[tilespmem:$0x12000] =	vst v63  }
0x70: {  	_ =	swait.ge [sflag:s12], $0x4000  }
0x71: {  	[sflag:s12] =	ssyncset.done $0x0  }
0x72: {  	s19 =	simm.s32 $0x2800;
	[sflag:s12] =	ssyncadd.s32 $0xFFFFC000  }
0x73: {  	[spmem:s2] =	stream.indirect.scatter.add.f32 [tilespmem:s24], [sflag:$0x3], $0x10, s19, s23, $0xb8;
	[tilespmem:$0x12000] =	vst v63  }
0x74: {  	s18 =	simm.s32 $0x2880  }
0x75: {  	[spmem:s2] =	stream.indirect.scatter.add.f32 [tilespmem:s25], [sflag:$0x3], $0x10, s18, s23, $0xb8;
	[tilespmem:$0x12000] =	vst v63  }
0x76: {  	s19 =	simm.s32 $0x2900  }
0x77: {  	[spmem:s2] =	stream.indirect.scatter.add.f32 [tilespmem:s28], [sflag:$0x3], $0x10, s19, s23, $0xb8;
	[tilespmem:$0x12000] =	vst v63  }
0x78: {  	s18 =	simm.s32 $0x2980  }
0x79: {  	[spmem:s2] =	stream.indirect.scatter.add.f32 [tilespmem:s30], [sflag:$0x3], $0x10, s18, s23, $0xb8;
	[tilespmem:$0x12000] =	vst v63  }
0x7a: {  	s19 =	simm.s32 $0x2A00  }
0x7b: {  	[spmem:s2] =	stream.indirect.scatter.add.f32 [tilespmem:s1], [sflag:$0x3], $0x10, s19, s23, $0xb8;
	[tilespmem:$0x12000] =	vst v63  }
0x7c: {  	s18 =	simm.s32 $0x2A80  }
0x7d: {  	[spmem:s2] =	stream.indirect.scatter.add.f32 [tilespmem:s21], [sflag:$0x3], $0x10, s18, s23, $0xb8;
	[tilespmem:$0x12000] =	vst v63  }
0x7e: {  	s19 =	simm.s32 $0x2B00  }
0x7f: {  	[spmem:s2] =	stream.indirect.scatter.add.f32 [tilespmem:s29], [sflag:$0x3], $0x10, s19, s23, $0xb8;
	[tilespmem:$0x12000] =	vst v63  }
0x80: {  	s18 =	simm.s32 $0x2B80  }
0x81: {  	[spmem:s2] =	stream.indirect.scatter.add.f32 [tilespmem:s0], [sflag:$0x3], $0x10, s18, s23, $0xb8;
	[tilespmem:$0x12000] =	vst v63  }
0x82: {  	_ =	swait.ge [sflag:s13], $0x4000  }
0x83: {  	[sflag:s13] =	ssyncset.done $0x0  }
0x84: {  	s19 =	simm.s32 $0x2C00;
	[sflag:s13] =	ssyncadd.s32 $0xFFFFC000  }
0x85: {  	[spmem:s2] =	stream.indirect.scatter.add.f32 [tilespmem:s31], [sflag:$0x4], $0x10, s19, s23, $0xb8;
	[tilespmem:$0x12000] =	vst v63  }
0x86: {  	s18 =	simm.s32 $0x2C80  }
0x87: {  	[spmem:s2] =	stream.indirect.scatter.add.f32 [tilespmem:s26], [sflag:$0x4], $0x10, s18, s23, $0xb8;
	[tilespmem:$0x12000] =	vst v63  }
0x88: {  	s19 =	simm.s32 $0x2D00  }
0x89: {  	[spmem:s2] =	stream.indirect.scatter.add.f32 [tilespmem:s5], [sflag:$0x4], $0x10, s19, s23, $0xb8;
	[tilespmem:$0x12000] =	vst v63  }
0x8a: {  	s18 =	simm.s32 $0x2D80  }
0x8b: {  	[spmem:s2] =	stream.indirect.scatter.add.f32 [tilespmem:s6], [sflag:$0x4], $0x10, s18, s23, $0xb8;
	[tilespmem:$0x12000] =	vst v63  }
0x8c: {  	s19 =	simm.s32 $0x2E00  }
0x8d: {  	[spmem:s2] =	stream.indirect.scatter.add.f32 [tilespmem:s7], [sflag:$0x4], $0x10, s19, s23, $0xb8;
	[tilespmem:$0x12000] =	vst v63  }
0x8e: {  	s18 =	simm.s32 $0x2E80  }
0x8f: {  	[spmem:s2] =	stream.indirect.scatter.add.f32 [tilespmem:s9], [sflag:$0x4], $0x10, s18, s23, $0xb8;
	[tilespmem:$0x12000] =	vst v63  }
0x90: {  	s19 =	simm.s32 $0x2F00  }
0x91: {  	[spmem:s2] =	stream.indirect.scatter.add.f32 [tilespmem:s10], [sflag:$0x4], $0x10, s19, s23, $0xb8;
	[tilespmem:$0x12000] =	vst v63  }
0x92: {  	s18 =	simm.s32 $0x2F80  }
0x93: {  	[spmem:s2] =	stream.indirect.scatter.add.f32 [tilespmem:s11], [sflag:$0x4], $0x10, s18, s23, $0xb8;
	[tilespmem:$0x12000] =	vst v63  }
0x94: {  	_ =	swait.ge [sflag:s14], $0x4000  }
0x95: {  	[sflag:s14] =	ssyncset.done $0x0  }
0x96: {  	s19 =	simm.s32 $0x800;
	[sflag:s14] =	ssyncadd.s32 $0xFFFFC000  }
0x97: {  	[tilespmem:s24], [sflag:$0x1] =	stream.indirect.gather [hbm4b:s4+s23], $0x10, s19, s23, $0xb8;
	[tilespmem:$0x12000] =	vst v63  }
0x98: {  	s18 =	simm.s32 $0x880  }
0x99: {  	[tilespmem:s25], [sflag:$0x1] =	stream.indirect.gather [hbm4b:s4+s23], $0x10, s18, s23, $0xb8;
	[tilespmem:$0x12000] =	vst v63  }
0x9a: {  	s19 =	simm.s32 $0x900  }
0x9b: {  	[tilespmem:s28], [sflag:$0x1] =	stream.indirect.gather [hbm4b:s4+s23], $0x10, s19, s23, $0xb8;
	[tilespmem:$0x12000] =	vst v63  }
0x9c: {  	s18 =	simm.s32 $0x980  }
0x9d: {  	[tilespmem:s30], [sflag:$0x1] =	stream.indirect.gather [hbm4b:s4+s23], $0x10, s18, s23, $0xb8;
	[tilespmem:$0x12000] =	vst v63  }
0x9e: {  	s19 =	simm.s32 $0xA00  }
0x9f: {  	[tilespmem:s1], [sflag:$0x1] =	stream.indirect.gather [hbm4b:s4+s23], $0x10, s19, s23, $0xb8;
	[tilespmem:$0x12000] =	vst v63  }
0xa0: {  	s18 =	simm.s32 $0xA80  }
0xa1: {  	[tilespmem:s21], [sflag:$0x1] =	stream.indirect.gather [hbm4b:s4+s23], $0x10, s18, s23, $0xb8;
	[tilespmem:$0x12000] =	vst v63  }
0xa2: {  	s19 =	simm.s32 $0xB00  }
0xa3: {  	[tilespmem:s29], [sflag:$0x1] =	stream.indirect.gather [hbm4b:s4+s23], $0x10, s19, s23, $0xb8;
	[tilespmem:$0x12000] =	vst v63  }
0xa4: {  	s18 =	simm.s32 $0xB80  }
0xa5: {  	[tilespmem:s0], [sflag:$0x1] =	stream.indirect.gather [hbm4b:s4+s23], $0x10, s18, s23, $0xb8;
	[tilespmem:$0x12000] =	vst v63  }
0xa6: {  	_ =	swait.ge [sflag:s15], $0x4000  }
0xa7: {  	[sflag:s15] =	ssyncset.done $0x0  }
0xa8: {  	s19 =	simm.s32 $0xC00;
	[sflag:s15] =	ssyncadd.s32 $0xFFFFC000  }
0xa9: {  	[tilespmem:s31], [sflag:$0x2] =	stream.indirect.gather [hbm4b:s4+s23], $0x10, s19, s23, $0xb8;
	[tilespmem:$0x12000] =	vst v63  }
0xaa: {  	s18 =	simm.s32 $0xC80  }
0xab: {  	[tilespmem:s26], [sflag:$0x2] =	stream.indirect.gather [hbm4b:s4+s23], $0x10, s18, s23, $0xb8;
	[tilespmem:$0x12000] =	vst v63  }
0xac: {  	s19 =	simm.s32 $0xD00  }
0xad: {  	[tilespmem:s5], [sflag:$0x2] =	stream.indirect.gather [hbm4b:s4+s23], $0x10, s19, s23, $0xb8;
	[tilespmem:$0x12000] =	vst v63  }
0xae: {  	s18 =	simm.s32 $0xD80  }
0xaf: {  	[tilespmem:s6], [sflag:$0x2] =	stream.indirect.gather [hbm4b:s4+s23], $0x10, s18, s23, $0xb8;
	[tilespmem:$0x12000] =	vst v63  }
0xb0: {  	s19 =	simm.s32 $0xE00  }
0xb1: {  	[tilespmem:s7], [sflag:$0x2] =	stream.indirect.gather [hbm4b:s4+s23], $0x10, s19, s23, $0xb8;
	[tilespmem:$0x12000] =	vst v63  }
0xb2: {  	s18 =	simm.s32 $0xE80  }
0xb3: {  	[tilespmem:s9], [sflag:$0x2] =	stream.indirect.gather [hbm4b:s4+s23], $0x10, s18, s23, $0xb8;
	[tilespmem:$0x12000] =	vst v63  }
0xb4: {  	s17 =	simm.s32 $0x2000;
	s19 =	simm.s32 $0xF00;
	s18 =	simm.s32 $0xF80  }
0xb5: {  	[tilespmem:s10], [sflag:$0x2] =	stream.indirect.gather [hbm4b:s4+s23], $0x10, s19, s23, $0xb8;
	[tilespmem:$0x12000] =	vst v63  }
.LBB2_2:
0xb6: {  	[tilespmem:s11], [sflag:$0x2] =	stream.indirect.gather [hbm4b:s4+s23], $0x10, s18, s23, $0xb8;
	[tilespmem:$0x12000] =	vst v63  }
0xb7: {  	s18 =	smov.u32 s17  }
0xb8: {  	p0 =	sne.s32 s17, $0x6000;
	s17 =	sadd.s32 $0x2000, s17;
	_ =	swait.ge [sflag:s12], $0x4000  }
0xb9: {  	s18 =	sshra.s32 s18, $0x2;
	[sflag:s12] =	ssyncset.done $0x0  }
0xba: {  	s19 =	sadd.s32 $0x2800, s18;
	[sflag:s12] =	ssyncadd.s32 $0xFFFFC000  }
0xbb: {  	[spmem:s2] =	stream.indirect.scatter.add.f32 [tilespmem:s24], [sflag:$0x3], $0x10, s19, s23, $0xb8;
	[tilespmem:$0x12000] =	vst v63  }
0xbc: {  	s19 =	sadd.s32 $0x2880, s18  }
0xbd: {  	[spmem:s2] =	stream.indirect.scatter.add.f32 [tilespmem:s25], [sflag:$0x3], $0x10, s19, s23, $0xb8;
	[tilespmem:$0x12000] =	vst v63  }
0xbe: {  	s19 =	sadd.s32 $0x2900, s18  }
0xbf: {  	[spmem:s2] =	stream.indirect.scatter.add.f32 [tilespmem:s28], [sflag:$0x3], $0x10, s19, s23, $0xb8;
	[tilespmem:$0x12000] =	vst v63  }
0xc0: {  	s19 =	sadd.s32 $0x2980, s18  }
0xc1: {  	[spmem:s2] =	stream.indirect.scatter.add.f32 [tilespmem:s30], [sflag:$0x3], $0x10, s19, s23, $0xb8;
	[tilespmem:$0x12000] =	vst v63  }
0xc2: {  	s19 =	sadd.s32 $0x2A00, s18  }
0xc3: {  	[spmem:s2] =	stream.indirect.scatter.add.f32 [tilespmem:s1], [sflag:$0x3], $0x10, s19, s23, $0xb8;
	[tilespmem:$0x12000] =	vst v63  }
0xc4: {  	s19 =	sadd.s32 $0x2A80, s18  }
0xc5: {  	[spmem:s2] =	stream.indirect.scatter.add.f32 [tilespmem:s21], [sflag:$0x3], $0x10, s19, s23, $0xb8;
	[tilespmem:$0x12000] =	vst v63  }
0xc6: {  	s19 =	sadd.s32 $0x2B00, s18  }
0xc7: {  	[spmem:s2] =	stream.indirect.scatter.add.f32 [tilespmem:s29], [sflag:$0x3], $0x10, s19, s23, $0xb8;
	[tilespmem:$0x12000] =	vst v63  }
0xc8: {  	s19 =	sadd.s32 $0x2B80, s18  }
0xc9: {  	[spmem:s2] =	stream.indirect.scatter.add.f32 [tilespmem:s0], [sflag:$0x3], $0x10, s19, s23, $0xb8;
	[tilespmem:$0x12000] =	vst v63  }
0xca: {  	_ =	swait.ge [sflag:s13], $0x4000  }
0xcb: {  	[sflag:s13] =	ssyncset.done $0x0  }
0xcc: {  	s19 =	sadd.s32 $0x2C00, s18;
	[sflag:s13] =	ssyncadd.s32 $0xFFFFC000  }
0xcd: {  	[spmem:s2] =	stream.indirect.scatter.add.f32 [tilespmem:s31], [sflag:$0x4], $0x10, s19, s23, $0xb8;
	[tilespmem:$0x12000] =	vst v63  }
0xce: {  	s19 =	sadd.s32 $0x2C80, s18  }
0xcf: {  	[spmem:s2] =	stream.indirect.scatter.add.f32 [tilespmem:s26], [sflag:$0x4], $0x10, s19, s23, $0xb8;
	[tilespmem:$0x12000] =	vst v63  }
0xd0: {  	s19 =	sadd.s32 $0x2D00, s18  }
0xd1: {  	[spmem:s2] =	stream.indirect.scatter.add.f32 [tilespmem:s5], [sflag:$0x4], $0x10, s19, s23, $0xb8;
	[tilespmem:$0x12000] =	vst v63  }
0xd2: {  	s19 =	sadd.s32 $0x2D80, s18  }
0xd3: {  	[spmem:s2] =	stream.indirect.scatter.add.f32 [tilespmem:s6], [sflag:$0x4], $0x10, s19, s23, $0xb8;
	[tilespmem:$0x12000] =	vst v63  }
0xd4: {  	s19 =	sadd.s32 $0x2E00, s18  }
0xd5: {  	[spmem:s2] =	stream.indirect.scatter.add.f32 [tilespmem:s7], [sflag:$0x4], $0x10, s19, s23, $0xb8;
	[tilespmem:$0x12000] =	vst v63  }
0xd6: {  	s19 =	sadd.s32 $0x2E80, s18  }
0xd7: {  	[spmem:s2] =	stream.indirect.scatter.add.f32 [tilespmem:s9], [sflag:$0x4], $0x10, s19, s23, $0xb8;
	[tilespmem:$0x12000] =	vst v63  }
0xd8: {  	s19 =	sadd.s32 $0x2F00, s18  }
0xd9: {  	[spmem:s2] =	stream.indirect.scatter.add.f32 [tilespmem:s10], [sflag:$0x4], $0x10, s19, s23, $0xb8;
	[tilespmem:$0x12000] =	vst v63  }
0xda: {  	s19 =	sadd.s32 $0x2F80, s18  }
0xdb: {  	[spmem:s2] =	stream.indirect.scatter.add.f32 [tilespmem:s11], [sflag:$0x4], $0x10, s19, s23, $0xb8;
	[tilespmem:$0x12000] =	vst v63  }
0xdc: {  	_ =	swait.ge [sflag:s14], $0x4000  }
0xdd: {  	[sflag:s14] =	ssyncset.done $0x0  }
0xde: {  	s19 =	sadd.s32 $0x800, s18;
	[sflag:s14] =	ssyncadd.s32 $0xFFFFC000  }
0xdf: {  	[tilespmem:s24], [sflag:$0x1] =	stream.indirect.gather [hbm4b:s4+s23], $0x10, s19, s23, $0xb8;
	[tilespmem:$0x12000] =	vst v63  }
0xe0: {  	s19 =	sadd.s32 $0x880, s18  }
0xe1: {  	[tilespmem:s25], [sflag:$0x1] =	stream.indirect.gather [hbm4b:s4+s23], $0x10, s19, s23, $0xb8;
	[tilespmem:$0x12000] =	vst v63  }
0xe2: {  	s19 =	sadd.s32 $0x900, s18  }
0xe3: {  	[tilespmem:s28], [sflag:$0x1] =	stream.indirect.gather [hbm4b:s4+s23], $0x10, s19, s23, $0xb8;
	[tilespmem:$0x12000] =	vst v63  }
0xe4: {  	s19 =	sadd.s32 $0x980, s18  }
0xe5: {  	[tilespmem:s30], [sflag:$0x1] =	stream.indirect.gather [hbm4b:s4+s23], $0x10, s19, s23, $0xb8;
	[tilespmem:$0x12000] =	vst v63  }
0xe6: {  	s19 =	sadd.s32 $0xA00, s18  }
0xe7: {  	[tilespmem:s1], [sflag:$0x1] =	stream.indirect.gather [hbm4b:s4+s23], $0x10, s19, s23, $0xb8;
	[tilespmem:$0x12000] =	vst v63  }
0xe8: {  	s19 =	sadd.s32 $0xA80, s18  }
0xe9: {  	[tilespmem:s21], [sflag:$0x1] =	stream.indirect.gather [hbm4b:s4+s23], $0x10, s19, s23, $0xb8;
	[tilespmem:$0x12000] =	vst v63  }
0xea: {  	s19 =	sadd.s32 $0xB00, s18  }
0xeb: {  	[tilespmem:s29], [sflag:$0x1] =	stream.indirect.gather [hbm4b:s4+s23], $0x10, s19, s23, $0xb8;
	[tilespmem:$0x12000] =	vst v63  }
0xec: {  	s19 =	sadd.s32 $0xB80, s18  }
0xed: {  	[tilespmem:s0], [sflag:$0x1] =	stream.indirect.gather [hbm4b:s4+s23], $0x10, s19, s23, $0xb8;
	[tilespmem:$0x12000] =	vst v63  }
0xee: {  	_ =	swait.ge [sflag:s15], $0x4000  }
0xef: {  	[sflag:s15] =	ssyncset.done $0x0  }
0xf0: {  	s19 =	sadd.s32 $0xC00, s18;
	[sflag:s15] =	ssyncadd.s32 $0xFFFFC000  }
0xf1: {  	[tilespmem:s31], [sflag:$0x2] =	stream.indirect.gather [hbm4b:s4+s23], $0x10, s19, s23, $0xb8;
	[tilespmem:$0x12000] =	vst v63  }
0xf2: {  	s19 =	sadd.s32 $0xC80, s18  }
0xf3: {  	[tilespmem:s26], [sflag:$0x2] =	stream.indirect.gather [hbm4b:s4+s23], $0x10, s19, s23, $0xb8;
	[tilespmem:$0x12000] =	vst v63  }
0xf4: {  	s19 =	sadd.s32 $0xD00, s18  }
0xf5: {  	[tilespmem:s5], [sflag:$0x2] =	stream.indirect.gather [hbm4b:s4+s23], $0x10, s19, s23, $0xb8;
	[tilespmem:$0x12000] =	vst v63  }
0xf6: {  	s19 =	sadd.s32 $0xD80, s18  }
0xf7: {  	[tilespmem:s6], [sflag:$0x2] =	stream.indirect.gather [hbm4b:s4+s23], $0x10, s19, s23, $0xb8;
	[tilespmem:$0x12000] =	vst v63  }
0xf8: {  	s19 =	sadd.s32 $0xE00, s18  }
0xf9: {  	[tilespmem:s7], [sflag:$0x2] =	stream.indirect.gather [hbm4b:s4+s23], $0x10, s19, s23, $0xb8;
	[tilespmem:$0x12000] =	vst v63  }
.Ltmp0:
0xfa: {  	s19 =	sadd.s32 $0xE80, s18;
	(pc) =	sbr.rel @p0 .LBB2_2-.Ltmp0, $4  }
0xfb: {  	[tilespmem:s9], [sflag:$0x2] =	stream.indirect.gather [hbm4b:s4+s23], $0x10, s19, s23, $0xb8;
	[tilespmem:$0x12000] =	vst v63  }
0xfc: {  	s19 =	sadd.s32 $0xF00, s18  }
0xfd: {  	[tilespmem:s10], [sflag:$0x2] =	stream.indirect.gather [hbm4b:s4+s23], $0x10, s19, s23, $0xb8;
	[tilespmem:$0x12000] =	vst v63  }
0xfe: {  	s18 =	sadd.s32 $0xF80, s18  }
0xff: {  	[tilespmem:s11], [sflag:$0x2] =	stream.indirect.gather [hbm4b:s4+s23], $0x10, s18, s23, $0xb8;
	[tilespmem:$0x12000] =	vst v63  }
0x100: {  	_ =	swait.ge [sflag:s12], $0x4000  }
0x101: {  	[sflag:s12] =	ssyncset.done $0x0  }
0x102: {  	s17 =	simm.s32 $0x4800;
	[sflag:s12] =	ssyncadd.s32 $0xFFFFC000  }
0x103: {  	[spmem:s2] =	stream.indirect.scatter.add.f32 [tilespmem:s24], [sflag:$0x3], $0x10, s17, s23, $0xb8;
	[tilespmem:$0x12000] =	vst v63  }
0x104: {  	s19 =	simm.s32 $0x4880  }
0x105: {  	[spmem:s2] =	stream.indirect.scatter.add.f32 [tilespmem:s25], [sflag:$0x3], $0x10, s19, s23, $0xb8;
	[tilespmem:$0x12000] =	vst v63  }
0x106: {  	s18 =	simm.s32 $0x4900  }
0x107: {  	[spmem:s2] =	stream.indirect.scatter.add.f32 [tilespmem:s28], [sflag:$0x3], $0x10, s18, s23, $0xb8;
	[tilespmem:$0x12000] =	vst v63  }
0x108: {  	s19 =	simm.s32 $0x4980  }
0x109: {  	[spmem:s2] =	stream.indirect.scatter.add.f32 [tilespmem:s30], [sflag:$0x3], $0x10, s19, s23, $0xb8;
	[tilespmem:$0x12000] =	vst v63  }
0x10a: {  	s18 =	simm.s32 $0x4A00  }
0x10b: {  	[spmem:s2] =	stream.indirect.scatter.add.f32 [tilespmem:s1], [sflag:$0x3], $0x10, s18, s23, $0xb8;
	[tilespmem:$0x12000] =	vst v63  }
0x10c: {  	s19 =	simm.s32 $0x4A80  }
0x10d: {  	[spmem:s2] =	stream.indirect.scatter.add.f32 [tilespmem:s21], [sflag:$0x3], $0x10, s19, s23, $0xb8;
	[tilespmem:$0x12000] =	vst v63  }
0x10e: {  	s18 =	simm.s32 $0x4B00  }
0x10f: {  	[spmem:s2] =	stream.indirect.scatter.add.f32 [tilespmem:s29], [sflag:$0x3], $0x10, s18, s23, $0xb8;
	[tilespmem:$0x12000] =	vst v63  }
0x110: {  	s19 =	simm.s32 $0x4B80  }
0x111: {  	[spmem:s2] =	stream.indirect.scatter.add.f32 [tilespmem:s0], [sflag:$0x3], $0x10, s19, s23, $0xb8;
	[tilespmem:$0x12000] =	vst v63  }
0x112: {  	_ =	swait.ge [sflag:s13], $0x4000  }
0x113: {  	[sflag:s13] =	ssyncset.done $0x0  }
0x114: {  	s18 =	simm.s32 $0x4C00;
	[sflag:s13] =	ssyncadd.s32 $0xFFFFC000  }
0x115: {  	[spmem:s2] =	stream.indirect.scatter.add.f32 [tilespmem:s31], [sflag:$0x4], $0x10, s18, s23, $0xb8;
	[tilespmem:$0x12000] =	vst v63  }
0x116: {  	s19 =	simm.s32 $0x4C80  }
0x117: {  	[spmem:s2] =	stream.indirect.scatter.add.f32 [tilespmem:s26], [sflag:$0x4], $0x10, s19, s23, $0xb8;
	[tilespmem:$0x12000] =	vst v63  }
0x118: {  	s18 =	simm.s32 $0x4D00  }
0x119: {  	[spmem:s2] =	stream.indirect.scatter.add.f32 [tilespmem:s5], [sflag:$0x4], $0x10, s18, s23, $0xb8;
	[tilespmem:$0x12000] =	vst v63  }
0x11a: {  	s19 =	simm.s32 $0x4D80  }
0x11b: {  	[spmem:s2] =	stream.indirect.scatter.add.f32 [tilespmem:s6], [sflag:$0x4], $0x10, s19, s23, $0xb8;
	[tilespmem:$0x12000] =	vst v63  }
0x11c: {  	s18 =	simm.s32 $0x4E00  }
0x11d: {  	[spmem:s2] =	stream.indirect.scatter.add.f32 [tilespmem:s7], [sflag:$0x4], $0x10, s18, s23, $0xb8;
	[tilespmem:$0x12000] =	vst v63  }
0x11e: {  	s19 =	simm.s32 $0x4E80  }
0x11f: {  	[spmem:s2] =	stream.indirect.scatter.add.f32 [tilespmem:s9], [sflag:$0x4], $0x10, s19, s23, $0xb8;
	[tilespmem:$0x12000] =	vst v63  }
0x120: {  	s18 =	simm.s32 $0x4F00  }
0x121: {  	[spmem:s2] =	stream.indirect.scatter.add.f32 [tilespmem:s10], [sflag:$0x4], $0x10, s18, s23, $0xb8;
	[tilespmem:$0x12000] =	vst v63  }
0x122: {  	s19 =	simm.s32 $0x4F80  }
0x123: {  	[spmem:s2] =	stream.indirect.scatter.add.f32 [tilespmem:s11], [sflag:$0x4], $0x10, s19, s23, $0xb8;
	[tilespmem:$0x12000] =	vst v63  }
0x124: {  	_ =	swait.ge [sflag:s14], $0x4000  }
0x125: {  	[sflag:s14] =	ssyncset.done $0x0  }
0x126: {  	[sflag:s14] =	ssyncadd.s32 $0xFFFFC000  }
0x127: {  	_ =	swait.ge [sflag:s15], $0x4000  }
0x128: {  	[sflag:s15] =	ssyncset.done $0x0  }
0x129: {  	[sflag:s15] =	ssyncadd.s32 $0xFFFFC000  }
0x12a: {  	[bflag:$0x0] =	sbarrier.arrive $0xFFFF  }
0x12b: {  	[tilespmem:s22], [sflag:$0x5] =	stream.linear.gather [spmem:s8], $0x2800, $0x38;
	[tilespmem:$0x12000] =	vst v63  }
0x12c: {  	_ =	swait.ge [sflag:s20], $0x2800  }
0x12d: {  	[sflag:s20] =	ssyncset.done $0x0  }
0x12e: {  	s18 =	rddreg [dreg:$0xf];
	[sflag:s20] =	ssyncadd.s32 $0xFFFFD800  }
0x12f: {  	[hbm4b:s18+s3] =	stream.linear.scatter [tilespmem:s22], [sflag:$0x5], $0x2800, $0x38;
	[tilespmem:$0x12000] =	vst v63  }
0x130: {  	_ =	swait.ge [sflag:s20], $0x2800  }
0x131: {  	s16 =	sadd.s32 $0x1, s16;
	s19 =	rddreg [dreg:$0x10]  }
0x132: {  	p0 =	sne.s32 s16, s19  }
.Ltmp1:
0x133: {  	_ = 	snop;
	(pc) =	sbr.rel @p0 .LBB2_1-.Ltmp1, $3  }
0x134: {  	_ =	sdelay $0x1  }
0x135: {  	[sflag:s20] =	ssyncset.done $0x0  }
0x136: {  	[sflag:s20] =	ssyncadd.s32 $0xFFFFD800  }
0x137: {  	_ =	sfence.sel $0x180000  }
0x138: {  	[bflag:$0x0] =	sbarrier.arrive $0xFFFF  }
0x139: {  	_ =	strace $0x9000004D  }
0x13a: {  	s0 =	stileid.u32;
	[bflag:$0x2] =	sbarrier.arrive $0xFFFF  }
0x13b: {  	p0 =	sne.s32 s0, $0x0;
	s0 =	rddreg [dreg:$0x2]  }
0x13c: {  	s0 =	sadd.s32 @!p0 $0x100000, s0  }
0x13d: {  	[sflag:s0] =	ssyncadd.tile.s32 @!p0 $0x1;
	_ =	shalt  }
.Lfunc_end2:
_tile_overlayer_lowered:
.L_overlay_start_2:
0x13e: {  	(tag) =	ssettag $0x2  }
0x13f: {  	s0 =	rddreg [dreg:$0x0];
	s2 =	stileid.u32  }
0x140: {  	s1 =	rddreg [dreg:$0x1];
	p0 =	sne.s32 s2, $0x0  }
0x141: {  	s3 =	rddreg [dreg:$0x2];
	[bflag:$0x3] =	sbarrier.arrive $0xFFFF;
	s2 =	simm.s32 @!p0 $0x1C05  }
0x142: {  	[timem:s3], [sflag:s2] =	dma.local @!p0 [hbm:s0], s1  }
0x143: {  	s0 =	simm.s32 @!p0 $0x5  }
0x144: {  	_ =	swait.ge @!p0 [sflag:s0], s1  }
0x145: {  	s1 =	ssub.s32 @!p0 $0x0, s1;
	[sflag:s0] =	ssyncset.done @!p0 $0x0  }
0x146: {  	[sflag:s0] =	ssyncadd.s32 @!p0 s1  }
0x147: {  	[bflag:$0x3] =	sbarrier.arrive $0xFFFF  }
0x148: {  	_ =	shalt  }

// kernel: kernel.8.cloned.1.call-start
scs
__scs_entry_jumppad:
0x0: {  	(pc) =	sbr.rel $0x88, $3  }
0x1: {  	(tag) =	ssettag $0x0;
	lr =	simm.s32 $0x1  }
0x2: {  	[smem:$0x3F9B] =	sst lr;
	_ =	strace $0xD0000000  }
0x3: {  	_ = 	snop  }
0x4: {  	_ = 	snop  }
0x5: {  	_ = 	snop  }
0x6: {  	_ = 	snop  }
0x7: {  	_ = 	snop  }
__scs_overlays_trampoline_lowered:
0x8: {  	[smem:$0x3FAA] =	sst s0  }
0x9: {  	[smem:$0x3FAB] =	sst s1  }
0xa: {  	[smem:$0x3FAC] =	sst s2  }
0xb: {  	[smem:$0x3FAD] =	sst s3  }
0xc: {  	[smem:$0x3FAE] =	sst s4  }
0xd: {  	[smem:$0x3FAF] =	sst s5  }
0xe: {  	[smem:$0x3FB0] =	sst s6  }
0xf: {  	[smem:$0x3FB1] =	sst s7  }
0x10: {  	[smem:$0x3FB2] =	sst s8  }
0x11: {  	[smem:$0x3FB3] =	sst s9;
	s0 =	simm.s32 @!p0 $0x0  }
0x12: {  	s1 =	sld [smem:$0x3F99];
	s0 =	simm.s32 @p0 $0x1  }
0x13: {  	[smem:$0x3FB4] =	sst s0;
	s0 =	simm.s32 @!p1 $0x0  }
0x14: {  	s2 =	sld [smem:$0x3F98];
	s0 =	simm.s32 @p1 $0x1  }
0x15: {  	[smem:$0x3FB5] =	sst s0;
	s0 =	simm.s32 @!p2 $0x0  }
0x16: {  	s3 =	sld [smem:$0x3FDB];
	s0 =	simm.s32 @p2 $0x1  }
0x17: {  	s4 =	simm.s32 $0x1BF5;
	[smem:$0x3FB7] =	sst s0  }
0x18: {  	s0 =	sld [smem:$0x3F9A];
	_ =	swait.ge [sflag:s4], $0x0  }
0x19: {  	s7 =	sld [smem:$0x3F9B]  }
0x1a: {  	s8 =	sadd.s32 $0xFFFFE003, lr  }
0x1b: {  	s9 =	sadd.s32 $0xFFFFFEF7, lr;
	s5 =	simm.s32 $0xFFFFFFFF;
	p2 =	slt.u32 s8, $0xFFFFF086  }
0x1c: {  	p1 =	slt.u32 s9, $0xF7A;
	s5 =	simm.s32 @!p2 $0x0  }
0x1d: {  	s5 =	simm.s32 @p1 $0x1;
	p0 =	seq.s32 s7, s2  }
0x1e: {  	s7 =	smul.u32 @!p0 $0xF7A, s2;
	p2 =	seq.s32 @!p0 s5, $0x0  }
0x1f: {  	s9 =	smul.u32 $0xF7A, s1;
	s8 =	simm.s32 @!p0 $0x1BF5;
	p2 =	por !p2, p0  }
0x20: {  	[sflag:s8] =	ssyncset.s32 @!p0 $0xFFFFF086;
	s6 =	sadd.s32 @!p0 s3, s7;
	s7 =	simm.s32 @!p0 $0x108  }
0x21: {  	s3 =	sadd.s32 s3, s9;
	s6 =	sadd.s32 @!p0 $0x88, s6;
	s7 =	simm.s32 @p2 $0x1082  }
0x22: {  	[simem:s7], [sflag:s8] =	dma.local @!p0 [hbm:s6], $0xF7A  }
0x23: {  	s9 =	sor.u32 $0xD0000000, s2;
	s6 =	simm.s32 $0x108;
	_ =	swait.ge @!p0 [sflag:s8], $0x0  }
0x24: {  	s3 =	sadd.s32 $0x88, s3;
	s6 =	simm.s32 @!p1 $0x1082;
	[sflag:s4] =	ssyncset.s32 $0xFFFFF086  }
0x25: {  	[simem:s6], [sflag:s4] =	dma.local [hbm:s3], $0xF7A  }
0x26: {  	[smem:$0x3F9B] =	sst s1;
	(tag) =	ssettag s2;
	_ =	strace s9  }
0x27: {  	s1 =	sld [smem:$0x3FAB]  }
0x28: {  	s2 =	sld [smem:$0x3FAC]  }
0x29: {  	s4 =	sld [smem:$0x3FAE]  }
0x2a: {  	p0 =	seq.s32 s5, $0x0;
	s5 =	sld [smem:$0x3FAF]  }
0x2b: {  	s6 =	sld [smem:$0x3FB0]  }
0x2c: {  	s7 =	sld [smem:$0x3FB1]  }
0x2d: {  	s3 =	simm.s32 $0x108;
	s8 =	sld [smem:$0x3FB2]  }
0x2e: {  	s3 =	simm.s32 @!p0 $0x1082;
	s9 =	sld [smem:$0x3FB3]  }
0x2f: {  	lr =	sadd.s32 s0, s3;
	s0 =	sld [smem:$0x3FAA]  }
0x30: {  	s3 =	sld [smem:$0x3FAD]  }
0x31: {  	[smem:$0x3FB6] =	sst s10  }
0x32: {  	s10 =	sld [smem:$0x3FB4];
	_ =	sdelay $0x3  }
0x33: {  	p0 =	seq.s32 s10, $0x1;
	s10 =	sld [smem:$0x3FB6];
	_ =	sdelay $0x3  }
0x34: {  	[smem:$0x3FB6] =	sst s10  }
0x35: {  	s10 =	sld [smem:$0x3FB5];
	_ =	sdelay $0x3  }
0x36: {  	p1 =	seq.s32 s10, $0x1;
	s10 =	sld [smem:$0x3FB6];
	_ =	sdelay $0x3  }
0x37: {  	[smem:$0x3FB6] =	sst s10  }
0x38: {  	s10 =	sld [smem:$0x3FB7]  }
0x39: {  	_ = 	snop;
	(pc) =	sbr.ind lr, $3  }
0x3a: {  	_ = 	snop  }
0x3b: {  	_ = 	snop  }
0x3c: {  	p2 =	seq.s32 s10, $0x1;
	s10 =	sld [smem:$0x3FB6]  }
0x3d: {  	_ =	shalt  }
0x3e: {  	_ =	shalt  }
0x3f: {  	_ =	shalt  }
0x40: {  	_ =	shalt  }
0x41: {  	_ =	shalt  }
0x42: {  	_ =	shalt  }
0x43: {  	_ =	shalt  }
0x44: {  	_ =	shalt  }
0x45: {  	_ =	shalt  }
0x46: {  	_ =	shalt  }
0x47: {  	_ =	shalt  }
0x48: {  	_ =	shalt  }
0x49: {  	_ =	shalt  }
0x4a: {  	_ =	shalt  }
0x4b: {  	_ =	shalt  }
0x4c: {  	_ =	shalt  }
0x4d: {  	_ =	shalt  }
0x4e: {  	_ =	shalt  }
0x4f: {  	_ =	shalt  }
0x50: {  	_ =	shalt  }
0x51: {  	_ =	shalt  }
0x52: {  	_ =	shalt  }
0x53: {  	_ =	shalt  }
0x54: {  	_ =	shalt  }
0x55: {  	_ =	shalt  }
0x56: {  	_ =	shalt  }
0x57: {  	_ =	shalt  }
0x58: {  	_ =	shalt  }
0x59: {  	_ =	shalt  }
0x5a: {  	_ =	shalt  }
0x5b: {  	_ =	shalt  }
0x5c: {  	_ =	shalt  }
0x5d: {  	_ =	shalt  }
0x5e: {  	_ =	shalt  }
0x5f: {  	_ =	shalt  }
0x60: {  	_ =	shalt  }
0x61: {  	_ =	shalt  }
0x62: {  	_ =	shalt  }
0x63: {  	_ =	shalt  }
0x64: {  	_ =	shalt  }
0x65: {  	_ =	shalt  }
0x66: {  	_ =	shalt  }
0x67: {  	_ =	shalt  }
0x68: {  	_ =	shalt  }
0x69: {  	_ =	shalt  }
0x6a: {  	_ =	shalt  }
0x6b: {  	_ =	shalt  }
0x6c: {  	_ =	shalt  }
0x6d: {  	_ =	shalt  }
0x6e: {  	_ =	shalt  }
0x6f: {  	_ =	shalt  }
0x70: {  	_ =	shalt  }
0x71: {  	_ =	shalt  }
0x72: {  	_ =	shalt  }
0x73: {  	_ =	shalt  }
0x74: {  	_ =	shalt  }
0x75: {  	_ =	shalt  }
0x76: {  	_ =	shalt  }
0x77: {  	_ =	shalt  }
0x78: {  	_ =	shalt  }
0x79: {  	_ =	shalt  }
0x7a: {  	_ =	shalt  }
0x7b: {  	_ =	shalt  }
0x7c: {  	_ =	shalt  }
0x7d: {  	_ =	shalt  }
0x7e: {  	_ =	shalt  }
0x7f: {  	_ =	shalt  }
0x80: {  	_ =	shalt  }
0x81: {  	_ =	shalt  }
0x82: {  	_ =	shalt  }
0x83: {  	_ =	shalt  }
0x84: {  	_ =	shalt  }
0x85: {  	_ =	shalt  }
0x86: {  	_ =	shalt  }
0x87: {  	_ =	shalt  }
.Lfunc_end0:
.L_simem_size_0:
called_computation_lowered:
.L_overlay_start_0:
0x88: {  	s2 =	sld [smem:$0x3FD9]  }
0x89: {  	s3 =	sld [smem:$0x3FFE];
	_ =	sdelay $0x1  }
0x8a: {  	s1 =	srdreg.scid  }
0x8b: {  	s0 =	sand.u32 $0x1, s1  }
0x8c: {  	s17 =	sshll.u32 s0, $0xA;
	s2 =	sadd.s32 s3, s2  }
0x8d: {  	s2 =	sadd.s32 s2, s17  }
0x8e: {  	[smem:$0x3FC2] =	sst s2  }
0x8f: {  	_ = 	snop  }
0x90: {  	s2 =	sld [smem:$0x3FD0];
	(tm) =	ssettm $0x1  }
0x91: {  	s18 =	sld [smem:$0x3FFB];
	_ =	sdelay $0x3  }
0x92: {  	_ =	strace s18  }
0x93: {  	s3 =	sld [smem:$0x3FFC];
	_ =	sdelay $0x3  }
0x94: {  	_ =	strace s3  }
0x95: {  	s3 =	sld [smem:$0x3FFD];
	_ =	sdelay $0x3  }
0x96: {  	_ =	strace s3  }
0x97: {  	_ =	strace $0x8FFFFFFF  }
0x98: {  	s19 =	sld [smem:$0x3FDB];
	_ =	sdelay $0x1  }
0x99: {  	s4 =	simm.s32 $_scs_section_size  }
0x9a: {  	s5 =	simm.s32 $_size__tile_overlayer_lowered;
	s6 =	simm.s32 $_tile_overlayer_lowered  }
0x9b: {  	s22 =	simm.s32 $0x1BFF;
	s21 =	sshll.u32 s6, $0x1;
	s3 =	sadd.s32 s4, s19  }
0x9c: {  	s7 =	simm.s32 $0x0;
	s20 =	sshll.u32 s5, $0x1;
	s5 =	sadd.s32 s21, s3  }
0x9d: {  	[timem:s7], [sflag:s22] =	dma.local [hbm:s5], s20  }
0x9e: {  	_ =	swait.ge [sflag:s22], s20  }
0x9f: {  	s4 =	ssub.s32 $0x0, s20;
	[sflag:s22] =	ssyncset.done $0x0  }
0xa0: {  	[sflag:s22] =	ssyncadd.s32 s4;
	_ =	sdelay $0x1  }
0xa1: {  	s23 =	simm.s32 $0x1B8B  }
0xa2: {  	_ =	swait.ge [sflag:s23], $0x1  }
0xa3: {  	[sflag:s23] =	ssyncset.done $0x0  }
0xa4: {  	s25 =	simm.s32 $0x1B8E;
	s24 =	sld [smem:$0x3FFE];
	[sflag:s23] =	ssyncadd.s32 $0xFFFFFFFF  }
0xa5: {  	s26 =	simm.s32 $execute0_lowered;
	[smem:$0x3FD2] =	sst s25  }
0xa6: {  	s5 =	sshll.u32 s26, $0x1;
	_ =	strace $0x80000046;
	[dreg:$0x1] =	wrdreg $0xFFFFFFFF  }
0xa7: {  	s28 =	simm.s32 $_size_execute0_lowered;
	s3 =	sadd.s32 s3, s5;
	[dreg:$0x0] =	wrdreg $0x0  }
0xa8: {  	s5 =	sshll.u32 s28, $0x1;
	[dreg:$0x2] =	wrdreg s3  }
0xa9: {  	[dreg:$0x3] =	wrdreg s5  }
0xaa: {  	[dreg:$0x4] =	wrdreg $0xC0  }
0xab: {  	_ =	task [dreg:s7], $0x5FFFF  }
0xac: {  	[dreg:$0x1] =	wrdreg $0xFFFFFFFF  }
0xad: {  	[dreg:$0x0] =	wrdreg $0x60  }
0xae: {  	[dreg:$0x2] =	wrdreg s24  }
0xaf: {  	[dreg:$0x3] =	wrdreg s2  }
0xb0: {  	[dreg:$0x4] =	wrdreg $0x2E800  }
0xb1: {  	[dreg:$0x5] =	wrdreg $0x9  }
0xb2: {  	_ =	task.clear_ibuf [dreg:s7], $0x6FFFF;
	_ =	strace $0x90000046  }
0xb3: {  	s29 =	simm.s32 $0x9;
	_ =	strace $0x80000048  }
0xb4: {  	_ =	swait.ge [sflag:s29], $0x1  }
0xb5: {  	[sflag:s29] =	ssyncadd.s32 $0xFFFFFFFF  }
0xb6: {  	_ =	strace $0x90000048  }
0xb7: {  	_ =	sfence  }
0xb8: {  	s30 =	sld [smem:$0x0];
	_ =	sdelay $0x2  }
0xb9: {  	s31 =	sshll.u32 s1, $0xD;
	s1 =	sshrl.u32 s1, $0x2  }
0xba: {  	s3 =	sand.u32 $0x4000, s31;
	s1 =	sadd.s32 s1, s30  }
0xbb: {  	s0 =	sor.u32 s3, s0;
	s1 =	sshll.u32 s1, $0x11  }
0xbc: {  	s0 =	sor.u32 s1, s0  }
0xbd: {  	s0 =	sadd.s32 $0x8F2B, s0  }
0xbe: {  	[sflag:s0] =	ssyncadd.remote.s32 $0x1  }
0xbf: {  	_ =	sfence.sel $0xFFFF  }
0xc0: {  	[dreg:$0x0] =	wrdreg $0xFFFFFFFF;
	(pc) =	sbr.abs _section_cstart, $3  }
0xc1: {  	[dreg:$0x1] =	wrdreg $0xFFFFFFFF  }
0xc2: {  	_ =	task.clear_ibuf [dreg:s7], $0x2FFFF;
	_ =	strace $0x9FFFFFFF  }
0xc3: {  	(tm) =	ssettm $0x7FFFFFFF  }
tec
execute0_lowered:
.L_overlay_start_1:
0x0: {  	(tag) =	ssettag $0x1  }
0x1: {  	s5 =	rddreg [dreg:$0x0]  }
0x2: {  	s7 =	rddreg [dreg:$0x1]  }
0x3: {  	s0 =	srdreg.scid;
	s2 =	rddreg [dreg:$0x2];
	s3 =	simm.s32 $0x0  }
0x4: {  	s4 =	sand.u32 $0x1, s0;
	[smem:$0x7FF] =	sst s3;
	s0 =	simm.s32 $0x100  }
0x5: {  	s9 =	simm.s32 $0x300;
	_ =	strace $0x80000047;
	[dreg:$0x6] =	wrdreg s0  }
0x6: {  	s10 =	simm.s32 $0x380;
	[dreg:$0xa] =	wrdreg s9  }
0x7: {  	s11 =	simm.s32 $0x400;
	[dreg:$0xb] =	wrdreg s10  }
0x8: {  	s12 =	simm.s32 $0x480;
	[dreg:$0xc] =	wrdreg s11  }
0x9: {  	s13 =	simm.s32 $0x500;
	[dreg:$0xd] =	wrdreg s12  }
0xa: {  	s14 =	simm.s32 $0x580;
	[dreg:$0xe] =	wrdreg s13  }
0xb: {  	s15 =	simm.s32 $0x600;
	[dreg:$0xf] =	wrdreg s14  }
0xc: {  	s16 =	simm.s32 $0x680;
	[dreg:$0x10] =	wrdreg s15  }
0xd: {  	s17 =	simm.s32 $0x700;
	[dreg:$0x11] =	wrdreg s16  }
0xe: {  	s18 =	simm.s32 $0x780;
	[dreg:$0x12] =	wrdreg s17  }
0xf: {  	s19 =	simm.s32 $0x800;
	[dreg:$0x13] =	wrdreg s18  }
0x10: {  	s20 =	simm.s32 $0x880;
	[dreg:$0x14] =	wrdreg s19  }
0x11: {  	s21 =	simm.s32 $0x900;
	[dreg:$0x15] =	wrdreg s20  }
0x12: {  	s22 =	simm.s32 $0x980;
	[dreg:$0x16] =	wrdreg s21  }
0x13: {  	s23 =	simm.s32 $0xA00;
	[dreg:$0x17] =	wrdreg s22  }
0x14: {  	[dreg:$0x18] =	wrdreg s23;
	s0 =	simm.s32 $0xC00  }
0x15: {  	s9 =	simm.s32 $0xE00;
	[dreg:$0x1c] =	wrdreg s0  }
0x16: {  	s10 =	simm.s32 $0xE80;
	[smem:$0x7D7] =	sst s9  }
0x17: {  	s11 =	simm.s32 $0xF00;
	[smem:$0x7D8] =	sst s10  }
0x18: {  	s12 =	simm.s32 $0xF80;
	[smem:$0x7D9] =	sst s11  }
0x19: {  	s13 =	simm.s32 $0x1000;
	[smem:$0x7DA] =	sst s12  }
0x1a: {  	s14 =	simm.s32 $0x1080;
	[smem:$0x7DB] =	sst s13  }
0x1b: {  	s15 =	simm.s32 $0x1100;
	[smem:$0x7DC] =	sst s14  }
0x1c: {  	s16 =	simm.s32 $0x1180;
	[smem:$0x7DD] =	sst s15  }
0x1d: {  	s17 =	simm.s32 $0x1200;
	[smem:$0x7DE] =	sst s16  }
0x1e: {  	s18 =	simm.s32 $0x1280;
	[smem:$0x7DF] =	sst s17  }
0x1f: {  	s19 =	simm.s32 $0x1300;
	[smem:$0x7E0] =	sst s18  }
0x20: {  	s20 =	simm.s32 $0x1380;
	[smem:$0x7E1] =	sst s19  }
0x21: {  	s21 =	simm.s32 $0x1400;
	[smem:$0x7E2] =	sst s20  }
0x22: {  	s22 =	simm.s32 $0x1480;
	[smem:$0x7E3] =	sst s21  }
0x23: {  	s23 =	simm.s32 $0x1500;
	[smem:$0x7E4] =	sst s22  }
0x24: {  	[smem:$0x7E5] =	sst s23;
	s0 =	simm.s32 $0x1700  }
0x25: {  	s9 =	simm.s32 $0x1900;
	[smem:$0x7E9] =	sst s0  }
0x26: {  	s11 =	simm.s32 $0x1980;
	[smem:$0x7ED] =	sst s9  }
0x27: {  	s12 =	simm.s32 $0x1A00;
	[smem:$0x7EE] =	sst s11  }
0x28: {  	s24 =	stileid.u32;
	s13 =	simm.s32 $0x1A80;
	[smem:$0x7EF] =	sst s12  }
0x29: {  	s28 =	simm.s32 $0x2580;
	s14 =	simm.s32 $0x1B00;
	[smem:$0x7F0] =	sst s13  }
0x2a: {  	s29 =	simm.s32 $0x2600;
	s15 =	simm.s32 $0x1B80;
	[smem:$0x7F1] =	sst s14  }
0x2b: {  	s30 =	simm.s32 $0x2680;
	s16 =	simm.s32 $0x1C00;
	[smem:$0x7F2] =	sst s15  }
0x2c: {  	s31 =	simm.s32 $0x2700;
	s17 =	simm.s32 $0x1C80;
	[smem:$0x7F3] =	sst s16  }
0x2d: {  	s1 =	sshll.u32 s4, $0x4;
	s18 =	simm.s32 $0x1D00;
	[smem:$0x7F4] =	sst s17  }
0x2e: {  	s8 =	smul.u32 $0x2800, s4;
	s19 =	simm.s32 $0x1D80;
	[smem:$0x7F5] =	sst s18  }
0x2f: {  	s4 =	ssub.s32 $0x2, s4;
	s20 =	simm.s32 $0x1E00;
	[smem:$0x7F6] =	sst s19  }
0x30: {  	s1 =	sor.u32 s24, s1;
	s21 =	simm.s32 $0x1E80;
	[smem:$0x7F7] =	sst s20  }
0x31: {  	s10 =	sshrl.u32 s4, $0x1;
	s22 =	simm.s32 $0x1F00;
	[smem:$0x7F8] =	sst s21  }
0x32: {  	s23 =	simm.s32 $0x1F80;
	s6 =	smul.u32 $0x500, s1;
	[smem:$0x7F9] =	sst s22  }
0x33: {  	s1 =	smul.u32 $0x280, s24;
	s24 =	simm.s32 $0xA80;
	[smem:$0x7FA] =	sst s23  }
0x34: {  	s9 =	simm.s32 $0x2800;
	[dreg:$0x19] =	wrdreg s24;
	s24 =	simm.s32 $0x1580  }
0x35: {  	s25 =	sadd.s32 s1, s8;
	s8 =	simm.s32 $0x280;
	[smem:$0x7E6] =	sst s24  }
0x36: {  	s5 =	sadd.s32 s6, s5;
	s24 =	simm.s32 $0x2000;
	[dreg:$0x9] =	wrdreg s8  }
0x37: {  	s11 =	simm.s32 $0x2900;
	s5 =	sadd.s32 $0x2600, s5;
	[smem:$0x7FB] =	sst s24  }
0x38: {  	s6 =	sshrl.u32 s25, $0x3;
	s25 =	simm.s32 $0xB00;
	[dreg:$0x4] =	wrdreg s5  }
0x39: {  	s12 =	simm.s32 $0x2980;
	s8 =	simm.s32 $0xD80;
	[dreg:$0x1a] =	wrdreg s25  }
0x3a: {  	s13 =	simm.s32 $0x2A00;
	s26 =	sadd.s32 s7, s6;
	[dreg:$0x1f] =	wrdreg s8  }
0x3b: {  	s14 =	simm.s32 $0x2A80;
	s6 =	simm.s32 $0x180;
	[dreg:$0x5] =	wrdreg s26  }
0x3c: {  	s15 =	simm.s32 $0x2B00;
	s7 =	simm.s32 $0x200;
	[dreg:$0x7] =	wrdreg s6  }
0x3d: {  	s16 =	simm.s32 $0x2B80;
	s25 =	simm.s32 $0x1600;
	[dreg:$0x8] =	wrdreg s7  }
0x3e: {  	s17 =	simm.s32 $0x1;
	s8 =	simm.s32 $0x1880;
	[smem:$0x7E7] =	sst s25  }
0x3f: {  	s18 =	simm.s32 $0x2;
	s26 =	simm.s32 $0xB80;
	[smem:$0x7EC] =	sst s8  }
0x40: {  	s20 =	simm.s32 $0x2200;
	s6 =	simm.s32 $0xC80;
	[dreg:$0x1b] =	wrdreg s26  }
0x41: {  	s21 =	simm.s32 $0x2280;
	s7 =	simm.s32 $0xD00;
	[dreg:$0x1d] =	wrdreg s6  }
0x42: {  	s22 =	simm.s32 $0x2300;
	s25 =	simm.s32 $0x2080;
	[dreg:$0x1e] =	wrdreg s7  }
0x43: {  	s23 =	simm.s32 $0x2380;
	s26 =	simm.s32 $0x1680;
	[smem:$0x7FC] =	sst s25  }
0x44: {  	s24 =	simm.s32 $0x2400;
	s6 =	simm.s32 $0x1780;
	[smem:$0x7E8] =	sst s26  }
0x45: {  	s8 =	simm.s32 $0x80;
	s7 =	simm.s32 $0x1800;
	[smem:$0x7EA] =	sst s6  }
0x46: {  	s25 =	simm.s32 $0x2480;
	[smem:$0x7EB] =	sst s7;
	s6 =	ssub.s32 s4, s10  }
0x47: {  	s4 =	sadd.s32 s1, s2;
	s7 =	simm.s32 $0x2C00;
	s10 =	simm.s32 $0x2880  }
0x48: {  	s26 =	simm.s32 $0x2100;
	s1 =	simm.s32 $0x2780;
	s5 =	smax.u32 s6, $0x1  }
0x49: {  	v0 =	vimm.f32 $1.000000000e+00;
	v1 =	vimm.f32 $0.0e+00;
	s6 =	simm.s32 $0x3;
	[smem:$0x7FD] =	sst s26;
	s26 =	simm.s32 $0x2500  }
.LBB2_1:
0x4a: {  	s0 =	rddreg [dreg:$0x4]  }
0x4b: {  	[tilespmem:s3], [sflag:$0x3] =	stream.linear.gather [hbm4b:s0+s3], $0x2800, $0x38;
	[tilespmem:$0x3100] =	vst v63  }
0x4c: {  	_ =	swait.ge [sflag:s6], $0x2800  }
0x4d: {  	[sflag:s6] =	ssyncset.done $0x0  }
0x4e: {  	[sflag:s6] =	ssyncadd.s32 $0xFFFFD800  }
0x4f: {  	[tilespmem:$0x2800] =	vst v0  }
0x50: {  	[tilespmem:$0x2810] =	vst v0  }
0x51: {  	[tilespmem:$0x2820] =	vst v0  }
0x52: {  	[tilespmem:$0x2830] =	vst v0  }
0x53: {  	[tilespmem:$0x2840] =	vst v0  }
0x54: {  	[tilespmem:$0x2850] =	vst v0  }
0x55: {  	[tilespmem:$0x2860] =	vst v0  }
0x56: {  	[tilespmem:$0x2870] =	vst v0  }
0x57: {  	[tilespmem:$0x2880] =	vst v0  }
0x58: {  	[tilespmem:$0x2890] =	vst v0  }
0x59: {  	[tilespmem:$0x28A0] =	vst v0  }
0x5a: {  	[tilespmem:$0x28B0] =	vst v0  }
0x5b: {  	[tilespmem:$0x28C0] =	vst v0  }
0x5c: {  	[tilespmem:$0x28D0] =	vst v0  }
0x5d: {  	[tilespmem:$0x28E0] =	vst v0  }
0x5e: {  	[tilespmem:$0x28F0] =	vst v0  }
0x5f: {  	[tilespmem:$0x2900] =	vst v0  }
0x60: {  	[tilespmem:$0x2910] =	vst v0  }
0x61: {  	[tilespmem:$0x2920] =	vst v0  }
0x62: {  	[tilespmem:$0x2930] =	vst v0  }
0x63: {  	[tilespmem:$0x2940] =	vst v0  }
0x64: {  	[tilespmem:$0x2950] =	vst v0  }
0x65: {  	[tilespmem:$0x2960] =	vst v0  }
0x66: {  	[tilespmem:$0x2970] =	vst v0  }
0x67: {  	[tilespmem:$0x2980] =	vst v0  }
0x68: {  	[tilespmem:$0x2990] =	vst v0  }
0x69: {  	[tilespmem:$0x29A0] =	vst v0  }
0x6a: {  	[tilespmem:$0x29B0] =	vst v0  }
0x6b: {  	[tilespmem:$0x29C0] =	vst v0  }
0x6c: {  	[tilespmem:$0x29D0] =	vst v0  }
0x6d: {  	[tilespmem:$0x29E0] =	vst v0  }
0x6e: {  	[tilespmem:$0x29F0] =	vst v0  }
0x6f: {  	[tilespmem:$0x2A00] =	vst v0  }
0x70: {  	[tilespmem:$0x2A10] =	vst v0  }
0x71: {  	[tilespmem:$0x2A20] =	vst v0  }
0x72: {  	[tilespmem:$0x2A30] =	vst v0  }
0x73: {  	[tilespmem:$0x2A40] =	vst v0  }
0x74: {  	[tilespmem:$0x2A50] =	vst v0  }
0x75: {  	[tilespmem:$0x2A60] =	vst v0  }
0x76: {  	[tilespmem:$0x2A70] =	vst v0  }
0x77: {  	[tilespmem:$0x2A80] =	vst v0  }
0x78: {  	[tilespmem:$0x2A90] =	vst v0  }
0x79: {  	[tilespmem:$0x2AA0] =	vst v0  }
0x7a: {  	[tilespmem:$0x2AB0] =	vst v0  }
0x7b: {  	[tilespmem:$0x2AC0] =	vst v0  }
0x7c: {  	[tilespmem:$0x2AD0] =	vst v0  }
0x7d: {  	[tilespmem:$0x2AE0] =	vst v0  }
0x7e: {  	[tilespmem:$0x2AF0] =	vst v0  }
0x7f: {  	[tilespmem:$0x2B00] =	vst v0  }
0x80: {  	[tilespmem:$0x2B10] =	vst v0  }
0x81: {  	[tilespmem:$0x2B20] =	vst v0  }
0x82: {  	[tilespmem:$0x2B30] =	vst v0  }
0x83: {  	[tilespmem:$0x2B40] =	vst v0  }
0x84: {  	[tilespmem:$0x2B50] =	vst v0  }
0x85: {  	[tilespmem:$0x2B60] =	vst v0  }
0x86: {  	[tilespmem:$0x2B70] =	vst v0  }
0x87: {  	[tilespmem:$0x2B80] =	vst v0  }
0x88: {  	[tilespmem:$0x2B90] =	vst v0  }
0x89: {  	[tilespmem:$0x2BA0] =	vst v0  }
0x8a: {  	[tilespmem:$0x2BB0] =	vst v0  }
0x8b: {  	[tilespmem:$0x2BC0] =	vst v0  }
0x8c: {  	[tilespmem:$0x2BD0] =	vst v0  }
0x8d: {  	[tilespmem:$0x2BE0] =	vst v0  }
0x8e: {  	[tilespmem:$0x2BF0] =	vst v0  }
0x8f: {  	[tilespmem:$0x2C00] =	vst v1  }
0x90: {  	[tilespmem:$0x2C10] =	vst v1  }
0x91: {  	[tilespmem:$0x2C20] =	vst v1  }
0x92: {  	[tilespmem:$0x2C30] =	vst v1  }
0x93: {  	[tilespmem:$0x2C40] =	vst v1  }
0x94: {  	[tilespmem:$0x2C50] =	vst v1  }
0x95: {  	[tilespmem:$0x2C60] =	vst v1  }
0x96: {  	[tilespmem:$0x2C70] =	vst v1  }
0x97: {  	[tilespmem:$0x2C80] =	vst v1  }
0x98: {  	[tilespmem:$0x2C90] =	vst v1  }
0x99: {  	[tilespmem:$0x2CA0] =	vst v1  }
0x9a: {  	[tilespmem:$0x2CB0] =	vst v1  }
0x9b: {  	[tilespmem:$0x2CC0] =	vst v1  }
0x9c: {  	[tilespmem:$0x2CD0] =	vst v1  }
0x9d: {  	[tilespmem:$0x2CE0] =	vst v1  }
0x9e: {  	[tilespmem:$0x2CF0] =	vst v1  }
0x9f: {  	[tilespmem:$0x2D00] =	vst v1  }
0xa0: {  	[tilespmem:$0x2D10] =	vst v1  }
0xa1: {  	[tilespmem:$0x2D20] =	vst v1  }
0xa2: {  	[tilespmem:$0x2D30] =	vst v1  }
0xa3: {  	[tilespmem:$0x2D40] =	vst v1  }
0xa4: {  	[tilespmem:$0x2D50] =	vst v1  }
0xa5: {  	[tilespmem:$0x2D60] =	vst v1  }
0xa6: {  	[tilespmem:$0x2D70] =	vst v1  }
0xa7: {  	[tilespmem:$0x2D80] =	vst v1  }
0xa8: {  	[tilespmem:$0x2D90] =	vst v1  }
0xa9: {  	[tilespmem:$0x2DA0] =	vst v1  }
0xaa: {  	[tilespmem:$0x2DB0] =	vst v1  }
0xab: {  	[tilespmem:$0x2DC0] =	vst v1  }
0xac: {  	[tilespmem:$0x2DD0] =	vst v1  }
0xad: {  	[tilespmem:$0x2DE0] =	vst v1  }
0xae: {  	[tilespmem:$0x2DF0] =	vst v1  }
0xaf: {  	[tilespmem:$0x2E00] =	vst v1  }
0xb0: {  	[tilespmem:$0x2E10] =	vst v1  }
0xb1: {  	[tilespmem:$0x2E20] =	vst v1  }
0xb2: {  	[tilespmem:$0x2E30] =	vst v1  }
0xb3: {  	[tilespmem:$0x2E40] =	vst v1  }
0xb4: {  	[tilespmem:$0x2E50] =	vst v1  }
0xb5: {  	[tilespmem:$0x2E60] =	vst v1  }
0xb6: {  	[tilespmem:$0x2E70] =	vst v1  }
0xb7: {  	[spmem:s4] =	stream.linear.scatter [tilespmem:s7], [sflag:$0x3], $0x280, $0x38;
	[tilespmem:$0x3100] =	vst v63  }
0xb8: {  	_ =	swait.ge [sflag:s6], $0x280  }
0xb9: {  	[sflag:s6] =	ssyncset.done $0x0  }
0xba: {  	[sflag:s6] =	ssyncadd.s32 $0xFFFFFD80  }
0xbb: {  	[bflag:$0x0] =	sbarrier.arrive $0xFFFF  }
0xbc: {  	[spmem:s2] =	stream.indirect.scatter.add.f32 [tilespmem:s9], [sflag:$0x1], $0x1, s3, s8, $0xb8;
	[tilespmem:$0x3100] =	vst v63  }
0xbd: {  	_ = 	snop  }
0xbe: {  	[spmem:s2] =	stream.indirect.scatter.add.f32 [tilespmem:s10], [sflag:$0x1], $0x1, s8, s8, $0xb8;
	[tilespmem:$0x3100] =	vst v63  }
0xbf: {  	s0 =	rddreg [dreg:$0x6]  }
0xc0: {  	[spmem:s2] =	stream.indirect.scatter.add.f32 [tilespmem:s11], [sflag:$0x1], $0x1, s0, s8, $0xb8;
	[tilespmem:$0x3100] =	vst v63  }
0xc1: {  	s19 =	rddreg [dreg:$0x7]  }
0xc2: {  	[spmem:s2] =	stream.indirect.scatter.add.f32 [tilespmem:s12], [sflag:$0x1], $0x1, s19, s8, $0xb8;
	[tilespmem:$0x3100] =	vst v63  }
0xc3: {  	s0 =	rddreg [dreg:$0x8]  }
0xc4: {  	[spmem:s2] =	stream.indirect.scatter.add.f32 [tilespmem:s13], [sflag:$0x1], $0x1, s0, s8, $0xb8;
	[tilespmem:$0x3100] =	vst v63  }
0xc5: {  	s19 =	rddreg [dreg:$0x9]  }
0xc6: {  	[spmem:s2] =	stream.indirect.scatter.add.f32 [tilespmem:s14], [sflag:$0x1], $0x1, s19, s8, $0xb8;
	[tilespmem:$0x3100] =	vst v63  }
0xc7: {  	s0 =	rddreg [dreg:$0xa]  }
0xc8: {  	[spmem:s2] =	stream.indirect.scatter.add.f32 [tilespmem:s15], [sflag:$0x1], $0x1, s0, s8, $0xb8;
	[tilespmem:$0x3100] =	vst v63  }
0xc9: {  	s19 =	rddreg [dreg:$0xb]  }
0xca: {  	[spmem:s2] =	stream.indirect.scatter.add.f32 [tilespmem:s16], [sflag:$0x1], $0x1, s19, s8, $0xb8;
	[tilespmem:$0x3100] =	vst v63  }
0xcb: {  	s0 =	rddreg [dreg:$0xc]  }
0xcc: {  	[spmem:s2] =	stream.indirect.scatter.add.f32 [tilespmem:s9], [sflag:$0x2], $0x1, s0, s8, $0xb8;
	[tilespmem:$0x3100] =	vst v63  }
0xcd: {  	s19 =	rddreg [dreg:$0xd]  }
0xce: {  	[spmem:s2] =	stream.indirect.scatter.add.f32 [tilespmem:s10], [sflag:$0x2], $0x1, s19, s8, $0xb8;
	[tilespmem:$0x3100] =	vst v63  }
0xcf: {  	s0 =	rddreg [dreg:$0xe]  }
0xd0: {  	[spmem:s2] =	stream.indirect.scatter.add.f32 [tilespmem:s11], [sflag:$0x2], $0x1, s0, s8, $0xb8;
	[tilespmem:$0x3100] =	vst v63  }
0xd1: {  	s19 =	rddreg [dreg:$0xf]  }
0xd2: {  	[spmem:s2] =	stream.indirect.scatter.add.f32 [tilespmem:s12], [sflag:$0x2], $0x1, s19, s8, $0xb8;
	[tilespmem:$0x3100] =	vst v63  }
0xd3: {  	s0 =	rddreg [dreg:$0x10]  }
0xd4: {  	[spmem:s2] =	stream.indirect.scatter.add.f32 [tilespmem:s13], [sflag:$0x2], $0x1, s0, s8, $0xb8;
	[tilespmem:$0x3100] =	vst v63  }
0xd5: {  	s19 =	rddreg [dreg:$0x11]  }
0xd6: {  	[spmem:s2] =	stream.indirect.scatter.add.f32 [tilespmem:s14], [sflag:$0x2], $0x1, s19, s8, $0xb8;
	[tilespmem:$0x3100] =	vst v63  }
0xd7: {  	s0 =	rddreg [dreg:$0x12]  }
0xd8: {  	[spmem:s2] =	stream.indirect.scatter.add.f32 [tilespmem:s15], [sflag:$0x2], $0x1, s0, s8, $0xb8;
	[tilespmem:$0x3100] =	vst v63  }
0xd9: {  	s19 =	rddreg [dreg:$0x13]  }
0xda: {  	[spmem:s2] =	stream.indirect.scatter.add.f32 [tilespmem:s16], [sflag:$0x2], $0x1, s19, s8, $0xb8;
	[tilespmem:$0x3100] =	vst v63  }
0xdb: {  	_ =	swait.ge [sflag:s17], $0x400  }
0xdc: {  	[sflag:s17] =	ssyncset.done $0x0  }
0xdd: {  	s0 =	rddreg [dreg:$0x14];
	[sflag:s17] =	ssyncadd.s32 $0xFFFFFC00  }
0xde: {  	[spmem:s2] =	stream.indirect.scatter.add.f32 [tilespmem:s9], [sflag:$0x1], $0x1, s0, s8, $0xb8;
	[tilespmem:$0x3100] =	vst v63  }
0xdf: {  	s19 =	rddreg [dreg:$0x15]  }
0xe0: {  	[spmem:s2] =	stream.indirect.scatter.add.f32 [tilespmem:s10], [sflag:$0x1], $0x1, s19, s8, $0xb8;
	[tilespmem:$0x3100] =	vst v63  }
0xe1: {  	s0 =	rddreg [dreg:$0x16]  }
0xe2: {  	[spmem:s2] =	stream.indirect.scatter.add.f32 [tilespmem:s11], [sflag:$0x1], $0x1, s0, s8, $0xb8;
	[tilespmem:$0x3100] =	vst v63  }
0xe3: {  	s19 =	rddreg [dreg:$0x17]  }
0xe4: {  	[spmem:s2] =	stream.indirect.scatter.add.f32 [tilespmem:s12], [sflag:$0x1], $0x1, s19, s8, $0xb8;
	[tilespmem:$0x3100] =	vst v63  }
0xe5: {  	s0 =	rddreg [dreg:$0x18]  }
0xe6: {  	[spmem:s2] =	stream.indirect.scatter.add.f32 [tilespmem:s13], [sflag:$0x1], $0x1, s0, s8, $0xb8;
	[tilespmem:$0x3100] =	vst v63  }
0xe7: {  	s19 =	rddreg [dreg:$0x19]  }
0xe8: {  	[spmem:s2] =	stream.indirect.scatter.add.f32 [tilespmem:s14], [sflag:$0x1], $0x1, s19, s8, $0xb8;
	[tilespmem:$0x3100] =	vst v63  }
0xe9: {  	s0 =	rddreg [dreg:$0x1a]  }
0xea: {  	[spmem:s2] =	stream.indirect.scatter.add.f32 [tilespmem:s15], [sflag:$0x1], $0x1, s0, s8, $0xb8;
	[tilespmem:$0x3100] =	vst v63  }
0xeb: {  	s19 =	rddreg [dreg:$0x1b]  }
0xec: {  	[spmem:s2] =	stream.indirect.scatter.add.f32 [tilespmem:s16], [sflag:$0x1], $0x1, s19, s8, $0xb8;
	[tilespmem:$0x3100] =	vst v63  }
0xed: {  	_ =	swait.ge [sflag:s18], $0x400  }
0xee: {  	s0 =	rddreg [dreg:$0x1c];
	[sflag:s18] =	ssyncset.done $0x0  }
0xef: {  	s19 =	rddreg [dreg:$0x1d];
	[sflag:s18] =	ssyncadd.s32 $0xFFFFFC00  }
0xf0: {  	[spmem:s2] =	stream.indirect.scatter.add.f32 [tilespmem:s9], [sflag:$0x2], $0x1, s0, s8, $0xb8;
	[tilespmem:$0x3100] =	vst v63  }
0xf1: {  	s0 =	rddreg [dreg:$0x1e]  }
0xf2: {  	[spmem:s2] =	stream.indirect.scatter.add.f32 [tilespmem:s10], [sflag:$0x2], $0x1, s19, s8, $0xb8;
	[tilespmem:$0x3100] =	vst v63  }
0xf3: {  	s19 =	rddreg [dreg:$0x1f]  }
0xf4: {  	[spmem:s2] =	stream.indirect.scatter.add.f32 [tilespmem:s11], [sflag:$0x2], $0x1, s0, s8, $0xb8;
	[tilespmem:$0x3100] =	vst v63  }
0xf5: {  	s0 =	sld [smem:$0x7D7]  }
0xf6: {  	[spmem:s2] =	stream.indirect.scatter.add.f32 [tilespmem:s12], [sflag:$0x2], $0x1, s19, s8, $0xb8;
	[tilespmem:$0x3100] =	vst v63  }
0xf7: {  	s19 =	sld [smem:$0x7D8]  }
0xf8: {  	[spmem:s2] =	stream.indirect.scatter.add.f32 [tilespmem:s13], [sflag:$0x2], $0x1, s0, s8, $0xb8;
	[tilespmem:$0x3100] =	vst v63  }
0xf9: {  	s0 =	sld [smem:$0x7D9]  }
0xfa: {  	[spmem:s2] =	stream.indirect.scatter.add.f32 [tilespmem:s14], [sflag:$0x2], $0x1, s19, s8, $0xb8;
	[tilespmem:$0x3100] =	vst v63  }
0xfb: {  	s19 =	sld [smem:$0x7DA]  }
0xfc: {  	[spmem:s2] =	stream.indirect.scatter.add.f32 [tilespmem:s15], [sflag:$0x2], $0x1, s0, s8, $0xb8;
	[tilespmem:$0x3100] =	vst v63  }
0xfd: {  	_ = 	snop  }
0xfe: {  	[spmem:s2] =	stream.indirect.scatter.add.f32 [tilespmem:s16], [sflag:$0x2], $0x1, s19, s8, $0xb8;
	[tilespmem:$0x3100] =	vst v63  }
0xff: {  	_ =	swait.ge [sflag:s17], $0x400  }
0x100: {  	s0 =	sld [smem:$0x7DB]  }
0x101: {  	[sflag:s17] =	ssyncset.done $0x0  }
0x102: {  	s19 =	sld [smem:$0x7DC];
	[sflag:s17] =	ssyncadd.s32 $0xFFFFFC00  }
0x103: {  	[spmem:s2] =	stream.indirect.scatter.add.f32 [tilespmem:s9], [sflag:$0x1], $0x1, s0, s8, $0xb8;
	[tilespmem:$0x3100] =	vst v63  }
0x104: {  	s0 =	sld [smem:$0x7DD]  }
0x105: {  	[spmem:s2] =	stream.indirect.scatter.add.f32 [tilespmem:s10], [sflag:$0x1], $0x1, s19, s8, $0xb8;
	[tilespmem:$0x3100] =	vst v63  }
0x106: {  	s19 =	sld [smem:$0x7DE]  }
0x107: {  	[spmem:s2] =	stream.indirect.scatter.add.f32 [tilespmem:s11], [sflag:$0x1], $0x1, s0, s8, $0xb8;
	[tilespmem:$0x3100] =	vst v63  }
0x108: {  	s0 =	sld [smem:$0x7DF]  }
0x109: {  	[spmem:s2] =	stream.indirect.scatter.add.f32 [tilespmem:s12], [sflag:$0x1], $0x1, s19, s8, $0xb8;
	[tilespmem:$0x3100] =	vst v63  }
0x10a: {  	s19 =	sld [smem:$0x7E0]  }
0x10b: {  	[spmem:s2] =	stream.indirect.scatter.add.f32 [tilespmem:s13], [sflag:$0x1], $0x1, s0, s8, $0xb8;
	[tilespmem:$0x3100] =	vst v63  }
0x10c: {  	s0 =	sld [smem:$0x7E1]  }
0x10d: {  	[spmem:s2] =	stream.indirect.scatter.add.f32 [tilespmem:s14], [sflag:$0x1], $0x1, s19, s8, $0xb8;
	[tilespmem:$0x3100] =	vst v63  }
0x10e: {  	s19 =	sld [smem:$0x7E2]  }
0x10f: {  	[spmem:s2] =	stream.indirect.scatter.add.f32 [tilespmem:s15], [sflag:$0x1], $0x1, s0, s8, $0xb8;
	[tilespmem:$0x3100] =	vst v63  }
0x110: {  	_ = 	snop  }
0x111: {  	[spmem:s2] =	stream.indirect.scatter.add.f32 [tilespmem:s16], [sflag:$0x1], $0x1, s19, s8, $0xb8;
	[tilespmem:$0x3100] =	vst v63  }
0x112: {  	_ =	swait.ge [sflag:s18], $0x400  }
0x113: {  	s0 =	sld [smem:$0x7E3]  }
0x114: {  	[sflag:s18] =	ssyncset.done $0x0  }
0x115: {  	s19 =	sld [smem:$0x7E4];
	[sflag:s18] =	ssyncadd.s32 $0xFFFFFC00  }
0x116: {  	[spmem:s2] =	stream.indirect.scatter.add.f32 [tilespmem:s9], [sflag:$0x2], $0x1, s0, s8, $0xb8;
	[tilespmem:$0x3100] =	vst v63  }
0x117: {  	s0 =	sld [smem:$0x7E5]  }
0x118: {  	[spmem:s2] =	stream.indirect.scatter.add.f32 [tilespmem:s10], [sflag:$0x2], $0x1, s19, s8, $0xb8;
	[tilespmem:$0x3100] =	vst v63  }
0x119: {  	s19 =	sld [smem:$0x7E6]  }
0x11a: {  	[spmem:s2] =	stream.indirect.scatter.add.f32 [tilespmem:s11], [sflag:$0x2], $0x1, s0, s8, $0xb8;
	[tilespmem:$0x3100] =	vst v63  }
0x11b: {  	s0 =	sld [smem:$0x7E7]  }
0x11c: {  	[spmem:s2] =	stream.indirect.scatter.add.f32 [tilespmem:s12], [sflag:$0x2], $0x1, s19, s8, $0xb8;
	[tilespmem:$0x3100] =	vst v63  }
0x11d: {  	s19 =	sld [smem:$0x7E8]  }
0x11e: {  	[spmem:s2] =	stream.indirect.scatter.add.f32 [tilespmem:s13], [sflag:$0x2], $0x1, s0, s8, $0xb8;
	[tilespmem:$0x3100] =	vst v63  }
0x11f: {  	s0 =	sld [smem:$0x7E9]  }
0x120: {  	[spmem:s2] =	stream.indirect.scatter.add.f32 [tilespmem:s14], [sflag:$0x2], $0x1, s19, s8, $0xb8;
	[tilespmem:$0x3100] =	vst v63  }
0x121: {  	s19 =	sld [smem:$0x7EA]  }
0x122: {  	[spmem:s2] =	stream.indirect.scatter.add.f32 [tilespmem:s15], [sflag:$0x2], $0x1, s0, s8, $0xb8;
	[tilespmem:$0x3100] =	vst v63  }
0x123: {  	_ = 	snop  }
0x124: {  	[spmem:s2] =	stream.indirect.scatter.add.f32 [tilespmem:s16], [sflag:$0x2], $0x1, s19, s8, $0xb8;
	[tilespmem:$0x3100] =	vst v63  }
0x125: {  	_ =	swait.ge [sflag:s17], $0x400  }
0x126: {  	s0 =	sld [smem:$0x7EB]  }
0x127: {  	[sflag:s17] =	ssyncset.done $0x0  }
0x128: {  	s19 =	sld [smem:$0x7EC];
	[sflag:s17] =	ssyncadd.s32 $0xFFFFFC00  }
0x129: {  	[spmem:s2] =	stream.indirect.scatter.add.f32 [tilespmem:s9], [sflag:$0x1], $0x1, s0, s8, $0xb8;
	[tilespmem:$0x3100] =	vst v63  }
0x12a: {  	s0 =	sld [smem:$0x7ED]  }
0x12b: {  	[spmem:s2] =	stream.indirect.scatter.add.f32 [tilespmem:s10], [sflag:$0x1], $0x1, s19, s8, $0xb8;
	[tilespmem:$0x3100] =	vst v63  }
0x12c: {  	s19 =	sld [smem:$0x7EE]  }
0x12d: {  	[spmem:s2] =	stream.indirect.scatter.add.f32 [tilespmem:s11], [sflag:$0x1], $0x1, s0, s8, $0xb8;
	[tilespmem:$0x3100] =	vst v63  }
0x12e: {  	s0 =	sld [smem:$0x7EF]  }
0x12f: {  	[spmem:s2] =	stream.indirect.scatter.add.f32 [tilespmem:s12], [sflag:$0x1], $0x1, s19, s8, $0xb8;
	[tilespmem:$0x3100] =	vst v63  }
0x130: {  	s19 =	sld [smem:$0x7F0]  }
0x131: {  	[spmem:s2] =	stream.indirect.scatter.add.f32 [tilespmem:s13], [sflag:$0x1], $0x1, s0, s8, $0xb8;
	[tilespmem:$0x3100] =	vst v63  }
0x132: {  	s0 =	sld [smem:$0x7F1]  }
0x133: {  	[spmem:s2] =	stream.indirect.scatter.add.f32 [tilespmem:s14], [sflag:$0x1], $0x1, s19, s8, $0xb8;
	[tilespmem:$0x3100] =	vst v63  }
0x134: {  	s19 =	sld [smem:$0x7F2]  }
0x135: {  	[spmem:s2] =	stream.indirect.scatter.add.f32 [tilespmem:s15], [sflag:$0x1], $0x1, s0, s8, $0xb8;
	[tilespmem:$0x3100] =	vst v63  }
0x136: {  	_ = 	snop  }
0x137: {  	[spmem:s2] =	stream.indirect.scatter.add.f32 [tilespmem:s16], [sflag:$0x1], $0x1, s19, s8, $0xb8;
	[tilespmem:$0x3100] =	vst v63  }
0x138: {  	_ =	swait.ge [sflag:s18], $0x400  }
0x139: {  	s0 =	sld [smem:$0x7F3]  }
0x13a: {  	[sflag:s18] =	ssyncset.done $0x0  }
0x13b: {  	s19 =	sld [smem:$0x7F4];
	[sflag:s18] =	ssyncadd.s32 $0xFFFFFC00  }
0x13c: {  	[spmem:s2] =	stream.indirect.scatter.add.f32 [tilespmem:s9], [sflag:$0x2], $0x1, s0, s8, $0xb8;
	[tilespmem:$0x3100] =	vst v63  }
0x13d: {  	s0 =	sld [smem:$0x7F5]  }
0x13e: {  	[spmem:s2] =	stream.indirect.scatter.add.f32 [tilespmem:s10], [sflag:$0x2], $0x1, s19, s8, $0xb8;
	[tilespmem:$0x3100] =	vst v63  }
0x13f: {  	s19 =	sld [smem:$0x7F6]  }
0x140: {  	[spmem:s2] =	stream.indirect.scatter.add.f32 [tilespmem:s11], [sflag:$0x2], $0x1, s0, s8, $0xb8;
	[tilespmem:$0x3100] =	vst v63  }
0x141: {  	s0 =	sld [smem:$0x7F7]  }
0x142: {  	[spmem:s2] =	stream.indirect.scatter.add.f32 [tilespmem:s12], [sflag:$0x2], $0x1, s19, s8, $0xb8;
	[tilespmem:$0x3100] =	vst v63  }
0x143: {  	s19 =	sld [smem:$0x7F8]  }
0x144: {  	[spmem:s2] =	stream.indirect.scatter.add.f32 [tilespmem:s13], [sflag:$0x2], $0x1, s0, s8, $0xb8;
	[tilespmem:$0x3100] =	vst v63  }
0x145: {  	s0 =	sld [smem:$0x7F9]  }
0x146: {  	[spmem:s2] =	stream.indirect.scatter.add.f32 [tilespmem:s14], [sflag:$0x2], $0x1, s19, s8, $0xb8;
	[tilespmem:$0x3100] =	vst v63  }
0x147: {  	s19 =	sld [smem:$0x7FA]  }
0x148: {  	[spmem:s2] =	stream.indirect.scatter.add.f32 [tilespmem:s15], [sflag:$0x2], $0x1, s0, s8, $0xb8;
	[tilespmem:$0x3100] =	vst v63  }
0x149: {  	_ = 	snop  }
0x14a: {  	[spmem:s2] =	stream.indirect.scatter.add.f32 [tilespmem:s16], [sflag:$0x2], $0x1, s19, s8, $0xb8;
	[tilespmem:$0x3100] =	vst v63  }
0x14b: {  	_ =	swait.ge [sflag:s17], $0x400  }
0x14c: {  	s0 =	sld [smem:$0x7FB]  }
0x14d: {  	[sflag:s17] =	ssyncset.done $0x0  }
0x14e: {  	s19 =	sld [smem:$0x7FC];
	[sflag:s17] =	ssyncadd.s32 $0xFFFFFC00  }
0x14f: {  	[spmem:s2] =	stream.indirect.scatter.add.f32 [tilespmem:s9], [sflag:$0x1], $0x1, s0, s8, $0xb8;
	[tilespmem:$0x3100] =	vst v63  }
0x150: {  	s0 =	sld [smem:$0x7FD]  }
0x151: {  	[spmem:s2] =	stream.indirect.scatter.add.f32 [tilespmem:s10], [sflag:$0x1], $0x1, s19, s8, $0xb8;
	[tilespmem:$0x3100] =	vst v63  }
0x152: {  	_ = 	snop  }
0x153: {  	[spmem:s2] =	stream.indirect.scatter.add.f32 [tilespmem:s11], [sflag:$0x1], $0x1, s0, s8, $0xb8;
	[tilespmem:$0x3100] =	vst v63  }
0x154: {  	s19 =	simm.s32 $0x2180  }
0x155: {  	[spmem:s2] =	stream.indirect.scatter.add.f32 [tilespmem:s12], [sflag:$0x1], $0x1, s19, s8, $0xb8;
	[tilespmem:$0x3100] =	vst v63  }
0x156: {  	_ = 	snop  }
0x157: {  	[spmem:s2] =	stream.indirect.scatter.add.f32 [tilespmem:s13], [sflag:$0x1], $0x1, s20, s8, $0xb8;
	[tilespmem:$0x3100] =	vst v63  }
0x158: {  	_ = 	snop  }
0x159: {  	[spmem:s2] =	stream.indirect.scatter.add.f32 [tilespmem:s14], [sflag:$0x1], $0x1, s21, s8, $0xb8;
	[tilespmem:$0x3100] =	vst v63  }
0x15a: {  	_ = 	snop  }
0x15b: {  	[spmem:s2] =	stream.indirect.scatter.add.f32 [tilespmem:s15], [sflag:$0x1], $0x1, s22, s8, $0xb8;
	[tilespmem:$0x3100] =	vst v63  }
0x15c: {  	_ = 	snop  }
0x15d: {  	[spmem:s2] =	stream.indirect.scatter.add.f32 [tilespmem:s16], [sflag:$0x1], $0x1, s23, s8, $0xb8;
	[tilespmem:$0x3100] =	vst v63  }
0x15e: {  	_ =	swait.ge [sflag:s18], $0x400  }
0x15f: {  	[sflag:s18] =	ssyncset.done $0x0  }
0x160: {  	[sflag:s18] =	ssyncadd.s32 $0xFFFFFC00  }
0x161: {  	[spmem:s2] =	stream.indirect.scatter.add.f32 [tilespmem:s9], [sflag:$0x2], $0x1, s24, s8, $0xb8;
	[tilespmem:$0x3100] =	vst v63  }
0x162: {  	_ = 	snop  }
0x163: {  	[spmem:s2] =	stream.indirect.scatter.add.f32 [tilespmem:s10], [sflag:$0x2], $0x1, s25, s8, $0xb8;
	[tilespmem:$0x3100] =	vst v63  }
0x164: {  	_ = 	snop  }
0x165: {  	[spmem:s2] =	stream.indirect.scatter.add.f32 [tilespmem:s11], [sflag:$0x2], $0x1, s26, s8, $0xb8;
	[tilespmem:$0x3100] =	vst v63  }
0x166: {  	_ = 	snop  }
0x167: {  	[spmem:s2] =	stream.indirect.scatter.add.f32 [tilespmem:s12], [sflag:$0x2], $0x1, s28, s8, $0xb8;
	[tilespmem:$0x3100] =	vst v63  }
0x168: {  	_ = 	snop  }
0x169: {  	[spmem:s2] =	stream.indirect.scatter.add.f32 [tilespmem:s13], [sflag:$0x2], $0x1, s29, s8, $0xb8;
	[tilespmem:$0x3100] =	vst v63  }
0x16a: {  	_ = 	snop  }
0x16b: {  	[spmem:s2] =	stream.indirect.scatter.add.f32 [tilespmem:s14], [sflag:$0x2], $0x1, s30, s8, $0xb8;
	[tilespmem:$0x3100] =	vst v63  }
0x16c: {  	_ = 	snop  }
0x16d: {  	[spmem:s2] =	stream.indirect.scatter.add.f32 [tilespmem:s15], [sflag:$0x2], $0x1, s31, s8, $0xb8;
	[tilespmem:$0x3100] =	vst v63  }
0x16e: {  	_ = 	snop  }
0x16f: {  	[spmem:s2] =	stream.indirect.scatter.add.f32 [tilespmem:s16], [sflag:$0x2], $0x1, s1, s8, $0xb8;
	[tilespmem:$0x3100] =	vst v63  }
0x170: {  	_ =	swait.ge [sflag:s17], $0x400  }
0x171: {  	[sflag:s17] =	ssyncset.done $0x0  }
0x172: {  	[sflag:s17] =	ssyncadd.s32 $0xFFFFFC00  }
0x173: {  	_ =	swait.ge [sflag:s18], $0x400  }
0x174: {  	[sflag:s18] =	ssyncset.done $0x0  }
0x175: {  	[sflag:s18] =	ssyncadd.s32 $0xFFFFFC00  }
0x176: {  	[bflag:$0x0] =	sbarrier.arrive $0xFFFF  }
0x177: {  	[tilespmem:s7], [sflag:$0x3] =	stream.linear.gather [spmem:s4], $0x280, $0x38;
	[tilespmem:$0x3100] =	vst v63  }
0x178: {  	_ =	swait.ge [sflag:s6], $0x280  }
0x179: {  	p0 =	sne.s32 s5, $0x1;
	[sflag:s6] =	ssyncset.done $0x0  }
.Ltmp0:
0x17a: {  	s19 =	rddreg [dreg:$0x5];
	[sflag:s6] =	ssyncadd.s32 $0xFFFFFD80;
	(pc) =	sbr.rel @p0 .LBB2_1-.Ltmp0, $4  }
0x17b: {  	[hbm4b:s19+s3] =	stream.linear.scatter [tilespmem:s7], [sflag:$0x3], $0x280, $0x38;
	[tilespmem:$0x3100] =	vst v63  }
0x17c: {  	_ =	swait.ge [sflag:s6], $0x280  }
0x17d: {  	[sflag:s6] =	ssyncset.done $0x0  }
0x17e: {  	s5 =	sadd.s32 $0xFFFFFFFF, s5;
	[sflag:s6] =	ssyncadd.s32 $0xFFFFFD80  }
0x17f: {  	_ =	sfence.sel $0x180000  }
0x180: {  	[bflag:$0x0] =	sbarrier.arrive $0xFFFF  }
0x181: {  	_ =	strace $0x90000047  }
0x182: {  	s0 =	stileid.u32;
	[bflag:$0x2] =	sbarrier.arrive $0xFFFF  }
0x183: {  	p0 =	sne.s32 s0, $0x0;
	s0 =	rddreg [dreg:$0x3]  }
0x184: {  	s0 =	sadd.s32 @!p0 $0x100000, s0  }
0x185: {  	[sflag:s0] =	ssyncadd.tile.s32 @!p0 $0x1;
	_ =	shalt  }
.Lfunc_end2:
_tile_overlayer_lowered:
.L_overlay_start_2:
0x186: {  	(tag) =	ssettag $0x2  }
0x187: {  	s0 =	rddreg [dreg:$0x0];
	s2 =	stileid.u32  }
0x188: {  	s1 =	rddreg [dreg:$0x1];
	p0 =	sne.s32 s2, $0x0  }
0x189: {  	s3 =	rddreg [dreg:$0x2];
	[bflag:$0x3] =	sbarrier.arrive $0xFFFF;
	s2 =	simm.s32 @!p0 $0x1C03  }
0x18a: {  	[timem:s3], [sflag:s2] =	dma.local @!p0 [hbm:s0], s1  }
0x18b: {  	s0 =	simm.s32 @!p0 $0x3  }
0x18c: {  	_ =	swait.ge @!p0 [sflag:s0], s1  }
0x18d: {  	s1 =	ssub.s32 @!p0 $0x0, s1;
	[sflag:s0] =	ssyncset.done @!p0 $0x0  }
0x18e: {  	[sflag:s0] =	ssyncadd.s32 @!p0 s1  }
0x18f: {  	[bflag:$0x3] =	sbarrier.arrive $0xFFFF  }
0x190: {  	_ =	shalt  }

</sc_bundles>
